<compile_context>
chip_gen: v7x
topology: tpu7x:2x2x1
jax: 0.10.2.dev20260603
libtpu: 0.0.44.dev20260713+nightly
codegen_flags: <defaults>
</compile_context>

<pallas_src>
import functools

import jax
import jax.numpy as jnp
from jax.experimental import pallas as pl
from jax.experimental.pallas import tpu as pltpu
from jax.experimental.pallas import tpu_sc as plsc

_E = 8
_EPAD = 128
_TBLK = 256
_NSUB = 16
_LANES = 16


def _router_body(x_ref, wg_ref, bg_ref, logits_ref, xbf_ref):
    x = x_ref[...]
    lg = jnp.dot(x, wg_ref[...], preferred_element_type=jnp.float32)
    lg = lg + bg_ref[...]
    logits_ref[...] = lg[:, :_E]
    xbf_ref[...] = x.astype(jnp.bfloat16)


def _sc_dispatch_body(lg_hbm, p1_hbm, p2_hbm, g1_hbm, g2_hbm, meta_hbm,
                      cx_hbm, lgv, i1v, i2v, w1v, w2v, lr1v, lr2v, basev,
                      callv):
    tpw = lgv.shape[0] // _E
    ngrp = tpw // _LANES
    wid = jax.lax.axis_index("s")
    base_t = wid * tpw
    pltpu.sync_copy(lg_hbm.at[pl.ds(base_t * _E, tpw * _E)], lgv)

    li = jax.lax.iota(jnp.int32, _LANES)
    neg = jnp.float32(-jnp.inf)
    cnt = [jnp.int32(0)] * _E
    for g in range(ngrp):
        idx0 = (li + g * _LANES) * _E
        ve = [plsc.load_gather(lgv, [idx0 + e]) for e in range(_E)]
        m1 = jnp.full((_LANES,), neg, jnp.float32)
        i1 = jnp.zeros((_LANES,), jnp.int32)
        for e in range(_E):
            gt = ve[e] > m1
            m1 = jnp.where(gt, ve[e], m1)
            i1 = jnp.where(gt, e, i1)
        m2 = jnp.full((_LANES,), neg, jnp.float32)
        i2 = jnp.zeros((_LANES,), jnp.int32)
        for e in range(_E):
            vm = jnp.where(i1 == e, neg, ve[e])
            gt = vm > m2
            m2 = jnp.where(gt, vm, m2)
            i2 = jnp.where(gt, e, i2)
        w1 = 1.0 / (1.0 + jnp.exp(m2 - m1))
        w2 = 1.0 - w1
        lr1 = jnp.zeros((_LANES,), jnp.int32)
        lr2 = jnp.zeros((_LANES,), jnp.int32)
        for e in range(_E):
            me = (i1 == e) | (i2 == e)
            mei = me.astype(jnp.int32)
            ex = plsc.cumsum(mei) - mei
            rk = cnt[e] + ex
            lr1 = jnp.where(i1 == e, rk, lr1)
            lr2 = jnp.where(i2 == e, rk, lr2)
            cnt[e] = cnt[e] + jnp.sum(mei)
        sl = pl.ds(g * _LANES, _LANES)
        i1v[sl] = i1
        i2v[sl] = i2
        w1v[sl] = w1
        w2v[sl] = w2
        lr1v[sl] = lr1
        lr2v[sl] = lr2

    cvec = jnp.zeros((_LANES,), jnp.int32)
    for e in range(_E):
        cvec = jnp.where(li == e, cnt[e], cvec)
    basev[...] = cvec
    pltpu.sync_copy(basev, cx_hbm.at[wid])
    plsc.subcore_barrier()
    pltpu.sync_copy(cx_hbm, callv)

    pref = jnp.zeros((_LANES,), jnp.int32)
    tot = jnp.zeros((_LANES,), jnp.int32)
    for j in range(_NSUB):
        rowj = callv[j]
        pref = pref + jnp.where(j < wid, rowj, jnp.zeros_like(rowj))
        tot = tot + rowj
    cnt_pad = jax.lax.shift_left(
        jax.lax.shift_right_logical(tot + (_TBLK - 1), 8), 8)
    pstart = plsc.cumsum(cnt_pad) - cnt_pad
    basev[...] = pstart + pref

    @pl.when(wid == 0)
    def _():
        callv[0] = pstart
        callv[1] = jax.lax.shift_right_logical(cnt_pad, 8)
        pltpu.sync_copy(callv.at[pl.ds(0, 2)], meta_hbm)

    for g in range(ngrp):
        sl = pl.ds(g * _LANES, _LANES)
        p1g = plsc.load_gather(basev, [i1v[sl]]) + lr1v[sl]
        p2g = plsc.load_gather(basev, [i2v[sl]]) + lr2v[sl]
        i1v[sl] = p1g
        i2v[sl] = p2g
    out_sl = pl.ds(base_t, tpw)
    pltpu.sync_copy(i1v, p1_hbm.at[out_sl])
    pltpu.sync_copy(i2v, p2_hbm.at[out_sl])
    pltpu.sync_copy(w1v, g1_hbm.at[out_sl])
    pltpu.sync_copy(w2v, g2_hbm.at[out_sl])


def _ffn_body(meta_ref, pdr_ref, pdc_ref, wdc_ref, xbf_ref,
              w1_ref, b1_ref, w2_ref, b2_ref, out_ref):
    e = pl.program_id(0)
    T, D = xbf_ref.shape
    base = meta_ref[e]
    nch = meta_ref[8 + e]
    b1r = b1_ref[0]
    b2r = b2_ref[0]
    p1r = pdr_ref[0]
    p2r = pdr_ref[1]
    p1c = pdc_ref[:, 0:1]
    p2c = pdc_ref[:, 1:2]
    g1c = wdc_ref[:, 0:1]
    g2c = wdc_ref[:, 1:2]
    xb = xbf_ref[...]

    @pl.when(e == 0)
    def _():
        out_ref[...] = jnp.zeros_like(out_ref)

    def chunk(c, carry):
        s0 = base + c * _TBLK
        rr = jax.lax.broadcasted_iota(jnp.int32, (_TBLK, T), 0) + s0
        og = ((p1r == rr) | (p2r == rr)).astype(jnp.bfloat16)
        rc = jax.lax.broadcasted_iota(jnp.int32, (T, _TBLK), 1) + s0
        ogt = (jnp.where(p1c == rc, g1c, 0.0)
               + jnp.where(p2c == rc, g2c, 0.0)).astype(jnp.bfloat16)

        xg = jnp.dot(og, xb, preferred_element_type=jnp.float32)
        h = jnp.dot(xg, w1_ref[0], preferred_element_type=jnp.float32) + b1r
        h = jax.nn.gelu(h)
        y = jnp.dot(h, w2_ref[0], preferred_element_type=jnp.float32) + b2r
        out_ref[...] += jnp.dot(ogt, y.astype(jnp.bfloat16),
                                preferred_element_type=jnp.float32)
        return carry

    jax.lax.fori_loop(0, nch, chunk, 0)


def kernel(x, Wg, bg, W1, b1, W2, b2):
    Bs, Ls, Ds = x.shape
    T = Bs * Ls
    E, Dff = W1.shape[0], W1.shape[2]
    x_flat = x.reshape(T, Ds)

    wg_pad = jnp.zeros((Ds, _EPAD), Wg.dtype).at[:, :E].set(Wg)
    bg_pad = jnp.full((1, _EPAD), -jnp.inf, bg.dtype).at[0, :E].set(bg)

    logits, xbf = pl.pallas_call(
        _router_body,
        out_shape=(
            jax.ShapeDtypeStruct((T, E), jnp.float32),
            jax.ShapeDtypeStruct((T, Ds), jnp.bfloat16),
        ),
    )(x_flat, wg_pad, bg_pad)

    tpw = T // _NSUB
    sc_dispatch = functools.partial(
        pl.kernel,
        out_type=[
            jax.ShapeDtypeStruct((T,), jnp.int32),
            jax.ShapeDtypeStruct((T,), jnp.int32),
            jax.ShapeDtypeStruct((T,), jnp.float32),
            jax.ShapeDtypeStruct((T,), jnp.float32),
            jax.ShapeDtypeStruct((2, _LANES), jnp.int32),
            jax.ShapeDtypeStruct((_NSUB, _LANES), jnp.int32),
        ],
        mesh=plsc.VectorSubcoreMesh(
            core_axis_name="c", subcore_axis_name="s", num_cores=1),
        compiler_params=pltpu.CompilerParams(needs_layout_passes=False),
        scratch_types=[
            pltpu.VMEM((tpw * _E,), jnp.float32),
            pltpu.VMEM((tpw,), jnp.int32),
            pltpu.VMEM((tpw,), jnp.int32),
            pltpu.VMEM((tpw,), jnp.float32),
            pltpu.VMEM((tpw,), jnp.float32),
            pltpu.VMEM((tpw,), jnp.int32),
            pltpu.VMEM((tpw,), jnp.int32),
            pltpu.VMEM((_LANES,), jnp.int32),
            pltpu.VMEM((_NSUB, _LANES), jnp.int32),
        ],
    )(_sc_dispatch_body)
    p1, p2, g1, g2, meta, _ = sc_dispatch(
        jnp.reshape(logits, (T * E,)))

    pdc = jnp.stack([p1, p2], axis=1)
    pdr = pdc.T.reshape(2, 1, T)
    wdc = jnp.stack([g1, g2], axis=1)
    meta_smem = jnp.concatenate([meta[0, :E], meta[1, :E]])

    out = pl.pallas_call(
        _ffn_body,
        grid=(E,),
        in_specs=[
            pl.BlockSpec(memory_space=pltpu.SMEM),
            pl.BlockSpec((2, 1, T), lambda e: (0, 0, 0)),
            pl.BlockSpec((T, 2), lambda e: (0, 0)),
            pl.BlockSpec((T, 2), lambda e: (0, 0)),
            pl.BlockSpec((T, Ds), lambda e: (0, 0)),
            pl.BlockSpec((1, Ds, Dff), lambda e: (e, 0, 0)),
            pl.BlockSpec((1, 1, Dff), lambda e: (e, 0, 0)),
            pl.BlockSpec((1, Dff, Ds), lambda e: (e, 0, 0)),
            pl.BlockSpec((1, 1, Ds), lambda e: (e, 0, 0)),
        ],
        out_specs=pl.BlockSpec((T, Ds), lambda e: (0, 0)),
        out_shape=jax.ShapeDtypeStruct((T, Ds), jnp.float32),
        compiler_params=pltpu.CompilerParams(
            dimension_semantics=("arbitrary",),
            vmem_limit_bytes=63 * 1024 * 1024,
        ),
    )(meta_smem, pdr, pdc, wdc, xbf,
      W1, b1.reshape(E, 1, Dff), W2, b2.reshape(E, 1, Ds))

    return out.reshape(Bs, Ls, Ds), logits

# --- scband reference (transcript-rebuilt; emitter-appended) ---
"""Pipeline reference for scband-epsparse-mo-e-70360154243384 (READ-ONLY COPY).

The authoritative reference and input builder live on the scoring server;
editing this copy changes nothing except your own understanding.
"""

import jax, jax.numpy as jnp
import numpy as np

B, L, D = 1, 2048, 1024
E, TOPK, DFF = 8, 2, 2048


def setup_inputs(seed: int = 0) -> dict:
    key = jax.random.key(seed)
    k = jax.random.split(key, 6)
    x = jax.random.normal(k[0], (B, L, D), dtype=jnp.float32)
    Wg = jax.random.normal(k[1], (D, E), dtype=jnp.float32) * 0.02
    bg = jnp.zeros((E,), dtype=jnp.float32)
    W1 = jax.random.normal(k[2], (E, D, DFF), dtype=jnp.float32) * 0.02
    b1 = jnp.zeros((E, DFF), dtype=jnp.float32)
    W2 = jax.random.normal(k[3], (E, DFF, D), dtype=jnp.float32) * 0.02
    b2 = jnp.zeros((E, D), dtype=jnp.float32)
    return {"x": x, "Wg": Wg, "bg": bg, "W1": W1, "b1": b1, "W2": W2, "b2": b2}


def reference(x, Wg, bg, W1, b1, W2, b2):
    Bs, Ls, Ds = x.shape
    x_flat = x.reshape(-1, Ds)
    # router / gate
    router_logits = x_flat @ Wg + bg
    topk_w, topk_i = jax.lax.top_k(router_logits, TOPK)
    topk_w = jax.nn.softmax(topk_w, axis=-1)
    # expert computation: per-expert gate is the routed softmax weight if the
    # expert was selected in any top-k slot, else 0. Multiplying the full
    # expert output by a zero gate is mathematically identical to the masked
    # gather/scatter dispatch in the original torch code (ep_size=1 so the
    # all-to-all and all-reduce are identities).
    output = jnp.zeros_like(x_flat)
    for e in range(E):
        gate_e = jnp.sum(jnp.where(topk_i == e, topk_w, 0.0), axis=-1)
        h = jax.nn.gelu(x_flat @ W1[e] + b1[e])
        y = h @ W2[e] + b2[e]
        output = output + gate_e[:, None] * y
    return output.reshape(Bs, Ls, Ds), router_logits

if __name__ == "__main__":
    import jax
    _d = setup_inputs()
    print(jax.jit(kernel)(*tuple(_d.values())))

</pallas_src>

<mosaic_0001>
#map = affine_map<(d0, d1) -> (0)>
#map1 = affine_map<(d0, d1) -> (0, 0)>
module attributes {stable_mosaic.version = 14 : i64} {
  func.func @_sc_dispatch_body(%arg0: i32, %arg1: i32, %arg2: memref<16384xf32, #tpu.memory_space<hbm>>, %arg3: memref<2048xi32, #tpu.memory_space<hbm>>, %arg4: memref<2048xi32, #tpu.memory_space<hbm>>, %arg5: memref<2048xf32, #tpu.memory_space<hbm>>, %arg6: memref<2048xf32, #tpu.memory_space<hbm>>, %arg7: memref<2x16xi32, #tpu.memory_space<hbm>>, %arg8: memref<16x16xi32, #tpu.memory_space<hbm>>, %arg9: memref<1024xf32, #tpu.memory_space<vmem>>, %arg10: memref<128xi32, #tpu.memory_space<vmem>>, %arg11: memref<128xi32, #tpu.memory_space<vmem>>, %arg12: memref<128xf32, #tpu.memory_space<vmem>>, %arg13: memref<128xf32, #tpu.memory_space<vmem>>, %arg14: memref<128xi32, #tpu.memory_space<vmem>>, %arg15: memref<128xi32, #tpu.memory_space<vmem>>, %arg16: memref<16xi32, #tpu.memory_space<vmem>>, %arg17: memref<16x16xi32, #tpu.memory_space<vmem>>) attributes {dimension_semantics = [#tpu.dimension_semantics<core_parallel>, #tpu.dimension_semantics<subcore_parallel>], iteration_bounds = array<i64: 1, 16>, scalar_prefetch = 0 : i64, scratch_operands = 9 : i64, tpu.core_type = #tpu.core_type<sc_vector_subcore>, window_params = [{transform_indices = #map}, {transform_indices = #map}, {transform_indices = #map}, {transform_indices = #map}, {transform_indices = #map}, {transform_indices = #map1}, {transform_indices = #map1}]} {
    %mul3A = arith.constant 128 : i32
    %mul3A_0 = arith.muli %arg1, %mul3A : i32
    %mul3A_1 = arith.constant 8 : i32
    %mul3A_2 = arith.muli %mul3A_0, %mul3A_1 : i32
    "tpu.region"() ({
      %run_scoped3A = tpu.sem_alloc : memref<!tpu.dma_semaphore, #tpu.memory_space<semaphore_mem>>
      %dma_start3A = tpu.memref_slice %arg2[%mul3A_2] : memref<16384xf32, #tpu.memory_space<hbm>> -> memref<1024xf32, #tpu.memory_space<hbm>>
      %dma_start3A_3709 = tpu.memref_slice %arg2[%mul3A_2] : memref<16384xf32, #tpu.memory_space<hbm>> -> memref<1024xf32, #tpu.memory_space<hbm>>
      tpu.enqueue_dma source(%dma_start3A_3709 : memref<1024xf32, #tpu.memory_space<hbm>>) target(%arg9 : memref<1024xf32, #tpu.memory_space<vmem>>) target_semaphore(%run_scoped3A : memref<!tpu.dma_semaphore, #tpu.memory_space<semaphore_mem>>)
      %dma_wait3A = tpu.memref_slice %arg2[%mul3A_2] : memref<16384xf32, #tpu.memory_space<hbm>> -> memref<1024xf32, #tpu.memory_space<hbm>>
      %dma_wait3A_3710 = tpu.memref_slice %arg2[%mul3A_2] : memref<16384xf32, #tpu.memory_space<hbm>> -> memref<1024xf32, #tpu.memory_space<hbm>>
      tpu.wait_dma2 semaphore(%run_scoped3A : memref<!tpu.dma_semaphore, #tpu.memory_space<semaphore_mem>>) src(%dma_wait3A_3710 : memref<1024xf32, #tpu.memory_space<hbm>>) dst(%arg9 : memref<1024xf32, #tpu.memory_space<vmem>>)
      tpu.yield
    }) : () -> ()
    %iota3A = tpu.iota {dimensions = array<i32: 0>} : vector<16xi32>
    %add3A = arith.constant 0 : i32
    %add3A_3 = vector.broadcast %add3A : i32 to vector<16xi32>
    %add3A_4 = arith.addi %iota3A, %add3A_3 : vector<16xi32>
    %mul3A_5 = arith.constant 8 : i32
    %mul3A_6 = vector.broadcast %mul3A_5 : i32 to vector<16xi32>
    %mul3A_7 = arith.muli %add3A_4, %mul3A_6 : vector<16xi32>
    %add3A_8 = arith.constant 0 : i32
    %add3A_9 = vector.broadcast %add3A_8 : i32 to vector<16xi32>
    %add3A_10 = arith.addi %mul3A_7, %add3A_9 : vector<16xi32>
    %gather3A = tpu.vector_load_idx %arg9[%add3A_10] : memref<1024xf32, #tpu.memory_space<vmem>>[vector<16xi32>], vector<16xf32>,
    %add3A_11 = arith.constant 1 : i32
    %add3A_12 = vector.broadcast %add3A_11 : i32 to vector<16xi32>
    %add3A_13 = arith.addi %mul3A_7, %add3A_12 : vector<16xi32>
    %gather3A_14 = tpu.vector_load_idx %arg9[%add3A_13] : memref<1024xf32, #tpu.memory_space<vmem>>[vector<16xi32>], vector<16xf32>,
    %add3A_15 = arith.constant 2 : i32
    %add3A_16 = vector.broadcast %add3A_15 : i32 to vector<16xi32>
    %add3A_17 = arith.addi %mul3A_7, %add3A_16 : vector<16xi32>
    %gather3A_18 = tpu.vector_load_idx %arg9[%add3A_17] : memref<1024xf32, #tpu.memory_space<vmem>>[vector<16xi32>], vector<16xf32>,
    %add3A_19 = arith.constant 3 : i32
    %add3A_20 = vector.broadcast %add3A_19 : i32 to vector<16xi32>
    %add3A_21 = arith.addi %mul3A_7, %add3A_20 : vector<16xi32>
    %gather3A_22 = tpu.vector_load_idx %arg9[%add3A_21] : memref<1024xf32, #tpu.memory_space<vmem>>[vector<16xi32>], vector<16xf32>,
    %add3A_23 = arith.constant 4 : i32
    %add3A_24 = vector.broadcast %add3A_23 : i32 to vector<16xi32>
    %add3A_25 = arith.addi %mul3A_7, %add3A_24 : vector<16xi32>
    %gather3A_26 = tpu.vector_load_idx %arg9[%add3A_25] : memref<1024xf32, #tpu.memory_space<vmem>>[vector<16xi32>], vector<16xf32>,
    %add3A_27 = arith.constant 5 : i32
    %add3A_28 = vector.broadcast %add3A_27 : i32 to vector<16xi32>
    %add3A_29 = arith.addi %mul3A_7, %add3A_28 : vector<16xi32>
    %gather3A_30 = tpu.vector_load_idx %arg9[%add3A_29] : memref<1024xf32, #tpu.memory_space<vmem>>[vector<16xi32>], vector<16xf32>,
    %add3A_31 = arith.constant 6 : i32
    %add3A_32 = vector.broadcast %add3A_31 : i32 to vector<16xi32>
    %add3A_33 = arith.addi %mul3A_7, %add3A_32 : vector<16xi32>
    %gather3A_34 = tpu.vector_load_idx %arg9[%add3A_33] : memref<1024xf32, #tpu.memory_space<vmem>>[vector<16xi32>], vector<16xf32>,
    %add3A_35 = arith.constant 7 : i32
    %add3A_36 = vector.broadcast %add3A_35 : i32 to vector<16xi32>
    %add3A_37 = arith.addi %mul3A_7, %add3A_36 : vector<16xi32>
    %gather3A_38 = tpu.vector_load_idx %arg9[%add3A_37] : memref<1024xf32, #tpu.memory_space<vmem>>[vector<16xi32>], vector<16xf32>,
    %broadcast_in_dim3A = arith.constant 0xFF800000 : f32
    %broadcast_in_dim3A_39 = vector.broadcast %broadcast_in_dim3A : f32 to vector<16xf32>
    %broadcast_in_dim3A_40 = arith.constant 0 : i32
    %broadcast_in_dim3A_41 = vector.broadcast %broadcast_in_dim3A_40 : i32 to vector<16xi32>
    %gt3A = arith.cmpf ogt, %gather3A, %broadcast_in_dim3A_39 : vector<16xf32>
    %select_n3A = arith.select %gt3A, %gather3A, %broadcast_in_dim3A_39 : vector<16xi1>, vector<16xf32>
    %jit3A = arith.constant 0 : i32
    %broadcast_in_dim3A_42 = vector.broadcast %jit3A : i32 to vector<16xi32>
    %select_n3A_43 = arith.select %gt3A, %broadcast_in_dim3A_42, %broadcast_in_dim3A_41 : vector<16xi1>, vector<16xi32>
    %gt3A_44 = arith.cmpf ogt, %gather3A_14, %select_n3A : vector<16xf32>
    %select_n3A_45 = arith.select %gt3A_44, %gather3A_14, %select_n3A : vector<16xi1>, vector<16xf32>
    %jit3A_46 = arith.constant 1 : i32
    %broadcast_in_dim3A_47 = vector.broadcast %jit3A_46 : i32 to vector<16xi32>
    %select_n3A_48 = arith.select %gt3A_44, %broadcast_in_dim3A_47, %select_n3A_43 : vector<16xi1>, vector<16xi32>
    %gt3A_49 = arith.cmpf ogt, %gather3A_18, %select_n3A_45 : vector<16xf32>
    %select_n3A_50 = arith.select %gt3A_49, %gather3A_18, %select_n3A_45 : vector<16xi1>, vector<16xf32>
    %jit3A_51 = arith.constant 2 : i32
    %broadcast_in_dim3A_52 = vector.broadcast %jit3A_51 : i32 to vector<16xi32>
    %select_n3A_53 = arith.select %gt3A_49, %broadcast_in_dim3A_52, %select_n3A_48 : vector<16xi1>, vector<16xi32>
    %gt3A_54 = arith.cmpf ogt, %gather3A_22, %select_n3A_50 : vector<16xf32>
    %select_n3A_55 = arith.select %gt3A_54, %gather3A_22, %select_n3A_50 : vector<16xi1>, vector<16xf32>
    %jit3A_56 = arith.constant 3 : i32
    %broadcast_in_dim3A_57 = vector.broadcast %jit3A_56 : i32 to vector<16xi32>
    %select_n3A_58 = arith.select %gt3A_54, %broadcast_in_dim3A_57, %select_n3A_53 : vector<16xi1>, vector<16xi32>
    %gt3A_59 = arith.cmpf ogt, %gather3A_26, %select_n3A_55 : vector<16xf32>
    %select_n3A_60 = arith.select %gt3A_59, %gather3A_26, %select_n3A_55 : vector<16xi1>, vector<16xf32>
    %jit3A_61 = arith.constant 4 : i32
    %broadcast_in_dim3A_62 = vector.broadcast %jit3A_61 : i32 to vector<16xi32>
    %select_n3A_63 = arith.select %gt3A_59, %broadcast_in_dim3A_62, %select_n3A_58 : vector<16xi1>, vector<16xi32>
    %gt3A_64 = arith.cmpf ogt, %gather3A_30, %select_n3A_60 : vector<16xf32>
    %select_n3A_65 = arith.select %gt3A_64, %gather3A_30, %select_n3A_60 : vector<16xi1>, vector<16xf32>
    %jit3A_66 = arith.constant 5 : i32
    %broadcast_in_dim3A_67 = vector.broadcast %jit3A_66 : i32 to vector<16xi32>
    %select_n3A_68 = arith.select %gt3A_64, %broadcast_in_dim3A_67, %select_n3A_63 : vector<16xi1>, vector<16xi32>
    %gt3A_69 = arith.cmpf ogt, %gather3A_34, %select_n3A_65 : vector<16xf32>
    %select_n3A_70 = arith.select %gt3A_69, %gather3A_34, %select_n3A_65 : vector<16xi1>, vector<16xf32>
    %jit3A_71 = arith.constant 6 : i32
    %broadcast_in_dim3A_72 = vector.broadcast %jit3A_71 : i32 to vector<16xi32>
    %select_n3A_73 = arith.select %gt3A_69, %broadcast_in_dim3A_72, %select_n3A_68 : vector<16xi1>, vector<16xi32>
    %gt3A_74 = arith.cmpf ogt, %gather3A_38, %select_n3A_70 : vector<16xf32>
    %select_n3A_75 = arith.select %gt3A_74, %gather3A_38, %select_n3A_70 : vector<16xi1>, vector<16xf32>
    %jit3A_76 = arith.constant 7 : i32
    %broadcast_in_dim3A_77 = vector.broadcast %jit3A_76 : i32 to vector<16xi32>
    %select_n3A_78 = arith.select %gt3A_74, %broadcast_in_dim3A_77, %select_n3A_73 : vector<16xi1>, vector<16xi32>
    %broadcast_in_dim3A_79 = arith.constant 0xFF800000 : f32
    %broadcast_in_dim3A_80 = vector.broadcast %broadcast_in_dim3A_79 : f32 to vector<16xf32>
    %broadcast_in_dim3A_81 = arith.constant 0 : i32
    %broadcast_in_dim3A_82 = vector.broadcast %broadcast_in_dim3A_81 : i32 to vector<16xi32>
    %eq3A = arith.constant 0 : i32
    %eq3A_83 = vector.broadcast %eq3A : i32 to vector<16xi32>
    %eq3A_84 = arith.cmpi eq, %select_n3A_78, %eq3A_83 : vector<16xi32>
    %jit3A_85 = arith.constant 0xFF800000 : f32
    %broadcast_in_dim3A_86 = vector.broadcast %jit3A_85 : f32 to vector<16xf32>
    %select_n3A_87 = arith.select %eq3A_84, %broadcast_in_dim3A_86, %gather3A : vector<16xi1>, vector<16xf32>
    %gt3A_88 = arith.cmpf ogt, %select_n3A_87, %broadcast_in_dim3A_80 : vector<16xf32>
    %select_n3A_89 = arith.select %gt3A_88, %select_n3A_87, %broadcast_in_dim3A_80 : vector<16xi1>, vector<16xf32>
    %jit3A_90 = arith.constant 0 : i32
    %broadcast_in_dim3A_91 = vector.broadcast %jit3A_90 : i32 to vector<16xi32>
    %select_n3A_92 = arith.select %gt3A_88, %broadcast_in_dim3A_91, %broadcast_in_dim3A_82 : vector<16xi1>, vector<16xi32>
    %eq3A_93 = arith.constant 1 : i32
    %eq3A_94 = vector.broadcast %eq3A_93 : i32 to vector<16xi32>
    %eq3A_95 = arith.cmpi eq, %select_n3A_78, %eq3A_94 : vector<16xi32>
    %jit3A_96 = arith.constant 0xFF800000 : f32
    %broadcast_in_dim3A_97 = vector.broadcast %jit3A_96 : f32 to vector<16xf32>
    %select_n3A_98 = arith.select %eq3A_95, %broadcast_in_dim3A_97, %gather3A_14 : vector<16xi1>, vector<16xf32>
    %gt3A_99 = arith.cmpf ogt, %select_n3A_98, %select_n3A_89 : vector<16xf32>
    %select_n3A_100 = arith.select %gt3A_99, %select_n3A_98, %select_n3A_89 : vector<16xi1>, vector<16xf32>
    %jit3A_101 = arith.constant 1 : i32
    %broadcast_in_dim3A_102 = vector.broadcast %jit3A_101 : i32 to vector<16xi32>
    %select_n3A_103 = arith.select %gt3A_99, %broadcast_in_dim3A_102, %select_n3A_92 : vector<16xi1>, vector<16xi32>
    %eq3A_104 = arith.constant 2 : i32
    %eq3A_105 = vector.broadcast %eq3A_104 : i32 to vector<16xi32>
    %eq3A_106 = arith.cmpi eq, %select_n3A_78, %eq3A_105 : vector<16xi32>
    %jit3A_107 = arith.constant 0xFF800000 : f32
    %broadcast_in_dim3A_108 = vector.broadcast %jit3A_107 : f32 to vector<16xf32>
    %select_n3A_109 = arith.select %eq3A_106, %broadcast_in_dim3A_108, %gather3A_18 : vector<16xi1>, vector<16xf32>
    %gt3A_110 = arith.cmpf ogt, %select_n3A_109, %select_n3A_100 : vector<16xf32>
    %select_n3A_111 = arith.select %gt3A_110, %select_n3A_109, %select_n3A_100 : vector<16xi1>, vector<16xf32>
    %jit3A_112 = arith.constant 2 : i32
    %broadcast_in_dim3A_113 = vector.broadcast %jit3A_112 : i32 to vector<16xi32>
    %select_n3A_114 = arith.select %gt3A_110, %broadcast_in_dim3A_113, %select_n3A_103 : vector<16xi1>, vector<16xi32>
    %eq3A_115 = arith.constant 3 : i32
    %eq3A_116 = vector.broadcast %eq3A_115 : i32 to vector<16xi32>
    %eq3A_117 = arith.cmpi eq, %select_n3A_78, %eq3A_116 : vector<16xi32>
    %jit3A_118 = arith.constant 0xFF800000 : f32
    %broadcast_in_dim3A_119 = vector.broadcast %jit3A_118 : f32 to vector<16xf32>
    %select_n3A_120 = arith.select %eq3A_117, %broadcast_in_dim3A_119, %gather3A_22 : vector<16xi1>, vector<16xf32>
    %gt3A_121 = arith.cmpf ogt, %select_n3A_120, %select_n3A_111 : vector<16xf32>
    %select_n3A_122 = arith.select %gt3A_121, %select_n3A_120, %select_n3A_111 : vector<16xi1>, vector<16xf32>
    %jit3A_123 = arith.constant 3 : i32
    %broadcast_in_dim3A_124 = vector.broadcast %jit3A_123 : i32 to vector<16xi32>
    %select_n3A_125 = arith.select %gt3A_121, %broadcast_in_dim3A_124, %select_n3A_114 : vector<16xi1>, vector<16xi32>
    %eq3A_126 = arith.constant 4 : i32
    %eq3A_127 = vector.broadcast %eq3A_126 : i32 to vector<16xi32>
    %eq3A_128 = arith.cmpi eq, %select_n3A_78, %eq3A_127 : vector<16xi32>
    %jit3A_129 = arith.constant 0xFF800000 : f32
    %broadcast_in_dim3A_130 = vector.broadcast %jit3A_129 : f32 to vector<16xf32>
    %select_n3A_131 = arith.select %eq3A_128, %broadcast_in_dim3A_130, %gather3A_26 : vector<16xi1>, vector<16xf32>
    %gt3A_132 = arith.cmpf ogt, %select_n3A_131, %select_n3A_122 : vector<16xf32>
    %select_n3A_133 = arith.select %gt3A_132, %select_n3A_131, %select_n3A_122 : vector<16xi1>, vector<16xf32>
    %jit3A_134 = arith.constant 4 : i32
    %broadcast_in_dim3A_135 = vector.broadcast %jit3A_134 : i32 to vector<16xi32>
    %select_n3A_136 = arith.select %gt3A_132, %broadcast_in_dim3A_135, %select_n3A_125 : vector<16xi1>, vector<16xi32>
    %eq3A_137 = arith.constant 5 : i32
    %eq3A_138 = vector.broadcast %eq3A_137 : i32 to vector<16xi32>
    %eq3A_139 = arith.cmpi eq, %select_n3A_78, %eq3A_138 : vector<16xi32>
    %jit3A_140 = arith.constant 0xFF800000 : f32
    %broadcast_in_dim3A_141 = vector.broadcast %jit3A_140 : f32 to vector<16xf32>
    %select_n3A_142 = arith.select %eq3A_139, %broadcast_in_dim3A_141, %gather3A_30 : vector<16xi1>, vector<16xf32>
    %gt3A_143 = arith.cmpf ogt, %select_n3A_142, %select_n3A_133 : vector<16xf32>
    %select_n3A_144 = arith.select %gt3A_143, %select_n3A_142, %select_n3A_133 : vector<16xi1>, vector<16xf32>
    %jit3A_145 = arith.constant 5 : i32
    %broadcast_in_dim3A_146 = vector.broadcast %jit3A_145 : i32 to vector<16xi32>
    %select_n3A_147 = arith.select %gt3A_143, %broadcast_in_dim3A_146, %select_n3A_136 : vector<16xi1>, vector<16xi32>
    %eq3A_148 = arith.constant 6 : i32
    %eq3A_149 = vector.broadcast %eq3A_148 : i32 to vector<16xi32>
    %eq3A_150 = arith.cmpi eq, %select_n3A_78, %eq3A_149 : vector<16xi32>
    %jit3A_151 = arith.constant 0xFF800000 : f32
    %broadcast_in_dim3A_152 = vector.broadcast %jit3A_151 : f32 to vector<16xf32>
    %select_n3A_153 = arith.select %eq3A_150, %broadcast_in_dim3A_152, %gather3A_34 : vector<16xi1>, vector<16xf32>
    %gt3A_154 = arith.cmpf ogt, %select_n3A_153, %select_n3A_144 : vector<16xf32>
    %select_n3A_155 = arith.select %gt3A_154, %select_n3A_153, %select_n3A_144 : vector<16xi1>, vector<16xf32>
    %jit3A_156 = arith.constant 6 : i32
    %broadcast_in_dim3A_157 = vector.broadcast %jit3A_156 : i32 to vector<16xi32>
    %select_n3A_158 = arith.select %gt3A_154, %broadcast_in_dim3A_157, %select_n3A_147 : vector<16xi1>, vector<16xi32>
    %eq3A_159 = arith.constant 7 : i32
    %eq3A_160 = vector.broadcast %eq3A_159 : i32 to vector<16xi32>
    %eq3A_161 = arith.cmpi eq, %select_n3A_78, %eq3A_160 : vector<16xi32>
    %jit3A_162 = arith.constant 0xFF800000 : f32
    %broadcast_in_dim3A_163 = vector.broadcast %jit3A_162 : f32 to vector<16xf32>
    %select_n3A_164 = arith.select %eq3A_161, %broadcast_in_dim3A_163, %gather3A_38 : vector<16xi1>, vector<16xf32>
    %gt3A_165 = arith.cmpf ogt, %select_n3A_164, %select_n3A_155 : vector<16xf32>
    %select_n3A_166 = arith.select %gt3A_165, %select_n3A_164, %select_n3A_155 : vector<16xi1>, vector<16xf32>
    %jit3A_167 = arith.constant 7 : i32
    %broadcast_in_dim3A_168 = vector.broadcast %jit3A_167 : i32 to vector<16xi32>
    %select_n3A_169 = arith.select %gt3A_165, %broadcast_in_dim3A_168, %select_n3A_158 : vector<16xi1>, vector<16xi32>
    %sub3A = arith.subf %select_n3A_166, %select_n3A_75 : vector<16xf32>
    %exp3A = math.exp %sub3A : vector<16xf32>
    %add3A_170 = arith.constant 1.000000e+00 : f32
    %add3A_171 = vector.broadcast %add3A_170 : f32 to vector<16xf32>
    %add3A_172 = arith.addf %add3A_171, %exp3A : vector<16xf32>
    %div3A = arith.constant 1.000000e+00 : f32
    %div3A_173 = vector.broadcast %div3A : f32 to vector<16xf32>
    %div3A_174 = arith.divf %div3A_173, %add3A_172 : vector<16xf32>
    %sub3A_175 = arith.constant 1.000000e+00 : f32
    %sub3A_176 = vector.broadcast %sub3A_175 : f32 to vector<16xf32>
    %sub3A_177 = arith.subf %sub3A_176, %div3A_174 : vector<16xf32>
    %broadcast_in_dim3A_178 = arith.constant 0 : i32
    %broadcast_in_dim3A_179 = vector.broadcast %broadcast_in_dim3A_178 : i32 to vector<16xi32>
    %broadcast_in_dim3A_180 = arith.constant 0 : i32
    %broadcast_in_dim3A_181 = vector.broadcast %broadcast_in_dim3A_180 : i32 to vector<16xi32>
    %eq3A_182 = arith.constant 0 : i32
    %eq3A_183 = vector.broadcast %eq3A_182 : i32 to vector<16xi32>
    %eq3A_184 = arith.cmpi eq, %select_n3A_78, %eq3A_183 : vector<16xi32>
    %eq3A_185 = arith.constant 0 : i32
    %eq3A_186 = vector.broadcast %eq3A_185 : i32 to vector<16xi32>
    %eq3A_187 = arith.cmpi eq, %select_n3A_169, %eq3A_186 : vector<16xi32>
    %or3A = arith.ori %eq3A_184, %eq3A_187 : vector<16xi1>
    %convert_element_type3A = arith.extui %or3A : vector<16xi1> to vector<16xi32>
    %broadcast_in_dim3A_188 = arith.constant true
    %broadcast_in_dim3A_189 = vector.broadcast %broadcast_in_dim3A_188 : i1 to vector<16xi1>
    %masked_cumsum3A = tpu.scan <sum>, %convert_element_type3A masked %broadcast_in_dim3A_189 : vector<16xi32>, vector<16xi1> -> vector<16xi32>
    %sub3A_190 = arith.subi %masked_cumsum3A, %convert_element_type3A : vector<16xi32>
    %add3A_191 = arith.constant 0 : i32
    %add3A_192 = vector.broadcast %add3A_191 : i32 to vector<16xi32>
    %add3A_193 = arith.addi %add3A_192, %sub3A_190 : vector<16xi32>
    %eq3A_194 = arith.constant 0 : i32
    %eq3A_195 = vector.broadcast %eq3A_194 : i32 to vector<16xi32>
    %eq3A_196 = arith.cmpi eq, %select_n3A_78, %eq3A_195 : vector<16xi32>
    %select_n3A_197 = arith.select %eq3A_196, %add3A_193, %broadcast_in_dim3A_179 : vector<16xi1>, vector<16xi32>
    %eq3A_198 = arith.constant 0 : i32
    %eq3A_199 = vector.broadcast %eq3A_198 : i32 to vector<16xi32>
    %eq3A_200 = arith.cmpi eq, %select_n3A_169, %eq3A_199 : vector<16xi32>
    %select_n3A_201 = arith.select %eq3A_200, %add3A_193, %broadcast_in_dim3A_181 : vector<16xi1>, vector<16xi32>
    %reduce_sum3A = arith.constant true
    %reduce_sum3A_202 = vector.broadcast %reduce_sum3A : i1 to vector<16xi1>
    %reduce_sum3A_203 = tpu.scan <sum>, %convert_element_type3A masked %reduce_sum3A_202 : vector<16xi32>, vector<16xi1> -> vector<16xi32>
    %reduce_sum3A_204 = vector.extract %reduce_sum3A_203[15] : i32 from vector<16xi32>
    %add3A_205 = arith.constant 0 : i32
    %add3A_206 = arith.addi %add3A_205, %reduce_sum3A_204 : i32
    %eq3A_207 = arith.constant 1 : i32
    %eq3A_208 = vector.broadcast %eq3A_207 : i32 to vector<16xi32>
    %eq3A_209 = arith.cmpi eq, %select_n3A_78, %eq3A_208 : vector<16xi32>
    %eq3A_210 = arith.constant 1 : i32
    %eq3A_211 = vector.broadcast %eq3A_210 : i32 to vector<16xi32>
    %eq3A_212 = arith.cmpi eq, %select_n3A_169, %eq3A_211 : vector<16xi32>
    %or3A_213 = arith.ori %eq3A_209, %eq3A_212 : vector<16xi1>
    %convert_element_type3A_214 = arith.extui %or3A_213 : vector<16xi1> to vector<16xi32>
    %broadcast_in_dim3A_215 = arith.constant true
    %broadcast_in_dim3A_216 = vector.broadcast %broadcast_in_dim3A_215 : i1 to vector<16xi1>
    %masked_cumsum3A_217 = tpu.scan <sum>, %convert_element_type3A_214 masked %broadcast_in_dim3A_216 : vector<16xi32>, vector<16xi1> -> vector<16xi32>
    %sub3A_218 = arith.subi %masked_cumsum3A_217, %convert_element_type3A_214 : vector<16xi32>
    %add3A_219 = arith.constant 0 : i32
    %add3A_220 = vector.broadcast %add3A_219 : i32 to vector<16xi32>
    %add3A_221 = arith.addi %add3A_220, %sub3A_218 : vector<16xi32>
    %eq3A_222 = arith.constant 1 : i32
    %eq3A_223 = vector.broadcast %eq3A_222 : i32 to vector<16xi32>
    %eq3A_224 = arith.cmpi eq, %select_n3A_78, %eq3A_223 : vector<16xi32>
    %select_n3A_225 = arith.select %eq3A_224, %add3A_221, %select_n3A_197 : vector<16xi1>, vector<16xi32>
    %eq3A_226 = arith.constant 1 : i32
    %eq3A_227 = vector.broadcast %eq3A_226 : i32 to vector<16xi32>
    %eq3A_228 = arith.cmpi eq, %select_n3A_169, %eq3A_227 : vector<16xi32>
    %select_n3A_229 = arith.select %eq3A_228, %add3A_221, %select_n3A_201 : vector<16xi1>, vector<16xi32>
    %reduce_sum3A_230 = arith.constant true
    %reduce_sum3A_231 = vector.broadcast %reduce_sum3A_230 : i1 to vector<16xi1>
    %reduce_sum3A_232 = tpu.scan <sum>, %convert_element_type3A_214 masked %reduce_sum3A_231 : vector<16xi32>, vector<16xi1> -> vector<16xi32>
    %reduce_sum3A_233 = vector.extract %reduce_sum3A_232[15] : i32 from vector<16xi32>
    %add3A_234 = arith.constant 0 : i32
    %add3A_235 = arith.addi %add3A_234, %reduce_sum3A_233 : i32
    %eq3A_236 = arith.constant 2 : i32
    %eq3A_237 = vector.broadcast %eq3A_236 : i32 to vector<16xi32>
    %eq3A_238 = arith.cmpi eq, %select_n3A_78, %eq3A_237 : vector<16xi32>
    %eq3A_239 = arith.constant 2 : i32
    %eq3A_240 = vector.broadcast %eq3A_239 : i32 to vector<16xi32>
    %eq3A_241 = arith.cmpi eq, %select_n3A_169, %eq3A_240 : vector<16xi32>
    %or3A_242 = arith.ori %eq3A_238, %eq3A_241 : vector<16xi1>
    %convert_element_type3A_243 = arith.extui %or3A_242 : vector<16xi1> to vector<16xi32>
    %broadcast_in_dim3A_244 = arith.constant true
    %broadcast_in_dim3A_245 = vector.broadcast %broadcast_in_dim3A_244 : i1 to vector<16xi1>
    %masked_cumsum3A_246 = tpu.scan <sum>, %convert_element_type3A_243 masked %broadcast_in_dim3A_245 : vector<16xi32>, vector<16xi1> -> vector<16xi32>
    %sub3A_247 = arith.subi %masked_cumsum3A_246, %convert_element_type3A_243 : vector<16xi32>
    %add3A_248 = arith.constant 0 : i32
    %add3A_249 = vector.broadcast %add3A_248 : i32 to vector<16xi32>
    %add3A_250 = arith.addi %add3A_249, %sub3A_247 : vector<16xi32>
    %eq3A_251 = arith.constant 2 : i32
    %eq3A_252 = vector.broadcast %eq3A_251 : i32 to vector<16xi32>
    %eq3A_253 = arith.cmpi eq, %select_n3A_78, %eq3A_252 : vector<16xi32>
    %select_n3A_254 = arith.select %eq3A_253, %add3A_250, %select_n3A_225 : vector<16xi1>, vector<16xi32>
    %eq3A_255 = arith.constant 2 : i32
    %eq3A_256 = vector.broadcast %eq3A_255 : i32 to vector<16xi32>
    %eq3A_257 = arith.cmpi eq, %select_n3A_169, %eq3A_256 : vector<16xi32>
    %select_n3A_258 = arith.select %eq3A_257, %add3A_250, %select_n3A_229 : vector<16xi1>, vector<16xi32>
    %reduce_sum3A_259 = arith.constant true
    %reduce_sum3A_260 = vector.broadcast %reduce_sum3A_259 : i1 to vector<16xi1>
    %reduce_sum3A_261 = tpu.scan <sum>, %convert_element_type3A_243 masked %reduce_sum3A_260 : vector<16xi32>, vector<16xi1> -> vector<16xi32>
    %reduce_sum3A_262 = vector.extract %reduce_sum3A_261[15] : i32 from vector<16xi32>
    %add3A_263 = arith.constant 0 : i32
    %add3A_264 = arith.addi %add3A_263, %reduce_sum3A_262 : i32
    %eq3A_265 = arith.constant 3 : i32
    %eq3A_266 = vector.broadcast %eq3A_265 : i32 to vector<16xi32>
    %eq3A_267 = arith.cmpi eq, %select_n3A_78, %eq3A_266 : vector<16xi32>
    %eq3A_268 = arith.constant 3 : i32
    %eq3A_269 = vector.broadcast %eq3A_268 : i32 to vector<16xi32>
    %eq3A_270 = arith.cmpi eq, %select_n3A_169, %eq3A_269 : vector<16xi32>
    %or3A_271 = arith.ori %eq3A_267, %eq3A_270 : vector<16xi1>
    %convert_element_type3A_272 = arith.extui %or3A_271 : vector<16xi1> to vector<16xi32>
    %broadcast_in_dim3A_273 = arith.constant true
    %broadcast_in_dim3A_274 = vector.broadcast %broadcast_in_dim3A_273 : i1 to vector<16xi1>
    %masked_cumsum3A_275 = tpu.scan <sum>, %convert_element_type3A_272 masked %broadcast_in_dim3A_274 : vector<16xi32>, vector<16xi1> -> vector<16xi32>
    %sub3A_276 = arith.subi %masked_cumsum3A_275, %convert_element_type3A_272 : vector<16xi32>
    %add3A_277 = arith.constant 0 : i32
    %add3A_278 = vector.broadcast %add3A_277 : i32 to vector<16xi32>
    %add3A_279 = arith.addi %add3A_278, %sub3A_276 : vector<16xi32>
    %eq3A_280 = arith.constant 3 : i32
    %eq3A_281 = vector.broadcast %eq3A_280 : i32 to vector<16xi32>
    %eq3A_282 = arith.cmpi eq, %select_n3A_78, %eq3A_281 : vector<16xi32>
    %select_n3A_283 = arith.select %eq3A_282, %add3A_279, %select_n3A_254 : vector<16xi1>, vector<16xi32>
    %eq3A_284 = arith.constant 3 : i32
    %eq3A_285 = vector.broadcast %eq3A_284 : i32 to vector<16xi32>
    %eq3A_286 = arith.cmpi eq, %select_n3A_169, %eq3A_285 : vector<16xi32>
    %select_n3A_287 = arith.select %eq3A_286, %add3A_279, %select_n3A_258 : vector<16xi1>, vector<16xi32>
    %reduce_sum3A_288 = arith.constant true
    %reduce_sum3A_289 = vector.broadcast %reduce_sum3A_288 : i1 to vector<16xi1>
    %reduce_sum3A_290 = tpu.scan <sum>, %convert_element_type3A_272 masked %reduce_sum3A_289 : vector<16xi32>, vector<16xi1> -> vector<16xi32>
    %reduce_sum3A_291 = vector.extract %reduce_sum3A_290[15] : i32 from vector<16xi32>
    %add3A_292 = arith.constant 0 : i32
    %add3A_293 = arith.addi %add3A_292, %reduce_sum3A_291 : i32
    %eq3A_294 = arith.constant 4 : i32
    %eq3A_295 = vector.broadcast %eq3A_294 : i32 to vector<16xi32>
    %eq3A_296 = arith.cmpi eq, %select_n3A_78, %eq3A_295 : vector<16xi32>
    %eq3A_297 = arith.constant 4 : i32
    %eq3A_298 = vector.broadcast %eq3A_297 : i32 to vector<16xi32>
    %eq3A_299 = arith.cmpi eq, %select_n3A_169, %eq3A_298 : vector<16xi32>
    %or3A_300 = arith.ori %eq3A_296, %eq3A_299 : vector<16xi1>
    %convert_element_type3A_301 = arith.extui %or3A_300 : vector<16xi1> to vector<16xi32>
    %broadcast_in_dim3A_302 = arith.constant true
    %broadcast_in_dim3A_303 = vector.broadcast %broadcast_in_dim3A_302 : i1 to vector<16xi1>
    %masked_cumsum3A_304 = tpu.scan <sum>, %convert_element_type3A_301 masked %broadcast_in_dim3A_303 : vector<16xi32>, vector<16xi1> -> vector<16xi32>
    %sub3A_305 = arith.subi %masked_cumsum3A_304, %convert_element_type3A_301 : vector<16xi32>
    %add3A_306 = arith.constant 0 : i32
    %add3A_307 = vector.broadcast %add3A_306 : i32 to vector<16xi32>
    %add3A_308 = arith.addi %add3A_307, %sub3A_305 : vector<16xi32>
    %eq3A_309 = arith.constant 4 : i32
    %eq3A_310 = vector.broadcast %eq3A_309 : i32 to vector<16xi32>
    %eq3A_311 = arith.cmpi eq, %select_n3A_78, %eq3A_310 : vector<16xi32>
    %select_n3A_312 = arith.select %eq3A_311, %add3A_308, %select_n3A_283 : vector<16xi1>, vector<16xi32>
    %eq3A_313 = arith.constant 4 : i32
    %eq3A_314 = vector.broadcast %eq3A_313 : i32 to vector<16xi32>
    %eq3A_315 = arith.cmpi eq, %select_n3A_169, %eq3A_314 : vector<16xi32>
    %select_n3A_316 = arith.select %eq3A_315, %add3A_308, %select_n3A_287 : vector<16xi1>, vector<16xi32>
    %reduce_sum3A_317 = arith.constant true
    %reduce_sum3A_318 = vector.broadcast %reduce_sum3A_317 : i1 to vector<16xi1>
    %reduce_sum3A_319 = tpu.scan <sum>, %convert_element_type3A_301 masked %reduce_sum3A_318 : vector<16xi32>, vector<16xi1> -> vector<16xi32>
    %reduce_sum3A_320 = vector.extract %reduce_sum3A_319[15] : i32 from vector<16xi32>
    %add3A_321 = arith.constant 0 : i32
    %add3A_322 = arith.addi %add3A_321, %reduce_sum3A_320 : i32
    %eq3A_323 = arith.constant 5 : i32
    %eq3A_324 = vector.broadcast %eq3A_323 : i32 to vector<16xi32>
    %eq3A_325 = arith.cmpi eq, %select_n3A_78, %eq3A_324 : vector<16xi32>
    %eq3A_326 = arith.constant 5 : i32
    %eq3A_327 = vector.broadcast %eq3A_326 : i32 to vector<16xi32>
    %eq3A_328 = arith.cmpi eq, %select_n3A_169, %eq3A_327 : vector<16xi32>
    %or3A_329 = arith.ori %eq3A_325, %eq3A_328 : vector<16xi1>
    %convert_element_type3A_330 = arith.extui %or3A_329 : vector<16xi1> to vector<16xi32>
    %broadcast_in_dim3A_331 = arith.constant true
    %broadcast_in_dim3A_332 = vector.broadcast %broadcast_in_dim3A_331 : i1 to vector<16xi1>
    %masked_cumsum3A_333 = tpu.scan <sum>, %convert_element_type3A_330 masked %broadcast_in_dim3A_332 : vector<16xi32>, vector<16xi1> -> vector<16xi32>
    %sub3A_334 = arith.subi %masked_cumsum3A_333, %convert_element_type3A_330 : vector<16xi32>
    %add3A_335 = arith.constant 0 : i32
    %add3A_336 = vector.broadcast %add3A_335 : i32 to vector<16xi32>
    %add3A_337 = arith.addi %add3A_336, %sub3A_334 : vector<16xi32>
    %eq3A_338 = arith.constant 5 : i32
    %eq3A_339 = vector.broadcast %eq3A_338 : i32 to vector<16xi32>
    %eq3A_340 = arith.cmpi eq, %select_n3A_78, %eq3A_339 : vector<16xi32>
    %select_n3A_341 = arith.select %eq3A_340, %add3A_337, %select_n3A_312 : vector<16xi1>, vector<16xi32>
    %eq3A_342 = arith.constant 5 : i32
    %eq3A_343 = vector.broadcast %eq3A_342 : i32 to vector<16xi32>
    %eq3A_344 = arith.cmpi eq, %select_n3A_169, %eq3A_343 : vector<16xi32>
    %select_n3A_345 = arith.select %eq3A_344, %add3A_337, %select_n3A_316 : vector<16xi1>, vector<16xi32>
    %reduce_sum3A_346 = arith.constant true
    %reduce_sum3A_347 = vector.broadcast %reduce_sum3A_346 : i1 to vector<16xi1>
    %reduce_sum3A_348 = tpu.scan <sum>, %convert_element_type3A_330 masked %reduce_sum3A_347 : vector<16xi32>, vector<16xi1> -> vector<16xi32>
    %reduce_sum3A_349 = vector.extract %reduce_sum3A_348[15] : i32 from vector<16xi32>
    %add3A_350 = arith.constant 0 : i32
    %add3A_351 = arith.addi %add3A_350, %reduce_sum3A_349 : i32
    %eq3A_352 = arith.constant 6 : i32
    %eq3A_353 = vector.broadcast %eq3A_352 : i32 to vector<16xi32>
    %eq3A_354 = arith.cmpi eq, %select_n3A_78, %eq3A_353 : vector<16xi32>
    %eq3A_355 = arith.constant 6 : i32
    %eq3A_356 = vector.broadcast %eq3A_355 : i32 to vector<16xi32>
    %eq3A_357 = arith.cmpi eq, %select_n3A_169, %eq3A_356 : vector<16xi32>
    %or3A_358 = arith.ori %eq3A_354, %eq3A_357 : vector<16xi1>
    %convert_element_type3A_359 = arith.extui %or3A_358 : vector<16xi1> to vector<16xi32>
    %broadcast_in_dim3A_360 = arith.constant true
    %broadcast_in_dim3A_361 = vector.broadcast %broadcast_in_dim3A_360 : i1 to vector<16xi1>
    %masked_cumsum3A_362 = tpu.scan <sum>, %convert_element_type3A_359 masked %broadcast_in_dim3A_361 : vector<16xi32>, vector<16xi1> -> vector<16xi32>
    %sub3A_363 = arith.subi %masked_cumsum3A_362, %convert_element_type3A_359 : vector<16xi32>
    %add3A_364 = arith.constant 0 : i32
    %add3A_365 = vector.broadcast %add3A_364 : i32 to vector<16xi32>
    %add3A_366 = arith.addi %add3A_365, %sub3A_363 : vector<16xi32>
    %eq3A_367 = arith.constant 6 : i32
    %eq3A_368 = vector.broadcast %eq3A_367 : i32 to vector<16xi32>
    %eq3A_369 = arith.cmpi eq, %select_n3A_78, %eq3A_368 : vector<16xi32>
    %select_n3A_370 = arith.select %eq3A_369, %add3A_366, %select_n3A_341 : vector<16xi1>, vector<16xi32>
    %eq3A_371 = arith.constant 6 : i32
    %eq3A_372 = vector.broadcast %eq3A_371 : i32 to vector<16xi32>
    %eq3A_373 = arith.cmpi eq, %select_n3A_169, %eq3A_372 : vector<16xi32>
    %select_n3A_374 = arith.select %eq3A_373, %add3A_366, %select_n3A_345 : vector<16xi1>, vector<16xi32>
    %reduce_sum3A_375 = arith.constant true
    %reduce_sum3A_376 = vector.broadcast %reduce_sum3A_375 : i1 to vector<16xi1>
    %reduce_sum3A_377 = tpu.scan <sum>, %convert_element_type3A_359 masked %reduce_sum3A_376 : vector<16xi32>, vector<16xi1> -> vector<16xi32>
    %reduce_sum3A_378 = vector.extract %reduce_sum3A_377[15] : i32 from vector<16xi32>
    %add3A_379 = arith.constant 0 : i32
    %add3A_380 = arith.addi %add3A_379, %reduce_sum3A_378 : i32
    %eq3A_381 = arith.constant 7 : i32
    %eq3A_382 = vector.broadcast %eq3A_381 : i32 to vector<16xi32>
    %eq3A_383 = arith.cmpi eq, %select_n3A_78, %eq3A_382 : vector<16xi32>
    %eq3A_384 = arith.constant 7 : i32
    %eq3A_385 = vector.broadcast %eq3A_384 : i32 to vector<16xi32>
    %eq3A_386 = arith.cmpi eq, %select_n3A_169, %eq3A_385 : vector<16xi32>
    %or3A_387 = arith.ori %eq3A_383, %eq3A_386 : vector<16xi1>
    %convert_element_type3A_388 = arith.extui %or3A_387 : vector<16xi1> to vector<16xi32>
    %broadcast_in_dim3A_389 = arith.constant true
    %broadcast_in_dim3A_390 = vector.broadcast %broadcast_in_dim3A_389 : i1 to vector<16xi1>
    %masked_cumsum3A_391 = tpu.scan <sum>, %convert_element_type3A_388 masked %broadcast_in_dim3A_390 : vector<16xi32>, vector<16xi1> -> vector<16xi32>
    %sub3A_392 = arith.subi %masked_cumsum3A_391, %convert_element_type3A_388 : vector<16xi32>
    %add3A_393 = arith.constant 0 : i32
    %add3A_394 = vector.broadcast %add3A_393 : i32 to vector<16xi32>
    %add3A_395 = arith.addi %add3A_394, %sub3A_392 : vector<16xi32>
    %eq3A_396 = arith.constant 7 : i32
    %eq3A_397 = vector.broadcast %eq3A_396 : i32 to vector<16xi32>
    %eq3A_398 = arith.cmpi eq, %select_n3A_78, %eq3A_397 : vector<16xi32>
    %select_n3A_399 = arith.select %eq3A_398, %add3A_395, %select_n3A_370 : vector<16xi1>, vector<16xi32>
    %eq3A_400 = arith.constant 7 : i32
    %eq3A_401 = vector.broadcast %eq3A_400 : i32 to vector<16xi32>
    %eq3A_402 = arith.cmpi eq, %select_n3A_169, %eq3A_401 : vector<16xi32>
    %select_n3A_403 = arith.select %eq3A_402, %add3A_395, %select_n3A_374 : vector<16xi1>, vector<16xi32>
    %reduce_sum3A_404 = arith.constant true
    %reduce_sum3A_405 = vector.broadcast %reduce_sum3A_404 : i1 to vector<16xi1>
    %reduce_sum3A_406 = tpu.scan <sum>, %convert_element_type3A_388 masked %reduce_sum3A_405 : vector<16xi32>, vector<16xi1> -> vector<16xi32>
    %reduce_sum3A_407 = vector.extract %reduce_sum3A_406[15] : i32 from vector<16xi32>
    %add3A_408 = arith.constant 0 : i32
    %add3A_409 = arith.addi %add3A_408, %reduce_sum3A_407 : i32
    %swap3A = arith.constant 0 : index
    %swap3A_410 = tpu.vector_load %arg10[%swap3A] {strides = array<i32>} : memref<128xi32, #tpu.memory_space<vmem>>, vector<16xi32>,
    tpu.vector_store %arg10[%swap3A], %select_n3A_78 {strides = array<i32>} : memref<128xi32, #tpu.memory_space<vmem>>, vector<16xi32>,
    %swap3A_411 = arith.constant 0 : index
    %swap3A_412 = tpu.vector_load %arg11[%swap3A_411] {strides = array<i32>} : memref<128xi32, #tpu.memory_space<vmem>>, vector<16xi32>,
    tpu.vector_store %arg11[%swap3A_411], %select_n3A_169 {strides = array<i32>} : memref<128xi32, #tpu.memory_space<vmem>>, vector<16xi32>,
    %swap3A_413 = arith.constant 0 : index
    %swap3A_414 = tpu.vector_load %arg12[%swap3A_413] {strides = array<i32>} : memref<128xf32, #tpu.memory_space<vmem>>, vector<16xf32>,
    tpu.vector_store %arg12[%swap3A_413], %div3A_174 {strides = array<i32>} : memref<128xf32, #tpu.memory_space<vmem>>, vector<16xf32>,
    %swap3A_415 = arith.constant 0 : index
    %swap3A_416 = tpu.vector_load %arg13[%swap3A_415] {strides = array<i32>} : memref<128xf32, #tpu.memory_space<vmem>>, vector<16xf32>,
    tpu.vector_store %arg13[%swap3A_415], %sub3A_177 {strides = array<i32>} : memref<128xf32, #tpu.memory_space<vmem>>, vector<16xf32>,
    %swap3A_417 = arith.constant 0 : index
    %swap3A_418 = tpu.vector_load %arg14[%swap3A_417] {strides = array<i32>} : memref<128xi32, #tpu.memory_space<vmem>>, vector<16xi32>,
    tpu.vector_store %arg14[%swap3A_417], %select_n3A_399 {strides = array<i32>} : memref<128xi32, #tpu.memory_space<vmem>>, vector<16xi32>,
    %swap3A_419 = arith.constant 0 : index
    %swap3A_420 = tpu.vector_load %arg15[%swap3A_419] {strides = array<i32>} : memref<128xi32, #tpu.memory_space<vmem>>, vector<16xi32>,
    tpu.vector_store %arg15[%swap3A_419], %select_n3A_403 {strides = array<i32>} : memref<128xi32, #tpu.memory_space<vmem>>, vector<16xi32>,
    %add3A_421 = arith.constant 16 : i32
    %add3A_422 = vector.broadcast %add3A_421 : i32 to vector<16xi32>
    %add3A_423 = arith.addi %iota3A, %add3A_422 : vector<16xi32>
    %mul3A_424 = arith.constant 8 : i32
    %mul3A_425 = vector.broadcast %mul3A_424 : i32 to vector<16xi32>
    %mul3A_426 = arith.muli %add3A_423, %mul3A_425 : vector<16xi32>
    %add3A_427 = arith.constant 0 : i32
    %add3A_428 = vector.broadcast %add3A_427 : i32 to vector<16xi32>
    %add3A_429 = arith.addi %mul3A_426, %add3A_428 : vector<16xi32>
    %gather3A_430 = tpu.vector_load_idx %arg9[%add3A_429] : memref<1024xf32, #tpu.memory_space<vmem>>[vector<16xi32>], vector<16xf32>,
    %add3A_431 = arith.constant 1 : i32
    %add3A_432 = vector.broadcast %add3A_431 : i32 to vector<16xi32>
    %add3A_433 = arith.addi %mul3A_426, %add3A_432 : vector<16xi32>
    %gather3A_434 = tpu.vector_load_idx %arg9[%add3A_433] : memref<1024xf32, #tpu.memory_space<vmem>>[vector<16xi32>], vector<16xf32>,
    %add3A_435 = arith.constant 2 : i32
    %add3A_436 = vector.broadcast %add3A_435 : i32 to vector<16xi32>
    %add3A_437 = arith.addi %mul3A_426, %add3A_436 : vector<16xi32>
    %gather3A_438 = tpu.vector_load_idx %arg9[%add3A_437] : memref<1024xf32, #tpu.memory_space<vmem>>[vector<16xi32>], vector<16xf32>,
    %add3A_439 = arith.constant 3 : i32
    %add3A_440 = vector.broadcast %add3A_439 : i32 to vector<16xi32>
    %add3A_441 = arith.addi %mul3A_426, %add3A_440 : vector<16xi32>
    %gather3A_442 = tpu.vector_load_idx %arg9[%add3A_441] : memref<1024xf32, #tpu.memory_space<vmem>>[vector<16xi32>], vector<16xf32>,
    %add3A_443 = arith.constant 4 : i32
    %add3A_444 = vector.broadcast %add3A_443 : i32 to vector<16xi32>
    %add3A_445 = arith.addi %mul3A_426, %add3A_444 : vector<16xi32>
    %gather3A_446 = tpu.vector_load_idx %arg9[%add3A_445] : memref<1024xf32, #tpu.memory_space<vmem>>[vector<16xi32>], vector<16xf32>,
    %add3A_447 = arith.constant 5 : i32
    %add3A_448 = vector.broadcast %add3A_447 : i32 to vector<16xi32>
    %add3A_449 = arith.addi %mul3A_426, %add3A_448 : vector<16xi32>
    %gather3A_450 = tpu.vector_load_idx %arg9[%add3A_449] : memref<1024xf32, #tpu.memory_space<vmem>>[vector<16xi32>], vector<16xf32>,
    %add3A_451 = arith.constant 6 : i32
    %add3A_452 = vector.broadcast %add3A_451 : i32 to vector<16xi32>
    %add3A_453 = arith.addi %mul3A_426, %add3A_452 : vector<16xi32>
    %gather3A_454 = tpu.vector_load_idx %arg9[%add3A_453] : memref<1024xf32, #tpu.memory_space<vmem>>[vector<16xi32>], vector<16xf32>,
    %add3A_455 = arith.constant 7 : i32
    %add3A_456 = vector.broadcast %add3A_455 : i32 to vector<16xi32>
    %add3A_457 = arith.addi %mul3A_426, %add3A_456 : vector<16xi32>
    %gather3A_458 = tpu.vector_load_idx %arg9[%add3A_457] : memref<1024xf32, #tpu.memory_space<vmem>>[vector<16xi32>], vector<16xf32>,
    %broadcast_in_dim3A_459 = arith.constant 0xFF800000 : f32
    %broadcast_in_dim3A_460 = vector.broadcast %broadcast_in_dim3A_459 : f32 to vector<16xf32>
    %broadcast_in_dim3A_461 = arith.constant 0 : i32
    %broadcast_in_dim3A_462 = vector.broadcast %broadcast_in_dim3A_461 : i32 to vector<16xi32>
    %gt3A_463 = arith.cmpf ogt, %gather3A_430, %broadcast_in_dim3A_460 : vector<16xf32>
    %select_n3A_464 = arith.select %gt3A_463, %gather3A_430, %broadcast_in_dim3A_460 : vector<16xi1>, vector<16xf32>
    %jit3A_465 = arith.constant 0 : i32
    %broadcast_in_dim3A_466 = vector.broadcast %jit3A_465 : i32 to vector<16xi32>
    %select_n3A_467 = arith.select %gt3A_463, %broadcast_in_dim3A_466, %broadcast_in_dim3A_462 : vector<16xi1>, vector<16xi32>
    %gt3A_468 = arith.cmpf ogt, %gather3A_434, %select_n3A_464 : vector<16xf32>
    %select_n3A_469 = arith.select %gt3A_468, %gather3A_434, %select_n3A_464 : vector<16xi1>, vector<16xf32>
    %jit3A_470 = arith.constant 1 : i32
    %broadcast_in_dim3A_471 = vector.broadcast %jit3A_470 : i32 to vector<16xi32>
    %select_n3A_472 = arith.select %gt3A_468, %broadcast_in_dim3A_471, %select_n3A_467 : vector<16xi1>, vector<16xi32>
    %gt3A_473 = arith.cmpf ogt, %gather3A_438, %select_n3A_469 : vector<16xf32>
    %select_n3A_474 = arith.select %gt3A_473, %gather3A_438, %select_n3A_469 : vector<16xi1>, vector<16xf32>
    %jit3A_475 = arith.constant 2 : i32
    %broadcast_in_dim3A_476 = vector.broadcast %jit3A_475 : i32 to vector<16xi32>
    %select_n3A_477 = arith.select %gt3A_473, %broadcast_in_dim3A_476, %select_n3A_472 : vector<16xi1>, vector<16xi32>
    %gt3A_478 = arith.cmpf ogt, %gather3A_442, %select_n3A_474 : vector<16xf32>
    %select_n3A_479 = arith.select %gt3A_478, %gather3A_442, %select_n3A_474 : vector<16xi1>, vector<16xf32>
    %jit3A_480 = arith.constant 3 : i32
    %broadcast_in_dim3A_481 = vector.broadcast %jit3A_480 : i32 to vector<16xi32>
    %select_n3A_482 = arith.select %gt3A_478, %broadcast_in_dim3A_481, %select_n3A_477 : vector<16xi1>, vector<16xi32>
    %gt3A_483 = arith.cmpf ogt, %gather3A_446, %select_n3A_479 : vector<16xf32>
    %select_n3A_484 = arith.select %gt3A_483, %gather3A_446, %select_n3A_479 : vector<16xi1>, vector<16xf32>
    %jit3A_485 = arith.constant 4 : i32
    %broadcast_in_dim3A_486 = vector.broadcast %jit3A_485 : i32 to vector<16xi32>
    %select_n3A_487 = arith.select %gt3A_483, %broadcast_in_dim3A_486, %select_n3A_482 : vector<16xi1>, vector<16xi32>
    %gt3A_488 = arith.cmpf ogt, %gather3A_450, %select_n3A_484 : vector<16xf32>
    %select_n3A_489 = arith.select %gt3A_488, %gather3A_450, %select_n3A_484 : vector<16xi1>, vector<16xf32>
    %jit3A_490 = arith.constant 5 : i32
    %broadcast_in_dim3A_491 = vector.broadcast %jit3A_490 : i32 to vector<16xi32>
    %select_n3A_492 = arith.select %gt3A_488, %broadcast_in_dim3A_491, %select_n3A_487 : vector<16xi1>, vector<16xi32>
    %gt3A_493 = arith.cmpf ogt, %gather3A_454, %select_n3A_489 : vector<16xf32>
    %select_n3A_494 = arith.select %gt3A_493, %gather3A_454, %select_n3A_489 : vector<16xi1>, vector<16xf32>
    %jit3A_495 = arith.constant 6 : i32
    %broadcast_in_dim3A_496 = vector.broadcast %jit3A_495 : i32 to vector<16xi32>
    %select_n3A_497 = arith.select %gt3A_493, %broadcast_in_dim3A_496, %select_n3A_492 : vector<16xi1>, vector<16xi32>
    %gt3A_498 = arith.cmpf ogt, %gather3A_458, %select_n3A_494 : vector<16xf32>
    %select_n3A_499 = arith.select %gt3A_498, %gather3A_458, %select_n3A_494 : vector<16xi1>, vector<16xf32>
    %jit3A_500 = arith.constant 7 : i32
    %broadcast_in_dim3A_501 = vector.broadcast %jit3A_500 : i32 to vector<16xi32>
    %select_n3A_502 = arith.select %gt3A_498, %broadcast_in_dim3A_501, %select_n3A_497 : vector<16xi1>, vector<16xi32>
    %broadcast_in_dim3A_503 = arith.constant 0xFF800000 : f32
    %broadcast_in_dim3A_504 = vector.broadcast %broadcast_in_dim3A_503 : f32 to vector<16xf32>
    %broadcast_in_dim3A_505 = arith.constant 0 : i32
    %broadcast_in_dim3A_506 = vector.broadcast %broadcast_in_dim3A_505 : i32 to vector<16xi32>
    %eq3A_507 = arith.constant 0 : i32
    %eq3A_508 = vector.broadcast %eq3A_507 : i32 to vector<16xi32>
    %eq3A_509 = arith.cmpi eq, %select_n3A_502, %eq3A_508 : vector<16xi32>
    %jit3A_510 = arith.constant 0xFF800000 : f32
    %broadcast_in_dim3A_511 = vector.broadcast %jit3A_510 : f32 to vector<16xf32>
    %select_n3A_512 = arith.select %eq3A_509, %broadcast_in_dim3A_511, %gather3A_430 : vector<16xi1>, vector<16xf32>
    %gt3A_513 = arith.cmpf ogt, %select_n3A_512, %broadcast_in_dim3A_504 : vector<16xf32>
    %select_n3A_514 = arith.select %gt3A_513, %select_n3A_512, %broadcast_in_dim3A_504 : vector<16xi1>, vector<16xf32>
    %jit3A_515 = arith.constant 0 : i32
    %broadcast_in_dim3A_516 = vector.broadcast %jit3A_515 : i32 to vector<16xi32>
    %select_n3A_517 = arith.select %gt3A_513, %broadcast_in_dim3A_516, %broadcast_in_dim3A_506 : vector<16xi1>, vector<16xi32>
    %eq3A_518 = arith.constant 1 : i32
    %eq3A_519 = vector.broadcast %eq3A_518 : i32 to vector<16xi32>
    %eq3A_520 = arith.cmpi eq, %select_n3A_502, %eq3A_519 : vector<16xi32>
    %jit3A_521 = arith.constant 0xFF800000 : f32
    %broadcast_in_dim3A_522 = vector.broadcast %jit3A_521 : f32 to vector<16xf32>
    %select_n3A_523 = arith.select %eq3A_520, %broadcast_in_dim3A_522, %gather3A_434 : vector<16xi1>, vector<16xf32>
    %gt3A_524 = arith.cmpf ogt, %select_n3A_523, %select_n3A_514 : vector<16xf32>
    %select_n3A_525 = arith.select %gt3A_524, %select_n3A_523, %select_n3A_514 : vector<16xi1>, vector<16xf32>
    %jit3A_526 = arith.constant 1 : i32
    %broadcast_in_dim3A_527 = vector.broadcast %jit3A_526 : i32 to vector<16xi32>
    %select_n3A_528 = arith.select %gt3A_524, %broadcast_in_dim3A_527, %select_n3A_517 : vector<16xi1>, vector<16xi32>
    %eq3A_529 = arith.constant 2 : i32
    %eq3A_530 = vector.broadcast %eq3A_529 : i32 to vector<16xi32>
    %eq3A_531 = arith.cmpi eq, %select_n3A_502, %eq3A_530 : vector<16xi32>
    %jit3A_532 = arith.constant 0xFF800000 : f32
    %broadcast_in_dim3A_533 = vector.broadcast %jit3A_532 : f32 to vector<16xf32>
    %select_n3A_534 = arith.select %eq3A_531, %broadcast_in_dim3A_533, %gather3A_438 : vector<16xi1>, vector<16xf32>
    %gt3A_535 = arith.cmpf ogt, %select_n3A_534, %select_n3A_525 : vector<16xf32>
    %select_n3A_536 = arith.select %gt3A_535, %select_n3A_534, %select_n3A_525 : vector<16xi1>, vector<16xf32>
    %jit3A_537 = arith.constant 2 : i32
    %broadcast_in_dim3A_538 = vector.broadcast %jit3A_537 : i32 to vector<16xi32>
    %select_n3A_539 = arith.select %gt3A_535, %broadcast_in_dim3A_538, %select_n3A_528 : vector<16xi1>, vector<16xi32>
    %eq3A_540 = arith.constant 3 : i32
    %eq3A_541 = vector.broadcast %eq3A_540 : i32 to vector<16xi32>
    %eq3A_542 = arith.cmpi eq, %select_n3A_502, %eq3A_541 : vector<16xi32>
    %jit3A_543 = arith.constant 0xFF800000 : f32
    %broadcast_in_dim3A_544 = vector.broadcast %jit3A_543 : f32 to vector<16xf32>
    %select_n3A_545 = arith.select %eq3A_542, %broadcast_in_dim3A_544, %gather3A_442 : vector<16xi1>, vector<16xf32>
    %gt3A_546 = arith.cmpf ogt, %select_n3A_545, %select_n3A_536 : vector<16xf32>
    %select_n3A_547 = arith.select %gt3A_546, %select_n3A_545, %select_n3A_536 : vector<16xi1>, vector<16xf32>
    %jit3A_548 = arith.constant 3 : i32
    %broadcast_in_dim3A_549 = vector.broadcast %jit3A_548 : i32 to vector<16xi32>
    %select_n3A_550 = arith.select %gt3A_546, %broadcast_in_dim3A_549, %select_n3A_539 : vector<16xi1>, vector<16xi32>
    %eq3A_551 = arith.constant 4 : i32
    %eq3A_552 = vector.broadcast %eq3A_551 : i32 to vector<16xi32>
    %eq3A_553 = arith.cmpi eq, %select_n3A_502, %eq3A_552 : vector<16xi32>
    %jit3A_554 = arith.constant 0xFF800000 : f32
    %broadcast_in_dim3A_555 = vector.broadcast %jit3A_554 : f32 to vector<16xf32>
    %select_n3A_556 = arith.select %eq3A_553, %broadcast_in_dim3A_555, %gather3A_446 : vector<16xi1>, vector<16xf32>
    %gt3A_557 = arith.cmpf ogt, %select_n3A_556, %select_n3A_547 : vector<16xf32>
    %select_n3A_558 = arith.select %gt3A_557, %select_n3A_556, %select_n3A_547 : vector<16xi1>, vector<16xf32>
    %jit3A_559 = arith.constant 4 : i32
    %broadcast_in_dim3A_560 = vector.broadcast %jit3A_559 : i32 to vector<16xi32>
    %select_n3A_561 = arith.select %gt3A_557, %broadcast_in_dim3A_560, %select_n3A_550 : vector<16xi1>, vector<16xi32>
    %eq3A_562 = arith.constant 5 : i32
    %eq3A_563 = vector.broadcast %eq3A_562 : i32 to vector<16xi32>
    %eq3A_564 = arith.cmpi eq, %select_n3A_502, %eq3A_563 : vector<16xi32>
    %jit3A_565 = arith.constant 0xFF800000 : f32
    %broadcast_in_dim3A_566 = vector.broadcast %jit3A_565 : f32 to vector<16xf32>
    %select_n3A_567 = arith.select %eq3A_564, %broadcast_in_dim3A_566, %gather3A_450 : vector<16xi1>, vector<16xf32>
    %gt3A_568 = arith.cmpf ogt, %select_n3A_567, %select_n3A_558 : vector<16xf32>
    %select_n3A_569 = arith.select %gt3A_568, %select_n3A_567, %select_n3A_558 : vector<16xi1>, vector<16xf32>
    %jit3A_570 = arith.constant 5 : i32
    %broadcast_in_dim3A_571 = vector.broadcast %jit3A_570 : i32 to vector<16xi32>
    %select_n3A_572 = arith.select %gt3A_568, %broadcast_in_dim3A_571, %select_n3A_561 : vector<16xi1>, vector<16xi32>
    %eq3A_573 = arith.constant 6 : i32
    %eq3A_574 = vector.broadcast %eq3A_573 : i32 to vector<16xi32>
    %eq3A_575 = arith.cmpi eq, %select_n3A_502, %eq3A_574 : vector<16xi32>
    %jit3A_576 = arith.constant 0xFF800000 : f32
    %broadcast_in_dim3A_577 = vector.broadcast %jit3A_576 : f32 to vector<16xf32>
    %select_n3A_578 = arith.select %eq3A_575, %broadcast_in_dim3A_577, %gather3A_454 : vector<16xi1>, vector<16xf32>
    %gt3A_579 = arith.cmpf ogt, %select_n3A_578, %select_n3A_569 : vector<16xf32>
    %select_n3A_580 = arith.select %gt3A_579, %select_n3A_578, %select_n3A_569 : vector<16xi1>, vector<16xf32>
    %jit3A_581 = arith.constant 6 : i32
    %broadcast_in_dim3A_582 = vector.broadcast %jit3A_581 : i32 to vector<16xi32>
    %select_n3A_583 = arith.select %gt3A_579, %broadcast_in_dim3A_582, %select_n3A_572 : vector<16xi1>, vector<16xi32>
    %eq3A_584 = arith.constant 7 : i32
    %eq3A_585 = vector.broadcast %eq3A_584 : i32 to vector<16xi32>
    %eq3A_586 = arith.cmpi eq, %select_n3A_502, %eq3A_585 : vector<16xi32>
    %jit3A_587 = arith.constant 0xFF800000 : f32
    %broadcast_in_dim3A_588 = vector.broadcast %jit3A_587 : f32 to vector<16xf32>
    %select_n3A_589 = arith.select %eq3A_586, %broadcast_in_dim3A_588, %gather3A_458 : vector<16xi1>, vector<16xf32>
    %gt3A_590 = arith.cmpf ogt, %select_n3A_589, %select_n3A_580 : vector<16xf32>
    %select_n3A_591 = arith.select %gt3A_590, %select_n3A_589, %select_n3A_580 : vector<16xi1>, vector<16xf32>
    %jit3A_592 = arith.constant 7 : i32
    %broadcast_in_dim3A_593 = vector.broadcast %jit3A_592 : i32 to vector<16xi32>
    %select_n3A_594 = arith.select %gt3A_590, %broadcast_in_dim3A_593, %select_n3A_583 : vector<16xi1>, vector<16xi32>
    %sub3A_595 = arith.subf %select_n3A_591, %select_n3A_499 : vector<16xf32>
    %exp3A_596 = math.exp %sub3A_595 : vector<16xf32>
    %add3A_597 = arith.constant 1.000000e+00 : f32
    %add3A_598 = vector.broadcast %add3A_597 : f32 to vector<16xf32>
    %add3A_599 = arith.addf %add3A_598, %exp3A_596 : vector<16xf32>
    %div3A_600 = arith.constant 1.000000e+00 : f32
    %div3A_601 = vector.broadcast %div3A_600 : f32 to vector<16xf32>
    %div3A_602 = arith.divf %div3A_601, %add3A_599 : vector<16xf32>
    %sub3A_603 = arith.constant 1.000000e+00 : f32
    %sub3A_604 = vector.broadcast %sub3A_603 : f32 to vector<16xf32>
    %sub3A_605 = arith.subf %sub3A_604, %div3A_602 : vector<16xf32>
    %broadcast_in_dim3A_606 = arith.constant 0 : i32
    %broadcast_in_dim3A_607 = vector.broadcast %broadcast_in_dim3A_606 : i32 to vector<16xi32>
    %broadcast_in_dim3A_608 = arith.constant 0 : i32
    %broadcast_in_dim3A_609 = vector.broadcast %broadcast_in_dim3A_608 : i32 to vector<16xi32>
    %eq3A_610 = arith.constant 0 : i32
    %eq3A_611 = vector.broadcast %eq3A_610 : i32 to vector<16xi32>
    %eq3A_612 = arith.cmpi eq, %select_n3A_502, %eq3A_611 : vector<16xi32>
    %eq3A_613 = arith.constant 0 : i32
    %eq3A_614 = vector.broadcast %eq3A_613 : i32 to vector<16xi32>
    %eq3A_615 = arith.cmpi eq, %select_n3A_594, %eq3A_614 : vector<16xi32>
    %or3A_616 = arith.ori %eq3A_612, %eq3A_615 : vector<16xi1>
    %convert_element_type3A_617 = arith.extui %or3A_616 : vector<16xi1> to vector<16xi32>
    %broadcast_in_dim3A_618 = arith.constant true
    %broadcast_in_dim3A_619 = vector.broadcast %broadcast_in_dim3A_618 : i1 to vector<16xi1>
    %masked_cumsum3A_620 = tpu.scan <sum>, %convert_element_type3A_617 masked %broadcast_in_dim3A_619 : vector<16xi32>, vector<16xi1> -> vector<16xi32>
    %sub3A_621 = arith.subi %masked_cumsum3A_620, %convert_element_type3A_617 : vector<16xi32>
    %add3A_622 = vector.broadcast %add3A_206 : i32 to vector<16xi32>
    %add3A_623 = arith.addi %add3A_622, %sub3A_621 : vector<16xi32>
    %eq3A_624 = arith.constant 0 : i32
    %eq3A_625 = vector.broadcast %eq3A_624 : i32 to vector<16xi32>
    %eq3A_626 = arith.cmpi eq, %select_n3A_502, %eq3A_625 : vector<16xi32>
    %select_n3A_627 = arith.select %eq3A_626, %add3A_623, %broadcast_in_dim3A_607 : vector<16xi1>, vector<16xi32>
    %eq3A_628 = arith.constant 0 : i32
    %eq3A_629 = vector.broadcast %eq3A_628 : i32 to vector<16xi32>
    %eq3A_630 = arith.cmpi eq, %select_n3A_594, %eq3A_629 : vector<16xi32>
    %select_n3A_631 = arith.select %eq3A_630, %add3A_623, %broadcast_in_dim3A_609 : vector<16xi1>, vector<16xi32>
    %reduce_sum3A_632 = arith.constant true
    %reduce_sum3A_633 = vector.broadcast %reduce_sum3A_632 : i1 to vector<16xi1>
    %reduce_sum3A_634 = tpu.scan <sum>, %convert_element_type3A_617 masked %reduce_sum3A_633 : vector<16xi32>, vector<16xi1> -> vector<16xi32>
    %reduce_sum3A_635 = vector.extract %reduce_sum3A_634[15] : i32 from vector<16xi32>
    %add3A_636 = arith.addi %add3A_206, %reduce_sum3A_635 : i32
    %eq3A_637 = arith.constant 1 : i32
    %eq3A_638 = vector.broadcast %eq3A_637 : i32 to vector<16xi32>
    %eq3A_639 = arith.cmpi eq, %select_n3A_502, %eq3A_638 : vector<16xi32>
    %eq3A_640 = arith.constant 1 : i32
    %eq3A_641 = vector.broadcast %eq3A_640 : i32 to vector<16xi32>
    %eq3A_642 = arith.cmpi eq, %select_n3A_594, %eq3A_641 : vector<16xi32>
    %or3A_643 = arith.ori %eq3A_639, %eq3A_642 : vector<16xi1>
    %convert_element_type3A_644 = arith.extui %or3A_643 : vector<16xi1> to vector<16xi32>
    %broadcast_in_dim3A_645 = arith.constant true
    %broadcast_in_dim3A_646 = vector.broadcast %broadcast_in_dim3A_645 : i1 to vector<16xi1>
    %masked_cumsum3A_647 = tpu.scan <sum>, %convert_element_type3A_644 masked %broadcast_in_dim3A_646 : vector<16xi32>, vector<16xi1> -> vector<16xi32>
    %sub3A_648 = arith.subi %masked_cumsum3A_647, %convert_element_type3A_644 : vector<16xi32>
    %add3A_649 = vector.broadcast %add3A_235 : i32 to vector<16xi32>
    %add3A_650 = arith.addi %add3A_649, %sub3A_648 : vector<16xi32>
    %eq3A_651 = arith.constant 1 : i32
    %eq3A_652 = vector.broadcast %eq3A_651 : i32 to vector<16xi32>
    %eq3A_653 = arith.cmpi eq, %select_n3A_502, %eq3A_652 : vector<16xi32>
    %select_n3A_654 = arith.select %eq3A_653, %add3A_650, %select_n3A_627 : vector<16xi1>, vector<16xi32>
    %eq3A_655 = arith.constant 1 : i32
    %eq3A_656 = vector.broadcast %eq3A_655 : i32 to vector<16xi32>
    %eq3A_657 = arith.cmpi eq, %select_n3A_594, %eq3A_656 : vector<16xi32>
    %select_n3A_658 = arith.select %eq3A_657, %add3A_650, %select_n3A_631 : vector<16xi1>, vector<16xi32>
    %reduce_sum3A_659 = arith.constant true
    %reduce_sum3A_660 = vector.broadcast %reduce_sum3A_659 : i1 to vector<16xi1>
    %reduce_sum3A_661 = tpu.scan <sum>, %convert_element_type3A_644 masked %reduce_sum3A_660 : vector<16xi32>, vector<16xi1> -> vector<16xi32>
    %reduce_sum3A_662 = vector.extract %reduce_sum3A_661[15] : i32 from vector<16xi32>
    %add3A_663 = arith.addi %add3A_235, %reduce_sum3A_662 : i32
    %eq3A_664 = arith.constant 2 : i32
    %eq3A_665 = vector.broadcast %eq3A_664 : i32 to vector<16xi32>
    %eq3A_666 = arith.cmpi eq, %select_n3A_502, %eq3A_665 : vector<16xi32>
    %eq3A_667 = arith.constant 2 : i32
    %eq3A_668 = vector.broadcast %eq3A_667 : i32 to vector<16xi32>
    %eq3A_669 = arith.cmpi eq, %select_n3A_594, %eq3A_668 : vector<16xi32>
    %or3A_670 = arith.ori %eq3A_666, %eq3A_669 : vector<16xi1>
    %convert_element_type3A_671 = arith.extui %or3A_670 : vector<16xi1> to vector<16xi32>
    %broadcast_in_dim3A_672 = arith.constant true
    %broadcast_in_dim3A_673 = vector.broadcast %broadcast_in_dim3A_672 : i1 to vector<16xi1>
    %masked_cumsum3A_674 = tpu.scan <sum>, %convert_element_type3A_671 masked %broadcast_in_dim3A_673 : vector<16xi32>, vector<16xi1> -> vector<16xi32>
    %sub3A_675 = arith.subi %masked_cumsum3A_674, %convert_element_type3A_671 : vector<16xi32>
    %add3A_676 = vector.broadcast %add3A_264 : i32 to vector<16xi32>
    %add3A_677 = arith.addi %add3A_676, %sub3A_675 : vector<16xi32>
    %eq3A_678 = arith.constant 2 : i32
    %eq3A_679 = vector.broadcast %eq3A_678 : i32 to vector<16xi32>
    %eq3A_680 = arith.cmpi eq, %select_n3A_502, %eq3A_679 : vector<16xi32>
    %select_n3A_681 = arith.select %eq3A_680, %add3A_677, %select_n3A_654 : vector<16xi1>, vector<16xi32>
    %eq3A_682 = arith.constant 2 : i32
    %eq3A_683 = vector.broadcast %eq3A_682 : i32 to vector<16xi32>
    %eq3A_684 = arith.cmpi eq, %select_n3A_594, %eq3A_683 : vector<16xi32>
    %select_n3A_685 = arith.select %eq3A_684, %add3A_677, %select_n3A_658 : vector<16xi1>, vector<16xi32>
    %reduce_sum3A_686 = arith.constant true
    %reduce_sum3A_687 = vector.broadcast %reduce_sum3A_686 : i1 to vector<16xi1>
    %reduce_sum3A_688 = tpu.scan <sum>, %convert_element_type3A_671 masked %reduce_sum3A_687 : vector<16xi32>, vector<16xi1> -> vector<16xi32>
    %reduce_sum3A_689 = vector.extract %reduce_sum3A_688[15] : i32 from vector<16xi32>
    %add3A_690 = arith.addi %add3A_264, %reduce_sum3A_689 : i32
    %eq3A_691 = arith.constant 3 : i32
    %eq3A_692 = vector.broadcast %eq3A_691 : i32 to vector<16xi32>
    %eq3A_693 = arith.cmpi eq, %select_n3A_502, %eq3A_692 : vector<16xi32>
    %eq3A_694 = arith.constant 3 : i32
    %eq3A_695 = vector.broadcast %eq3A_694 : i32 to vector<16xi32>
    %eq3A_696 = arith.cmpi eq, %select_n3A_594, %eq3A_695 : vector<16xi32>
    %or3A_697 = arith.ori %eq3A_693, %eq3A_696 : vector<16xi1>
    %convert_element_type3A_698 = arith.extui %or3A_697 : vector<16xi1> to vector<16xi32>
    %broadcast_in_dim3A_699 = arith.constant true
    %broadcast_in_dim3A_700 = vector.broadcast %broadcast_in_dim3A_699 : i1 to vector<16xi1>
    %masked_cumsum3A_701 = tpu.scan <sum>, %convert_element_type3A_698 masked %broadcast_in_dim3A_700 : vector<16xi32>, vector<16xi1> -> vector<16xi32>
    %sub3A_702 = arith.subi %masked_cumsum3A_701, %convert_element_type3A_698 : vector<16xi32>
    %add3A_703 = vector.broadcast %add3A_293 : i32 to vector<16xi32>
    %add3A_704 = arith.addi %add3A_703, %sub3A_702 : vector<16xi32>
    %eq3A_705 = arith.constant 3 : i32
    %eq3A_706 = vector.broadcast %eq3A_705 : i32 to vector<16xi32>
    %eq3A_707 = arith.cmpi eq, %select_n3A_502, %eq3A_706 : vector<16xi32>
    %select_n3A_708 = arith.select %eq3A_707, %add3A_704, %select_n3A_681 : vector<16xi1>, vector<16xi32>
    %eq3A_709 = arith.constant 3 : i32
    %eq3A_710 = vector.broadcast %eq3A_709 : i32 to vector<16xi32>
    %eq3A_711 = arith.cmpi eq, %select_n3A_594, %eq3A_710 : vector<16xi32>
    %select_n3A_712 = arith.select %eq3A_711, %add3A_704, %select_n3A_685 : vector<16xi1>, vector<16xi32>
    %reduce_sum3A_713 = arith.constant true
    %reduce_sum3A_714 = vector.broadcast %reduce_sum3A_713 : i1 to vector<16xi1>
    %reduce_sum3A_715 = tpu.scan <sum>, %convert_element_type3A_698 masked %reduce_sum3A_714 : vector<16xi32>, vector<16xi1> -> vector<16xi32>
    %reduce_sum3A_716 = vector.extract %reduce_sum3A_715[15] : i32 from vector<16xi32>
    %add3A_717 = arith.addi %add3A_293, %reduce_sum3A_716 : i32
    %eq3A_718 = arith.constant 4 : i32
    %eq3A_719 = vector.broadcast %eq3A_718 : i32 to vector<16xi32>
    %eq3A_720 = arith.cmpi eq, %select_n3A_502, %eq3A_719 : vector<16xi32>
    %eq3A_721 = arith.constant 4 : i32
    %eq3A_722 = vector.broadcast %eq3A_721 : i32 to vector<16xi32>
    %eq3A_723 = arith.cmpi eq, %select_n3A_594, %eq3A_722 : vector<16xi32>
    %or3A_724 = arith.ori %eq3A_720, %eq3A_723 : vector<16xi1>
    %convert_element_type3A_725 = arith.extui %or3A_724 : vector<16xi1> to vector<16xi32>
    %broadcast_in_dim3A_726 = arith.constant true
    %broadcast_in_dim3A_727 = vector.broadcast %broadcast_in_dim3A_726 : i1 to vector<16xi1>
    %masked_cumsum3A_728 = tpu.scan <sum>, %convert_element_type3A_725 masked %broadcast_in_dim3A_727 : vector<16xi32>, vector<16xi1> -> vector<16xi32>
    %sub3A_729 = arith.subi %masked_cumsum3A_728, %convert_element_type3A_725 : vector<16xi32>
    %add3A_730 = vector.broadcast %add3A_322 : i32 to vector<16xi32>
    %add3A_731 = arith.addi %add3A_730, %sub3A_729 : vector<16xi32>
    %eq3A_732 = arith.constant 4 : i32
    %eq3A_733 = vector.broadcast %eq3A_732 : i32 to vector<16xi32>
    %eq3A_734 = arith.cmpi eq, %select_n3A_502, %eq3A_733 : vector<16xi32>
    %select_n3A_735 = arith.select %eq3A_734, %add3A_731, %select_n3A_708 : vector<16xi1>, vector<16xi32>
    %eq3A_736 = arith.constant 4 : i32
    %eq3A_737 = vector.broadcast %eq3A_736 : i32 to vector<16xi32>
    %eq3A_738 = arith.cmpi eq, %select_n3A_594, %eq3A_737 : vector<16xi32>
    %select_n3A_739 = arith.select %eq3A_738, %add3A_731, %select_n3A_712 : vector<16xi1>, vector<16xi32>
    %reduce_sum3A_740 = arith.constant true
    %reduce_sum3A_741 = vector.broadcast %reduce_sum3A_740 : i1 to vector<16xi1>
    %reduce_sum3A_742 = tpu.scan <sum>, %convert_element_type3A_725 masked %reduce_sum3A_741 : vector<16xi32>, vector<16xi1> -> vector<16xi32>
    %reduce_sum3A_743 = vector.extract %reduce_sum3A_742[15] : i32 from vector<16xi32>
    %add3A_744 = arith.addi %add3A_322, %reduce_sum3A_743 : i32
    %eq3A_745 = arith.constant 5 : i32
    %eq3A_746 = vector.broadcast %eq3A_745 : i32 to vector<16xi32>
    %eq3A_747 = arith.cmpi eq, %select_n3A_502, %eq3A_746 : vector<16xi32>
    %eq3A_748 = arith.constant 5 : i32
    %eq3A_749 = vector.broadcast %eq3A_748 : i32 to vector<16xi32>
    %eq3A_750 = arith.cmpi eq, %select_n3A_594, %eq3A_749 : vector<16xi32>
    %or3A_751 = arith.ori %eq3A_747, %eq3A_750 : vector<16xi1>
    %convert_element_type3A_752 = arith.extui %or3A_751 : vector<16xi1> to vector<16xi32>
    %broadcast_in_dim3A_753 = arith.constant true
    %broadcast_in_dim3A_754 = vector.broadcast %broadcast_in_dim3A_753 : i1 to vector<16xi1>
    %masked_cumsum3A_755 = tpu.scan <sum>, %convert_element_type3A_752 masked %broadcast_in_dim3A_754 : vector<16xi32>, vector<16xi1> -> vector<16xi32>
    %sub3A_756 = arith.subi %masked_cumsum3A_755, %convert_element_type3A_752 : vector<16xi32>
    %add3A_757 = vector.broadcast %add3A_351 : i32 to vector<16xi32>
    %add3A_758 = arith.addi %add3A_757, %sub3A_756 : vector<16xi32>
    %eq3A_759 = arith.constant 5 : i32
    %eq3A_760 = vector.broadcast %eq3A_759 : i32 to vector<16xi32>
    %eq3A_761 = arith.cmpi eq, %select_n3A_502, %eq3A_760 : vector<16xi32>
    %select_n3A_762 = arith.select %eq3A_761, %add3A_758, %select_n3A_735 : vector<16xi1>, vector<16xi32>
    %eq3A_763 = arith.constant 5 : i32
    %eq3A_764 = vector.broadcast %eq3A_763 : i32 to vector<16xi32>
    %eq3A_765 = arith.cmpi eq, %select_n3A_594, %eq3A_764 : vector<16xi32>
    %select_n3A_766 = arith.select %eq3A_765, %add3A_758, %select_n3A_739 : vector<16xi1>, vector<16xi32>
    %reduce_sum3A_767 = arith.constant true
    %reduce_sum3A_768 = vector.broadcast %reduce_sum3A_767 : i1 to vector<16xi1>
    %reduce_sum3A_769 = tpu.scan <sum>, %convert_element_type3A_752 masked %reduce_sum3A_768 : vector<16xi32>, vector<16xi1> -> vector<16xi32>
    %reduce_sum3A_770 = vector.extract %reduce_sum3A_769[15] : i32 from vector<16xi32>
    %add3A_771 = arith.addi %add3A_351, %reduce_sum3A_770 : i32
    %eq3A_772 = arith.constant 6 : i32
    %eq3A_773 = vector.broadcast %eq3A_772 : i32 to vector<16xi32>
    %eq3A_774 = arith.cmpi eq, %select_n3A_502, %eq3A_773 : vector<16xi32>
    %eq3A_775 = arith.constant 6 : i32
    %eq3A_776 = vector.broadcast %eq3A_775 : i32 to vector<16xi32>
    %eq3A_777 = arith.cmpi eq, %select_n3A_594, %eq3A_776 : vector<16xi32>
    %or3A_778 = arith.ori %eq3A_774, %eq3A_777 : vector<16xi1>
    %convert_element_type3A_779 = arith.extui %or3A_778 : vector<16xi1> to vector<16xi32>
    %broadcast_in_dim3A_780 = arith.constant true
    %broadcast_in_dim3A_781 = vector.broadcast %broadcast_in_dim3A_780 : i1 to vector<16xi1>
    %masked_cumsum3A_782 = tpu.scan <sum>, %convert_element_type3A_779 masked %broadcast_in_dim3A_781 : vector<16xi32>, vector<16xi1> -> vector<16xi32>
    %sub3A_783 = arith.subi %masked_cumsum3A_782, %convert_element_type3A_779 : vector<16xi32>
    %add3A_784 = vector.broadcast %add3A_380 : i32 to vector<16xi32>
    %add3A_785 = arith.addi %add3A_784, %sub3A_783 : vector<16xi32>
    %eq3A_786 = arith.constant 6 : i32
    %eq3A_787 = vector.broadcast %eq3A_786 : i32 to vector<16xi32>
    %eq3A_788 = arith.cmpi eq, %select_n3A_502, %eq3A_787 : vector<16xi32>
    %select_n3A_789 = arith.select %eq3A_788, %add3A_785, %select_n3A_762 : vector<16xi1>, vector<16xi32>
    %eq3A_790 = arith.constant 6 : i32
    %eq3A_791 = vector.broadcast %eq3A_790 : i32 to vector<16xi32>
    %eq3A_792 = arith.cmpi eq, %select_n3A_594, %eq3A_791 : vector<16xi32>
    %select_n3A_793 = arith.select %eq3A_792, %add3A_785, %select_n3A_766 : vector<16xi1>, vector<16xi32>
    %reduce_sum3A_794 = arith.constant true
    %reduce_sum3A_795 = vector.broadcast %reduce_sum3A_794 : i1 to vector<16xi1>
    %reduce_sum3A_796 = tpu.scan <sum>, %convert_element_type3A_779 masked %reduce_sum3A_795 : vector<16xi32>, vector<16xi1> -> vector<16xi32>
    %reduce_sum3A_797 = vector.extract %reduce_sum3A_796[15] : i32 from vector<16xi32>
    %add3A_798 = arith.addi %add3A_380, %reduce_sum3A_797 : i32
    %eq3A_799 = arith.constant 7 : i32
    %eq3A_800 = vector.broadcast %eq3A_799 : i32 to vector<16xi32>
    %eq3A_801 = arith.cmpi eq, %select_n3A_502, %eq3A_800 : vector<16xi32>
    %eq3A_802 = arith.constant 7 : i32
    %eq3A_803 = vector.broadcast %eq3A_802 : i32 to vector<16xi32>
    %eq3A_804 = arith.cmpi eq, %select_n3A_594, %eq3A_803 : vector<16xi32>
    %or3A_805 = arith.ori %eq3A_801, %eq3A_804 : vector<16xi1>
    %convert_element_type3A_806 = arith.extui %or3A_805 : vector<16xi1> to vector<16xi32>
    %broadcast_in_dim3A_807 = arith.constant true
    %broadcast_in_dim3A_808 = vector.broadcast %broadcast_in_dim3A_807 : i1 to vector<16xi1>
    %masked_cumsum3A_809 = tpu.scan <sum>, %convert_element_type3A_806 masked %broadcast_in_dim3A_808 : vector<16xi32>, vector<16xi1> -> vector<16xi32>
    %sub3A_810 = arith.subi %masked_cumsum3A_809, %convert_element_type3A_806 : vector<16xi32>
    %add3A_811 = vector.broadcast %add3A_409 : i32 to vector<16xi32>
    %add3A_812 = arith.addi %add3A_811, %sub3A_810 : vector<16xi32>
    %eq3A_813 = arith.constant 7 : i32
    %eq3A_814 = vector.broadcast %eq3A_813 : i32 to vector<16xi32>
    %eq3A_815 = arith.cmpi eq, %select_n3A_502, %eq3A_814 : vector<16xi32>
    %select_n3A_816 = arith.select %eq3A_815, %add3A_812, %select_n3A_789 : vector<16xi1>, vector<16xi32>
    %eq3A_817 = arith.constant 7 : i32
    %eq3A_818 = vector.broadcast %eq3A_817 : i32 to vector<16xi32>
    %eq3A_819 = arith.cmpi eq, %select_n3A_594, %eq3A_818 : vector<16xi32>
    %select_n3A_820 = arith.select %eq3A_819, %add3A_812, %select_n3A_793 : vector<16xi1>, vector<16xi32>
    %reduce_sum3A_821 = arith.constant true
    %reduce_sum3A_822 = vector.broadcast %reduce_sum3A_821 : i1 to vector<16xi1>
    %reduce_sum3A_823 = tpu.scan <sum>, %convert_element_type3A_806 masked %reduce_sum3A_822 : vector<16xi32>, vector<16xi1> -> vector<16xi32>
    %reduce_sum3A_824 = vector.extract %reduce_sum3A_823[15] : i32 from vector<16xi32>
    %add3A_825 = arith.addi %add3A_409, %reduce_sum3A_824 : i32
    %swap3A_826 = arith.constant 16 : index
    %swap3A_827 = tpu.vector_load %arg10[%swap3A_826] {strides = array<i32>} : memref<128xi32, #tpu.memory_space<vmem>>, vector<16xi32>,
    tpu.vector_store %arg10[%swap3A_826], %select_n3A_502 {strides = array<i32>} : memref<128xi32, #tpu.memory_space<vmem>>, vector<16xi32>,
    %swap3A_828 = arith.constant 16 : index
    %swap3A_829 = tpu.vector_load %arg11[%swap3A_828] {strides = array<i32>} : memref<128xi32, #tpu.memory_space<vmem>>, vector<16xi32>,
    tpu.vector_store %arg11[%swap3A_828], %select_n3A_594 {strides = array<i32>} : memref<128xi32, #tpu.memory_space<vmem>>, vector<16xi32>,
    %swap3A_830 = arith.constant 16 : index
    %swap3A_831 = tpu.vector_load %arg12[%swap3A_830] {strides = array<i32>} : memref<128xf32, #tpu.memory_space<vmem>>, vector<16xf32>,
    tpu.vector_store %arg12[%swap3A_830], %div3A_602 {strides = array<i32>} : memref<128xf32, #tpu.memory_space<vmem>>, vector<16xf32>,
    %swap3A_832 = arith.constant 16 : index
    %swap3A_833 = tpu.vector_load %arg13[%swap3A_832] {strides = array<i32>} : memref<128xf32, #tpu.memory_space<vmem>>, vector<16xf32>,
    tpu.vector_store %arg13[%swap3A_832], %sub3A_605 {strides = array<i32>} : memref<128xf32, #tpu.memory_space<vmem>>, vector<16xf32>,
    %swap3A_834 = arith.constant 16 : index
    %swap3A_835 = tpu.vector_load %arg14[%swap3A_834] {strides = array<i32>} : memref<128xi32, #tpu.memory_space<vmem>>, vector<16xi32>,
    tpu.vector_store %arg14[%swap3A_834], %select_n3A_816 {strides = array<i32>} : memref<128xi32, #tpu.memory_space<vmem>>, vector<16xi32>,
    %swap3A_836 = arith.constant 16 : index
    %swap3A_837 = tpu.vector_load %arg15[%swap3A_836] {strides = array<i32>} : memref<128xi32, #tpu.memory_space<vmem>>, vector<16xi32>,
    tpu.vector_store %arg15[%swap3A_836], %select_n3A_820 {strides = array<i32>} : memref<128xi32, #tpu.memory_space<vmem>>, vector<16xi32>,
    %add3A_838 = arith.constant 32 : i32
    %add3A_839 = vector.broadcast %add3A_838 : i32 to vector<16xi32>
    %add3A_840 = arith.addi %iota3A, %add3A_839 : vector<16xi32>
    %mul3A_841 = arith.constant 8 : i32
    %mul3A_842 = vector.broadcast %mul3A_841 : i32 to vector<16xi32>
    %mul3A_843 = arith.muli %add3A_840, %mul3A_842 : vector<16xi32>
    %add3A_844 = arith.constant 0 : i32
    %add3A_845 = vector.broadcast %add3A_844 : i32 to vector<16xi32>
    %add3A_846 = arith.addi %mul3A_843, %add3A_845 : vector<16xi32>
    %gather3A_847 = tpu.vector_load_idx %arg9[%add3A_846] : memref<1024xf32, #tpu.memory_space<vmem>>[vector<16xi32>], vector<16xf32>,
    %add3A_848 = arith.constant 1 : i32
    %add3A_849 = vector.broadcast %add3A_848 : i32 to vector<16xi32>
    %add3A_850 = arith.addi %mul3A_843, %add3A_849 : vector<16xi32>
    %gather3A_851 = tpu.vector_load_idx %arg9[%add3A_850] : memref<1024xf32, #tpu.memory_space<vmem>>[vector<16xi32>], vector<16xf32>,
    %add3A_852 = arith.constant 2 : i32
    %add3A_853 = vector.broadcast %add3A_852 : i32 to vector<16xi32>
    %add3A_854 = arith.addi %mul3A_843, %add3A_853 : vector<16xi32>
    %gather3A_855 = tpu.vector_load_idx %arg9[%add3A_854] : memref<1024xf32, #tpu.memory_space<vmem>>[vector<16xi32>], vector<16xf32>,
    %add3A_856 = arith.constant 3 : i32
    %add3A_857 = vector.broadcast %add3A_856 : i32 to vector<16xi32>
    %add3A_858 = arith.addi %mul3A_843, %add3A_857 : vector<16xi32>
    %gather3A_859 = tpu.vector_load_idx %arg9[%add3A_858] : memref<1024xf32, #tpu.memory_space<vmem>>[vector<16xi32>], vector<16xf32>,
    %add3A_860 = arith.constant 4 : i32
    %add3A_861 = vector.broadcast %add3A_860 : i32 to vector<16xi32>
    %add3A_862 = arith.addi %mul3A_843, %add3A_861 : vector<16xi32>
    %gather3A_863 = tpu.vector_load_idx %arg9[%add3A_862] : memref<1024xf32, #tpu.memory_space<vmem>>[vector<16xi32>], vector<16xf32>,
    %add3A_864 = arith.constant 5 : i32
    %add3A_865 = vector.broadcast %add3A_864 : i32 to vector<16xi32>
    %add3A_866 = arith.addi %mul3A_843, %add3A_865 : vector<16xi32>
    %gather3A_867 = tpu.vector_load_idx %arg9[%add3A_866] : memref<1024xf32, #tpu.memory_space<vmem>>[vector<16xi32>], vector<16xf32>,
    %add3A_868 = arith.constant 6 : i32
    %add3A_869 = vector.broadcast %add3A_868 : i32 to vector<16xi32>
    %add3A_870 = arith.addi %mul3A_843, %add3A_869 : vector<16xi32>
    %gather3A_871 = tpu.vector_load_idx %arg9[%add3A_870] : memref<1024xf32, #tpu.memory_space<vmem>>[vector<16xi32>], vector<16xf32>,
    %add3A_872 = arith.constant 7 : i32
    %add3A_873 = vector.broadcast %add3A_872 : i32 to vector<16xi32>
    %add3A_874 = arith.addi %mul3A_843, %add3A_873 : vector<16xi32>
    %gather3A_875 = tpu.vector_load_idx %arg9[%add3A_874] : memref<1024xf32, #tpu.memory_space<vmem>>[vector<16xi32>], vector<16xf32>,
    %broadcast_in_dim3A_876 = arith.constant 0xFF800000 : f32
    %broadcast_in_dim3A_877 = vector.broadcast %broadcast_in_dim3A_876 : f32 to vector<16xf32>
    %broadcast_in_dim3A_878 = arith.constant 0 : i32
    %broadcast_in_dim3A_879 = vector.broadcast %broadcast_in_dim3A_878 : i32 to vector<16xi32>
    %gt3A_880 = arith.cmpf ogt, %gather3A_847, %broadcast_in_dim3A_877 : vector<16xf32>
    %select_n3A_881 = arith.select %gt3A_880, %gather3A_847, %broadcast_in_dim3A_877 : vector<16xi1>, vector<16xf32>
    %jit3A_882 = arith.constant 0 : i32
    %broadcast_in_dim3A_883 = vector.broadcast %jit3A_882 : i32 to vector<16xi32>
    %select_n3A_884 = arith.select %gt3A_880, %broadcast_in_dim3A_883, %broadcast_in_dim3A_879 : vector<16xi1>, vector<16xi32>
    %gt3A_885 = arith.cmpf ogt, %gather3A_851, %select_n3A_881 : vector<16xf32>
    %select_n3A_886 = arith.select %gt3A_885, %gather3A_851, %select_n3A_881 : vector<16xi1>, vector<16xf32>
    %jit3A_887 = arith.constant 1 : i32
    %broadcast_in_dim3A_888 = vector.broadcast %jit3A_887 : i32 to vector<16xi32>
    %select_n3A_889 = arith.select %gt3A_885, %broadcast_in_dim3A_888, %select_n3A_884 : vector<16xi1>, vector<16xi32>
    %gt3A_890 = arith.cmpf ogt, %gather3A_855, %select_n3A_886 : vector<16xf32>
    %select_n3A_891 = arith.select %gt3A_890, %gather3A_855, %select_n3A_886 : vector<16xi1>, vector<16xf32>
    %jit3A_892 = arith.constant 2 : i32
    %broadcast_in_dim3A_893 = vector.broadcast %jit3A_892 : i32 to vector<16xi32>
    %select_n3A_894 = arith.select %gt3A_890, %broadcast_in_dim3A_893, %select_n3A_889 : vector<16xi1>, vector<16xi32>
    %gt3A_895 = arith.cmpf ogt, %gather3A_859, %select_n3A_891 : vector<16xf32>
    %select_n3A_896 = arith.select %gt3A_895, %gather3A_859, %select_n3A_891 : vector<16xi1>, vector<16xf32>
    %jit3A_897 = arith.constant 3 : i32
    %broadcast_in_dim3A_898 = vector.broadcast %jit3A_897 : i32 to vector<16xi32>
    %select_n3A_899 = arith.select %gt3A_895, %broadcast_in_dim3A_898, %select_n3A_894 : vector<16xi1>, vector<16xi32>
    %gt3A_900 = arith.cmpf ogt, %gather3A_863, %select_n3A_896 : vector<16xf32>
    %select_n3A_901 = arith.select %gt3A_900, %gather3A_863, %select_n3A_896 : vector<16xi1>, vector<16xf32>
    %jit3A_902 = arith.constant 4 : i32
    %broadcast_in_dim3A_903 = vector.broadcast %jit3A_902 : i32 to vector<16xi32>
    %select_n3A_904 = arith.select %gt3A_900, %broadcast_in_dim3A_903, %select_n3A_899 : vector<16xi1>, vector<16xi32>
    %gt3A_905 = arith.cmpf ogt, %gather3A_867, %select_n3A_901 : vector<16xf32>
    %select_n3A_906 = arith.select %gt3A_905, %gather3A_867, %select_n3A_901 : vector<16xi1>, vector<16xf32>
    %jit3A_907 = arith.constant 5 : i32
    %broadcast_in_dim3A_908 = vector.broadcast %jit3A_907 : i32 to vector<16xi32>
    %select_n3A_909 = arith.select %gt3A_905, %broadcast_in_dim3A_908, %select_n3A_904 : vector<16xi1>, vector<16xi32>
    %gt3A_910 = arith.cmpf ogt, %gather3A_871, %select_n3A_906 : vector<16xf32>
    %select_n3A_911 = arith.select %gt3A_910, %gather3A_871, %select_n3A_906 : vector<16xi1>, vector<16xf32>
    %jit3A_912 = arith.constant 6 : i32
    %broadcast_in_dim3A_913 = vector.broadcast %jit3A_912 : i32 to vector<16xi32>
    %select_n3A_914 = arith.select %gt3A_910, %broadcast_in_dim3A_913, %select_n3A_909 : vector<16xi1>, vector<16xi32>
    %gt3A_915 = arith.cmpf ogt, %gather3A_875, %select_n3A_911 : vector<16xf32>
    %select_n3A_916 = arith.select %gt3A_915, %gather3A_875, %select_n3A_911 : vector<16xi1>, vector<16xf32>
    %jit3A_917 = arith.constant 7 : i32
    %broadcast_in_dim3A_918 = vector.broadcast %jit3A_917 : i32 to vector<16xi32>
    %select_n3A_919 = arith.select %gt3A_915, %broadcast_in_dim3A_918, %select_n3A_914 : vector<16xi1>, vector<16xi32>
    %broadcast_in_dim3A_920 = arith.constant 0xFF800000 : f32
    %broadcast_in_dim3A_921 = vector.broadcast %broadcast_in_dim3A_920 : f32 to vector<16xf32>
    %broadcast_in_dim3A_922 = arith.constant 0 : i32
    %broadcast_in_dim3A_923 = vector.broadcast %broadcast_in_dim3A_922 : i32 to vector<16xi32>
    %eq3A_924 = arith.constant 0 : i32
    %eq3A_925 = vector.broadcast %eq3A_924 : i32 to vector<16xi32>
    %eq3A_926 = arith.cmpi eq, %select_n3A_919, %eq3A_925 : vector<16xi32>
    %jit3A_927 = arith.constant 0xFF800000 : f32
    %broadcast_in_dim3A_928 = vector.broadcast %jit3A_927 : f32 to vector<16xf32>
    %select_n3A_929 = arith.select %eq3A_926, %broadcast_in_dim3A_928, %gather3A_847 : vector<16xi1>, vector<16xf32>
    %gt3A_930 = arith.cmpf ogt, %select_n3A_929, %broadcast_in_dim3A_921 : vector<16xf32>
    %select_n3A_931 = arith.select %gt3A_930, %select_n3A_929, %broadcast_in_dim3A_921 : vector<16xi1>, vector<16xf32>
    %jit3A_932 = arith.constant 0 : i32
    %broadcast_in_dim3A_933 = vector.broadcast %jit3A_932 : i32 to vector<16xi32>
    %select_n3A_934 = arith.select %gt3A_930, %broadcast_in_dim3A_933, %broadcast_in_dim3A_923 : vector<16xi1>, vector<16xi32>
    %eq3A_935 = arith.constant 1 : i32
    %eq3A_936 = vector.broadcast %eq3A_935 : i32 to vector<16xi32>
    %eq3A_937 = arith.cmpi eq, %select_n3A_919, %eq3A_936 : vector<16xi32>
    %jit3A_938 = arith.constant 0xFF800000 : f32
    %broadcast_in_dim3A_939 = vector.broadcast %jit3A_938 : f32 to vector<16xf32>
    %select_n3A_940 = arith.select %eq3A_937, %broadcast_in_dim3A_939, %gather3A_851 : vector<16xi1>, vector<16xf32>
    %gt3A_941 = arith.cmpf ogt, %select_n3A_940, %select_n3A_931 : vector<16xf32>
    %select_n3A_942 = arith.select %gt3A_941, %select_n3A_940, %select_n3A_931 : vector<16xi1>, vector<16xf32>
    %jit3A_943 = arith.constant 1 : i32
    %broadcast_in_dim3A_944 = vector.broadcast %jit3A_943 : i32 to vector<16xi32>
    %select_n3A_945 = arith.select %gt3A_941, %broadcast_in_dim3A_944, %select_n3A_934 : vector<16xi1>, vector<16xi32>
    %eq3A_946 = arith.constant 2 : i32
    %eq3A_947 = vector.broadcast %eq3A_946 : i32 to vector<16xi32>
    %eq3A_948 = arith.cmpi eq, %select_n3A_919, %eq3A_947 : vector<16xi32>
    %jit3A_949 = arith.constant 0xFF800000 : f32
    %broadcast_in_dim3A_950 = vector.broadcast %jit3A_949 : f32 to vector<16xf32>
    %select_n3A_951 = arith.select %eq3A_948, %broadcast_in_dim3A_950, %gather3A_855 : vector<16xi1>, vector<16xf32>
    %gt3A_952 = arith.cmpf ogt, %select_n3A_951, %select_n3A_942 : vector<16xf32>
    %select_n3A_953 = arith.select %gt3A_952, %select_n3A_951, %select_n3A_942 : vector<16xi1>, vector<16xf32>
    %jit3A_954 = arith.constant 2 : i32
    %broadcast_in_dim3A_955 = vector.broadcast %jit3A_954 : i32 to vector<16xi32>
    %select_n3A_956 = arith.select %gt3A_952, %broadcast_in_dim3A_955, %select_n3A_945 : vector<16xi1>, vector<16xi32>
    %eq3A_957 = arith.constant 3 : i32
    %eq3A_958 = vector.broadcast %eq3A_957 : i32 to vector<16xi32>
    %eq3A_959 = arith.cmpi eq, %select_n3A_919, %eq3A_958 : vector<16xi32>
    %jit3A_960 = arith.constant 0xFF800000 : f32
    %broadcast_in_dim3A_961 = vector.broadcast %jit3A_960 : f32 to vector<16xf32>
    %select_n3A_962 = arith.select %eq3A_959, %broadcast_in_dim3A_961, %gather3A_859 : vector<16xi1>, vector<16xf32>
    %gt3A_963 = arith.cmpf ogt, %select_n3A_962, %select_n3A_953 : vector<16xf32>
    %select_n3A_964 = arith.select %gt3A_963, %select_n3A_962, %select_n3A_953 : vector<16xi1>, vector<16xf32>
    %jit3A_965 = arith.constant 3 : i32
    %broadcast_in_dim3A_966 = vector.broadcast %jit3A_965 : i32 to vector<16xi32>
    %select_n3A_967 = arith.select %gt3A_963, %broadcast_in_dim3A_966, %select_n3A_956 : vector<16xi1>, vector<16xi32>
    %eq3A_968 = arith.constant 4 : i32
    %eq3A_969 = vector.broadcast %eq3A_968 : i32 to vector<16xi32>
    %eq3A_970 = arith.cmpi eq, %select_n3A_919, %eq3A_969 : vector<16xi32>
    %jit3A_971 = arith.constant 0xFF800000 : f32
    %broadcast_in_dim3A_972 = vector.broadcast %jit3A_971 : f32 to vector<16xf32>
    %select_n3A_973 = arith.select %eq3A_970, %broadcast_in_dim3A_972, %gather3A_863 : vector<16xi1>, vector<16xf32>
    %gt3A_974 = arith.cmpf ogt, %select_n3A_973, %select_n3A_964 : vector<16xf32>
    %select_n3A_975 = arith.select %gt3A_974, %select_n3A_973, %select_n3A_964 : vector<16xi1>, vector<16xf32>
    %jit3A_976 = arith.constant 4 : i32
    %broadcast_in_dim3A_977 = vector.broadcast %jit3A_976 : i32 to vector<16xi32>
    %select_n3A_978 = arith.select %gt3A_974, %broadcast_in_dim3A_977, %select_n3A_967 : vector<16xi1>, vector<16xi32>
    %eq3A_979 = arith.constant 5 : i32
    %eq3A_980 = vector.broadcast %eq3A_979 : i32 to vector<16xi32>
    %eq3A_981 = arith.cmpi eq, %select_n3A_919, %eq3A_980 : vector<16xi32>
    %jit3A_982 = arith.constant 0xFF800000 : f32
    %broadcast_in_dim3A_983 = vector.broadcast %jit3A_982 : f32 to vector<16xf32>
    %select_n3A_984 = arith.select %eq3A_981, %broadcast_in_dim3A_983, %gather3A_867 : vector<16xi1>, vector<16xf32>
    %gt3A_985 = arith.cmpf ogt, %select_n3A_984, %select_n3A_975 : vector<16xf32>
    %select_n3A_986 = arith.select %gt3A_985, %select_n3A_984, %select_n3A_975 : vector<16xi1>, vector<16xf32>
    %jit3A_987 = arith.constant 5 : i32
    %broadcast_in_dim3A_988 = vector.broadcast %jit3A_987 : i32 to vector<16xi32>
    %select_n3A_989 = arith.select %gt3A_985, %broadcast_in_dim3A_988, %select_n3A_978 : vector<16xi1>, vector<16xi32>
    %eq3A_990 = arith.constant 6 : i32
    %eq3A_991 = vector.broadcast %eq3A_990 : i32 to vector<16xi32>
    %eq3A_992 = arith.cmpi eq, %select_n3A_919, %eq3A_991 : vector<16xi32>
    %jit3A_993 = arith.constant 0xFF800000 : f32
    %broadcast_in_dim3A_994 = vector.broadcast %jit3A_993 : f32 to vector<16xf32>
    %select_n3A_995 = arith.select %eq3A_992, %broadcast_in_dim3A_994, %gather3A_871 : vector<16xi1>, vector<16xf32>
    %gt3A_996 = arith.cmpf ogt, %select_n3A_995, %select_n3A_986 : vector<16xf32>
    %select_n3A_997 = arith.select %gt3A_996, %select_n3A_995, %select_n3A_986 : vector<16xi1>, vector<16xf32>
    %jit3A_998 = arith.constant 6 : i32
    %broadcast_in_dim3A_999 = vector.broadcast %jit3A_998 : i32 to vector<16xi32>
    %select_n3A_1000 = arith.select %gt3A_996, %broadcast_in_dim3A_999, %select_n3A_989 : vector<16xi1>, vector<16xi32>
    %eq3A_1001 = arith.constant 7 : i32
    %eq3A_1002 = vector.broadcast %eq3A_1001 : i32 to vector<16xi32>
    %eq3A_1003 = arith.cmpi eq, %select_n3A_919, %eq3A_1002 : vector<16xi32>
    %jit3A_1004 = arith.constant 0xFF800000 : f32
    %broadcast_in_dim3A_1005 = vector.broadcast %jit3A_1004 : f32 to vector<16xf32>
    %select_n3A_1006 = arith.select %eq3A_1003, %broadcast_in_dim3A_1005, %gather3A_875 : vector<16xi1>, vector<16xf32>
    %gt3A_1007 = arith.cmpf ogt, %select_n3A_1006, %select_n3A_997 : vector<16xf32>
    %select_n3A_1008 = arith.select %gt3A_1007, %select_n3A_1006, %select_n3A_997 : vector<16xi1>, vector<16xf32>
    %jit3A_1009 = arith.constant 7 : i32
    %broadcast_in_dim3A_1010 = vector.broadcast %jit3A_1009 : i32 to vector<16xi32>
    %select_n3A_1011 = arith.select %gt3A_1007, %broadcast_in_dim3A_1010, %select_n3A_1000 : vector<16xi1>, vector<16xi32>
    %sub3A_1012 = arith.subf %select_n3A_1008, %select_n3A_916 : vector<16xf32>
    %exp3A_1013 = math.exp %sub3A_1012 : vector<16xf32>
    %add3A_1014 = arith.constant 1.000000e+00 : f32
    %add3A_1015 = vector.broadcast %add3A_1014 : f32 to vector<16xf32>
    %add3A_1016 = arith.addf %add3A_1015, %exp3A_1013 : vector<16xf32>
    %div3A_1017 = arith.constant 1.000000e+00 : f32
    %div3A_1018 = vector.broadcast %div3A_1017 : f32 to vector<16xf32>
    %div3A_1019 = arith.divf %div3A_1018, %add3A_1016 : vector<16xf32>
    %sub3A_1020 = arith.constant 1.000000e+00 : f32
    %sub3A_1021 = vector.broadcast %sub3A_1020 : f32 to vector<16xf32>
    %sub3A_1022 = arith.subf %sub3A_1021, %div3A_1019 : vector<16xf32>
    %broadcast_in_dim3A_1023 = arith.constant 0 : i32
    %broadcast_in_dim3A_1024 = vector.broadcast %broadcast_in_dim3A_1023 : i32 to vector<16xi32>
    %broadcast_in_dim3A_1025 = arith.constant 0 : i32
    %broadcast_in_dim3A_1026 = vector.broadcast %broadcast_in_dim3A_1025 : i32 to vector<16xi32>
    %eq3A_1027 = arith.constant 0 : i32
    %eq3A_1028 = vector.broadcast %eq3A_1027 : i32 to vector<16xi32>
    %eq3A_1029 = arith.cmpi eq, %select_n3A_919, %eq3A_1028 : vector<16xi32>
    %eq3A_1030 = arith.constant 0 : i32
    %eq3A_1031 = vector.broadcast %eq3A_1030 : i32 to vector<16xi32>
    %eq3A_1032 = arith.cmpi eq, %select_n3A_1011, %eq3A_1031 : vector<16xi32>
    %or3A_1033 = arith.ori %eq3A_1029, %eq3A_1032 : vector<16xi1>
    %convert_element_type3A_1034 = arith.extui %or3A_1033 : vector<16xi1> to vector<16xi32>
    %broadcast_in_dim3A_1035 = arith.constant true
    %broadcast_in_dim3A_1036 = vector.broadcast %broadcast_in_dim3A_1035 : i1 to vector<16xi1>
    %masked_cumsum3A_1037 = tpu.scan <sum>, %convert_element_type3A_1034 masked %broadcast_in_dim3A_1036 : vector<16xi32>, vector<16xi1> -> vector<16xi32>
    %sub3A_1038 = arith.subi %masked_cumsum3A_1037, %convert_element_type3A_1034 : vector<16xi32>
    %add3A_1039 = vector.broadcast %add3A_636 : i32 to vector<16xi32>
    %add3A_1040 = arith.addi %add3A_1039, %sub3A_1038 : vector<16xi32>
    %eq3A_1041 = arith.constant 0 : i32
    %eq3A_1042 = vector.broadcast %eq3A_1041 : i32 to vector<16xi32>
    %eq3A_1043 = arith.cmpi eq, %select_n3A_919, %eq3A_1042 : vector<16xi32>
    %select_n3A_1044 = arith.select %eq3A_1043, %add3A_1040, %broadcast_in_dim3A_1024 : vector<16xi1>, vector<16xi32>
    %eq3A_1045 = arith.constant 0 : i32
    %eq3A_1046 = vector.broadcast %eq3A_1045 : i32 to vector<16xi32>
    %eq3A_1047 = arith.cmpi eq, %select_n3A_1011, %eq3A_1046 : vector<16xi32>
    %select_n3A_1048 = arith.select %eq3A_1047, %add3A_1040, %broadcast_in_dim3A_1026 : vector<16xi1>, vector<16xi32>
    %reduce_sum3A_1049 = arith.constant true
    %reduce_sum3A_1050 = vector.broadcast %reduce_sum3A_1049 : i1 to vector<16xi1>
    %reduce_sum3A_1051 = tpu.scan <sum>, %convert_element_type3A_1034 masked %reduce_sum3A_1050 : vector<16xi32>, vector<16xi1> -> vector<16xi32>
    %reduce_sum3A_1052 = vector.extract %reduce_sum3A_1051[15] : i32 from vector<16xi32>
    %add3A_1053 = arith.addi %add3A_636, %reduce_sum3A_1052 : i32
    %eq3A_1054 = arith.constant 1 : i32
    %eq3A_1055 = vector.broadcast %eq3A_1054 : i32 to vector<16xi32>
    %eq3A_1056 = arith.cmpi eq, %select_n3A_919, %eq3A_1055 : vector<16xi32>
    %eq3A_1057 = arith.constant 1 : i32
    %eq3A_1058 = vector.broadcast %eq3A_1057 : i32 to vector<16xi32>
    %eq3A_1059 = arith.cmpi eq, %select_n3A_1011, %eq3A_1058 : vector<16xi32>
    %or3A_1060 = arith.ori %eq3A_1056, %eq3A_1059 : vector<16xi1>
    %convert_element_type3A_1061 = arith.extui %or3A_1060 : vector<16xi1> to vector<16xi32>
    %broadcast_in_dim3A_1062 = arith.constant true
    %broadcast_in_dim3A_1063 = vector.broadcast %broadcast_in_dim3A_1062 : i1 to vector<16xi1>
    %masked_cumsum3A_1064 = tpu.scan <sum>, %convert_element_type3A_1061 masked %broadcast_in_dim3A_1063 : vector<16xi32>, vector<16xi1> -> vector<16xi32>
    %sub3A_1065 = arith.subi %masked_cumsum3A_1064, %convert_element_type3A_1061 : vector<16xi32>
    %add3A_1066 = vector.broadcast %add3A_663 : i32 to vector<16xi32>
    %add3A_1067 = arith.addi %add3A_1066, %sub3A_1065 : vector<16xi32>
    %eq3A_1068 = arith.constant 1 : i32
    %eq3A_1069 = vector.broadcast %eq3A_1068 : i32 to vector<16xi32>
    %eq3A_1070 = arith.cmpi eq, %select_n3A_919, %eq3A_1069 : vector<16xi32>
    %select_n3A_1071 = arith.select %eq3A_1070, %add3A_1067, %select_n3A_1044 : vector<16xi1>, vector<16xi32>
    %eq3A_1072 = arith.constant 1 : i32
    %eq3A_1073 = vector.broadcast %eq3A_1072 : i32 to vector<16xi32>
    %eq3A_1074 = arith.cmpi eq, %select_n3A_1011, %eq3A_1073 : vector<16xi32>
    %select_n3A_1075 = arith.select %eq3A_1074, %add3A_1067, %select_n3A_1048 : vector<16xi1>, vector<16xi32>
    %reduce_sum3A_1076 = arith.constant true
    %reduce_sum3A_1077 = vector.broadcast %reduce_sum3A_1076 : i1 to vector<16xi1>
    %reduce_sum3A_1078 = tpu.scan <sum>, %convert_element_type3A_1061 masked %reduce_sum3A_1077 : vector<16xi32>, vector<16xi1> -> vector<16xi32>
    %reduce_sum3A_1079 = vector.extract %reduce_sum3A_1078[15] : i32 from vector<16xi32>
    %add3A_1080 = arith.addi %add3A_663, %reduce_sum3A_1079 : i32
    %eq3A_1081 = arith.constant 2 : i32
    %eq3A_1082 = vector.broadcast %eq3A_1081 : i32 to vector<16xi32>
    %eq3A_1083 = arith.cmpi eq, %select_n3A_919, %eq3A_1082 : vector<16xi32>
    %eq3A_1084 = arith.constant 2 : i32
    %eq3A_1085 = vector.broadcast %eq3A_1084 : i32 to vector<16xi32>
    %eq3A_1086 = arith.cmpi eq, %select_n3A_1011, %eq3A_1085 : vector<16xi32>
    %or3A_1087 = arith.ori %eq3A_1083, %eq3A_1086 : vector<16xi1>
    %convert_element_type3A_1088 = arith.extui %or3A_1087 : vector<16xi1> to vector<16xi32>
    %broadcast_in_dim3A_1089 = arith.constant true
    %broadcast_in_dim3A_1090 = vector.broadcast %broadcast_in_dim3A_1089 : i1 to vector<16xi1>
    %masked_cumsum3A_1091 = tpu.scan <sum>, %convert_element_type3A_1088 masked %broadcast_in_dim3A_1090 : vector<16xi32>, vector<16xi1> -> vector<16xi32>
    %sub3A_1092 = arith.subi %masked_cumsum3A_1091, %convert_element_type3A_1088 : vector<16xi32>
    %add3A_1093 = vector.broadcast %add3A_690 : i32 to vector<16xi32>
    %add3A_1094 = arith.addi %add3A_1093, %sub3A_1092 : vector<16xi32>
    %eq3A_1095 = arith.constant 2 : i32
    %eq3A_1096 = vector.broadcast %eq3A_1095 : i32 to vector<16xi32>
    %eq3A_1097 = arith.cmpi eq, %select_n3A_919, %eq3A_1096 : vector<16xi32>
    %select_n3A_1098 = arith.select %eq3A_1097, %add3A_1094, %select_n3A_1071 : vector<16xi1>, vector<16xi32>
    %eq3A_1099 = arith.constant 2 : i32
    %eq3A_1100 = vector.broadcast %eq3A_1099 : i32 to vector<16xi32>
    %eq3A_1101 = arith.cmpi eq, %select_n3A_1011, %eq3A_1100 : vector<16xi32>
    %select_n3A_1102 = arith.select %eq3A_1101, %add3A_1094, %select_n3A_1075 : vector<16xi1>, vector<16xi32>
    %reduce_sum3A_1103 = arith.constant true
    %reduce_sum3A_1104 = vector.broadcast %reduce_sum3A_1103 : i1 to vector<16xi1>
    %reduce_sum3A_1105 = tpu.scan <sum>, %convert_element_type3A_1088 masked %reduce_sum3A_1104 : vector<16xi32>, vector<16xi1> -> vector<16xi32>
    %reduce_sum3A_1106 = vector.extract %reduce_sum3A_1105[15] : i32 from vector<16xi32>
    %add3A_1107 = arith.addi %add3A_690, %reduce_sum3A_1106 : i32
    %eq3A_1108 = arith.constant 3 : i32
    %eq3A_1109 = vector.broadcast %eq3A_1108 : i32 to vector<16xi32>
    %eq3A_1110 = arith.cmpi eq, %select_n3A_919, %eq3A_1109 : vector<16xi32>
    %eq3A_1111 = arith.constant 3 : i32
    %eq3A_1112 = vector.broadcast %eq3A_1111 : i32 to vector<16xi32>
    %eq3A_1113 = arith.cmpi eq, %select_n3A_1011, %eq3A_1112 : vector<16xi32>
    %or3A_1114 = arith.ori %eq3A_1110, %eq3A_1113 : vector<16xi1>
    %convert_element_type3A_1115 = arith.extui %or3A_1114 : vector<16xi1> to vector<16xi32>
    %broadcast_in_dim3A_1116 = arith.constant true
    %broadcast_in_dim3A_1117 = vector.broadcast %broadcast_in_dim3A_1116 : i1 to vector<16xi1>
    %masked_cumsum3A_1118 = tpu.scan <sum>, %convert_element_type3A_1115 masked %broadcast_in_dim3A_1117 : vector<16xi32>, vector<16xi1> -> vector<16xi32>
    %sub3A_1119 = arith.subi %masked_cumsum3A_1118, %convert_element_type3A_1115 : vector<16xi32>
    %add3A_1120 = vector.broadcast %add3A_717 : i32 to vector<16xi32>
    %add3A_1121 = arith.addi %add3A_1120, %sub3A_1119 : vector<16xi32>
    %eq3A_1122 = arith.constant 3 : i32
    %eq3A_1123 = vector.broadcast %eq3A_1122 : i32 to vector<16xi32>
    %eq3A_1124 = arith.cmpi eq, %select_n3A_919, %eq3A_1123 : vector<16xi32>
    %select_n3A_1125 = arith.select %eq3A_1124, %add3A_1121, %select_n3A_1098 : vector<16xi1>, vector<16xi32>
    %eq3A_1126 = arith.constant 3 : i32
    %eq3A_1127 = vector.broadcast %eq3A_1126 : i32 to vector<16xi32>
    %eq3A_1128 = arith.cmpi eq, %select_n3A_1011, %eq3A_1127 : vector<16xi32>
    %select_n3A_1129 = arith.select %eq3A_1128, %add3A_1121, %select_n3A_1102 : vector<16xi1>, vector<16xi32>
    %reduce_sum3A_1130 = arith.constant true
    %reduce_sum3A_1131 = vector.broadcast %reduce_sum3A_1130 : i1 to vector<16xi1>
    %reduce_sum3A_1132 = tpu.scan <sum>, %convert_element_type3A_1115 masked %reduce_sum3A_1131 : vector<16xi32>, vector<16xi1> -> vector<16xi32>
    %reduce_sum3A_1133 = vector.extract %reduce_sum3A_1132[15] : i32 from vector<16xi32>
    %add3A_1134 = arith.addi %add3A_717, %reduce_sum3A_1133 : i32
    %eq3A_1135 = arith.constant 4 : i32
    %eq3A_1136 = vector.broadcast %eq3A_1135 : i32 to vector<16xi32>
    %eq3A_1137 = arith.cmpi eq, %select_n3A_919, %eq3A_1136 : vector<16xi32>
    %eq3A_1138 = arith.constant 4 : i32
    %eq3A_1139 = vector.broadcast %eq3A_1138 : i32 to vector<16xi32>
    %eq3A_1140 = arith.cmpi eq, %select_n3A_1011, %eq3A_1139 : vector<16xi32>
    %or3A_1141 = arith.ori %eq3A_1137, %eq3A_1140 : vector<16xi1>
    %convert_element_type3A_1142 = arith.extui %or3A_1141 : vector<16xi1> to vector<16xi32>
    %broadcast_in_dim3A_1143 = arith.constant true
    %broadcast_in_dim3A_1144 = vector.broadcast %broadcast_in_dim3A_1143 : i1 to vector<16xi1>
    %masked_cumsum3A_1145 = tpu.scan <sum>, %convert_element_type3A_1142 masked %broadcast_in_dim3A_1144 : vector<16xi32>, vector<16xi1> -> vector<16xi32>
    %sub3A_1146 = arith.subi %masked_cumsum3A_1145, %convert_element_type3A_1142 : vector<16xi32>
    %add3A_1147 = vector.broadcast %add3A_744 : i32 to vector<16xi32>
    %add3A_1148 = arith.addi %add3A_1147, %sub3A_1146 : vector<16xi32>
    %eq3A_1149 = arith.constant 4 : i32
    %eq3A_1150 = vector.broadcast %eq3A_1149 : i32 to vector<16xi32>
    %eq3A_1151 = arith.cmpi eq, %select_n3A_919, %eq3A_1150 : vector<16xi32>
    %select_n3A_1152 = arith.select %eq3A_1151, %add3A_1148, %select_n3A_1125 : vector<16xi1>, vector<16xi32>
    %eq3A_1153 = arith.constant 4 : i32
    %eq3A_1154 = vector.broadcast %eq3A_1153 : i32 to vector<16xi32>
    %eq3A_1155 = arith.cmpi eq, %select_n3A_1011, %eq3A_1154 : vector<16xi32>
    %select_n3A_1156 = arith.select %eq3A_1155, %add3A_1148, %select_n3A_1129 : vector<16xi1>, vector<16xi32>
    %reduce_sum3A_1157 = arith.constant true
    %reduce_sum3A_1158 = vector.broadcast %reduce_sum3A_1157 : i1 to vector<16xi1>
    %reduce_sum3A_1159 = tpu.scan <sum>, %convert_element_type3A_1142 masked %reduce_sum3A_1158 : vector<16xi32>, vector<16xi1> -> vector<16xi32>
    %reduce_sum3A_1160 = vector.extract %reduce_sum3A_1159[15] : i32 from vector<16xi32>
    %add3A_1161 = arith.addi %add3A_744, %reduce_sum3A_1160 : i32
    %eq3A_1162 = arith.constant 5 : i32
    %eq3A_1163 = vector.broadcast %eq3A_1162 : i32 to vector<16xi32>
    %eq3A_1164 = arith.cmpi eq, %select_n3A_919, %eq3A_1163 : vector<16xi32>
    %eq3A_1165 = arith.constant 5 : i32
    %eq3A_1166 = vector.broadcast %eq3A_1165 : i32 to vector<16xi32>
    %eq3A_1167 = arith.cmpi eq, %select_n3A_1011, %eq3A_1166 : vector<16xi32>
    %or3A_1168 = arith.ori %eq3A_1164, %eq3A_1167 : vector<16xi1>
    %convert_element_type3A_1169 = arith.extui %or3A_1168 : vector<16xi1> to vector<16xi32>
    %broadcast_in_dim3A_1170 = arith.constant true
    %broadcast_in_dim3A_1171 = vector.broadcast %broadcast_in_dim3A_1170 : i1 to vector<16xi1>
    %masked_cumsum3A_1172 = tpu.scan <sum>, %convert_element_type3A_1169 masked %broadcast_in_dim3A_1171 : vector<16xi32>, vector<16xi1> -> vector<16xi32>
    %sub3A_1173 = arith.subi %masked_cumsum3A_1172, %convert_element_type3A_1169 : vector<16xi32>
    %add3A_1174 = vector.broadcast %add3A_771 : i32 to vector<16xi32>
    %add3A_1175 = arith.addi %add3A_1174, %sub3A_1173 : vector<16xi32>
    %eq3A_1176 = arith.constant 5 : i32
    %eq3A_1177 = vector.broadcast %eq3A_1176 : i32 to vector<16xi32>
    %eq3A_1178 = arith.cmpi eq, %select_n3A_919, %eq3A_1177 : vector<16xi32>
    %select_n3A_1179 = arith.select %eq3A_1178, %add3A_1175, %select_n3A_1152 : vector<16xi1>, vector<16xi32>
    %eq3A_1180 = arith.constant 5 : i32
    %eq3A_1181 = vector.broadcast %eq3A_1180 : i32 to vector<16xi32>
    %eq3A_1182 = arith.cmpi eq, %select_n3A_1011, %eq3A_1181 : vector<16xi32>
    %select_n3A_1183 = arith.select %eq3A_1182, %add3A_1175, %select_n3A_1156 : vector<16xi1>, vector<16xi32>
    %reduce_sum3A_1184 = arith.constant true
    %reduce_sum3A_1185 = vector.broadcast %reduce_sum3A_1184 : i1 to vector<16xi1>
    %reduce_sum3A_1186 = tpu.scan <sum>, %convert_element_type3A_1169 masked %reduce_sum3A_1185 : vector<16xi32>, vector<16xi1> -> vector<16xi32>
    %reduce_sum3A_1187 = vector.extract %reduce_sum3A_1186[15] : i32 from vector<16xi32>
    %add3A_1188 = arith.addi %add3A_771, %reduce_sum3A_1187 : i32
    %eq3A_1189 = arith.constant 6 : i32
    %eq3A_1190 = vector.broadcast %eq3A_1189 : i32 to vector<16xi32>
    %eq3A_1191 = arith.cmpi eq, %select_n3A_919, %eq3A_1190 : vector<16xi32>
    %eq3A_1192 = arith.constant 6 : i32
    %eq3A_1193 = vector.broadcast %eq3A_1192 : i32 to vector<16xi32>
    %eq3A_1194 = arith.cmpi eq, %select_n3A_1011, %eq3A_1193 : vector<16xi32>
    %or3A_1195 = arith.ori %eq3A_1191, %eq3A_1194 : vector<16xi1>
    %convert_element_type3A_1196 = arith.extui %or3A_1195 : vector<16xi1> to vector<16xi32>
    %broadcast_in_dim3A_1197 = arith.constant true
    %broadcast_in_dim3A_1198 = vector.broadcast %broadcast_in_dim3A_1197 : i1 to vector<16xi1>
    %masked_cumsum3A_1199 = tpu.scan <sum>, %convert_element_type3A_1196 masked %broadcast_in_dim3A_1198 : vector<16xi32>, vector<16xi1> -> vector<16xi32>
    %sub3A_1200 = arith.subi %masked_cumsum3A_1199, %convert_element_type3A_1196 : vector<16xi32>
    %add3A_1201 = vector.broadcast %add3A_798 : i32 to vector<16xi32>
    %add3A_1202 = arith.addi %add3A_1201, %sub3A_1200 : vector<16xi32>
    %eq3A_1203 = arith.constant 6 : i32
    %eq3A_1204 = vector.broadcast %eq3A_1203 : i32 to vector<16xi32>
    %eq3A_1205 = arith.cmpi eq, %select_n3A_919, %eq3A_1204 : vector<16xi32>
    %select_n3A_1206 = arith.select %eq3A_1205, %add3A_1202, %select_n3A_1179 : vector<16xi1>, vector<16xi32>
    %eq3A_1207 = arith.constant 6 : i32
    %eq3A_1208 = vector.broadcast %eq3A_1207 : i32 to vector<16xi32>
    %eq3A_1209 = arith.cmpi eq, %select_n3A_1011, %eq3A_1208 : vector<16xi32>
    %select_n3A_1210 = arith.select %eq3A_1209, %add3A_1202, %select_n3A_1183 : vector<16xi1>, vector<16xi32>
    %reduce_sum3A_1211 = arith.constant true
    %reduce_sum3A_1212 = vector.broadcast %reduce_sum3A_1211 : i1 to vector<16xi1>
    %reduce_sum3A_1213 = tpu.scan <sum>, %convert_element_type3A_1196 masked %reduce_sum3A_1212 : vector<16xi32>, vector<16xi1> -> vector<16xi32>
    %reduce_sum3A_1214 = vector.extract %reduce_sum3A_1213[15] : i32 from vector<16xi32>
    %add3A_1215 = arith.addi %add3A_798, %reduce_sum3A_1214 : i32
    %eq3A_1216 = arith.constant 7 : i32
    %eq3A_1217 = vector.broadcast %eq3A_1216 : i32 to vector<16xi32>
    %eq3A_1218 = arith.cmpi eq, %select_n3A_919, %eq3A_1217 : vector<16xi32>
    %eq3A_1219 = arith.constant 7 : i32
    %eq3A_1220 = vector.broadcast %eq3A_1219 : i32 to vector<16xi32>
    %eq3A_1221 = arith.cmpi eq, %select_n3A_1011, %eq3A_1220 : vector<16xi32>
    %or3A_1222 = arith.ori %eq3A_1218, %eq3A_1221 : vector<16xi1>
    %convert_element_type3A_1223 = arith.extui %or3A_1222 : vector<16xi1> to vector<16xi32>
    %broadcast_in_dim3A_1224 = arith.constant true
    %broadcast_in_dim3A_1225 = vector.broadcast %broadcast_in_dim3A_1224 : i1 to vector<16xi1>
    %masked_cumsum3A_1226 = tpu.scan <sum>, %convert_element_type3A_1223 masked %broadcast_in_dim3A_1225 : vector<16xi32>, vector<16xi1> -> vector<16xi32>
    %sub3A_1227 = arith.subi %masked_cumsum3A_1226, %convert_element_type3A_1223 : vector<16xi32>
    %add3A_1228 = vector.broadcast %add3A_825 : i32 to vector<16xi32>
    %add3A_1229 = arith.addi %add3A_1228, %sub3A_1227 : vector<16xi32>
    %eq3A_1230 = arith.constant 7 : i32
    %eq3A_1231 = vector.broadcast %eq3A_1230 : i32 to vector<16xi32>
    %eq3A_1232 = arith.cmpi eq, %select_n3A_919, %eq3A_1231 : vector<16xi32>
    %select_n3A_1233 = arith.select %eq3A_1232, %add3A_1229, %select_n3A_1206 : vector<16xi1>, vector<16xi32>
    %eq3A_1234 = arith.constant 7 : i32
    %eq3A_1235 = vector.broadcast %eq3A_1234 : i32 to vector<16xi32>
    %eq3A_1236 = arith.cmpi eq, %select_n3A_1011, %eq3A_1235 : vector<16xi32>
    %select_n3A_1237 = arith.select %eq3A_1236, %add3A_1229, %select_n3A_1210 : vector<16xi1>, vector<16xi32>
    %reduce_sum3A_1238 = arith.constant true
    %reduce_sum3A_1239 = vector.broadcast %reduce_sum3A_1238 : i1 to vector<16xi1>
    %reduce_sum3A_1240 = tpu.scan <sum>, %convert_element_type3A_1223 masked %reduce_sum3A_1239 : vector<16xi32>, vector<16xi1> -> vector<16xi32>
    %reduce_sum3A_1241 = vector.extract %reduce_sum3A_1240[15] : i32 from vector<16xi32>
    %add3A_1242 = arith.addi %add3A_825, %reduce_sum3A_1241 : i32
    %swap3A_1243 = arith.constant 32 : index
    %swap3A_1244 = tpu.vector_load %arg10[%swap3A_1243] {strides = array<i32>} : memref<128xi32, #tpu.memory_space<vmem>>, vector<16xi32>,
    tpu.vector_store %arg10[%swap3A_1243], %select_n3A_919 {strides = array<i32>} : memref<128xi32, #tpu.memory_space<vmem>>, vector<16xi32>,
    %swap3A_1245 = arith.constant 32 : index
    %swap3A_1246 = tpu.vector_load %arg11[%swap3A_1245] {strides = array<i32>} : memref<128xi32, #tpu.memory_space<vmem>>, vector<16xi32>,
    tpu.vector_store %arg11[%swap3A_1245], %select_n3A_1011 {strides = array<i32>} : memref<128xi32, #tpu.memory_space<vmem>>, vector<16xi32>,
    %swap3A_1247 = arith.constant 32 : index
    %swap3A_1248 = tpu.vector_load %arg12[%swap3A_1247] {strides = array<i32>} : memref<128xf32, #tpu.memory_space<vmem>>, vector<16xf32>,
    tpu.vector_store %arg12[%swap3A_1247], %div3A_1019 {strides = array<i32>} : memref<128xf32, #tpu.memory_space<vmem>>, vector<16xf32>,
    %swap3A_1249 = arith.constant 32 : index
    %swap3A_1250 = tpu.vector_load %arg13[%swap3A_1249] {strides = array<i32>} : memref<128xf32, #tpu.memory_space<vmem>>, vector<16xf32>,
    tpu.vector_store %arg13[%swap3A_1249], %sub3A_1022 {strides = array<i32>} : memref<128xf32, #tpu.memory_space<vmem>>, vector<16xf32>,
    %swap3A_1251 = arith.constant 32 : index
    %swap3A_1252 = tpu.vector_load %arg14[%swap3A_1251] {strides = array<i32>} : memref<128xi32, #tpu.memory_space<vmem>>, vector<16xi32>,
    tpu.vector_store %arg14[%swap3A_1251], %select_n3A_1233 {strides = array<i32>} : memref<128xi32, #tpu.memory_space<vmem>>, vector<16xi32>,
    %swap3A_1253 = arith.constant 32 : index
    %swap3A_1254 = tpu.vector_load %arg15[%swap3A_1253] {strides = array<i32>} : memref<128xi32, #tpu.memory_space<vmem>>, vector<16xi32>,
    tpu.vector_store %arg15[%swap3A_1253], %select_n3A_1237 {strides = array<i32>} : memref<128xi32, #tpu.memory_space<vmem>>, vector<16xi32>,
    %add3A_1255 = arith.constant 48 : i32
    %add3A_1256 = vector.broadcast %add3A_1255 : i32 to vector<16xi32>
    %add3A_1257 = arith.addi %iota3A, %add3A_1256 : vector<16xi32>
    %mul3A_1258 = arith.constant 8 : i32
    %mul3A_1259 = vector.broadcast %mul3A_1258 : i32 to vector<16xi32>
    %mul3A_1260 = arith.muli %add3A_1257, %mul3A_1259 : vector<16xi32>
    %add3A_1261 = arith.constant 0 : i32
    %add3A_1262 = vector.broadcast %add3A_1261 : i32 to vector<16xi32>
    %add3A_1263 = arith.addi %mul3A_1260, %add3A_1262 : vector<16xi32>
    %gather3A_1264 = tpu.vector_load_idx %arg9[%add3A_1263] : memref<1024xf32, #tpu.memory_space<vmem>>[vector<16xi32>], vector<16xf32>,
    %add3A_1265 = arith.constant 1 : i32
    %add3A_1266 = vector.broadcast %add3A_1265 : i32 to vector<16xi32>
    %add3A_1267 = arith.addi %mul3A_1260, %add3A_1266 : vector<16xi32>
    %gather3A_1268 = tpu.vector_load_idx %arg9[%add3A_1267] : memref<1024xf32, #tpu.memory_space<vmem>>[vector<16xi32>], vector<16xf32>,
    %add3A_1269 = arith.constant 2 : i32
    %add3A_1270 = vector.broadcast %add3A_1269 : i32 to vector<16xi32>
    %add3A_1271 = arith.addi %mul3A_1260, %add3A_1270 : vector<16xi32>
    %gather3A_1272 = tpu.vector_load_idx %arg9[%add3A_1271] : memref<1024xf32, #tpu.memory_space<vmem>>[vector<16xi32>], vector<16xf32>,
    %add3A_1273 = arith.constant 3 : i32
    %add3A_1274 = vector.broadcast %add3A_1273 : i32 to vector<16xi32>
    %add3A_1275 = arith.addi %mul3A_1260, %add3A_1274 : vector<16xi32>
    %gather3A_1276 = tpu.vector_load_idx %arg9[%add3A_1275] : memref<1024xf32, #tpu.memory_space<vmem>>[vector<16xi32>], vector<16xf32>,
    %add3A_1277 = arith.constant 4 : i32
    %add3A_1278 = vector.broadcast %add3A_1277 : i32 to vector<16xi32>
    %add3A_1279 = arith.addi %mul3A_1260, %add3A_1278 : vector<16xi32>
    %gather3A_1280 = tpu.vector_load_idx %arg9[%add3A_1279] : memref<1024xf32, #tpu.memory_space<vmem>>[vector<16xi32>], vector<16xf32>,
    %add3A_1281 = arith.constant 5 : i32
    %add3A_1282 = vector.broadcast %add3A_1281 : i32 to vector<16xi32>
    %add3A_1283 = arith.addi %mul3A_1260, %add3A_1282 : vector<16xi32>
    %gather3A_1284 = tpu.vector_load_idx %arg9[%add3A_1283] : memref<1024xf32, #tpu.memory_space<vmem>>[vector<16xi32>], vector<16xf32>,
    %add3A_1285 = arith.constant 6 : i32
    %add3A_1286 = vector.broadcast %add3A_1285 : i32 to vector<16xi32>
    %add3A_1287 = arith.addi %mul3A_1260, %add3A_1286 : vector<16xi32>
    %gather3A_1288 = tpu.vector_load_idx %arg9[%add3A_1287] : memref<1024xf32, #tpu.memory_space<vmem>>[vector<16xi32>], vector<16xf32>,
    %add3A_1289 = arith.constant 7 : i32
    %add3A_1290 = vector.broadcast %add3A_1289 : i32 to vector<16xi32>
    %add3A_1291 = arith.addi %mul3A_1260, %add3A_1290 : vector<16xi32>
    %gather3A_1292 = tpu.vector_load_idx %arg9[%add3A_1291] : memref<1024xf32, #tpu.memory_space<vmem>>[vector<16xi32>], vector<16xf32>,
    %broadcast_in_dim3A_1293 = arith.constant 0xFF800000 : f32
    %broadcast_in_dim3A_1294 = vector.broadcast %broadcast_in_dim3A_1293 : f32 to vector<16xf32>
    %broadcast_in_dim3A_1295 = arith.constant 0 : i32
    %broadcast_in_dim3A_1296 = vector.broadcast %broadcast_in_dim3A_1295 : i32 to vector<16xi32>
    %gt3A_1297 = arith.cmpf ogt, %gather3A_1264, %broadcast_in_dim3A_1294 : vector<16xf32>
    %select_n3A_1298 = arith.select %gt3A_1297, %gather3A_1264, %broadcast_in_dim3A_1294 : vector<16xi1>, vector<16xf32>
    %jit3A_1299 = arith.constant 0 : i32
    %broadcast_in_dim3A_1300 = vector.broadcast %jit3A_1299 : i32 to vector<16xi32>
    %select_n3A_1301 = arith.select %gt3A_1297, %broadcast_in_dim3A_1300, %broadcast_in_dim3A_1296 : vector<16xi1>, vector<16xi32>
    %gt3A_1302 = arith.cmpf ogt, %gather3A_1268, %select_n3A_1298 : vector<16xf32>
    %select_n3A_1303 = arith.select %gt3A_1302, %gather3A_1268, %select_n3A_1298 : vector<16xi1>, vector<16xf32>
    %jit3A_1304 = arith.constant 1 : i32
    %broadcast_in_dim3A_1305 = vector.broadcast %jit3A_1304 : i32 to vector<16xi32>
    %select_n3A_1306 = arith.select %gt3A_1302, %broadcast_in_dim3A_1305, %select_n3A_1301 : vector<16xi1>, vector<16xi32>
    %gt3A_1307 = arith.cmpf ogt, %gather3A_1272, %select_n3A_1303 : vector<16xf32>
    %select_n3A_1308 = arith.select %gt3A_1307, %gather3A_1272, %select_n3A_1303 : vector<16xi1>, vector<16xf32>
    %jit3A_1309 = arith.constant 2 : i32
    %broadcast_in_dim3A_1310 = vector.broadcast %jit3A_1309 : i32 to vector<16xi32>
    %select_n3A_1311 = arith.select %gt3A_1307, %broadcast_in_dim3A_1310, %select_n3A_1306 : vector<16xi1>, vector<16xi32>
    %gt3A_1312 = arith.cmpf ogt, %gather3A_1276, %select_n3A_1308 : vector<16xf32>
    %select_n3A_1313 = arith.select %gt3A_1312, %gather3A_1276, %select_n3A_1308 : vector<16xi1>, vector<16xf32>
    %jit3A_1314 = arith.constant 3 : i32
    %broadcast_in_dim3A_1315 = vector.broadcast %jit3A_1314 : i32 to vector<16xi32>
    %select_n3A_1316 = arith.select %gt3A_1312, %broadcast_in_dim3A_1315, %select_n3A_1311 : vector<16xi1>, vector<16xi32>
    %gt3A_1317 = arith.cmpf ogt, %gather3A_1280, %select_n3A_1313 : vector<16xf32>
    %select_n3A_1318 = arith.select %gt3A_1317, %gather3A_1280, %select_n3A_1313 : vector<16xi1>, vector<16xf32>
    %jit3A_1319 = arith.constant 4 : i32
    %broadcast_in_dim3A_1320 = vector.broadcast %jit3A_1319 : i32 to vector<16xi32>
    %select_n3A_1321 = arith.select %gt3A_1317, %broadcast_in_dim3A_1320, %select_n3A_1316 : vector<16xi1>, vector<16xi32>
    %gt3A_1322 = arith.cmpf ogt, %gather3A_1284, %select_n3A_1318 : vector<16xf32>
    %select_n3A_1323 = arith.select %gt3A_1322, %gather3A_1284, %select_n3A_1318 : vector<16xi1>, vector<16xf32>
    %jit3A_1324 = arith.constant 5 : i32
    %broadcast_in_dim3A_1325 = vector.broadcast %jit3A_1324 : i32 to vector<16xi32>
    %select_n3A_1326 = arith.select %gt3A_1322, %broadcast_in_dim3A_1325, %select_n3A_1321 : vector<16xi1>, vector<16xi32>
    %gt3A_1327 = arith.cmpf ogt, %gather3A_1288, %select_n3A_1323 : vector<16xf32>
    %select_n3A_1328 = arith.select %gt3A_1327, %gather3A_1288, %select_n3A_1323 : vector<16xi1>, vector<16xf32>
    %jit3A_1329 = arith.constant 6 : i32
    %broadcast_in_dim3A_1330 = vector.broadcast %jit3A_1329 : i32 to vector<16xi32>
    %select_n3A_1331 = arith.select %gt3A_1327, %broadcast_in_dim3A_1330, %select_n3A_1326 : vector<16xi1>, vector<16xi32>
    %gt3A_1332 = arith.cmpf ogt, %gather3A_1292, %select_n3A_1328 : vector<16xf32>
    %select_n3A_1333 = arith.select %gt3A_1332, %gather3A_1292, %select_n3A_1328 : vector<16xi1>, vector<16xf32>
    %jit3A_1334 = arith.constant 7 : i32
    %broadcast_in_dim3A_1335 = vector.broadcast %jit3A_1334 : i32 to vector<16xi32>
    %select_n3A_1336 = arith.select %gt3A_1332, %broadcast_in_dim3A_1335, %select_n3A_1331 : vector<16xi1>, vector<16xi32>
    %broadcast_in_dim3A_1337 = arith.constant 0xFF800000 : f32
    %broadcast_in_dim3A_1338 = vector.broadcast %broadcast_in_dim3A_1337 : f32 to vector<16xf32>
    %broadcast_in_dim3A_1339 = arith.constant 0 : i32
    %broadcast_in_dim3A_1340 = vector.broadcast %broadcast_in_dim3A_1339 : i32 to vector<16xi32>
    %eq3A_1341 = arith.constant 0 : i32
    %eq3A_1342 = vector.broadcast %eq3A_1341 : i32 to vector<16xi32>
    %eq3A_1343 = arith.cmpi eq, %select_n3A_1336, %eq3A_1342 : vector<16xi32>
    %jit3A_1344 = arith.constant 0xFF800000 : f32
    %broadcast_in_dim3A_1345 = vector.broadcast %jit3A_1344 : f32 to vector<16xf32>
    %select_n3A_1346 = arith.select %eq3A_1343, %broadcast_in_dim3A_1345, %gather3A_1264 : vector<16xi1>, vector<16xf32>
    %gt3A_1347 = arith.cmpf ogt, %select_n3A_1346, %broadcast_in_dim3A_1338 : vector<16xf32>
    %select_n3A_1348 = arith.select %gt3A_1347, %select_n3A_1346, %broadcast_in_dim3A_1338 : vector<16xi1>, vector<16xf32>
    %jit3A_1349 = arith.constant 0 : i32
    %broadcast_in_dim3A_1350 = vector.broadcast %jit3A_1349 : i32 to vector<16xi32>
    %select_n3A_1351 = arith.select %gt3A_1347, %broadcast_in_dim3A_1350, %broadcast_in_dim3A_1340 : vector<16xi1>, vector<16xi32>
    %eq3A_1352 = arith.constant 1 : i32
    %eq3A_1353 = vector.broadcast %eq3A_1352 : i32 to vector<16xi32>
    %eq3A_1354 = arith.cmpi eq, %select_n3A_1336, %eq3A_1353 : vector<16xi32>
    %jit3A_1355 = arith.constant 0xFF800000 : f32
    %broadcast_in_dim3A_1356 = vector.broadcast %jit3A_1355 : f32 to vector<16xf32>
    %select_n3A_1357 = arith.select %eq3A_1354, %broadcast_in_dim3A_1356, %gather3A_1268 : vector<16xi1>, vector<16xf32>
    %gt3A_1358 = arith.cmpf ogt, %select_n3A_1357, %select_n3A_1348 : vector<16xf32>
    %select_n3A_1359 = arith.select %gt3A_1358, %select_n3A_1357, %select_n3A_1348 : vector<16xi1>, vector<16xf32>
    %jit3A_1360 = arith.constant 1 : i32
    %broadcast_in_dim3A_1361 = vector.broadcast %jit3A_1360 : i32 to vector<16xi32>
    %select_n3A_1362 = arith.select %gt3A_1358, %broadcast_in_dim3A_1361, %select_n3A_1351 : vector<16xi1>, vector<16xi32>
    %eq3A_1363 = arith.constant 2 : i32
    %eq3A_1364 = vector.broadcast %eq3A_1363 : i32 to vector<16xi32>
    %eq3A_1365 = arith.cmpi eq, %select_n3A_1336, %eq3A_1364 : vector<16xi32>
    %jit3A_1366 = arith.constant 0xFF800000 : f32
    %broadcast_in_dim3A_1367 = vector.broadcast %jit3A_1366 : f32 to vector<16xf32>
    %select_n3A_1368 = arith.select %eq3A_1365, %broadcast_in_dim3A_1367, %gather3A_1272 : vector<16xi1>, vector<16xf32>
    %gt3A_1369 = arith.cmpf ogt, %select_n3A_1368, %select_n3A_1359 : vector<16xf32>
    %select_n3A_1370 = arith.select %gt3A_1369, %select_n3A_1368, %select_n3A_1359 : vector<16xi1>, vector<16xf32>
    %jit3A_1371 = arith.constant 2 : i32
    %broadcast_in_dim3A_1372 = vector.broadcast %jit3A_1371 : i32 to vector<16xi32>
    %select_n3A_1373 = arith.select %gt3A_1369, %broadcast_in_dim3A_1372, %select_n3A_1362 : vector<16xi1>, vector<16xi32>
    %eq3A_1374 = arith.constant 3 : i32
    %eq3A_1375 = vector.broadcast %eq3A_1374 : i32 to vector<16xi32>
    %eq3A_1376 = arith.cmpi eq, %select_n3A_1336, %eq3A_1375 : vector<16xi32>
    %jit3A_1377 = arith.constant 0xFF800000 : f32
    %broadcast_in_dim3A_1378 = vector.broadcast %jit3A_1377 : f32 to vector<16xf32>
    %select_n3A_1379 = arith.select %eq3A_1376, %broadcast_in_dim3A_1378, %gather3A_1276 : vector<16xi1>, vector<16xf32>
    %gt3A_1380 = arith.cmpf ogt, %select_n3A_1379, %select_n3A_1370 : vector<16xf32>
    %select_n3A_1381 = arith.select %gt3A_1380, %select_n3A_1379, %select_n3A_1370 : vector<16xi1>, vector<16xf32>
    %jit3A_1382 = arith.constant 3 : i32
    %broadcast_in_dim3A_1383 = vector.broadcast %jit3A_1382 : i32 to vector<16xi32>
    %select_n3A_1384 = arith.select %gt3A_1380, %broadcast_in_dim3A_1383, %select_n3A_1373 : vector<16xi1>, vector<16xi32>
    %eq3A_1385 = arith.constant 4 : i32
    %eq3A_1386 = vector.broadcast %eq3A_1385 : i32 to vector<16xi32>
    %eq3A_1387 = arith.cmpi eq, %select_n3A_1336, %eq3A_1386 : vector<16xi32>
    %jit3A_1388 = arith.constant 0xFF800000 : f32
    %broadcast_in_dim3A_1389 = vector.broadcast %jit3A_1388 : f32 to vector<16xf32>
    %select_n3A_1390 = arith.select %eq3A_1387, %broadcast_in_dim3A_1389, %gather3A_1280 : vector<16xi1>, vector<16xf32>
    %gt3A_1391 = arith.cmpf ogt, %select_n3A_1390, %select_n3A_1381 : vector<16xf32>
    %select_n3A_1392 = arith.select %gt3A_1391, %select_n3A_1390, %select_n3A_1381 : vector<16xi1>, vector<16xf32>
    %jit3A_1393 = arith.constant 4 : i32
    %broadcast_in_dim3A_1394 = vector.broadcast %jit3A_1393 : i32 to vector<16xi32>
    %select_n3A_1395 = arith.select %gt3A_1391, %broadcast_in_dim3A_1394, %select_n3A_1384 : vector<16xi1>, vector<16xi32>
    %eq3A_1396 = arith.constant 5 : i32
    %eq3A_1397 = vector.broadcast %eq3A_1396 : i32 to vector<16xi32>
    %eq3A_1398 = arith.cmpi eq, %select_n3A_1336, %eq3A_1397 : vector<16xi32>
    %jit3A_1399 = arith.constant 0xFF800000 : f32
    %broadcast_in_dim3A_1400 = vector.broadcast %jit3A_1399 : f32 to vector<16xf32>
    %select_n3A_1401 = arith.select %eq3A_1398, %broadcast_in_dim3A_1400, %gather3A_1284 : vector<16xi1>, vector<16xf32>
    %gt3A_1402 = arith.cmpf ogt, %select_n3A_1401, %select_n3A_1392 : vector<16xf32>
    %select_n3A_1403 = arith.select %gt3A_1402, %select_n3A_1401, %select_n3A_1392 : vector<16xi1>, vector<16xf32>
    %jit3A_1404 = arith.constant 5 : i32
    %broadcast_in_dim3A_1405 = vector.broadcast %jit3A_1404 : i32 to vector<16xi32>
    %select_n3A_1406 = arith.select %gt3A_1402, %broadcast_in_dim3A_1405, %select_n3A_1395 : vector<16xi1>, vector<16xi32>
    %eq3A_1407 = arith.constant 6 : i32
    %eq3A_1408 = vector.broadcast %eq3A_1407 : i32 to vector<16xi32>
    %eq3A_1409 = arith.cmpi eq, %select_n3A_1336, %eq3A_1408 : vector<16xi32>
    %jit3A_1410 = arith.constant 0xFF800000 : f32
    %broadcast_in_dim3A_1411 = vector.broadcast %jit3A_1410 : f32 to vector<16xf32>
    %select_n3A_1412 = arith.select %eq3A_1409, %broadcast_in_dim3A_1411, %gather3A_1288 : vector<16xi1>, vector<16xf32>
    %gt3A_1413 = arith.cmpf ogt, %select_n3A_1412, %select_n3A_1403 : vector<16xf32>
    %select_n3A_1414 = arith.select %gt3A_1413, %select_n3A_1412, %select_n3A_1403 : vector<16xi1>, vector<16xf32>
    %jit3A_1415 = arith.constant 6 : i32
    %broadcast_in_dim3A_1416 = vector.broadcast %jit3A_1415 : i32 to vector<16xi32>
    %select_n3A_1417 = arith.select %gt3A_1413, %broadcast_in_dim3A_1416, %select_n3A_1406 : vector<16xi1>, vector<16xi32>
    %eq3A_1418 = arith.constant 7 : i32
    %eq3A_1419 = vector.broadcast %eq3A_1418 : i32 to vector<16xi32>
    %eq3A_1420 = arith.cmpi eq, %select_n3A_1336, %eq3A_1419 : vector<16xi32>
    %jit3A_1421 = arith.constant 0xFF800000 : f32
    %broadcast_in_dim3A_1422 = vector.broadcast %jit3A_1421 : f32 to vector<16xf32>
    %select_n3A_1423 = arith.select %eq3A_1420, %broadcast_in_dim3A_1422, %gather3A_1292 : vector<16xi1>, vector<16xf32>
    %gt3A_1424 = arith.cmpf ogt, %select_n3A_1423, %select_n3A_1414 : vector<16xf32>
    %select_n3A_1425 = arith.select %gt3A_1424, %select_n3A_1423, %select_n3A_1414 : vector<16xi1>, vector<16xf32>
    %jit3A_1426 = arith.constant 7 : i32
    %broadcast_in_dim3A_1427 = vector.broadcast %jit3A_1426 : i32 to vector<16xi32>
    %select_n3A_1428 = arith.select %gt3A_1424, %broadcast_in_dim3A_1427, %select_n3A_1417 : vector<16xi1>, vector<16xi32>
    %sub3A_1429 = arith.subf %select_n3A_1425, %select_n3A_1333 : vector<16xf32>
    %exp3A_1430 = math.exp %sub3A_1429 : vector<16xf32>
    %add3A_1431 = arith.constant 1.000000e+00 : f32
    %add3A_1432 = vector.broadcast %add3A_1431 : f32 to vector<16xf32>
    %add3A_1433 = arith.addf %add3A_1432, %exp3A_1430 : vector<16xf32>
    %div3A_1434 = arith.constant 1.000000e+00 : f32
    %div3A_1435 = vector.broadcast %div3A_1434 : f32 to vector<16xf32>
    %div3A_1436 = arith.divf %div3A_1435, %add3A_1433 : vector<16xf32>
    %sub3A_1437 = arith.constant 1.000000e+00 : f32
    %sub3A_1438 = vector.broadcast %sub3A_1437 : f32 to vector<16xf32>
    %sub3A_1439 = arith.subf %sub3A_1438, %div3A_1436 : vector<16xf32>
    %broadcast_in_dim3A_1440 = arith.constant 0 : i32
    %broadcast_in_dim3A_1441 = vector.broadcast %broadcast_in_dim3A_1440 : i32 to vector<16xi32>
    %broadcast_in_dim3A_1442 = arith.constant 0 : i32
    %broadcast_in_dim3A_1443 = vector.broadcast %broadcast_in_dim3A_1442 : i32 to vector<16xi32>
    %eq3A_1444 = arith.constant 0 : i32
    %eq3A_1445 = vector.broadcast %eq3A_1444 : i32 to vector<16xi32>
    %eq3A_1446 = arith.cmpi eq, %select_n3A_1336, %eq3A_1445 : vector<16xi32>
    %eq3A_1447 = arith.constant 0 : i32
    %eq3A_1448 = vector.broadcast %eq3A_1447 : i32 to vector<16xi32>
    %eq3A_1449 = arith.cmpi eq, %select_n3A_1428, %eq3A_1448 : vector<16xi32>
    %or3A_1450 = arith.ori %eq3A_1446, %eq3A_1449 : vector<16xi1>
    %convert_element_type3A_1451 = arith.extui %or3A_1450 : vector<16xi1> to vector<16xi32>
    %broadcast_in_dim3A_1452 = arith.constant true
    %broadcast_in_dim3A_1453 = vector.broadcast %broadcast_in_dim3A_1452 : i1 to vector<16xi1>
    %masked_cumsum3A_1454 = tpu.scan <sum>, %convert_element_type3A_1451 masked %broadcast_in_dim3A_1453 : vector<16xi32>, vector<16xi1> -> vector<16xi32>
    %sub3A_1455 = arith.subi %masked_cumsum3A_1454, %convert_element_type3A_1451 : vector<16xi32>
    %add3A_1456 = vector.broadcast %add3A_1053 : i32 to vector<16xi32>
    %add3A_1457 = arith.addi %add3A_1456, %sub3A_1455 : vector<16xi32>
    %eq3A_1458 = arith.constant 0 : i32
    %eq3A_1459 = vector.broadcast %eq3A_1458 : i32 to vector<16xi32>
    %eq3A_1460 = arith.cmpi eq, %select_n3A_1336, %eq3A_1459 : vector<16xi32>
    %select_n3A_1461 = arith.select %eq3A_1460, %add3A_1457, %broadcast_in_dim3A_1441 : vector<16xi1>, vector<16xi32>
    %eq3A_1462 = arith.constant 0 : i32
    %eq3A_1463 = vector.broadcast %eq3A_1462 : i32 to vector<16xi32>
    %eq3A_1464 = arith.cmpi eq, %select_n3A_1428, %eq3A_1463 : vector<16xi32>
    %select_n3A_1465 = arith.select %eq3A_1464, %add3A_1457, %broadcast_in_dim3A_1443 : vector<16xi1>, vector<16xi32>
    %reduce_sum3A_1466 = arith.constant true
    %reduce_sum3A_1467 = vector.broadcast %reduce_sum3A_1466 : i1 to vector<16xi1>
    %reduce_sum3A_1468 = tpu.scan <sum>, %convert_element_type3A_1451 masked %reduce_sum3A_1467 : vector<16xi32>, vector<16xi1> -> vector<16xi32>
    %reduce_sum3A_1469 = vector.extract %reduce_sum3A_1468[15] : i32 from vector<16xi32>
    %add3A_1470 = arith.addi %add3A_1053, %reduce_sum3A_1469 : i32
    %eq3A_1471 = arith.constant 1 : i32
    %eq3A_1472 = vector.broadcast %eq3A_1471 : i32 to vector<16xi32>
    %eq3A_1473 = arith.cmpi eq, %select_n3A_1336, %eq3A_1472 : vector<16xi32>
    %eq3A_1474 = arith.constant 1 : i32
    %eq3A_1475 = vector.broadcast %eq3A_1474 : i32 to vector<16xi32>
    %eq3A_1476 = arith.cmpi eq, %select_n3A_1428, %eq3A_1475 : vector<16xi32>
    %or3A_1477 = arith.ori %eq3A_1473, %eq3A_1476 : vector<16xi1>
    %convert_element_type3A_1478 = arith.extui %or3A_1477 : vector<16xi1> to vector<16xi32>
    %broadcast_in_dim3A_1479 = arith.constant true
    %broadcast_in_dim3A_1480 = vector.broadcast %broadcast_in_dim3A_1479 : i1 to vector<16xi1>
    %masked_cumsum3A_1481 = tpu.scan <sum>, %convert_element_type3A_1478 masked %broadcast_in_dim3A_1480 : vector<16xi32>, vector<16xi1> -> vector<16xi32>
    %sub3A_1482 = arith.subi %masked_cumsum3A_1481, %convert_element_type3A_1478 : vector<16xi32>
    %add3A_1483 = vector.broadcast %add3A_1080 : i32 to vector<16xi32>
    %add3A_1484 = arith.addi %add3A_1483, %sub3A_1482 : vector<16xi32>
    %eq3A_1485 = arith.constant 1 : i32
    %eq3A_1486 = vector.broadcast %eq3A_1485 : i32 to vector<16xi32>
    %eq3A_1487 = arith.cmpi eq, %select_n3A_1336, %eq3A_1486 : vector<16xi32>
    %select_n3A_1488 = arith.select %eq3A_1487, %add3A_1484, %select_n3A_1461 : vector<16xi1>, vector<16xi32>
    %eq3A_1489 = arith.constant 1 : i32
    %eq3A_1490 = vector.broadcast %eq3A_1489 : i32 to vector<16xi32>
    %eq3A_1491 = arith.cmpi eq, %select_n3A_1428, %eq3A_1490 : vector<16xi32>
    %select_n3A_1492 = arith.select %eq3A_1491, %add3A_1484, %select_n3A_1465 : vector<16xi1>, vector<16xi32>
    %reduce_sum3A_1493 = arith.constant true
    %reduce_sum3A_1494 = vector.broadcast %reduce_sum3A_1493 : i1 to vector<16xi1>
    %reduce_sum3A_1495 = tpu.scan <sum>, %convert_element_type3A_1478 masked %reduce_sum3A_1494 : vector<16xi32>, vector<16xi1> -> vector<16xi32>
    %reduce_sum3A_1496 = vector.extract %reduce_sum3A_1495[15] : i32 from vector<16xi32>
    %add3A_1497 = arith.addi %add3A_1080, %reduce_sum3A_1496 : i32
    %eq3A_1498 = arith.constant 2 : i32
    %eq3A_1499 = vector.broadcast %eq3A_1498 : i32 to vector<16xi32>
    %eq3A_1500 = arith.cmpi eq, %select_n3A_1336, %eq3A_1499 : vector<16xi32>
    %eq3A_1501 = arith.constant 2 : i32
    %eq3A_1502 = vector.broadcast %eq3A_1501 : i32 to vector<16xi32>
    %eq3A_1503 = arith.cmpi eq, %select_n3A_1428, %eq3A_1502 : vector<16xi32>
    %or3A_1504 = arith.ori %eq3A_1500, %eq3A_1503 : vector<16xi1>
    %convert_element_type3A_1505 = arith.extui %or3A_1504 : vector<16xi1> to vector<16xi32>
    %broadcast_in_dim3A_1506 = arith.constant true
    %broadcast_in_dim3A_1507 = vector.broadcast %broadcast_in_dim3A_1506 : i1 to vector<16xi1>
    %masked_cumsum3A_1508 = tpu.scan <sum>, %convert_element_type3A_1505 masked %broadcast_in_dim3A_1507 : vector<16xi32>, vector<16xi1> -> vector<16xi32>
    %sub3A_1509 = arith.subi %masked_cumsum3A_1508, %convert_element_type3A_1505 : vector<16xi32>
    %add3A_1510 = vector.broadcast %add3A_1107 : i32 to vector<16xi32>
    %add3A_1511 = arith.addi %add3A_1510, %sub3A_1509 : vector<16xi32>
    %eq3A_1512 = arith.constant 2 : i32
    %eq3A_1513 = vector.broadcast %eq3A_1512 : i32 to vector<16xi32>
    %eq3A_1514 = arith.cmpi eq, %select_n3A_1336, %eq3A_1513 : vector<16xi32>
    %select_n3A_1515 = arith.select %eq3A_1514, %add3A_1511, %select_n3A_1488 : vector<16xi1>, vector<16xi32>
    %eq3A_1516 = arith.constant 2 : i32
    %eq3A_1517 = vector.broadcast %eq3A_1516 : i32 to vector<16xi32>
    %eq3A_1518 = arith.cmpi eq, %select_n3A_1428, %eq3A_1517 : vector<16xi32>
    %select_n3A_1519 = arith.select %eq3A_1518, %add3A_1511, %select_n3A_1492 : vector<16xi1>, vector<16xi32>
    %reduce_sum3A_1520 = arith.constant true
    %reduce_sum3A_1521 = vector.broadcast %reduce_sum3A_1520 : i1 to vector<16xi1>
    %reduce_sum3A_1522 = tpu.scan <sum>, %convert_element_type3A_1505 masked %reduce_sum3A_1521 : vector<16xi32>, vector<16xi1> -> vector<16xi32>
    %reduce_sum3A_1523 = vector.extract %reduce_sum3A_1522[15] : i32 from vector<16xi32>
    %add3A_1524 = arith.addi %add3A_1107, %reduce_sum3A_1523 : i32
    %eq3A_1525 = arith.constant 3 : i32
    %eq3A_1526 = vector.broadcast %eq3A_1525 : i32 to vector<16xi32>
    %eq3A_1527 = arith.cmpi eq, %select_n3A_1336, %eq3A_1526 : vector<16xi32>
    %eq3A_1528 = arith.constant 3 : i32
    %eq3A_1529 = vector.broadcast %eq3A_1528 : i32 to vector<16xi32>
    %eq3A_1530 = arith.cmpi eq, %select_n3A_1428, %eq3A_1529 : vector<16xi32>
    %or3A_1531 = arith.ori %eq3A_1527, %eq3A_1530 : vector<16xi1>
    %convert_element_type3A_1532 = arith.extui %or3A_1531 : vector<16xi1> to vector<16xi32>
    %broadcast_in_dim3A_1533 = arith.constant true
    %broadcast_in_dim3A_1534 = vector.broadcast %broadcast_in_dim3A_1533 : i1 to vector<16xi1>
    %masked_cumsum3A_1535 = tpu.scan <sum>, %convert_element_type3A_1532 masked %broadcast_in_dim3A_1534 : vector<16xi32>, vector<16xi1> -> vector<16xi32>
    %sub3A_1536 = arith.subi %masked_cumsum3A_1535, %convert_element_type3A_1532 : vector<16xi32>
    %add3A_1537 = vector.broadcast %add3A_1134 : i32 to vector<16xi32>
    %add3A_1538 = arith.addi %add3A_1537, %sub3A_1536 : vector<16xi32>
    %eq3A_1539 = arith.constant 3 : i32
    %eq3A_1540 = vector.broadcast %eq3A_1539 : i32 to vector<16xi32>
    %eq3A_1541 = arith.cmpi eq, %select_n3A_1336, %eq3A_1540 : vector<16xi32>
    %select_n3A_1542 = arith.select %eq3A_1541, %add3A_1538, %select_n3A_1515 : vector<16xi1>, vector<16xi32>
    %eq3A_1543 = arith.constant 3 : i32
    %eq3A_1544 = vector.broadcast %eq3A_1543 : i32 to vector<16xi32>
    %eq3A_1545 = arith.cmpi eq, %select_n3A_1428, %eq3A_1544 : vector<16xi32>
    %select_n3A_1546 = arith.select %eq3A_1545, %add3A_1538, %select_n3A_1519 : vector<16xi1>, vector<16xi32>
    %reduce_sum3A_1547 = arith.constant true
    %reduce_sum3A_1548 = vector.broadcast %reduce_sum3A_1547 : i1 to vector<16xi1>
    %reduce_sum3A_1549 = tpu.scan <sum>, %convert_element_type3A_1532 masked %reduce_sum3A_1548 : vector<16xi32>, vector<16xi1> -> vector<16xi32>
    %reduce_sum3A_1550 = vector.extract %reduce_sum3A_1549[15] : i32 from vector<16xi32>
    %add3A_1551 = arith.addi %add3A_1134, %reduce_sum3A_1550 : i32
    %eq3A_1552 = arith.constant 4 : i32
    %eq3A_1553 = vector.broadcast %eq3A_1552 : i32 to vector<16xi32>
    %eq3A_1554 = arith.cmpi eq, %select_n3A_1336, %eq3A_1553 : vector<16xi32>
    %eq3A_1555 = arith.constant 4 : i32
    %eq3A_1556 = vector.broadcast %eq3A_1555 : i32 to vector<16xi32>
    %eq3A_1557 = arith.cmpi eq, %select_n3A_1428, %eq3A_1556 : vector<16xi32>
    %or3A_1558 = arith.ori %eq3A_1554, %eq3A_1557 : vector<16xi1>
    %convert_element_type3A_1559 = arith.extui %or3A_1558 : vector<16xi1> to vector<16xi32>
    %broadcast_in_dim3A_1560 = arith.constant true
    %broadcast_in_dim3A_1561 = vector.broadcast %broadcast_in_dim3A_1560 : i1 to vector<16xi1>
    %masked_cumsum3A_1562 = tpu.scan <sum>, %convert_element_type3A_1559 masked %broadcast_in_dim3A_1561 : vector<16xi32>, vector<16xi1> -> vector<16xi32>
    %sub3A_1563 = arith.subi %masked_cumsum3A_1562, %convert_element_type3A_1559 : vector<16xi32>
    %add3A_1564 = vector.broadcast %add3A_1161 : i32 to vector<16xi32>
    %add3A_1565 = arith.addi %add3A_1564, %sub3A_1563 : vector<16xi32>
    %eq3A_1566 = arith.constant 4 : i32
    %eq3A_1567 = vector.broadcast %eq3A_1566 : i32 to vector<16xi32>
    %eq3A_1568 = arith.cmpi eq, %select_n3A_1336, %eq3A_1567 : vector<16xi32>
    %select_n3A_1569 = arith.select %eq3A_1568, %add3A_1565, %select_n3A_1542 : vector<16xi1>, vector<16xi32>
    %eq3A_1570 = arith.constant 4 : i32
    %eq3A_1571 = vector.broadcast %eq3A_1570 : i32 to vector<16xi32>
    %eq3A_1572 = arith.cmpi eq, %select_n3A_1428, %eq3A_1571 : vector<16xi32>
    %select_n3A_1573 = arith.select %eq3A_1572, %add3A_1565, %select_n3A_1546 : vector<16xi1>, vector<16xi32>
    %reduce_sum3A_1574 = arith.constant true
    %reduce_sum3A_1575 = vector.broadcast %reduce_sum3A_1574 : i1 to vector<16xi1>
    %reduce_sum3A_1576 = tpu.scan <sum>, %convert_element_type3A_1559 masked %reduce_sum3A_1575 : vector<16xi32>, vector<16xi1> -> vector<16xi32>
    %reduce_sum3A_1577 = vector.extract %reduce_sum3A_1576[15] : i32 from vector<16xi32>
    %add3A_1578 = arith.addi %add3A_1161, %reduce_sum3A_1577 : i32
    %eq3A_1579 = arith.constant 5 : i32
    %eq3A_1580 = vector.broadcast %eq3A_1579 : i32 to vector<16xi32>
    %eq3A_1581 = arith.cmpi eq, %select_n3A_1336, %eq3A_1580 : vector<16xi32>
    %eq3A_1582 = arith.constant 5 : i32
    %eq3A_1583 = vector.broadcast %eq3A_1582 : i32 to vector<16xi32>
    %eq3A_1584 = arith.cmpi eq, %select_n3A_1428, %eq3A_1583 : vector<16xi32>
    %or3A_1585 = arith.ori %eq3A_1581, %eq3A_1584 : vector<16xi1>
    %convert_element_type3A_1586 = arith.extui %or3A_1585 : vector<16xi1> to vector<16xi32>
    %broadcast_in_dim3A_1587 = arith.constant true
    %broadcast_in_dim3A_1588 = vector.broadcast %broadcast_in_dim3A_1587 : i1 to vector<16xi1>
    %masked_cumsum3A_1589 = tpu.scan <sum>, %convert_element_type3A_1586 masked %broadcast_in_dim3A_1588 : vector<16xi32>, vector<16xi1> -> vector<16xi32>
    %sub3A_1590 = arith.subi %masked_cumsum3A_1589, %convert_element_type3A_1586 : vector<16xi32>
    %add3A_1591 = vector.broadcast %add3A_1188 : i32 to vector<16xi32>
    %add3A_1592 = arith.addi %add3A_1591, %sub3A_1590 : vector<16xi32>
    %eq3A_1593 = arith.constant 5 : i32
    %eq3A_1594 = vector.broadcast %eq3A_1593 : i32 to vector<16xi32>
    %eq3A_1595 = arith.cmpi eq, %select_n3A_1336, %eq3A_1594 : vector<16xi32>
    %select_n3A_1596 = arith.select %eq3A_1595, %add3A_1592, %select_n3A_1569 : vector<16xi1>, vector<16xi32>
    %eq3A_1597 = arith.constant 5 : i32
    %eq3A_1598 = vector.broadcast %eq3A_1597 : i32 to vector<16xi32>
    %eq3A_1599 = arith.cmpi eq, %select_n3A_1428, %eq3A_1598 : vector<16xi32>
    %select_n3A_1600 = arith.select %eq3A_1599, %add3A_1592, %select_n3A_1573 : vector<16xi1>, vector<16xi32>
    %reduce_sum3A_1601 = arith.constant true
    %reduce_sum3A_1602 = vector.broadcast %reduce_sum3A_1601 : i1 to vector<16xi1>
    %reduce_sum3A_1603 = tpu.scan <sum>, %convert_element_type3A_1586 masked %reduce_sum3A_1602 : vector<16xi32>, vector<16xi1> -> vector<16xi32>
    %reduce_sum3A_1604 = vector.extract %reduce_sum3A_1603[15] : i32 from vector<16xi32>
    %add3A_1605 = arith.addi %add3A_1188, %reduce_sum3A_1604 : i32
    %eq3A_1606 = arith.constant 6 : i32
    %eq3A_1607 = vector.broadcast %eq3A_1606 : i32 to vector<16xi32>
    %eq3A_1608 = arith.cmpi eq, %select_n3A_1336, %eq3A_1607 : vector<16xi32>
    %eq3A_1609 = arith.constant 6 : i32
    %eq3A_1610 = vector.broadcast %eq3A_1609 : i32 to vector<16xi32>
    %eq3A_1611 = arith.cmpi eq, %select_n3A_1428, %eq3A_1610 : vector<16xi32>
    %or3A_1612 = arith.ori %eq3A_1608, %eq3A_1611 : vector<16xi1>
    %convert_element_type3A_1613 = arith.extui %or3A_1612 : vector<16xi1> to vector<16xi32>
    %broadcast_in_dim3A_1614 = arith.constant true
    %broadcast_in_dim3A_1615 = vector.broadcast %broadcast_in_dim3A_1614 : i1 to vector<16xi1>
    %masked_cumsum3A_1616 = tpu.scan <sum>, %convert_element_type3A_1613 masked %broadcast_in_dim3A_1615 : vector<16xi32>, vector<16xi1> -> vector<16xi32>
    %sub3A_1617 = arith.subi %masked_cumsum3A_1616, %convert_element_type3A_1613 : vector<16xi32>
    %add3A_1618 = vector.broadcast %add3A_1215 : i32 to vector<16xi32>
    %add3A_1619 = arith.addi %add3A_1618, %sub3A_1617 : vector<16xi32>
    %eq3A_1620 = arith.constant 6 : i32
    %eq3A_1621 = vector.broadcast %eq3A_1620 : i32 to vector<16xi32>
    %eq3A_1622 = arith.cmpi eq, %select_n3A_1336, %eq3A_1621 : vector<16xi32>
    %select_n3A_1623 = arith.select %eq3A_1622, %add3A_1619, %select_n3A_1596 : vector<16xi1>, vector<16xi32>
    %eq3A_1624 = arith.constant 6 : i32
    %eq3A_1625 = vector.broadcast %eq3A_1624 : i32 to vector<16xi32>
    %eq3A_1626 = arith.cmpi eq, %select_n3A_1428, %eq3A_1625 : vector<16xi32>
    %select_n3A_1627 = arith.select %eq3A_1626, %add3A_1619, %select_n3A_1600 : vector<16xi1>, vector<16xi32>
    %reduce_sum3A_1628 = arith.constant true
    %reduce_sum3A_1629 = vector.broadcast %reduce_sum3A_1628 : i1 to vector<16xi1>
    %reduce_sum3A_1630 = tpu.scan <sum>, %convert_element_type3A_1613 masked %reduce_sum3A_1629 : vector<16xi32>, vector<16xi1> -> vector<16xi32>
    %reduce_sum3A_1631 = vector.extract %reduce_sum3A_1630[15] : i32 from vector<16xi32>
    %add3A_1632 = arith.addi %add3A_1215, %reduce_sum3A_1631 : i32
    %eq3A_1633 = arith.constant 7 : i32
    %eq3A_1634 = vector.broadcast %eq3A_1633 : i32 to vector<16xi32>
    %eq3A_1635 = arith.cmpi eq, %select_n3A_1336, %eq3A_1634 : vector<16xi32>
    %eq3A_1636 = arith.constant 7 : i32
    %eq3A_1637 = vector.broadcast %eq3A_1636 : i32 to vector<16xi32>
    %eq3A_1638 = arith.cmpi eq, %select_n3A_1428, %eq3A_1637 : vector<16xi32>
    %or3A_1639 = arith.ori %eq3A_1635, %eq3A_1638 : vector<16xi1>
    %convert_element_type3A_1640 = arith.extui %or3A_1639 : vector<16xi1> to vector<16xi32>
    %broadcast_in_dim3A_1641 = arith.constant true
    %broadcast_in_dim3A_1642 = vector.broadcast %broadcast_in_dim3A_1641 : i1 to vector<16xi1>
    %masked_cumsum3A_1643 = tpu.scan <sum>, %convert_element_type3A_1640 masked %broadcast_in_dim3A_1642 : vector<16xi32>, vector<16xi1> -> vector<16xi32>
    %sub3A_1644 = arith.subi %masked_cumsum3A_1643, %convert_element_type3A_1640 : vector<16xi32>
    %add3A_1645 = vector.broadcast %add3A_1242 : i32 to vector<16xi32>
    %add3A_1646 = arith.addi %add3A_1645, %sub3A_1644 : vector<16xi32>
    %eq3A_1647 = arith.constant 7 : i32
    %eq3A_1648 = vector.broadcast %eq3A_1647 : i32 to vector<16xi32>
    %eq3A_1649 = arith.cmpi eq, %select_n3A_1336, %eq3A_1648 : vector<16xi32>
    %select_n3A_1650 = arith.select %eq3A_1649, %add3A_1646, %select_n3A_1623 : vector<16xi1>, vector<16xi32>
    %eq3A_1651 = arith.constant 7 : i32
    %eq3A_1652 = vector.broadcast %eq3A_1651 : i32 to vector<16xi32>
    %eq3A_1653 = arith.cmpi eq, %select_n3A_1428, %eq3A_1652 : vector<16xi32>
    %select_n3A_1654 = arith.select %eq3A_1653, %add3A_1646, %select_n3A_1627 : vector<16xi1>, vector<16xi32>
    %reduce_sum3A_1655 = arith.constant true
    %reduce_sum3A_1656 = vector.broadcast %reduce_sum3A_1655 : i1 to vector<16xi1>
    %reduce_sum3A_1657 = tpu.scan <sum>, %convert_element_type3A_1640 masked %reduce_sum3A_1656 : vector<16xi32>, vector<16xi1> -> vector<16xi32>
    %reduce_sum3A_1658 = vector.extract %reduce_sum3A_1657[15] : i32 from vector<16xi32>
    %add3A_1659 = arith.addi %add3A_1242, %reduce_sum3A_1658 : i32
    %swap3A_1660 = arith.constant 48 : index
    %swap3A_1661 = tpu.vector_load %arg10[%swap3A_1660] {strides = array<i32>} : memref<128xi32, #tpu.memory_space<vmem>>, vector<16xi32>,
    tpu.vector_store %arg10[%swap3A_1660], %select_n3A_1336 {strides = array<i32>} : memref<128xi32, #tpu.memory_space<vmem>>, vector<16xi32>,
    %swap3A_1662 = arith.constant 48 : index
    %swap3A_1663 = tpu.vector_load %arg11[%swap3A_1662] {strides = array<i32>} : memref<128xi32, #tpu.memory_space<vmem>>, vector<16xi32>,
    tpu.vector_store %arg11[%swap3A_1662], %select_n3A_1428 {strides = array<i32>} : memref<128xi32, #tpu.memory_space<vmem>>, vector<16xi32>,
    %swap3A_1664 = arith.constant 48 : index
    %swap3A_1665 = tpu.vector_load %arg12[%swap3A_1664] {strides = array<i32>} : memref<128xf32, #tpu.memory_space<vmem>>, vector<16xf32>,
    tpu.vector_store %arg12[%swap3A_1664], %div3A_1436 {strides = array<i32>} : memref<128xf32, #tpu.memory_space<vmem>>, vector<16xf32>,
    %swap3A_1666 = arith.constant 48 : index
    %swap3A_1667 = tpu.vector_load %arg13[%swap3A_1666] {strides = array<i32>} : memref<128xf32, #tpu.memory_space<vmem>>, vector<16xf32>,
    tpu.vector_store %arg13[%swap3A_1666], %sub3A_1439 {strides = array<i32>} : memref<128xf32, #tpu.memory_space<vmem>>, vector<16xf32>,
    %swap3A_1668 = arith.constant 48 : index
    %swap3A_1669 = tpu.vector_load %arg14[%swap3A_1668] {strides = array<i32>} : memref<128xi32, #tpu.memory_space<vmem>>, vector<16xi32>,
    tpu.vector_store %arg14[%swap3A_1668], %select_n3A_1650 {strides = array<i32>} : memref<128xi32, #tpu.memory_space<vmem>>, vector<16xi32>,
    %swap3A_1670 = arith.constant 48 : index
    %swap3A_1671 = tpu.vector_load %arg15[%swap3A_1670] {strides = array<i32>} : memref<128xi32, #tpu.memory_space<vmem>>, vector<16xi32>,
    tpu.vector_store %arg15[%swap3A_1670], %select_n3A_1654 {strides = array<i32>} : memref<128xi32, #tpu.memory_space<vmem>>, vector<16xi32>,
    %add3A_1672 = arith.constant 64 : i32
    %add3A_1673 = vector.broadcast %add3A_1672 : i32 to vector<16xi32>
    %add3A_1674 = arith.addi %iota3A, %add3A_1673 : vector<16xi32>
    %mul3A_1675 = arith.constant 8 : i32
    %mul3A_1676 = vector.broadcast %mul3A_1675 : i32 to vector<16xi32>
    %mul3A_1677 = arith.muli %add3A_1674, %mul3A_1676 : vector<16xi32>
    %add3A_1678 = arith.constant 0 : i32
    %add3A_1679 = vector.broadcast %add3A_1678 : i32 to vector<16xi32>
    %add3A_1680 = arith.addi %mul3A_1677, %add3A_1679 : vector<16xi32>
    %gather3A_1681 = tpu.vector_load_idx %arg9[%add3A_1680] : memref<1024xf32, #tpu.memory_space<vmem>>[vector<16xi32>], vector<16xf32>,
    %add3A_1682 = arith.constant 1 : i32
    %add3A_1683 = vector.broadcast %add3A_1682 : i32 to vector<16xi32>
    %add3A_1684 = arith.addi %mul3A_1677, %add3A_1683 : vector<16xi32>
    %gather3A_1685 = tpu.vector_load_idx %arg9[%add3A_1684] : memref<1024xf32, #tpu.memory_space<vmem>>[vector<16xi32>], vector<16xf32>,
    %add3A_1686 = arith.constant 2 : i32
    %add3A_1687 = vector.broadcast %add3A_1686 : i32 to vector<16xi32>
    %add3A_1688 = arith.addi %mul3A_1677, %add3A_1687 : vector<16xi32>
    %gather3A_1689 = tpu.vector_load_idx %arg9[%add3A_1688] : memref<1024xf32, #tpu.memory_space<vmem>>[vector<16xi32>], vector<16xf32>,
    %add3A_1690 = arith.constant 3 : i32
    %add3A_1691 = vector.broadcast %add3A_1690 : i32 to vector<16xi32>
    %add3A_1692 = arith.addi %mul3A_1677, %add3A_1691 : vector<16xi32>
    %gather3A_1693 = tpu.vector_load_idx %arg9[%add3A_1692] : memref<1024xf32, #tpu.memory_space<vmem>>[vector<16xi32>], vector<16xf32>,
    %add3A_1694 = arith.constant 4 : i32
    %add3A_1695 = vector.broadcast %add3A_1694 : i32 to vector<16xi32>
    %add3A_1696 = arith.addi %mul3A_1677, %add3A_1695 : vector<16xi32>
    %gather3A_1697 = tpu.vector_load_idx %arg9[%add3A_1696] : memref<1024xf32, #tpu.memory_space<vmem>>[vector<16xi32>], vector<16xf32>,
    %add3A_1698 = arith.constant 5 : i32
    %add3A_1699 = vector.broadcast %add3A_1698 : i32 to vector<16xi32>
    %add3A_1700 = arith.addi %mul3A_1677, %add3A_1699 : vector<16xi32>
    %gather3A_1701 = tpu.vector_load_idx %arg9[%add3A_1700] : memref<1024xf32, #tpu.memory_space<vmem>>[vector<16xi32>], vector<16xf32>,
    %add3A_1702 = arith.constant 6 : i32
    %add3A_1703 = vector.broadcast %add3A_1702 : i32 to vector<16xi32>
    %add3A_1704 = arith.addi %mul3A_1677, %add3A_1703 : vector<16xi32>
    %gather3A_1705 = tpu.vector_load_idx %arg9[%add3A_1704] : memref<1024xf32, #tpu.memory_space<vmem>>[vector<16xi32>], vector<16xf32>,
    %add3A_1706 = arith.constant 7 : i32
    %add3A_1707 = vector.broadcast %add3A_1706 : i32 to vector<16xi32>
    %add3A_1708 = arith.addi %mul3A_1677, %add3A_1707 : vector<16xi32>
    %gather3A_1709 = tpu.vector_load_idx %arg9[%add3A_1708] : memref<1024xf32, #tpu.memory_space<vmem>>[vector<16xi32>], vector<16xf32>,
    %broadcast_in_dim3A_1710 = arith.constant 0xFF800000 : f32
    %broadcast_in_dim3A_1711 = vector.broadcast %broadcast_in_dim3A_1710 : f32 to vector<16xf32>
    %broadcast_in_dim3A_1712 = arith.constant 0 : i32
    %broadcast_in_dim3A_1713 = vector.broadcast %broadcast_in_dim3A_1712 : i32 to vector<16xi32>
    %gt3A_1714 = arith.cmpf ogt, %gather3A_1681, %broadcast_in_dim3A_1711 : vector<16xf32>
    %select_n3A_1715 = arith.select %gt3A_1714, %gather3A_1681, %broadcast_in_dim3A_1711 : vector<16xi1>, vector<16xf32>
    %jit3A_1716 = arith.constant 0 : i32
    %broadcast_in_dim3A_1717 = vector.broadcast %jit3A_1716 : i32 to vector<16xi32>
    %select_n3A_1718 = arith.select %gt3A_1714, %broadcast_in_dim3A_1717, %broadcast_in_dim3A_1713 : vector<16xi1>, vector<16xi32>
    %gt3A_1719 = arith.cmpf ogt, %gather3A_1685, %select_n3A_1715 : vector<16xf32>
    %select_n3A_1720 = arith.select %gt3A_1719, %gather3A_1685, %select_n3A_1715 : vector<16xi1>, vector<16xf32>
    %jit3A_1721 = arith.constant 1 : i32
    %broadcast_in_dim3A_1722 = vector.broadcast %jit3A_1721 : i32 to vector<16xi32>
    %select_n3A_1723 = arith.select %gt3A_1719, %broadcast_in_dim3A_1722, %select_n3A_1718 : vector<16xi1>, vector<16xi32>
    %gt3A_1724 = arith.cmpf ogt, %gather3A_1689, %select_n3A_1720 : vector<16xf32>
    %select_n3A_1725 = arith.select %gt3A_1724, %gather3A_1689, %select_n3A_1720 : vector<16xi1>, vector<16xf32>
    %jit3A_1726 = arith.constant 2 : i32
    %broadcast_in_dim3A_1727 = vector.broadcast %jit3A_1726 : i32 to vector<16xi32>
    %select_n3A_1728 = arith.select %gt3A_1724, %broadcast_in_dim3A_1727, %select_n3A_1723 : vector<16xi1>, vector<16xi32>
    %gt3A_1729 = arith.cmpf ogt, %gather3A_1693, %select_n3A_1725 : vector<16xf32>
    %select_n3A_1730 = arith.select %gt3A_1729, %gather3A_1693, %select_n3A_1725 : vector<16xi1>, vector<16xf32>
    %jit3A_1731 = arith.constant 3 : i32
    %broadcast_in_dim3A_1732 = vector.broadcast %jit3A_1731 : i32 to vector<16xi32>
    %select_n3A_1733 = arith.select %gt3A_1729, %broadcast_in_dim3A_1732, %select_n3A_1728 : vector<16xi1>, vector<16xi32>
    %gt3A_1734 = arith.cmpf ogt, %gather3A_1697, %select_n3A_1730 : vector<16xf32>
    %select_n3A_1735 = arith.select %gt3A_1734, %gather3A_1697, %select_n3A_1730 : vector<16xi1>, vector<16xf32>
    %jit3A_1736 = arith.constant 4 : i32
    %broadcast_in_dim3A_1737 = vector.broadcast %jit3A_1736 : i32 to vector<16xi32>
    %select_n3A_1738 = arith.select %gt3A_1734, %broadcast_in_dim3A_1737, %select_n3A_1733 : vector<16xi1>, vector<16xi32>
    %gt3A_1739 = arith.cmpf ogt, %gather3A_1701, %select_n3A_1735 : vector<16xf32>
    %select_n3A_1740 = arith.select %gt3A_1739, %gather3A_1701, %select_n3A_1735 : vector<16xi1>, vector<16xf32>
    %jit3A_1741 = arith.constant 5 : i32
    %broadcast_in_dim3A_1742 = vector.broadcast %jit3A_1741 : i32 to vector<16xi32>
    %select_n3A_1743 = arith.select %gt3A_1739, %broadcast_in_dim3A_1742, %select_n3A_1738 : vector<16xi1>, vector<16xi32>
    %gt3A_1744 = arith.cmpf ogt, %gather3A_1705, %select_n3A_1740 : vector<16xf32>
    %select_n3A_1745 = arith.select %gt3A_1744, %gather3A_1705, %select_n3A_1740 : vector<16xi1>, vector<16xf32>
    %jit3A_1746 = arith.constant 6 : i32
    %broadcast_in_dim3A_1747 = vector.broadcast %jit3A_1746 : i32 to vector<16xi32>
    %select_n3A_1748 = arith.select %gt3A_1744, %broadcast_in_dim3A_1747, %select_n3A_1743 : vector<16xi1>, vector<16xi32>
    %gt3A_1749 = arith.cmpf ogt, %gather3A_1709, %select_n3A_1745 : vector<16xf32>
    %select_n3A_1750 = arith.select %gt3A_1749, %gather3A_1709, %select_n3A_1745 : vector<16xi1>, vector<16xf32>
    %jit3A_1751 = arith.constant 7 : i32
    %broadcast_in_dim3A_1752 = vector.broadcast %jit3A_1751 : i32 to vector<16xi32>
    %select_n3A_1753 = arith.select %gt3A_1749, %broadcast_in_dim3A_1752, %select_n3A_1748 : vector<16xi1>, vector<16xi32>
    %broadcast_in_dim3A_1754 = arith.constant 0xFF800000 : f32
    %broadcast_in_dim3A_1755 = vector.broadcast %broadcast_in_dim3A_1754 : f32 to vector<16xf32>
    %broadcast_in_dim3A_1756 = arith.constant 0 : i32
    %broadcast_in_dim3A_1757 = vector.broadcast %broadcast_in_dim3A_1756 : i32 to vector<16xi32>
    %eq3A_1758 = arith.constant 0 : i32
    %eq3A_1759 = vector.broadcast %eq3A_1758 : i32 to vector<16xi32>
    %eq3A_1760 = arith.cmpi eq, %select_n3A_1753, %eq3A_1759 : vector<16xi32>
    %jit3A_1761 = arith.constant 0xFF800000 : f32
    %broadcast_in_dim3A_1762 = vector.broadcast %jit3A_1761 : f32 to vector<16xf32>
    %select_n3A_1763 = arith.select %eq3A_1760, %broadcast_in_dim3A_1762, %gather3A_1681 : vector<16xi1>, vector<16xf32>
    %gt3A_1764 = arith.cmpf ogt, %select_n3A_1763, %broadcast_in_dim3A_1755 : vector<16xf32>
    %select_n3A_1765 = arith.select %gt3A_1764, %select_n3A_1763, %broadcast_in_dim3A_1755 : vector<16xi1>, vector<16xf32>
    %jit3A_1766 = arith.constant 0 : i32
    %broadcast_in_dim3A_1767 = vector.broadcast %jit3A_1766 : i32 to vector<16xi32>
    %select_n3A_1768 = arith.select %gt3A_1764, %broadcast_in_dim3A_1767, %broadcast_in_dim3A_1757 : vector<16xi1>, vector<16xi32>
    %eq3A_1769 = arith.constant 1 : i32
    %eq3A_1770 = vector.broadcast %eq3A_1769 : i32 to vector<16xi32>
    %eq3A_1771 = arith.cmpi eq, %select_n3A_1753, %eq3A_1770 : vector<16xi32>
    %jit3A_1772 = arith.constant 0xFF800000 : f32
    %broadcast_in_dim3A_1773 = vector.broadcast %jit3A_1772 : f32 to vector<16xf32>
    %select_n3A_1774 = arith.select %eq3A_1771, %broadcast_in_dim3A_1773, %gather3A_1685 : vector<16xi1>, vector<16xf32>
    %gt3A_1775 = arith.cmpf ogt, %select_n3A_1774, %select_n3A_1765 : vector<16xf32>
    %select_n3A_1776 = arith.select %gt3A_1775, %select_n3A_1774, %select_n3A_1765 : vector<16xi1>, vector<16xf32>
    %jit3A_1777 = arith.constant 1 : i32
    %broadcast_in_dim3A_1778 = vector.broadcast %jit3A_1777 : i32 to vector<16xi32>
    %select_n3A_1779 = arith.select %gt3A_1775, %broadcast_in_dim3A_1778, %select_n3A_1768 : vector<16xi1>, vector<16xi32>
    %eq3A_1780 = arith.constant 2 : i32
    %eq3A_1781 = vector.broadcast %eq3A_1780 : i32 to vector<16xi32>
    %eq3A_1782 = arith.cmpi eq, %select_n3A_1753, %eq3A_1781 : vector<16xi32>
    %jit3A_1783 = arith.constant 0xFF800000 : f32
    %broadcast_in_dim3A_1784 = vector.broadcast %jit3A_1783 : f32 to vector<16xf32>
    %select_n3A_1785 = arith.select %eq3A_1782, %broadcast_in_dim3A_1784, %gather3A_1689 : vector<16xi1>, vector<16xf32>
    %gt3A_1786 = arith.cmpf ogt, %select_n3A_1785, %select_n3A_1776 : vector<16xf32>
    %select_n3A_1787 = arith.select %gt3A_1786, %select_n3A_1785, %select_n3A_1776 : vector<16xi1>, vector<16xf32>
    %jit3A_1788 = arith.constant 2 : i32
    %broadcast_in_dim3A_1789 = vector.broadcast %jit3A_1788 : i32 to vector<16xi32>
    %select_n3A_1790 = arith.select %gt3A_1786, %broadcast_in_dim3A_1789, %select_n3A_1779 : vector<16xi1>, vector<16xi32>
    %eq3A_1791 = arith.constant 3 : i32
    %eq3A_1792 = vector.broadcast %eq3A_1791 : i32 to vector<16xi32>
    %eq3A_1793 = arith.cmpi eq, %select_n3A_1753, %eq3A_1792 : vector<16xi32>
    %jit3A_1794 = arith.constant 0xFF800000 : f32
    %broadcast_in_dim3A_1795 = vector.broadcast %jit3A_1794 : f32 to vector<16xf32>
    %select_n3A_1796 = arith.select %eq3A_1793, %broadcast_in_dim3A_1795, %gather3A_1693 : vector<16xi1>, vector<16xf32>
    %gt3A_1797 = arith.cmpf ogt, %select_n3A_1796, %select_n3A_1787 : vector<16xf32>
    %select_n3A_1798 = arith.select %gt3A_1797, %select_n3A_1796, %select_n3A_1787 : vector<16xi1>, vector<16xf32>
    %jit3A_1799 = arith.constant 3 : i32
    %broadcast_in_dim3A_1800 = vector.broadcast %jit3A_1799 : i32 to vector<16xi32>
    %select_n3A_1801 = arith.select %gt3A_1797, %broadcast_in_dim3A_1800, %select_n3A_1790 : vector<16xi1>, vector<16xi32>
    %eq3A_1802 = arith.constant 4 : i32
    %eq3A_1803 = vector.broadcast %eq3A_1802 : i32 to vector<16xi32>
    %eq3A_1804 = arith.cmpi eq, %select_n3A_1753, %eq3A_1803 : vector<16xi32>
    %jit3A_1805 = arith.constant 0xFF800000 : f32
    %broadcast_in_dim3A_1806 = vector.broadcast %jit3A_1805 : f32 to vector<16xf32>
    %select_n3A_1807 = arith.select %eq3A_1804, %broadcast_in_dim3A_1806, %gather3A_1697 : vector<16xi1>, vector<16xf32>
    %gt3A_1808 = arith.cmpf ogt, %select_n3A_1807, %select_n3A_1798 : vector<16xf32>
    %select_n3A_1809 = arith.select %gt3A_1808, %select_n3A_1807, %select_n3A_1798 : vector<16xi1>, vector<16xf32>
    %jit3A_1810 = arith.constant 4 : i32
    %broadcast_in_dim3A_1811 = vector.broadcast %jit3A_1810 : i32 to vector<16xi32>
    %select_n3A_1812 = arith.select %gt3A_1808, %broadcast_in_dim3A_1811, %select_n3A_1801 : vector<16xi1>, vector<16xi32>
    %eq3A_1813 = arith.constant 5 : i32
    %eq3A_1814 = vector.broadcast %eq3A_1813 : i32 to vector<16xi32>
    %eq3A_1815 = arith.cmpi eq, %select_n3A_1753, %eq3A_1814 : vector<16xi32>
    %jit3A_1816 = arith.constant 0xFF800000 : f32
    %broadcast_in_dim3A_1817 = vector.broadcast %jit3A_1816 : f32 to vector<16xf32>
    %select_n3A_1818 = arith.select %eq3A_1815, %broadcast_in_dim3A_1817, %gather3A_1701 : vector<16xi1>, vector<16xf32>
    %gt3A_1819 = arith.cmpf ogt, %select_n3A_1818, %select_n3A_1809 : vector<16xf32>
    %select_n3A_1820 = arith.select %gt3A_1819, %select_n3A_1818, %select_n3A_1809 : vector<16xi1>, vector<16xf32>
    %jit3A_1821 = arith.constant 5 : i32
    %broadcast_in_dim3A_1822 = vector.broadcast %jit3A_1821 : i32 to vector<16xi32>
    %select_n3A_1823 = arith.select %gt3A_1819, %broadcast_in_dim3A_1822, %select_n3A_1812 : vector<16xi1>, vector<16xi32>
    %eq3A_1824 = arith.constant 6 : i32
    %eq3A_1825 = vector.broadcast %eq3A_1824 : i32 to vector<16xi32>
    %eq3A_1826 = arith.cmpi eq, %select_n3A_1753, %eq3A_1825 : vector<16xi32>
    %jit3A_1827 = arith.constant 0xFF800000 : f32
    %broadcast_in_dim3A_1828 = vector.broadcast %jit3A_1827 : f32 to vector<16xf32>
    %select_n3A_1829 = arith.select %eq3A_1826, %broadcast_in_dim3A_1828, %gather3A_1705 : vector<16xi1>, vector<16xf32>
    %gt3A_1830 = arith.cmpf ogt, %select_n3A_1829, %select_n3A_1820 : vector<16xf32>
    %select_n3A_1831 = arith.select %gt3A_1830, %select_n3A_1829, %select_n3A_1820 : vector<16xi1>, vector<16xf32>
    %jit3A_1832 = arith.constant 6 : i32
    %broadcast_in_dim3A_1833 = vector.broadcast %jit3A_1832 : i32 to vector<16xi32>
    %select_n3A_1834 = arith.select %gt3A_1830, %broadcast_in_dim3A_1833, %select_n3A_1823 : vector<16xi1>, vector<16xi32>
    %eq3A_1835 = arith.constant 7 : i32
    %eq3A_1836 = vector.broadcast %eq3A_1835 : i32 to vector<16xi32>
    %eq3A_1837 = arith.cmpi eq, %select_n3A_1753, %eq3A_1836 : vector<16xi32>
    %jit3A_1838 = arith.constant 0xFF800000 : f32
    %broadcast_in_dim3A_1839 = vector.broadcast %jit3A_1838 : f32 to vector<16xf32>
    %select_n3A_1840 = arith.select %eq3A_1837, %broadcast_in_dim3A_1839, %gather3A_1709 : vector<16xi1>, vector<16xf32>
    %gt3A_1841 = arith.cmpf ogt, %select_n3A_1840, %select_n3A_1831 : vector<16xf32>
    %select_n3A_1842 = arith.select %gt3A_1841, %select_n3A_1840, %select_n3A_1831 : vector<16xi1>, vector<16xf32>
    %jit3A_1843 = arith.constant 7 : i32
    %broadcast_in_dim3A_1844 = vector.broadcast %jit3A_1843 : i32 to vector<16xi32>
    %select_n3A_1845 = arith.select %gt3A_1841, %broadcast_in_dim3A_1844, %select_n3A_1834 : vector<16xi1>, vector<16xi32>
    %sub3A_1846 = arith.subf %select_n3A_1842, %select_n3A_1750 : vector<16xf32>
    %exp3A_1847 = math.exp %sub3A_1846 : vector<16xf32>
    %add3A_1848 = arith.constant 1.000000e+00 : f32
    %add3A_1849 = vector.broadcast %add3A_1848 : f32 to vector<16xf32>
    %add3A_1850 = arith.addf %add3A_1849, %exp3A_1847 : vector<16xf32>
    %div3A_1851 = arith.constant 1.000000e+00 : f32
    %div3A_1852 = vector.broadcast %div3A_1851 : f32 to vector<16xf32>
    %div3A_1853 = arith.divf %div3A_1852, %add3A_1850 : vector<16xf32>
    %sub3A_1854 = arith.constant 1.000000e+00 : f32
    %sub3A_1855 = vector.broadcast %sub3A_1854 : f32 to vector<16xf32>
    %sub3A_1856 = arith.subf %sub3A_1855, %div3A_1853 : vector<16xf32>
    %broadcast_in_dim3A_1857 = arith.constant 0 : i32
    %broadcast_in_dim3A_1858 = vector.broadcast %broadcast_in_dim3A_1857 : i32 to vector<16xi32>
    %broadcast_in_dim3A_1859 = arith.constant 0 : i32
    %broadcast_in_dim3A_1860 = vector.broadcast %broadcast_in_dim3A_1859 : i32 to vector<16xi32>
    %eq3A_1861 = arith.constant 0 : i32
    %eq3A_1862 = vector.broadcast %eq3A_1861 : i32 to vector<16xi32>
    %eq3A_1863 = arith.cmpi eq, %select_n3A_1753, %eq3A_1862 : vector<16xi32>
    %eq3A_1864 = arith.constant 0 : i32
    %eq3A_1865 = vector.broadcast %eq3A_1864 : i32 to vector<16xi32>
    %eq3A_1866 = arith.cmpi eq, %select_n3A_1845, %eq3A_1865 : vector<16xi32>
    %or3A_1867 = arith.ori %eq3A_1863, %eq3A_1866 : vector<16xi1>
    %convert_element_type3A_1868 = arith.extui %or3A_1867 : vector<16xi1> to vector<16xi32>
    %broadcast_in_dim3A_1869 = arith.constant true
    %broadcast_in_dim3A_1870 = vector.broadcast %broadcast_in_dim3A_1869 : i1 to vector<16xi1>
    %masked_cumsum3A_1871 = tpu.scan <sum>, %convert_element_type3A_1868 masked %broadcast_in_dim3A_1870 : vector<16xi32>, vector<16xi1> -> vector<16xi32>
    %sub3A_1872 = arith.subi %masked_cumsum3A_1871, %convert_element_type3A_1868 : vector<16xi32>
    %add3A_1873 = vector.broadcast %add3A_1470 : i32 to vector<16xi32>
    %add3A_1874 = arith.addi %add3A_1873, %sub3A_1872 : vector<16xi32>
    %eq3A_1875 = arith.constant 0 : i32
    %eq3A_1876 = vector.broadcast %eq3A_1875 : i32 to vector<16xi32>
    %eq3A_1877 = arith.cmpi eq, %select_n3A_1753, %eq3A_1876 : vector<16xi32>
    %select_n3A_1878 = arith.select %eq3A_1877, %add3A_1874, %broadcast_in_dim3A_1858 : vector<16xi1>, vector<16xi32>
    %eq3A_1879 = arith.constant 0 : i32
    %eq3A_1880 = vector.broadcast %eq3A_1879 : i32 to vector<16xi32>
    %eq3A_1881 = arith.cmpi eq, %select_n3A_1845, %eq3A_1880 : vector<16xi32>
    %select_n3A_1882 = arith.select %eq3A_1881, %add3A_1874, %broadcast_in_dim3A_1860 : vector<16xi1>, vector<16xi32>
    %reduce_sum3A_1883 = arith.constant true
    %reduce_sum3A_1884 = vector.broadcast %reduce_sum3A_1883 : i1 to vector<16xi1>
    %reduce_sum3A_1885 = tpu.scan <sum>, %convert_element_type3A_1868 masked %reduce_sum3A_1884 : vector<16xi32>, vector<16xi1> -> vector<16xi32>
    %reduce_sum3A_1886 = vector.extract %reduce_sum3A_1885[15] : i32 from vector<16xi32>
    %add3A_1887 = arith.addi %add3A_1470, %reduce_sum3A_1886 : i32
    %eq3A_1888 = arith.constant 1 : i32
    %eq3A_1889 = vector.broadcast %eq3A_1888 : i32 to vector<16xi32>
    %eq3A_1890 = arith.cmpi eq, %select_n3A_1753, %eq3A_1889 : vector<16xi32>
    %eq3A_1891 = arith.constant 1 : i32
    %eq3A_1892 = vector.broadcast %eq3A_1891 : i32 to vector<16xi32>
    %eq3A_1893 = arith.cmpi eq, %select_n3A_1845, %eq3A_1892 : vector<16xi32>
    %or3A_1894 = arith.ori %eq3A_1890, %eq3A_1893 : vector<16xi1>
    %convert_element_type3A_1895 = arith.extui %or3A_1894 : vector<16xi1> to vector<16xi32>
    %broadcast_in_dim3A_1896 = arith.constant true
    %broadcast_in_dim3A_1897 = vector.broadcast %broadcast_in_dim3A_1896 : i1 to vector<16xi1>
    %masked_cumsum3A_1898 = tpu.scan <sum>, %convert_element_type3A_1895 masked %broadcast_in_dim3A_1897 : vector<16xi32>, vector<16xi1> -> vector<16xi32>
    %sub3A_1899 = arith.subi %masked_cumsum3A_1898, %convert_element_type3A_1895 : vector<16xi32>
    %add3A_1900 = vector.broadcast %add3A_1497 : i32 to vector<16xi32>
    %add3A_1901 = arith.addi %add3A_1900, %sub3A_1899 : vector<16xi32>
    %eq3A_1902 = arith.constant 1 : i32
    %eq3A_1903 = vector.broadcast %eq3A_1902 : i32 to vector<16xi32>
    %eq3A_1904 = arith.cmpi eq, %select_n3A_1753, %eq3A_1903 : vector<16xi32>
    %select_n3A_1905 = arith.select %eq3A_1904, %add3A_1901, %select_n3A_1878 : vector<16xi1>, vector<16xi32>
    %eq3A_1906 = arith.constant 1 : i32
    %eq3A_1907 = vector.broadcast %eq3A_1906 : i32 to vector<16xi32>
    %eq3A_1908 = arith.cmpi eq, %select_n3A_1845, %eq3A_1907 : vector<16xi32>
    %select_n3A_1909 = arith.select %eq3A_1908, %add3A_1901, %select_n3A_1882 : vector<16xi1>, vector<16xi32>
    %reduce_sum3A_1910 = arith.constant true
    %reduce_sum3A_1911 = vector.broadcast %reduce_sum3A_1910 : i1 to vector<16xi1>
    %reduce_sum3A_1912 = tpu.scan <sum>, %convert_element_type3A_1895 masked %reduce_sum3A_1911 : vector<16xi32>, vector<16xi1> -> vector<16xi32>
    %reduce_sum3A_1913 = vector.extract %reduce_sum3A_1912[15] : i32 from vector<16xi32>
    %add3A_1914 = arith.addi %add3A_1497, %reduce_sum3A_1913 : i32
    %eq3A_1915 = arith.constant 2 : i32
    %eq3A_1916 = vector.broadcast %eq3A_1915 : i32 to vector<16xi32>
    %eq3A_1917 = arith.cmpi eq, %select_n3A_1753, %eq3A_1916 : vector<16xi32>
    %eq3A_1918 = arith.constant 2 : i32
    %eq3A_1919 = vector.broadcast %eq3A_1918 : i32 to vector<16xi32>
    %eq3A_1920 = arith.cmpi eq, %select_n3A_1845, %eq3A_1919 : vector<16xi32>
    %or3A_1921 = arith.ori %eq3A_1917, %eq3A_1920 : vector<16xi1>
    %convert_element_type3A_1922 = arith.extui %or3A_1921 : vector<16xi1> to vector<16xi32>
    %broadcast_in_dim3A_1923 = arith.constant true
    %broadcast_in_dim3A_1924 = vector.broadcast %broadcast_in_dim3A_1923 : i1 to vector<16xi1>
    %masked_cumsum3A_1925 = tpu.scan <sum>, %convert_element_type3A_1922 masked %broadcast_in_dim3A_1924 : vector<16xi32>, vector<16xi1> -> vector<16xi32>
    %sub3A_1926 = arith.subi %masked_cumsum3A_1925, %convert_element_type3A_1922 : vector<16xi32>
    %add3A_1927 = vector.broadcast %add3A_1524 : i32 to vector<16xi32>
    %add3A_1928 = arith.addi %add3A_1927, %sub3A_1926 : vector<16xi32>
    %eq3A_1929 = arith.constant 2 : i32
    %eq3A_1930 = vector.broadcast %eq3A_1929 : i32 to vector<16xi32>
    %eq3A_1931 = arith.cmpi eq, %select_n3A_1753, %eq3A_1930 : vector<16xi32>
    %select_n3A_1932 = arith.select %eq3A_1931, %add3A_1928, %select_n3A_1905 : vector<16xi1>, vector<16xi32>
    %eq3A_1933 = arith.constant 2 : i32
    %eq3A_1934 = vector.broadcast %eq3A_1933 : i32 to vector<16xi32>
    %eq3A_1935 = arith.cmpi eq, %select_n3A_1845, %eq3A_1934 : vector<16xi32>
    %select_n3A_1936 = arith.select %eq3A_1935, %add3A_1928, %select_n3A_1909 : vector<16xi1>, vector<16xi32>
    %reduce_sum3A_1937 = arith.constant true
    %reduce_sum3A_1938 = vector.broadcast %reduce_sum3A_1937 : i1 to vector<16xi1>
    %reduce_sum3A_1939 = tpu.scan <sum>, %convert_element_type3A_1922 masked %reduce_sum3A_1938 : vector<16xi32>, vector<16xi1> -> vector<16xi32>
    %reduce_sum3A_1940 = vector.extract %reduce_sum3A_1939[15] : i32 from vector<16xi32>
    %add3A_1941 = arith.addi %add3A_1524, %reduce_sum3A_1940 : i32
    %eq3A_1942 = arith.constant 3 : i32
    %eq3A_1943 = vector.broadcast %eq3A_1942 : i32 to vector<16xi32>
    %eq3A_1944 = arith.cmpi eq, %select_n3A_1753, %eq3A_1943 : vector<16xi32>
    %eq3A_1945 = arith.constant 3 : i32
    %eq3A_1946 = vector.broadcast %eq3A_1945 : i32 to vector<16xi32>
    %eq3A_1947 = arith.cmpi eq, %select_n3A_1845, %eq3A_1946 : vector<16xi32>
    %or3A_1948 = arith.ori %eq3A_1944, %eq3A_1947 : vector<16xi1>
    %convert_element_type3A_1949 = arith.extui %or3A_1948 : vector<16xi1> to vector<16xi32>
    %broadcast_in_dim3A_1950 = arith.constant true
    %broadcast_in_dim3A_1951 = vector.broadcast %broadcast_in_dim3A_1950 : i1 to vector<16xi1>
    %masked_cumsum3A_1952 = tpu.scan <sum>, %convert_element_type3A_1949 masked %broadcast_in_dim3A_1951 : vector<16xi32>, vector<16xi1> -> vector<16xi32>
    %sub3A_1953 = arith.subi %masked_cumsum3A_1952, %convert_element_type3A_1949 : vector<16xi32>
    %add3A_1954 = vector.broadcast %add3A_1551 : i32 to vector<16xi32>
    %add3A_1955 = arith.addi %add3A_1954, %sub3A_1953 : vector<16xi32>
    %eq3A_1956 = arith.constant 3 : i32
    %eq3A_1957 = vector.broadcast %eq3A_1956 : i32 to vector<16xi32>
    %eq3A_1958 = arith.cmpi eq, %select_n3A_1753, %eq3A_1957 : vector<16xi32>
    %select_n3A_1959 = arith.select %eq3A_1958, %add3A_1955, %select_n3A_1932 : vector<16xi1>, vector<16xi32>
    %eq3A_1960 = arith.constant 3 : i32
    %eq3A_1961 = vector.broadcast %eq3A_1960 : i32 to vector<16xi32>
    %eq3A_1962 = arith.cmpi eq, %select_n3A_1845, %eq3A_1961 : vector<16xi32>
    %select_n3A_1963 = arith.select %eq3A_1962, %add3A_1955, %select_n3A_1936 : vector<16xi1>, vector<16xi32>
    %reduce_sum3A_1964 = arith.constant true
    %reduce_sum3A_1965 = vector.broadcast %reduce_sum3A_1964 : i1 to vector<16xi1>
    %reduce_sum3A_1966 = tpu.scan <sum>, %convert_element_type3A_1949 masked %reduce_sum3A_1965 : vector<16xi32>, vector<16xi1> -> vector<16xi32>
    %reduce_sum3A_1967 = vector.extract %reduce_sum3A_1966[15] : i32 from vector<16xi32>
    %add3A_1968 = arith.addi %add3A_1551, %reduce_sum3A_1967 : i32
    %eq3A_1969 = arith.constant 4 : i32
    %eq3A_1970 = vector.broadcast %eq3A_1969 : i32 to vector<16xi32>
    %eq3A_1971 = arith.cmpi eq, %select_n3A_1753, %eq3A_1970 : vector<16xi32>
    %eq3A_1972 = arith.constant 4 : i32
    %eq3A_1973 = vector.broadcast %eq3A_1972 : i32 to vector<16xi32>
    %eq3A_1974 = arith.cmpi eq, %select_n3A_1845, %eq3A_1973 : vector<16xi32>
    %or3A_1975 = arith.ori %eq3A_1971, %eq3A_1974 : vector<16xi1>
    %convert_element_type3A_1976 = arith.extui %or3A_1975 : vector<16xi1> to vector<16xi32>
    %broadcast_in_dim3A_1977 = arith.constant true
    %broadcast_in_dim3A_1978 = vector.broadcast %broadcast_in_dim3A_1977 : i1 to vector<16xi1>
    %masked_cumsum3A_1979 = tpu.scan <sum>, %convert_element_type3A_1976 masked %broadcast_in_dim3A_1978 : vector<16xi32>, vector<16xi1> -> vector<16xi32>
    %sub3A_1980 = arith.subi %masked_cumsum3A_1979, %convert_element_type3A_1976 : vector<16xi32>
    %add3A_1981 = vector.broadcast %add3A_1578 : i32 to vector<16xi32>
    %add3A_1982 = arith.addi %add3A_1981, %sub3A_1980 : vector<16xi32>
    %eq3A_1983 = arith.constant 4 : i32
    %eq3A_1984 = vector.broadcast %eq3A_1983 : i32 to vector<16xi32>
    %eq3A_1985 = arith.cmpi eq, %select_n3A_1753, %eq3A_1984 : vector<16xi32>
    %select_n3A_1986 = arith.select %eq3A_1985, %add3A_1982, %select_n3A_1959 : vector<16xi1>, vector<16xi32>
    %eq3A_1987 = arith.constant 4 : i32
    %eq3A_1988 = vector.broadcast %eq3A_1987 : i32 to vector<16xi32>
    %eq3A_1989 = arith.cmpi eq, %select_n3A_1845, %eq3A_1988 : vector<16xi32>
    %select_n3A_1990 = arith.select %eq3A_1989, %add3A_1982, %select_n3A_1963 : vector<16xi1>, vector<16xi32>
    %reduce_sum3A_1991 = arith.constant true
    %reduce_sum3A_1992 = vector.broadcast %reduce_sum3A_1991 : i1 to vector<16xi1>
    %reduce_sum3A_1993 = tpu.scan <sum>, %convert_element_type3A_1976 masked %reduce_sum3A_1992 : vector<16xi32>, vector<16xi1> -> vector<16xi32>
    %reduce_sum3A_1994 = vector.extract %reduce_sum3A_1993[15] : i32 from vector<16xi32>
    %add3A_1995 = arith.addi %add3A_1578, %reduce_sum3A_1994 : i32
    %eq3A_1996 = arith.constant 5 : i32
    %eq3A_1997 = vector.broadcast %eq3A_1996 : i32 to vector<16xi32>
    %eq3A_1998 = arith.cmpi eq, %select_n3A_1753, %eq3A_1997 : vector<16xi32>
    %eq3A_1999 = arith.constant 5 : i32
    %eq3A_2000 = vector.broadcast %eq3A_1999 : i32 to vector<16xi32>
    %eq3A_2001 = arith.cmpi eq, %select_n3A_1845, %eq3A_2000 : vector<16xi32>
    %or3A_2002 = arith.ori %eq3A_1998, %eq3A_2001 : vector<16xi1>
    %convert_element_type3A_2003 = arith.extui %or3A_2002 : vector<16xi1> to vector<16xi32>
    %broadcast_in_dim3A_2004 = arith.constant true
    %broadcast_in_dim3A_2005 = vector.broadcast %broadcast_in_dim3A_2004 : i1 to vector<16xi1>
    %masked_cumsum3A_2006 = tpu.scan <sum>, %convert_element_type3A_2003 masked %broadcast_in_dim3A_2005 : vector<16xi32>, vector<16xi1> -> vector<16xi32>
    %sub3A_2007 = arith.subi %masked_cumsum3A_2006, %convert_element_type3A_2003 : vector<16xi32>
    %add3A_2008 = vector.broadcast %add3A_1605 : i32 to vector<16xi32>
    %add3A_2009 = arith.addi %add3A_2008, %sub3A_2007 : vector<16xi32>
    %eq3A_2010 = arith.constant 5 : i32
    %eq3A_2011 = vector.broadcast %eq3A_2010 : i32 to vector<16xi32>
    %eq3A_2012 = arith.cmpi eq, %select_n3A_1753, %eq3A_2011 : vector<16xi32>
    %select_n3A_2013 = arith.select %eq3A_2012, %add3A_2009, %select_n3A_1986 : vector<16xi1>, vector<16xi32>
    %eq3A_2014 = arith.constant 5 : i32
    %eq3A_2015 = vector.broadcast %eq3A_2014 : i32 to vector<16xi32>
    %eq3A_2016 = arith.cmpi eq, %select_n3A_1845, %eq3A_2015 : vector<16xi32>
    %select_n3A_2017 = arith.select %eq3A_2016, %add3A_2009, %select_n3A_1990 : vector<16xi1>, vector<16xi32>
    %reduce_sum3A_2018 = arith.constant true
    %reduce_sum3A_2019 = vector.broadcast %reduce_sum3A_2018 : i1 to vector<16xi1>
    %reduce_sum3A_2020 = tpu.scan <sum>, %convert_element_type3A_2003 masked %reduce_sum3A_2019 : vector<16xi32>, vector<16xi1> -> vector<16xi32>
    %reduce_sum3A_2021 = vector.extract %reduce_sum3A_2020[15] : i32 from vector<16xi32>
    %add3A_2022 = arith.addi %add3A_1605, %reduce_sum3A_2021 : i32
    %eq3A_2023 = arith.constant 6 : i32
    %eq3A_2024 = vector.broadcast %eq3A_2023 : i32 to vector<16xi32>
    %eq3A_2025 = arith.cmpi eq, %select_n3A_1753, %eq3A_2024 : vector<16xi32>
    %eq3A_2026 = arith.constant 6 : i32
    %eq3A_2027 = vector.broadcast %eq3A_2026 : i32 to vector<16xi32>
    %eq3A_2028 = arith.cmpi eq, %select_n3A_1845, %eq3A_2027 : vector<16xi32>
    %or3A_2029 = arith.ori %eq3A_2025, %eq3A_2028 : vector<16xi1>
    %convert_element_type3A_2030 = arith.extui %or3A_2029 : vector<16xi1> to vector<16xi32>
    %broadcast_in_dim3A_2031 = arith.constant true
    %broadcast_in_dim3A_2032 = vector.broadcast %broadcast_in_dim3A_2031 : i1 to vector<16xi1>
    %masked_cumsum3A_2033 = tpu.scan <sum>, %convert_element_type3A_2030 masked %broadcast_in_dim3A_2032 : vector<16xi32>, vector<16xi1> -> vector<16xi32>
    %sub3A_2034 = arith.subi %masked_cumsum3A_2033, %convert_element_type3A_2030 : vector<16xi32>
    %add3A_2035 = vector.broadcast %add3A_1632 : i32 to vector<16xi32>
    %add3A_2036 = arith.addi %add3A_2035, %sub3A_2034 : vector<16xi32>
    %eq3A_2037 = arith.constant 6 : i32
    %eq3A_2038 = vector.broadcast %eq3A_2037 : i32 to vector<16xi32>
    %eq3A_2039 = arith.cmpi eq, %select_n3A_1753, %eq3A_2038 : vector<16xi32>
    %select_n3A_2040 = arith.select %eq3A_2039, %add3A_2036, %select_n3A_2013 : vector<16xi1>, vector<16xi32>
    %eq3A_2041 = arith.constant 6 : i32
    %eq3A_2042 = vector.broadcast %eq3A_2041 : i32 to vector<16xi32>
    %eq3A_2043 = arith.cmpi eq, %select_n3A_1845, %eq3A_2042 : vector<16xi32>
    %select_n3A_2044 = arith.select %eq3A_2043, %add3A_2036, %select_n3A_2017 : vector<16xi1>, vector<16xi32>
    %reduce_sum3A_2045 = arith.constant true
    %reduce_sum3A_2046 = vector.broadcast %reduce_sum3A_2045 : i1 to vector<16xi1>
    %reduce_sum3A_2047 = tpu.scan <sum>, %convert_element_type3A_2030 masked %reduce_sum3A_2046 : vector<16xi32>, vector<16xi1> -> vector<16xi32>
    %reduce_sum3A_2048 = vector.extract %reduce_sum3A_2047[15] : i32 from vector<16xi32>
    %add3A_2049 = arith.addi %add3A_1632, %reduce_sum3A_2048 : i32
    %eq3A_2050 = arith.constant 7 : i32
    %eq3A_2051 = vector.broadcast %eq3A_2050 : i32 to vector<16xi32>
    %eq3A_2052 = arith.cmpi eq, %select_n3A_1753, %eq3A_2051 : vector<16xi32>
    %eq3A_2053 = arith.constant 7 : i32
    %eq3A_2054 = vector.broadcast %eq3A_2053 : i32 to vector<16xi32>
    %eq3A_2055 = arith.cmpi eq, %select_n3A_1845, %eq3A_2054 : vector<16xi32>
    %or3A_2056 = arith.ori %eq3A_2052, %eq3A_2055 : vector<16xi1>
    %convert_element_type3A_2057 = arith.extui %or3A_2056 : vector<16xi1> to vector<16xi32>
    %broadcast_in_dim3A_2058 = arith.constant true
    %broadcast_in_dim3A_2059 = vector.broadcast %broadcast_in_dim3A_2058 : i1 to vector<16xi1>
    %masked_cumsum3A_2060 = tpu.scan <sum>, %convert_element_type3A_2057 masked %broadcast_in_dim3A_2059 : vector<16xi32>, vector<16xi1> -> vector<16xi32>
    %sub3A_2061 = arith.subi %masked_cumsum3A_2060, %convert_element_type3A_2057 : vector<16xi32>
    %add3A_2062 = vector.broadcast %add3A_1659 : i32 to vector<16xi32>
    %add3A_2063 = arith.addi %add3A_2062, %sub3A_2061 : vector<16xi32>
    %eq3A_2064 = arith.constant 7 : i32
    %eq3A_2065 = vector.broadcast %eq3A_2064 : i32 to vector<16xi32>
    %eq3A_2066 = arith.cmpi eq, %select_n3A_1753, %eq3A_2065 : vector<16xi32>
    %select_n3A_2067 = arith.select %eq3A_2066, %add3A_2063, %select_n3A_2040 : vector<16xi1>, vector<16xi32>
    %eq3A_2068 = arith.constant 7 : i32
    %eq3A_2069 = vector.broadcast %eq3A_2068 : i32 to vector<16xi32>
    %eq3A_2070 = arith.cmpi eq, %select_n3A_1845, %eq3A_2069 : vector<16xi32>
    %select_n3A_2071 = arith.select %eq3A_2070, %add3A_2063, %select_n3A_2044 : vector<16xi1>, vector<16xi32>
    %reduce_sum3A_2072 = arith.constant true
    %reduce_sum3A_2073 = vector.broadcast %reduce_sum3A_2072 : i1 to vector<16xi1>
    %reduce_sum3A_2074 = tpu.scan <sum>, %convert_element_type3A_2057 masked %reduce_sum3A_2073 : vector<16xi32>, vector<16xi1> -> vector<16xi32>
    %reduce_sum3A_2075 = vector.extract %reduce_sum3A_2074[15] : i32 from vector<16xi32>
    %add3A_2076 = arith.addi %add3A_1659, %reduce_sum3A_2075 : i32
    %swap3A_2077 = arith.constant 64 : index
    %swap3A_2078 = tpu.vector_load %arg10[%swap3A_2077] {strides = array<i32>} : memref<128xi32, #tpu.memory_space<vmem>>, vector<16xi32>,
    tpu.vector_store %arg10[%swap3A_2077], %select_n3A_1753 {strides = array<i32>} : memref<128xi32, #tpu.memory_space<vmem>>, vector<16xi32>,
    %swap3A_2079 = arith.constant 64 : index
    %swap3A_2080 = tpu.vector_load %arg11[%swap3A_2079] {strides = array<i32>} : memref<128xi32, #tpu.memory_space<vmem>>, vector<16xi32>,
    tpu.vector_store %arg11[%swap3A_2079], %select_n3A_1845 {strides = array<i32>} : memref<128xi32, #tpu.memory_space<vmem>>, vector<16xi32>,
    %swap3A_2081 = arith.constant 64 : index
    %swap3A_2082 = tpu.vector_load %arg12[%swap3A_2081] {strides = array<i32>} : memref<128xf32, #tpu.memory_space<vmem>>, vector<16xf32>,
    tpu.vector_store %arg12[%swap3A_2081], %div3A_1853 {strides = array<i32>} : memref<128xf32, #tpu.memory_space<vmem>>, vector<16xf32>,
    %swap3A_2083 = arith.constant 64 : index
    %swap3A_2084 = tpu.vector_load %arg13[%swap3A_2083] {strides = array<i32>} : memref<128xf32, #tpu.memory_space<vmem>>, vector<16xf32>,
    tpu.vector_store %arg13[%swap3A_2083], %sub3A_1856 {strides = array<i32>} : memref<128xf32, #tpu.memory_space<vmem>>, vector<16xf32>,
    %swap3A_2085 = arith.constant 64 : index
    %swap3A_2086 = tpu.vector_load %arg14[%swap3A_2085] {strides = array<i32>} : memref<128xi32, #tpu.memory_space<vmem>>, vector<16xi32>,
    tpu.vector_store %arg14[%swap3A_2085], %select_n3A_2067 {strides = array<i32>} : memref<128xi32, #tpu.memory_space<vmem>>, vector<16xi32>,
    %swap3A_2087 = arith.constant 64 : index
    %swap3A_2088 = tpu.vector_load %arg15[%swap3A_2087] {strides = array<i32>} : memref<128xi32, #tpu.memory_space<vmem>>, vector<16xi32>,
    tpu.vector_store %arg15[%swap3A_2087], %select_n3A_2071 {strides = array<i32>} : memref<128xi32, #tpu.memory_space<vmem>>, vector<16xi32>,
    %add3A_2089 = arith.constant 80 : i32
    %add3A_2090 = vector.broadcast %add3A_2089 : i32 to vector<16xi32>
    %add3A_2091 = arith.addi %iota3A, %add3A_2090 : vector<16xi32>
    %mul3A_2092 = arith.constant 8 : i32
    %mul3A_2093 = vector.broadcast %mul3A_2092 : i32 to vector<16xi32>
    %mul3A_2094 = arith.muli %add3A_2091, %mul3A_2093 : vector<16xi32>
    %add3A_2095 = arith.constant 0 : i32
    %add3A_2096 = vector.broadcast %add3A_2095 : i32 to vector<16xi32>
    %add3A_2097 = arith.addi %mul3A_2094, %add3A_2096 : vector<16xi32>
    %gather3A_2098 = tpu.vector_load_idx %arg9[%add3A_2097] : memref<1024xf32, #tpu.memory_space<vmem>>[vector<16xi32>], vector<16xf32>,
    %add3A_2099 = arith.constant 1 : i32
    %add3A_2100 = vector.broadcast %add3A_2099 : i32 to vector<16xi32>
    %add3A_2101 = arith.addi %mul3A_2094, %add3A_2100 : vector<16xi32>
    %gather3A_2102 = tpu.vector_load_idx %arg9[%add3A_2101] : memref<1024xf32, #tpu.memory_space<vmem>>[vector<16xi32>], vector<16xf32>,
    %add3A_2103 = arith.constant 2 : i32
    %add3A_2104 = vector.broadcast %add3A_2103 : i32 to vector<16xi32>
    %add3A_2105 = arith.addi %mul3A_2094, %add3A_2104 : vector<16xi32>
    %gather3A_2106 = tpu.vector_load_idx %arg9[%add3A_2105] : memref<1024xf32, #tpu.memory_space<vmem>>[vector<16xi32>], vector<16xf32>,
    %add3A_2107 = arith.constant 3 : i32
    %add3A_2108 = vector.broadcast %add3A_2107 : i32 to vector<16xi32>
    %add3A_2109 = arith.addi %mul3A_2094, %add3A_2108 : vector<16xi32>
    %gather3A_2110 = tpu.vector_load_idx %arg9[%add3A_2109] : memref<1024xf32, #tpu.memory_space<vmem>>[vector<16xi32>], vector<16xf32>,
    %add3A_2111 = arith.constant 4 : i32
    %add3A_2112 = vector.broadcast %add3A_2111 : i32 to vector<16xi32>
    %add3A_2113 = arith.addi %mul3A_2094, %add3A_2112 : vector<16xi32>
    %gather3A_2114 = tpu.vector_load_idx %arg9[%add3A_2113] : memref<1024xf32, #tpu.memory_space<vmem>>[vector<16xi32>], vector<16xf32>,
    %add3A_2115 = arith.constant 5 : i32
    %add3A_2116 = vector.broadcast %add3A_2115 : i32 to vector<16xi32>
    %add3A_2117 = arith.addi %mul3A_2094, %add3A_2116 : vector<16xi32>
    %gather3A_2118 = tpu.vector_load_idx %arg9[%add3A_2117] : memref<1024xf32, #tpu.memory_space<vmem>>[vector<16xi32>], vector<16xf32>,
    %add3A_2119 = arith.constant 6 : i32
    %add3A_2120 = vector.broadcast %add3A_2119 : i32 to vector<16xi32>
    %add3A_2121 = arith.addi %mul3A_2094, %add3A_2120 : vector<16xi32>
    %gather3A_2122 = tpu.vector_load_idx %arg9[%add3A_2121] : memref<1024xf32, #tpu.memory_space<vmem>>[vector<16xi32>], vector<16xf32>,
    %add3A_2123 = arith.constant 7 : i32
    %add3A_2124 = vector.broadcast %add3A_2123 : i32 to vector<16xi32>
    %add3A_2125 = arith.addi %mul3A_2094, %add3A_2124 : vector<16xi32>
    %gather3A_2126 = tpu.vector_load_idx %arg9[%add3A_2125] : memref<1024xf32, #tpu.memory_space<vmem>>[vector<16xi32>], vector<16xf32>,
    %broadcast_in_dim3A_2127 = arith.constant 0xFF800000 : f32
    %broadcast_in_dim3A_2128 = vector.broadcast %broadcast_in_dim3A_2127 : f32 to vector<16xf32>
    %broadcast_in_dim3A_2129 = arith.constant 0 : i32
    %broadcast_in_dim3A_2130 = vector.broadcast %broadcast_in_dim3A_2129 : i32 to vector<16xi32>
    %gt3A_2131 = arith.cmpf ogt, %gather3A_2098, %broadcast_in_dim3A_2128 : vector<16xf32>
    %select_n3A_2132 = arith.select %gt3A_2131, %gather3A_2098, %broadcast_in_dim3A_2128 : vector<16xi1>, vector<16xf32>
    %jit3A_2133 = arith.constant 0 : i32
    %broadcast_in_dim3A_2134 = vector.broadcast %jit3A_2133 : i32 to vector<16xi32>
    %select_n3A_2135 = arith.select %gt3A_2131, %broadcast_in_dim3A_2134, %broadcast_in_dim3A_2130 : vector<16xi1>, vector<16xi32>
    %gt3A_2136 = arith.cmpf ogt, %gather3A_2102, %select_n3A_2132 : vector<16xf32>
    %select_n3A_2137 = arith.select %gt3A_2136, %gather3A_2102, %select_n3A_2132 : vector<16xi1>, vector<16xf32>
    %jit3A_2138 = arith.constant 1 : i32
    %broadcast_in_dim3A_2139 = vector.broadcast %jit3A_2138 : i32 to vector<16xi32>
    %select_n3A_2140 = arith.select %gt3A_2136, %broadcast_in_dim3A_2139, %select_n3A_2135 : vector<16xi1>, vector<16xi32>
    %gt3A_2141 = arith.cmpf ogt, %gather3A_2106, %select_n3A_2137 : vector<16xf32>
    %select_n3A_2142 = arith.select %gt3A_2141, %gather3A_2106, %select_n3A_2137 : vector<16xi1>, vector<16xf32>
    %jit3A_2143 = arith.constant 2 : i32
    %broadcast_in_dim3A_2144 = vector.broadcast %jit3A_2143 : i32 to vector<16xi32>
    %select_n3A_2145 = arith.select %gt3A_2141, %broadcast_in_dim3A_2144, %select_n3A_2140 : vector<16xi1>, vector<16xi32>
    %gt3A_2146 = arith.cmpf ogt, %gather3A_2110, %select_n3A_2142 : vector<16xf32>
    %select_n3A_2147 = arith.select %gt3A_2146, %gather3A_2110, %select_n3A_2142 : vector<16xi1>, vector<16xf32>
    %jit3A_2148 = arith.constant 3 : i32
    %broadcast_in_dim3A_2149 = vector.broadcast %jit3A_2148 : i32 to vector<16xi32>
    %select_n3A_2150 = arith.select %gt3A_2146, %broadcast_in_dim3A_2149, %select_n3A_2145 : vector<16xi1>, vector<16xi32>
    %gt3A_2151 = arith.cmpf ogt, %gather3A_2114, %select_n3A_2147 : vector<16xf32>
    %select_n3A_2152 = arith.select %gt3A_2151, %gather3A_2114, %select_n3A_2147 : vector<16xi1>, vector<16xf32>
    %jit3A_2153 = arith.constant 4 : i32
    %broadcast_in_dim3A_2154 = vector.broadcast %jit3A_2153 : i32 to vector<16xi32>
    %select_n3A_2155 = arith.select %gt3A_2151, %broadcast_in_dim3A_2154, %select_n3A_2150 : vector<16xi1>, vector<16xi32>
    %gt3A_2156 = arith.cmpf ogt, %gather3A_2118, %select_n3A_2152 : vector<16xf32>
    %select_n3A_2157 = arith.select %gt3A_2156, %gather3A_2118, %select_n3A_2152 : vector<16xi1>, vector<16xf32>
    %jit3A_2158 = arith.constant 5 : i32
    %broadcast_in_dim3A_2159 = vector.broadcast %jit3A_2158 : i32 to vector<16xi32>
    %select_n3A_2160 = arith.select %gt3A_2156, %broadcast_in_dim3A_2159, %select_n3A_2155 : vector<16xi1>, vector<16xi32>
    %gt3A_2161 = arith.cmpf ogt, %gather3A_2122, %select_n3A_2157 : vector<16xf32>
    %select_n3A_2162 = arith.select %gt3A_2161, %gather3A_2122, %select_n3A_2157 : vector<16xi1>, vector<16xf32>
    %jit3A_2163 = arith.constant 6 : i32
    %broadcast_in_dim3A_2164 = vector.broadcast %jit3A_2163 : i32 to vector<16xi32>
    %select_n3A_2165 = arith.select %gt3A_2161, %broadcast_in_dim3A_2164, %select_n3A_2160 : vector<16xi1>, vector<16xi32>
    %gt3A_2166 = arith.cmpf ogt, %gather3A_2126, %select_n3A_2162 : vector<16xf32>
    %select_n3A_2167 = arith.select %gt3A_2166, %gather3A_2126, %select_n3A_2162 : vector<16xi1>, vector<16xf32>
    %jit3A_2168 = arith.constant 7 : i32
    %broadcast_in_dim3A_2169 = vector.broadcast %jit3A_2168 : i32 to vector<16xi32>
    %select_n3A_2170 = arith.select %gt3A_2166, %broadcast_in_dim3A_2169, %select_n3A_2165 : vector<16xi1>, vector<16xi32>
    %broadcast_in_dim3A_2171 = arith.constant 0xFF800000 : f32
    %broadcast_in_dim3A_2172 = vector.broadcast %broadcast_in_dim3A_2171 : f32 to vector<16xf32>
    %broadcast_in_dim3A_2173 = arith.constant 0 : i32
    %broadcast_in_dim3A_2174 = vector.broadcast %broadcast_in_dim3A_2173 : i32 to vector<16xi32>
    %eq3A_2175 = arith.constant 0 : i32
    %eq3A_2176 = vector.broadcast %eq3A_2175 : i32 to vector<16xi32>
    %eq3A_2177 = arith.cmpi eq, %select_n3A_2170, %eq3A_2176 : vector<16xi32>
    %jit3A_2178 = arith.constant 0xFF800000 : f32
    %broadcast_in_dim3A_2179 = vector.broadcast %jit3A_2178 : f32 to vector<16xf32>
    %select_n3A_2180 = arith.select %eq3A_2177, %broadcast_in_dim3A_2179, %gather3A_2098 : vector<16xi1>, vector<16xf32>
    %gt3A_2181 = arith.cmpf ogt, %select_n3A_2180, %broadcast_in_dim3A_2172 : vector<16xf32>
    %select_n3A_2182 = arith.select %gt3A_2181, %select_n3A_2180, %broadcast_in_dim3A_2172 : vector<16xi1>, vector<16xf32>
    %jit3A_2183 = arith.constant 0 : i32
    %broadcast_in_dim3A_2184 = vector.broadcast %jit3A_2183 : i32 to vector<16xi32>
    %select_n3A_2185 = arith.select %gt3A_2181, %broadcast_in_dim3A_2184, %broadcast_in_dim3A_2174 : vector<16xi1>, vector<16xi32>
    %eq3A_2186 = arith.constant 1 : i32
    %eq3A_2187 = vector.broadcast %eq3A_2186 : i32 to vector<16xi32>
    %eq3A_2188 = arith.cmpi eq, %select_n3A_2170, %eq3A_2187 : vector<16xi32>
    %jit3A_2189 = arith.constant 0xFF800000 : f32
    %broadcast_in_dim3A_2190 = vector.broadcast %jit3A_2189 : f32 to vector<16xf32>
    %select_n3A_2191 = arith.select %eq3A_2188, %broadcast_in_dim3A_2190, %gather3A_2102 : vector<16xi1>, vector<16xf32>
    %gt3A_2192 = arith.cmpf ogt, %select_n3A_2191, %select_n3A_2182 : vector<16xf32>
    %select_n3A_2193 = arith.select %gt3A_2192, %select_n3A_2191, %select_n3A_2182 : vector<16xi1>, vector<16xf32>
    %jit3A_2194 = arith.constant 1 : i32
    %broadcast_in_dim3A_2195 = vector.broadcast %jit3A_2194 : i32 to vector<16xi32>
    %select_n3A_2196 = arith.select %gt3A_2192, %broadcast_in_dim3A_2195, %select_n3A_2185 : vector<16xi1>, vector<16xi32>
    %eq3A_2197 = arith.constant 2 : i32
    %eq3A_2198 = vector.broadcast %eq3A_2197 : i32 to vector<16xi32>
    %eq3A_2199 = arith.cmpi eq, %select_n3A_2170, %eq3A_2198 : vector<16xi32>
    %jit3A_2200 = arith.constant 0xFF800000 : f32
    %broadcast_in_dim3A_2201 = vector.broadcast %jit3A_2200 : f32 to vector<16xf32>
    %select_n3A_2202 = arith.select %eq3A_2199, %broadcast_in_dim3A_2201, %gather3A_2106 : vector<16xi1>, vector<16xf32>
    %gt3A_2203 = arith.cmpf ogt, %select_n3A_2202, %select_n3A_2193 : vector<16xf32>
    %select_n3A_2204 = arith.select %gt3A_2203, %select_n3A_2202, %select_n3A_2193 : vector<16xi1>, vector<16xf32>
    %jit3A_2205 = arith.constant 2 : i32
    %broadcast_in_dim3A_2206 = vector.broadcast %jit3A_2205 : i32 to vector<16xi32>
    %select_n3A_2207 = arith.select %gt3A_2203, %broadcast_in_dim3A_2206, %select_n3A_2196 : vector<16xi1>, vector<16xi32>
    %eq3A_2208 = arith.constant 3 : i32
    %eq3A_2209 = vector.broadcast %eq3A_2208 : i32 to vector<16xi32>
    %eq3A_2210 = arith.cmpi eq, %select_n3A_2170, %eq3A_2209 : vector<16xi32>
    %jit3A_2211 = arith.constant 0xFF800000 : f32
    %broadcast_in_dim3A_2212 = vector.broadcast %jit3A_2211 : f32 to vector<16xf32>
    %select_n3A_2213 = arith.select %eq3A_2210, %broadcast_in_dim3A_2212, %gather3A_2110 : vector<16xi1>, vector<16xf32>
    %gt3A_2214 = arith.cmpf ogt, %select_n3A_2213, %select_n3A_2204 : vector<16xf32>
    %select_n3A_2215 = arith.select %gt3A_2214, %select_n3A_2213, %select_n3A_2204 : vector<16xi1>, vector<16xf32>
    %jit3A_2216 = arith.constant 3 : i32
    %broadcast_in_dim3A_2217 = vector.broadcast %jit3A_2216 : i32 to vector<16xi32>
    %select_n3A_2218 = arith.select %gt3A_2214, %broadcast_in_dim3A_2217, %select_n3A_2207 : vector<16xi1>, vector<16xi32>
    %eq3A_2219 = arith.constant 4 : i32
    %eq3A_2220 = vector.broadcast %eq3A_2219 : i32 to vector<16xi32>
    %eq3A_2221 = arith.cmpi eq, %select_n3A_2170, %eq3A_2220 : vector<16xi32>
    %jit3A_2222 = arith.constant 0xFF800000 : f32
    %broadcast_in_dim3A_2223 = vector.broadcast %jit3A_2222 : f32 to vector<16xf32>
    %select_n3A_2224 = arith.select %eq3A_2221, %broadcast_in_dim3A_2223, %gather3A_2114 : vector<16xi1>, vector<16xf32>
    %gt3A_2225 = arith.cmpf ogt, %select_n3A_2224, %select_n3A_2215 : vector<16xf32>
    %select_n3A_2226 = arith.select %gt3A_2225, %select_n3A_2224, %select_n3A_2215 : vector<16xi1>, vector<16xf32>
    %jit3A_2227 = arith.constant 4 : i32
    %broadcast_in_dim3A_2228 = vector.broadcast %jit3A_2227 : i32 to vector<16xi32>
    %select_n3A_2229 = arith.select %gt3A_2225, %broadcast_in_dim3A_2228, %select_n3A_2218 : vector<16xi1>, vector<16xi32>
    %eq3A_2230 = arith.constant 5 : i32
    %eq3A_2231 = vector.broadcast %eq3A_2230 : i32 to vector<16xi32>
    %eq3A_2232 = arith.cmpi eq, %select_n3A_2170, %eq3A_2231 : vector<16xi32>
    %jit3A_2233 = arith.constant 0xFF800000 : f32
    %broadcast_in_dim3A_2234 = vector.broadcast %jit3A_2233 : f32 to vector<16xf32>
    %select_n3A_2235 = arith.select %eq3A_2232, %broadcast_in_dim3A_2234, %gather3A_2118 : vector<16xi1>, vector<16xf32>
    %gt3A_2236 = arith.cmpf ogt, %select_n3A_2235, %select_n3A_2226 : vector<16xf32>
    %select_n3A_2237 = arith.select %gt3A_2236, %select_n3A_2235, %select_n3A_2226 : vector<16xi1>, vector<16xf32>
    %jit3A_2238 = arith.constant 5 : i32
    %broadcast_in_dim3A_2239 = vector.broadcast %jit3A_2238 : i32 to vector<16xi32>
    %select_n3A_2240 = arith.select %gt3A_2236, %broadcast_in_dim3A_2239, %select_n3A_2229 : vector<16xi1>, vector<16xi32>
    %eq3A_2241 = arith.constant 6 : i32
    %eq3A_2242 = vector.broadcast %eq3A_2241 : i32 to vector<16xi32>
    %eq3A_2243 = arith.cmpi eq, %select_n3A_2170, %eq3A_2242 : vector<16xi32>
    %jit3A_2244 = arith.constant 0xFF800000 : f32
    %broadcast_in_dim3A_2245 = vector.broadcast %jit3A_2244 : f32 to vector<16xf32>
    %select_n3A_2246 = arith.select %eq3A_2243, %broadcast_in_dim3A_2245, %gather3A_2122 : vector<16xi1>, vector<16xf32>
    %gt3A_2247 = arith.cmpf ogt, %select_n3A_2246, %select_n3A_2237 : vector<16xf32>
    %select_n3A_2248 = arith.select %gt3A_2247, %select_n3A_2246, %select_n3A_2237 : vector<16xi1>, vector<16xf32>
    %jit3A_2249 = arith.constant 6 : i32
    %broadcast_in_dim3A_2250 = vector.broadcast %jit3A_2249 : i32 to vector<16xi32>
    %select_n3A_2251 = arith.select %gt3A_2247, %broadcast_in_dim3A_2250, %select_n3A_2240 : vector<16xi1>, vector<16xi32>
    %eq3A_2252 = arith.constant 7 : i32
    %eq3A_2253 = vector.broadcast %eq3A_2252 : i32 to vector<16xi32>
    %eq3A_2254 = arith.cmpi eq, %select_n3A_2170, %eq3A_2253 : vector<16xi32>
    %jit3A_2255 = arith.constant 0xFF800000 : f32
    %broadcast_in_dim3A_2256 = vector.broadcast %jit3A_2255 : f32 to vector<16xf32>
    %select_n3A_2257 = arith.select %eq3A_2254, %broadcast_in_dim3A_2256, %gather3A_2126 : vector<16xi1>, vector<16xf32>
    %gt3A_2258 = arith.cmpf ogt, %select_n3A_2257, %select_n3A_2248 : vector<16xf32>
    %select_n3A_2259 = arith.select %gt3A_2258, %select_n3A_2257, %select_n3A_2248 : vector<16xi1>, vector<16xf32>
    %jit3A_2260 = arith.constant 7 : i32
    %broadcast_in_dim3A_2261 = vector.broadcast %jit3A_2260 : i32 to vector<16xi32>
    %select_n3A_2262 = arith.select %gt3A_2258, %broadcast_in_dim3A_2261, %select_n3A_2251 : vector<16xi1>, vector<16xi32>
    %sub3A_2263 = arith.subf %select_n3A_2259, %select_n3A_2167 : vector<16xf32>
    %exp3A_2264 = math.exp %sub3A_2263 : vector<16xf32>
    %add3A_2265 = arith.constant 1.000000e+00 : f32
    %add3A_2266 = vector.broadcast %add3A_2265 : f32 to vector<16xf32>
    %add3A_2267 = arith.addf %add3A_2266, %exp3A_2264 : vector<16xf32>
    %div3A_2268 = arith.constant 1.000000e+00 : f32
    %div3A_2269 = vector.broadcast %div3A_2268 : f32 to vector<16xf32>
    %div3A_2270 = arith.divf %div3A_2269, %add3A_2267 : vector<16xf32>
    %sub3A_2271 = arith.constant 1.000000e+00 : f32
    %sub3A_2272 = vector.broadcast %sub3A_2271 : f32 to vector<16xf32>
    %sub3A_2273 = arith.subf %sub3A_2272, %div3A_2270 : vector<16xf32>
    %broadcast_in_dim3A_2274 = arith.constant 0 : i32
    %broadcast_in_dim3A_2275 = vector.broadcast %broadcast_in_dim3A_2274 : i32 to vector<16xi32>
    %broadcast_in_dim3A_2276 = arith.constant 0 : i32
    %broadcast_in_dim3A_2277 = vector.broadcast %broadcast_in_dim3A_2276 : i32 to vector<16xi32>
    %eq3A_2278 = arith.constant 0 : i32
    %eq3A_2279 = vector.broadcast %eq3A_2278 : i32 to vector<16xi32>
    %eq3A_2280 = arith.cmpi eq, %select_n3A_2170, %eq3A_2279 : vector<16xi32>
    %eq3A_2281 = arith.constant 0 : i32
    %eq3A_2282 = vector.broadcast %eq3A_2281 : i32 to vector<16xi32>
    %eq3A_2283 = arith.cmpi eq, %select_n3A_2262, %eq3A_2282 : vector<16xi32>
    %or3A_2284 = arith.ori %eq3A_2280, %eq3A_2283 : vector<16xi1>
    %convert_element_type3A_2285 = arith.extui %or3A_2284 : vector<16xi1> to vector<16xi32>
    %broadcast_in_dim3A_2286 = arith.constant true
    %broadcast_in_dim3A_2287 = vector.broadcast %broadcast_in_dim3A_2286 : i1 to vector<16xi1>
    %masked_cumsum3A_2288 = tpu.scan <sum>, %convert_element_type3A_2285 masked %broadcast_in_dim3A_2287 : vector<16xi32>, vector<16xi1> -> vector<16xi32>
    %sub3A_2289 = arith.subi %masked_cumsum3A_2288, %convert_element_type3A_2285 : vector<16xi32>
    %add3A_2290 = vector.broadcast %add3A_1887 : i32 to vector<16xi32>
    %add3A_2291 = arith.addi %add3A_2290, %sub3A_2289 : vector<16xi32>
    %eq3A_2292 = arith.constant 0 : i32
    %eq3A_2293 = vector.broadcast %eq3A_2292 : i32 to vector<16xi32>
    %eq3A_2294 = arith.cmpi eq, %select_n3A_2170, %eq3A_2293 : vector<16xi32>
    %select_n3A_2295 = arith.select %eq3A_2294, %add3A_2291, %broadcast_in_dim3A_2275 : vector<16xi1>, vector<16xi32>
    %eq3A_2296 = arith.constant 0 : i32
    %eq3A_2297 = vector.broadcast %eq3A_2296 : i32 to vector<16xi32>
    %eq3A_2298 = arith.cmpi eq, %select_n3A_2262, %eq3A_2297 : vector<16xi32>
    %select_n3A_2299 = arith.select %eq3A_2298, %add3A_2291, %broadcast_in_dim3A_2277 : vector<16xi1>, vector<16xi32>
    %reduce_sum3A_2300 = arith.constant true
    %reduce_sum3A_2301 = vector.broadcast %reduce_sum3A_2300 : i1 to vector<16xi1>
    %reduce_sum3A_2302 = tpu.scan <sum>, %convert_element_type3A_2285 masked %reduce_sum3A_2301 : vector<16xi32>, vector<16xi1> -> vector<16xi32>
    %reduce_sum3A_2303 = vector.extract %reduce_sum3A_2302[15] : i32 from vector<16xi32>
    %add3A_2304 = arith.addi %add3A_1887, %reduce_sum3A_2303 : i32
    %eq3A_2305 = arith.constant 1 : i32
    %eq3A_2306 = vector.broadcast %eq3A_2305 : i32 to vector<16xi32>
    %eq3A_2307 = arith.cmpi eq, %select_n3A_2170, %eq3A_2306 : vector<16xi32>
    %eq3A_2308 = arith.constant 1 : i32
    %eq3A_2309 = vector.broadcast %eq3A_2308 : i32 to vector<16xi32>
    %eq3A_2310 = arith.cmpi eq, %select_n3A_2262, %eq3A_2309 : vector<16xi32>
    %or3A_2311 = arith.ori %eq3A_2307, %eq3A_2310 : vector<16xi1>
    %convert_element_type3A_2312 = arith.extui %or3A_2311 : vector<16xi1> to vector<16xi32>
    %broadcast_in_dim3A_2313 = arith.constant true
    %broadcast_in_dim3A_2314 = vector.broadcast %broadcast_in_dim3A_2313 : i1 to vector<16xi1>
    %masked_cumsum3A_2315 = tpu.scan <sum>, %convert_element_type3A_2312 masked %broadcast_in_dim3A_2314 : vector<16xi32>, vector<16xi1> -> vector<16xi32>
    %sub3A_2316 = arith.subi %masked_cumsum3A_2315, %convert_element_type3A_2312 : vector<16xi32>
    %add3A_2317 = vector.broadcast %add3A_1914 : i32 to vector<16xi32>
    %add3A_2318 = arith.addi %add3A_2317, %sub3A_2316 : vector<16xi32>
    %eq3A_2319 = arith.constant 1 : i32
    %eq3A_2320 = vector.broadcast %eq3A_2319 : i32 to vector<16xi32>
    %eq3A_2321 = arith.cmpi eq, %select_n3A_2170, %eq3A_2320 : vector<16xi32>
    %select_n3A_2322 = arith.select %eq3A_2321, %add3A_2318, %select_n3A_2295 : vector<16xi1>, vector<16xi32>
    %eq3A_2323 = arith.constant 1 : i32
    %eq3A_2324 = vector.broadcast %eq3A_2323 : i32 to vector<16xi32>
    %eq3A_2325 = arith.cmpi eq, %select_n3A_2262, %eq3A_2324 : vector<16xi32>
    %select_n3A_2326 = arith.select %eq3A_2325, %add3A_2318, %select_n3A_2299 : vector<16xi1>, vector<16xi32>
    %reduce_sum3A_2327 = arith.constant true
    %reduce_sum3A_2328 = vector.broadcast %reduce_sum3A_2327 : i1 to vector<16xi1>
    %reduce_sum3A_2329 = tpu.scan <sum>, %convert_element_type3A_2312 masked %reduce_sum3A_2328 : vector<16xi32>, vector<16xi1> -> vector<16xi32>
    %reduce_sum3A_2330 = vector.extract %reduce_sum3A_2329[15] : i32 from vector<16xi32>
    %add3A_2331 = arith.addi %add3A_1914, %reduce_sum3A_2330 : i32
    %eq3A_2332 = arith.constant 2 : i32
    %eq3A_2333 = vector.broadcast %eq3A_2332 : i32 to vector<16xi32>
    %eq3A_2334 = arith.cmpi eq, %select_n3A_2170, %eq3A_2333 : vector<16xi32>
    %eq3A_2335 = arith.constant 2 : i32
    %eq3A_2336 = vector.broadcast %eq3A_2335 : i32 to vector<16xi32>
    %eq3A_2337 = arith.cmpi eq, %select_n3A_2262, %eq3A_2336 : vector<16xi32>
    %or3A_2338 = arith.ori %eq3A_2334, %eq3A_2337 : vector<16xi1>
    %convert_element_type3A_2339 = arith.extui %or3A_2338 : vector<16xi1> to vector<16xi32>
    %broadcast_in_dim3A_2340 = arith.constant true
    %broadcast_in_dim3A_2341 = vector.broadcast %broadcast_in_dim3A_2340 : i1 to vector<16xi1>
    %masked_cumsum3A_2342 = tpu.scan <sum>, %convert_element_type3A_2339 masked %broadcast_in_dim3A_2341 : vector<16xi32>, vector<16xi1> -> vector<16xi32>
    %sub3A_2343 = arith.subi %masked_cumsum3A_2342, %convert_element_type3A_2339 : vector<16xi32>
    %add3A_2344 = vector.broadcast %add3A_1941 : i32 to vector<16xi32>
    %add3A_2345 = arith.addi %add3A_2344, %sub3A_2343 : vector<16xi32>
    %eq3A_2346 = arith.constant 2 : i32
    %eq3A_2347 = vector.broadcast %eq3A_2346 : i32 to vector<16xi32>
    %eq3A_2348 = arith.cmpi eq, %select_n3A_2170, %eq3A_2347 : vector<16xi32>
    %select_n3A_2349 = arith.select %eq3A_2348, %add3A_2345, %select_n3A_2322 : vector<16xi1>, vector<16xi32>
    %eq3A_2350 = arith.constant 2 : i32
    %eq3A_2351 = vector.broadcast %eq3A_2350 : i32 to vector<16xi32>
    %eq3A_2352 = arith.cmpi eq, %select_n3A_2262, %eq3A_2351 : vector<16xi32>
    %select_n3A_2353 = arith.select %eq3A_2352, %add3A_2345, %select_n3A_2326 : vector<16xi1>, vector<16xi32>
    %reduce_sum3A_2354 = arith.constant true
    %reduce_sum3A_2355 = vector.broadcast %reduce_sum3A_2354 : i1 to vector<16xi1>
    %reduce_sum3A_2356 = tpu.scan <sum>, %convert_element_type3A_2339 masked %reduce_sum3A_2355 : vector<16xi32>, vector<16xi1> -> vector<16xi32>
    %reduce_sum3A_2357 = vector.extract %reduce_sum3A_2356[15] : i32 from vector<16xi32>
    %add3A_2358 = arith.addi %add3A_1941, %reduce_sum3A_2357 : i32
    %eq3A_2359 = arith.constant 3 : i32
    %eq3A_2360 = vector.broadcast %eq3A_2359 : i32 to vector<16xi32>
    %eq3A_2361 = arith.cmpi eq, %select_n3A_2170, %eq3A_2360 : vector<16xi32>
    %eq3A_2362 = arith.constant 3 : i32
    %eq3A_2363 = vector.broadcast %eq3A_2362 : i32 to vector<16xi32>
    %eq3A_2364 = arith.cmpi eq, %select_n3A_2262, %eq3A_2363 : vector<16xi32>
    %or3A_2365 = arith.ori %eq3A_2361, %eq3A_2364 : vector<16xi1>
    %convert_element_type3A_2366 = arith.extui %or3A_2365 : vector<16xi1> to vector<16xi32>
    %broadcast_in_dim3A_2367 = arith.constant true
    %broadcast_in_dim3A_2368 = vector.broadcast %broadcast_in_dim3A_2367 : i1 to vector<16xi1>
    %masked_cumsum3A_2369 = tpu.scan <sum>, %convert_element_type3A_2366 masked %broadcast_in_dim3A_2368 : vector<16xi32>, vector<16xi1> -> vector<16xi32>
    %sub3A_2370 = arith.subi %masked_cumsum3A_2369, %convert_element_type3A_2366 : vector<16xi32>
    %add3A_2371 = vector.broadcast %add3A_1968 : i32 to vector<16xi32>
    %add3A_2372 = arith.addi %add3A_2371, %sub3A_2370 : vector<16xi32>
    %eq3A_2373 = arith.constant 3 : i32
    %eq3A_2374 = vector.broadcast %eq3A_2373 : i32 to vector<16xi32>
    %eq3A_2375 = arith.cmpi eq, %select_n3A_2170, %eq3A_2374 : vector<16xi32>
    %select_n3A_2376 = arith.select %eq3A_2375, %add3A_2372, %select_n3A_2349 : vector<16xi1>, vector<16xi32>
    %eq3A_2377 = arith.constant 3 : i32
    %eq3A_2378 = vector.broadcast %eq3A_2377 : i32 to vector<16xi32>
    %eq3A_2379 = arith.cmpi eq, %select_n3A_2262, %eq3A_2378 : vector<16xi32>
    %select_n3A_2380 = arith.select %eq3A_2379, %add3A_2372, %select_n3A_2353 : vector<16xi1>, vector<16xi32>
    %reduce_sum3A_2381 = arith.constant true
    %reduce_sum3A_2382 = vector.broadcast %reduce_sum3A_2381 : i1 to vector<16xi1>
    %reduce_sum3A_2383 = tpu.scan <sum>, %convert_element_type3A_2366 masked %reduce_sum3A_2382 : vector<16xi32>, vector<16xi1> -> vector<16xi32>
    %reduce_sum3A_2384 = vector.extract %reduce_sum3A_2383[15] : i32 from vector<16xi32>
    %add3A_2385 = arith.addi %add3A_1968, %reduce_sum3A_2384 : i32
    %eq3A_2386 = arith.constant 4 : i32
    %eq3A_2387 = vector.broadcast %eq3A_2386 : i32 to vector<16xi32>
    %eq3A_2388 = arith.cmpi eq, %select_n3A_2170, %eq3A_2387 : vector<16xi32>
    %eq3A_2389 = arith.constant 4 : i32
    %eq3A_2390 = vector.broadcast %eq3A_2389 : i32 to vector<16xi32>
    %eq3A_2391 = arith.cmpi eq, %select_n3A_2262, %eq3A_2390 : vector<16xi32>
    %or3A_2392 = arith.ori %eq3A_2388, %eq3A_2391 : vector<16xi1>
    %convert_element_type3A_2393 = arith.extui %or3A_2392 : vector<16xi1> to vector<16xi32>
    %broadcast_in_dim3A_2394 = arith.constant true
    %broadcast_in_dim3A_2395 = vector.broadcast %broadcast_in_dim3A_2394 : i1 to vector<16xi1>
    %masked_cumsum3A_2396 = tpu.scan <sum>, %convert_element_type3A_2393 masked %broadcast_in_dim3A_2395 : vector<16xi32>, vector<16xi1> -> vector<16xi32>
    %sub3A_2397 = arith.subi %masked_cumsum3A_2396, %convert_element_type3A_2393 : vector<16xi32>
    %add3A_2398 = vector.broadcast %add3A_1995 : i32 to vector<16xi32>
    %add3A_2399 = arith.addi %add3A_2398, %sub3A_2397 : vector<16xi32>
    %eq3A_2400 = arith.constant 4 : i32
    %eq3A_2401 = vector.broadcast %eq3A_2400 : i32 to vector<16xi32>
    %eq3A_2402 = arith.cmpi eq, %select_n3A_2170, %eq3A_2401 : vector<16xi32>
    %select_n3A_2403 = arith.select %eq3A_2402, %add3A_2399, %select_n3A_2376 : vector<16xi1>, vector<16xi32>
    %eq3A_2404 = arith.constant 4 : i32
    %eq3A_2405 = vector.broadcast %eq3A_2404 : i32 to vector<16xi32>
    %eq3A_2406 = arith.cmpi eq, %select_n3A_2262, %eq3A_2405 : vector<16xi32>
    %select_n3A_2407 = arith.select %eq3A_2406, %add3A_2399, %select_n3A_2380 : vector<16xi1>, vector<16xi32>
    %reduce_sum3A_2408 = arith.constant true
    %reduce_sum3A_2409 = vector.broadcast %reduce_sum3A_2408 : i1 to vector<16xi1>
    %reduce_sum3A_2410 = tpu.scan <sum>, %convert_element_type3A_2393 masked %reduce_sum3A_2409 : vector<16xi32>, vector<16xi1> -> vector<16xi32>
    %reduce_sum3A_2411 = vector.extract %reduce_sum3A_2410[15] : i32 from vector<16xi32>
    %add3A_2412 = arith.addi %add3A_1995, %reduce_sum3A_2411 : i32
    %eq3A_2413 = arith.constant 5 : i32
    %eq3A_2414 = vector.broadcast %eq3A_2413 : i32 to vector<16xi32>
    %eq3A_2415 = arith.cmpi eq, %select_n3A_2170, %eq3A_2414 : vector<16xi32>
    %eq3A_2416 = arith.constant 5 : i32
    %eq3A_2417 = vector.broadcast %eq3A_2416 : i32 to vector<16xi32>
    %eq3A_2418 = arith.cmpi eq, %select_n3A_2262, %eq3A_2417 : vector<16xi32>
    %or3A_2419 = arith.ori %eq3A_2415, %eq3A_2418 : vector<16xi1>
    %convert_element_type3A_2420 = arith.extui %or3A_2419 : vector<16xi1> to vector<16xi32>
    %broadcast_in_dim3A_2421 = arith.constant true
    %broadcast_in_dim3A_2422 = vector.broadcast %broadcast_in_dim3A_2421 : i1 to vector<16xi1>
    %masked_cumsum3A_2423 = tpu.scan <sum>, %convert_element_type3A_2420 masked %broadcast_in_dim3A_2422 : vector<16xi32>, vector<16xi1> -> vector<16xi32>
    %sub3A_2424 = arith.subi %masked_cumsum3A_2423, %convert_element_type3A_2420 : vector<16xi32>
    %add3A_2425 = vector.broadcast %add3A_2022 : i32 to vector<16xi32>
    %add3A_2426 = arith.addi %add3A_2425, %sub3A_2424 : vector<16xi32>
    %eq3A_2427 = arith.constant 5 : i32
    %eq3A_2428 = vector.broadcast %eq3A_2427 : i32 to vector<16xi32>
    %eq3A_2429 = arith.cmpi eq, %select_n3A_2170, %eq3A_2428 : vector<16xi32>
    %select_n3A_2430 = arith.select %eq3A_2429, %add3A_2426, %select_n3A_2403 : vector<16xi1>, vector<16xi32>
    %eq3A_2431 = arith.constant 5 : i32
    %eq3A_2432 = vector.broadcast %eq3A_2431 : i32 to vector<16xi32>
    %eq3A_2433 = arith.cmpi eq, %select_n3A_2262, %eq3A_2432 : vector<16xi32>
    %select_n3A_2434 = arith.select %eq3A_2433, %add3A_2426, %select_n3A_2407 : vector<16xi1>, vector<16xi32>
    %reduce_sum3A_2435 = arith.constant true
    %reduce_sum3A_2436 = vector.broadcast %reduce_sum3A_2435 : i1 to vector<16xi1>
    %reduce_sum3A_2437 = tpu.scan <sum>, %convert_element_type3A_2420 masked %reduce_sum3A_2436 : vector<16xi32>, vector<16xi1> -> vector<16xi32>
    %reduce_sum3A_2438 = vector.extract %reduce_sum3A_2437[15] : i32 from vector<16xi32>
    %add3A_2439 = arith.addi %add3A_2022, %reduce_sum3A_2438 : i32
    %eq3A_2440 = arith.constant 6 : i32
    %eq3A_2441 = vector.broadcast %eq3A_2440 : i32 to vector<16xi32>
    %eq3A_2442 = arith.cmpi eq, %select_n3A_2170, %eq3A_2441 : vector<16xi32>
    %eq3A_2443 = arith.constant 6 : i32
    %eq3A_2444 = vector.broadcast %eq3A_2443 : i32 to vector<16xi32>
    %eq3A_2445 = arith.cmpi eq, %select_n3A_2262, %eq3A_2444 : vector<16xi32>
    %or3A_2446 = arith.ori %eq3A_2442, %eq3A_2445 : vector<16xi1>
    %convert_element_type3A_2447 = arith.extui %or3A_2446 : vector<16xi1> to vector<16xi32>
    %broadcast_in_dim3A_2448 = arith.constant true
    %broadcast_in_dim3A_2449 = vector.broadcast %broadcast_in_dim3A_2448 : i1 to vector<16xi1>
    %masked_cumsum3A_2450 = tpu.scan <sum>, %convert_element_type3A_2447 masked %broadcast_in_dim3A_2449 : vector<16xi32>, vector<16xi1> -> vector<16xi32>
    %sub3A_2451 = arith.subi %masked_cumsum3A_2450, %convert_element_type3A_2447 : vector<16xi32>
    %add3A_2452 = vector.broadcast %add3A_2049 : i32 to vector<16xi32>
    %add3A_2453 = arith.addi %add3A_2452, %sub3A_2451 : vector<16xi32>
    %eq3A_2454 = arith.constant 6 : i32
    %eq3A_2455 = vector.broadcast %eq3A_2454 : i32 to vector<16xi32>
    %eq3A_2456 = arith.cmpi eq, %select_n3A_2170, %eq3A_2455 : vector<16xi32>
    %select_n3A_2457 = arith.select %eq3A_2456, %add3A_2453, %select_n3A_2430 : vector<16xi1>, vector<16xi32>
    %eq3A_2458 = arith.constant 6 : i32
    %eq3A_2459 = vector.broadcast %eq3A_2458 : i32 to vector<16xi32>
    %eq3A_2460 = arith.cmpi eq, %select_n3A_2262, %eq3A_2459 : vector<16xi32>
    %select_n3A_2461 = arith.select %eq3A_2460, %add3A_2453, %select_n3A_2434 : vector<16xi1>, vector<16xi32>
    %reduce_sum3A_2462 = arith.constant true
    %reduce_sum3A_2463 = vector.broadcast %reduce_sum3A_2462 : i1 to vector<16xi1>
    %reduce_sum3A_2464 = tpu.scan <sum>, %convert_element_type3A_2447 masked %reduce_sum3A_2463 : vector<16xi32>, vector<16xi1> -> vector<16xi32>
    %reduce_sum3A_2465 = vector.extract %reduce_sum3A_2464[15] : i32 from vector<16xi32>
    %add3A_2466 = arith.addi %add3A_2049, %reduce_sum3A_2465 : i32
    %eq3A_2467 = arith.constant 7 : i32
    %eq3A_2468 = vector.broadcast %eq3A_2467 : i32 to vector<16xi32>
    %eq3A_2469 = arith.cmpi eq, %select_n3A_2170, %eq3A_2468 : vector<16xi32>
    %eq3A_2470 = arith.constant 7 : i32
    %eq3A_2471 = vector.broadcast %eq3A_2470 : i32 to vector<16xi32>
    %eq3A_2472 = arith.cmpi eq, %select_n3A_2262, %eq3A_2471 : vector<16xi32>
    %or3A_2473 = arith.ori %eq3A_2469, %eq3A_2472 : vector<16xi1>
    %convert_element_type3A_2474 = arith.extui %or3A_2473 : vector<16xi1> to vector<16xi32>
    %broadcast_in_dim3A_2475 = arith.constant true
    %broadcast_in_dim3A_2476 = vector.broadcast %broadcast_in_dim3A_2475 : i1 to vector<16xi1>
    %masked_cumsum3A_2477 = tpu.scan <sum>, %convert_element_type3A_2474 masked %broadcast_in_dim3A_2476 : vector<16xi32>, vector<16xi1> -> vector<16xi32>
    %sub3A_2478 = arith.subi %masked_cumsum3A_2477, %convert_element_type3A_2474 : vector<16xi32>
    %add3A_2479 = vector.broadcast %add3A_2076 : i32 to vector<16xi32>
    %add3A_2480 = arith.addi %add3A_2479, %sub3A_2478 : vector<16xi32>
    %eq3A_2481 = arith.constant 7 : i32
    %eq3A_2482 = vector.broadcast %eq3A_2481 : i32 to vector<16xi32>
    %eq3A_2483 = arith.cmpi eq, %select_n3A_2170, %eq3A_2482 : vector<16xi32>
    %select_n3A_2484 = arith.select %eq3A_2483, %add3A_2480, %select_n3A_2457 : vector<16xi1>, vector<16xi32>
    %eq3A_2485 = arith.constant 7 : i32
    %eq3A_2486 = vector.broadcast %eq3A_2485 : i32 to vector<16xi32>
    %eq3A_2487 = arith.cmpi eq, %select_n3A_2262, %eq3A_2486 : vector<16xi32>
    %select_n3A_2488 = arith.select %eq3A_2487, %add3A_2480, %select_n3A_2461 : vector<16xi1>, vector<16xi32>
    %reduce_sum3A_2489 = arith.constant true
    %reduce_sum3A_2490 = vector.broadcast %reduce_sum3A_2489 : i1 to vector<16xi1>
    %reduce_sum3A_2491 = tpu.scan <sum>, %convert_element_type3A_2474 masked %reduce_sum3A_2490 : vector<16xi32>, vector<16xi1> -> vector<16xi32>
    %reduce_sum3A_2492 = vector.extract %reduce_sum3A_2491[15] : i32 from vector<16xi32>
    %add3A_2493 = arith.addi %add3A_2076, %reduce_sum3A_2492 : i32
    %swap3A_2494 = arith.constant 80 : index
    %swap3A_2495 = tpu.vector_load %arg10[%swap3A_2494] {strides = array<i32>} : memref<128xi32, #tpu.memory_space<vmem>>, vector<16xi32>,
    tpu.vector_store %arg10[%swap3A_2494], %select_n3A_2170 {strides = array<i32>} : memref<128xi32, #tpu.memory_space<vmem>>, vector<16xi32>,
    %swap3A_2496 = arith.constant 80 : index
    %swap3A_2497 = tpu.vector_load %arg11[%swap3A_2496] {strides = array<i32>} : memref<128xi32, #tpu.memory_space<vmem>>, vector<16xi32>,
    tpu.vector_store %arg11[%swap3A_2496], %select_n3A_2262 {strides = array<i32>} : memref<128xi32, #tpu.memory_space<vmem>>, vector<16xi32>,
    %swap3A_2498 = arith.constant 80 : index
    %swap3A_2499 = tpu.vector_load %arg12[%swap3A_2498] {strides = array<i32>} : memref<128xf32, #tpu.memory_space<vmem>>, vector<16xf32>,
    tpu.vector_store %arg12[%swap3A_2498], %div3A_2270 {strides = array<i32>} : memref<128xf32, #tpu.memory_space<vmem>>, vector<16xf32>,
    %swap3A_2500 = arith.constant 80 : index
    %swap3A_2501 = tpu.vector_load %arg13[%swap3A_2500] {strides = array<i32>} : memref<128xf32, #tpu.memory_space<vmem>>, vector<16xf32>,
    tpu.vector_store %arg13[%swap3A_2500], %sub3A_2273 {strides = array<i32>} : memref<128xf32, #tpu.memory_space<vmem>>, vector<16xf32>,
    %swap3A_2502 = arith.constant 80 : index
    %swap3A_2503 = tpu.vector_load %arg14[%swap3A_2502] {strides = array<i32>} : memref<128xi32, #tpu.memory_space<vmem>>, vector<16xi32>,
    tpu.vector_store %arg14[%swap3A_2502], %select_n3A_2484 {strides = array<i32>} : memref<128xi32, #tpu.memory_space<vmem>>, vector<16xi32>,
    %swap3A_2504 = arith.constant 80 : index
    %swap3A_2505 = tpu.vector_load %arg15[%swap3A_2504] {strides = array<i32>} : memref<128xi32, #tpu.memory_space<vmem>>, vector<16xi32>,
    tpu.vector_store %arg15[%swap3A_2504], %select_n3A_2488 {strides = array<i32>} : memref<128xi32, #tpu.memory_space<vmem>>, vector<16xi32>,
    %add3A_2506 = arith.constant 96 : i32
    %add3A_2507 = vector.broadcast %add3A_2506 : i32 to vector<16xi32>
    %add3A_2508 = arith.addi %iota3A, %add3A_2507 : vector<16xi32>
    %mul3A_2509 = arith.constant 8 : i32
    %mul3A_2510 = vector.broadcast %mul3A_2509 : i32 to vector<16xi32>
    %mul3A_2511 = arith.muli %add3A_2508, %mul3A_2510 : vector<16xi32>
    %add3A_2512 = arith.constant 0 : i32
    %add3A_2513 = vector.broadcast %add3A_2512 : i32 to vector<16xi32>
    %add3A_2514 = arith.addi %mul3A_2511, %add3A_2513 : vector<16xi32>
    %gather3A_2515 = tpu.vector_load_idx %arg9[%add3A_2514] : memref<1024xf32, #tpu.memory_space<vmem>>[vector<16xi32>], vector<16xf32>,
    %add3A_2516 = arith.constant 1 : i32
    %add3A_2517 = vector.broadcast %add3A_2516 : i32 to vector<16xi32>
    %add3A_2518 = arith.addi %mul3A_2511, %add3A_2517 : vector<16xi32>
    %gather3A_2519 = tpu.vector_load_idx %arg9[%add3A_2518] : memref<1024xf32, #tpu.memory_space<vmem>>[vector<16xi32>], vector<16xf32>,
    %add3A_2520 = arith.constant 2 : i32
    %add3A_2521 = vector.broadcast %add3A_2520 : i32 to vector<16xi32>
    %add3A_2522 = arith.addi %mul3A_2511, %add3A_2521 : vector<16xi32>
    %gather3A_2523 = tpu.vector_load_idx %arg9[%add3A_2522] : memref<1024xf32, #tpu.memory_space<vmem>>[vector<16xi32>], vector<16xf32>,
    %add3A_2524 = arith.constant 3 : i32
    %add3A_2525 = vector.broadcast %add3A_2524 : i32 to vector<16xi32>
    %add3A_2526 = arith.addi %mul3A_2511, %add3A_2525 : vector<16xi32>
    %gather3A_2527 = tpu.vector_load_idx %arg9[%add3A_2526] : memref<1024xf32, #tpu.memory_space<vmem>>[vector<16xi32>], vector<16xf32>,
    %add3A_2528 = arith.constant 4 : i32
    %add3A_2529 = vector.broadcast %add3A_2528 : i32 to vector<16xi32>
    %add3A_2530 = arith.addi %mul3A_2511, %add3A_2529 : vector<16xi32>
    %gather3A_2531 = tpu.vector_load_idx %arg9[%add3A_2530] : memref<1024xf32, #tpu.memory_space<vmem>>[vector<16xi32>], vector<16xf32>,
    %add3A_2532 = arith.constant 5 : i32
    %add3A_2533 = vector.broadcast %add3A_2532 : i32 to vector<16xi32>
    %add3A_2534 = arith.addi %mul3A_2511, %add3A_2533 : vector<16xi32>
    %gather3A_2535 = tpu.vector_load_idx %arg9[%add3A_2534] : memref<1024xf32, #tpu.memory_space<vmem>>[vector<16xi32>], vector<16xf32>,
    %add3A_2536 = arith.constant 6 : i32
    %add3A_2537 = vector.broadcast %add3A_2536 : i32 to vector<16xi32>
    %add3A_2538 = arith.addi %mul3A_2511, %add3A_2537 : vector<16xi32>
    %gather3A_2539 = tpu.vector_load_idx %arg9[%add3A_2538] : memref<1024xf32, #tpu.memory_space<vmem>>[vector<16xi32>], vector<16xf32>,
    %add3A_2540 = arith.constant 7 : i32
    %add3A_2541 = vector.broadcast %add3A_2540 : i32 to vector<16xi32>
    %add3A_2542 = arith.addi %mul3A_2511, %add3A_2541 : vector<16xi32>
    %gather3A_2543 = tpu.vector_load_idx %arg9[%add3A_2542] : memref<1024xf32, #tpu.memory_space<vmem>>[vector<16xi32>], vector<16xf32>,
    %broadcast_in_dim3A_2544 = arith.constant 0xFF800000 : f32
    %broadcast_in_dim3A_2545 = vector.broadcast %broadcast_in_dim3A_2544 : f32 to vector<16xf32>
    %broadcast_in_dim3A_2546 = arith.constant 0 : i32
    %broadcast_in_dim3A_2547 = vector.broadcast %broadcast_in_dim3A_2546 : i32 to vector<16xi32>
    %gt3A_2548 = arith.cmpf ogt, %gather3A_2515, %broadcast_in_dim3A_2545 : vector<16xf32>
    %select_n3A_2549 = arith.select %gt3A_2548, %gather3A_2515, %broadcast_in_dim3A_2545 : vector<16xi1>, vector<16xf32>
    %jit3A_2550 = arith.constant 0 : i32
    %broadcast_in_dim3A_2551 = vector.broadcast %jit3A_2550 : i32 to vector<16xi32>
    %select_n3A_2552 = arith.select %gt3A_2548, %broadcast_in_dim3A_2551, %broadcast_in_dim3A_2547 : vector<16xi1>, vector<16xi32>
    %gt3A_2553 = arith.cmpf ogt, %gather3A_2519, %select_n3A_2549 : vector<16xf32>
    %select_n3A_2554 = arith.select %gt3A_2553, %gather3A_2519, %select_n3A_2549 : vector<16xi1>, vector<16xf32>
    %jit3A_2555 = arith.constant 1 : i32
    %broadcast_in_dim3A_2556 = vector.broadcast %jit3A_2555 : i32 to vector<16xi32>
    %select_n3A_2557 = arith.select %gt3A_2553, %broadcast_in_dim3A_2556, %select_n3A_2552 : vector<16xi1>, vector<16xi32>
    %gt3A_2558 = arith.cmpf ogt, %gather3A_2523, %select_n3A_2554 : vector<16xf32>
    %select_n3A_2559 = arith.select %gt3A_2558, %gather3A_2523, %select_n3A_2554 : vector<16xi1>, vector<16xf32>
    %jit3A_2560 = arith.constant 2 : i32
    %broadcast_in_dim3A_2561 = vector.broadcast %jit3A_2560 : i32 to vector<16xi32>
    %select_n3A_2562 = arith.select %gt3A_2558, %broadcast_in_dim3A_2561, %select_n3A_2557 : vector<16xi1>, vector<16xi32>
    %gt3A_2563 = arith.cmpf ogt, %gather3A_2527, %select_n3A_2559 : vector<16xf32>
    %select_n3A_2564 = arith.select %gt3A_2563, %gather3A_2527, %select_n3A_2559 : vector<16xi1>, vector<16xf32>
    %jit3A_2565 = arith.constant 3 : i32
    %broadcast_in_dim3A_2566 = vector.broadcast %jit3A_2565 : i32 to vector<16xi32>
    %select_n3A_2567 = arith.select %gt3A_2563, %broadcast_in_dim3A_2566, %select_n3A_2562 : vector<16xi1>, vector<16xi32>
    %gt3A_2568 = arith.cmpf ogt, %gather3A_2531, %select_n3A_2564 : vector<16xf32>
    %select_n3A_2569 = arith.select %gt3A_2568, %gather3A_2531, %select_n3A_2564 : vector<16xi1>, vector<16xf32>
    %jit3A_2570 = arith.constant 4 : i32
    %broadcast_in_dim3A_2571 = vector.broadcast %jit3A_2570 : i32 to vector<16xi32>
    %select_n3A_2572 = arith.select %gt3A_2568, %broadcast_in_dim3A_2571, %select_n3A_2567 : vector<16xi1>, vector<16xi32>
    %gt3A_2573 = arith.cmpf ogt, %gather3A_2535, %select_n3A_2569 : vector<16xf32>
    %select_n3A_2574 = arith.select %gt3A_2573, %gather3A_2535, %select_n3A_2569 : vector<16xi1>, vector<16xf32>
    %jit3A_2575 = arith.constant 5 : i32
    %broadcast_in_dim3A_2576 = vector.broadcast %jit3A_2575 : i32 to vector<16xi32>
    %select_n3A_2577 = arith.select %gt3A_2573, %broadcast_in_dim3A_2576, %select_n3A_2572 : vector<16xi1>, vector<16xi32>
    %gt3A_2578 = arith.cmpf ogt, %gather3A_2539, %select_n3A_2574 : vector<16xf32>
    %select_n3A_2579 = arith.select %gt3A_2578, %gather3A_2539, %select_n3A_2574 : vector<16xi1>, vector<16xf32>
    %jit3A_2580 = arith.constant 6 : i32
    %broadcast_in_dim3A_2581 = vector.broadcast %jit3A_2580 : i32 to vector<16xi32>
    %select_n3A_2582 = arith.select %gt3A_2578, %broadcast_in_dim3A_2581, %select_n3A_2577 : vector<16xi1>, vector<16xi32>
    %gt3A_2583 = arith.cmpf ogt, %gather3A_2543, %select_n3A_2579 : vector<16xf32>
    %select_n3A_2584 = arith.select %gt3A_2583, %gather3A_2543, %select_n3A_2579 : vector<16xi1>, vector<16xf32>
    %jit3A_2585 = arith.constant 7 : i32
    %broadcast_in_dim3A_2586 = vector.broadcast %jit3A_2585 : i32 to vector<16xi32>
    %select_n3A_2587 = arith.select %gt3A_2583, %broadcast_in_dim3A_2586, %select_n3A_2582 : vector<16xi1>, vector<16xi32>
    %broadcast_in_dim3A_2588 = arith.constant 0xFF800000 : f32
    %broadcast_in_dim3A_2589 = vector.broadcast %broadcast_in_dim3A_2588 : f32 to vector<16xf32>
    %broadcast_in_dim3A_2590 = arith.constant 0 : i32
    %broadcast_in_dim3A_2591 = vector.broadcast %broadcast_in_dim3A_2590 : i32 to vector<16xi32>
    %eq3A_2592 = arith.constant 0 : i32
    %eq3A_2593 = vector.broadcast %eq3A_2592 : i32 to vector<16xi32>
    %eq3A_2594 = arith.cmpi eq, %select_n3A_2587, %eq3A_2593 : vector<16xi32>
    %jit3A_2595 = arith.constant 0xFF800000 : f32
    %broadcast_in_dim3A_2596 = vector.broadcast %jit3A_2595 : f32 to vector<16xf32>
    %select_n3A_2597 = arith.select %eq3A_2594, %broadcast_in_dim3A_2596, %gather3A_2515 : vector<16xi1>, vector<16xf32>
    %gt3A_2598 = arith.cmpf ogt, %select_n3A_2597, %broadcast_in_dim3A_2589 : vector<16xf32>
    %select_n3A_2599 = arith.select %gt3A_2598, %select_n3A_2597, %broadcast_in_dim3A_2589 : vector<16xi1>, vector<16xf32>
    %jit3A_2600 = arith.constant 0 : i32
    %broadcast_in_dim3A_2601 = vector.broadcast %jit3A_2600 : i32 to vector<16xi32>
    %select_n3A_2602 = arith.select %gt3A_2598, %broadcast_in_dim3A_2601, %broadcast_in_dim3A_2591 : vector<16xi1>, vector<16xi32>
    %eq3A_2603 = arith.constant 1 : i32
    %eq3A_2604 = vector.broadcast %eq3A_2603 : i32 to vector<16xi32>
    %eq3A_2605 = arith.cmpi eq, %select_n3A_2587, %eq3A_2604 : vector<16xi32>
    %jit3A_2606 = arith.constant 0xFF800000 : f32
    %broadcast_in_dim3A_2607 = vector.broadcast %jit3A_2606 : f32 to vector<16xf32>
    %select_n3A_2608 = arith.select %eq3A_2605, %broadcast_in_dim3A_2607, %gather3A_2519 : vector<16xi1>, vector<16xf32>
    %gt3A_2609 = arith.cmpf ogt, %select_n3A_2608, %select_n3A_2599 : vector<16xf32>
    %select_n3A_2610 = arith.select %gt3A_2609, %select_n3A_2608, %select_n3A_2599 : vector<16xi1>, vector<16xf32>
    %jit3A_2611 = arith.constant 1 : i32
    %broadcast_in_dim3A_2612 = vector.broadcast %jit3A_2611 : i32 to vector<16xi32>
    %select_n3A_2613 = arith.select %gt3A_2609, %broadcast_in_dim3A_2612, %select_n3A_2602 : vector<16xi1>, vector<16xi32>
    %eq3A_2614 = arith.constant 2 : i32
    %eq3A_2615 = vector.broadcast %eq3A_2614 : i32 to vector<16xi32>
    %eq3A_2616 = arith.cmpi eq, %select_n3A_2587, %eq3A_2615 : vector<16xi32>
    %jit3A_2617 = arith.constant 0xFF800000 : f32
    %broadcast_in_dim3A_2618 = vector.broadcast %jit3A_2617 : f32 to vector<16xf32>
    %select_n3A_2619 = arith.select %eq3A_2616, %broadcast_in_dim3A_2618, %gather3A_2523 : vector<16xi1>, vector<16xf32>
    %gt3A_2620 = arith.cmpf ogt, %select_n3A_2619, %select_n3A_2610 : vector<16xf32>
    %select_n3A_2621 = arith.select %gt3A_2620, %select_n3A_2619, %select_n3A_2610 : vector<16xi1>, vector<16xf32>
    %jit3A_2622 = arith.constant 2 : i32
    %broadcast_in_dim3A_2623 = vector.broadcast %jit3A_2622 : i32 to vector<16xi32>
    %select_n3A_2624 = arith.select %gt3A_2620, %broadcast_in_dim3A_2623, %select_n3A_2613 : vector<16xi1>, vector<16xi32>
    %eq3A_2625 = arith.constant 3 : i32
    %eq3A_2626 = vector.broadcast %eq3A_2625 : i32 to vector<16xi32>
    %eq3A_2627 = arith.cmpi eq, %select_n3A_2587, %eq3A_2626 : vector<16xi32>
    %jit3A_2628 = arith.constant 0xFF800000 : f32
    %broadcast_in_dim3A_2629 = vector.broadcast %jit3A_2628 : f32 to vector<16xf32>
    %select_n3A_2630 = arith.select %eq3A_2627, %broadcast_in_dim3A_2629, %gather3A_2527 : vector<16xi1>, vector<16xf32>
    %gt3A_2631 = arith.cmpf ogt, %select_n3A_2630, %select_n3A_2621 : vector<16xf32>
    %select_n3A_2632 = arith.select %gt3A_2631, %select_n3A_2630, %select_n3A_2621 : vector<16xi1>, vector<16xf32>
    %jit3A_2633 = arith.constant 3 : i32
    %broadcast_in_dim3A_2634 = vector.broadcast %jit3A_2633 : i32 to vector<16xi32>
    %select_n3A_2635 = arith.select %gt3A_2631, %broadcast_in_dim3A_2634, %select_n3A_2624 : vector<16xi1>, vector<16xi32>
    %eq3A_2636 = arith.constant 4 : i32
    %eq3A_2637 = vector.broadcast %eq3A_2636 : i32 to vector<16xi32>
    %eq3A_2638 = arith.cmpi eq, %select_n3A_2587, %eq3A_2637 : vector<16xi32>
    %jit3A_2639 = arith.constant 0xFF800000 : f32
    %broadcast_in_dim3A_2640 = vector.broadcast %jit3A_2639 : f32 to vector<16xf32>
    %select_n3A_2641 = arith.select %eq3A_2638, %broadcast_in_dim3A_2640, %gather3A_2531 : vector<16xi1>, vector<16xf32>
    %gt3A_2642 = arith.cmpf ogt, %select_n3A_2641, %select_n3A_2632 : vector<16xf32>
    %select_n3A_2643 = arith.select %gt3A_2642, %select_n3A_2641, %select_n3A_2632 : vector<16xi1>, vector<16xf32>
    %jit3A_2644 = arith.constant 4 : i32
    %broadcast_in_dim3A_2645 = vector.broadcast %jit3A_2644 : i32 to vector<16xi32>
    %select_n3A_2646 = arith.select %gt3A_2642, %broadcast_in_dim3A_2645, %select_n3A_2635 : vector<16xi1>, vector<16xi32>
    %eq3A_2647 = arith.constant 5 : i32
    %eq3A_2648 = vector.broadcast %eq3A_2647 : i32 to vector<16xi32>
    %eq3A_2649 = arith.cmpi eq, %select_n3A_2587, %eq3A_2648 : vector<16xi32>
    %jit3A_2650 = arith.constant 0xFF800000 : f32
    %broadcast_in_dim3A_2651 = vector.broadcast %jit3A_2650 : f32 to vector<16xf32>
    %select_n3A_2652 = arith.select %eq3A_2649, %broadcast_in_dim3A_2651, %gather3A_2535 : vector<16xi1>, vector<16xf32>
    %gt3A_2653 = arith.cmpf ogt, %select_n3A_2652, %select_n3A_2643 : vector<16xf32>
    %select_n3A_2654 = arith.select %gt3A_2653, %select_n3A_2652, %select_n3A_2643 : vector<16xi1>, vector<16xf32>
    %jit3A_2655 = arith.constant 5 : i32
    %broadcast_in_dim3A_2656 = vector.broadcast %jit3A_2655 : i32 to vector<16xi32>
    %select_n3A_2657 = arith.select %gt3A_2653, %broadcast_in_dim3A_2656, %select_n3A_2646 : vector<16xi1>, vector<16xi32>
    %eq3A_2658 = arith.constant 6 : i32
    %eq3A_2659 = vector.broadcast %eq3A_2658 : i32 to vector<16xi32>
    %eq3A_2660 = arith.cmpi eq, %select_n3A_2587, %eq3A_2659 : vector<16xi32>
    %jit3A_2661 = arith.constant 0xFF800000 : f32
    %broadcast_in_dim3A_2662 = vector.broadcast %jit3A_2661 : f32 to vector<16xf32>
    %select_n3A_2663 = arith.select %eq3A_2660, %broadcast_in_dim3A_2662, %gather3A_2539 : vector<16xi1>, vector<16xf32>
    %gt3A_2664 = arith.cmpf ogt, %select_n3A_2663, %select_n3A_2654 : vector<16xf32>
    %select_n3A_2665 = arith.select %gt3A_2664, %select_n3A_2663, %select_n3A_2654 : vector<16xi1>, vector<16xf32>
    %jit3A_2666 = arith.constant 6 : i32
    %broadcast_in_dim3A_2667 = vector.broadcast %jit3A_2666 : i32 to vector<16xi32>
    %select_n3A_2668 = arith.select %gt3A_2664, %broadcast_in_dim3A_2667, %select_n3A_2657 : vector<16xi1>, vector<16xi32>
    %eq3A_2669 = arith.constant 7 : i32
    %eq3A_2670 = vector.broadcast %eq3A_2669 : i32 to vector<16xi32>
    %eq3A_2671 = arith.cmpi eq, %select_n3A_2587, %eq3A_2670 : vector<16xi32>
    %jit3A_2672 = arith.constant 0xFF800000 : f32
    %broadcast_in_dim3A_2673 = vector.broadcast %jit3A_2672 : f32 to vector<16xf32>
    %select_n3A_2674 = arith.select %eq3A_2671, %broadcast_in_dim3A_2673, %gather3A_2543 : vector<16xi1>, vector<16xf32>
    %gt3A_2675 = arith.cmpf ogt, %select_n3A_2674, %select_n3A_2665 : vector<16xf32>
    %select_n3A_2676 = arith.select %gt3A_2675, %select_n3A_2674, %select_n3A_2665 : vector<16xi1>, vector<16xf32>
    %jit3A_2677 = arith.constant 7 : i32
    %broadcast_in_dim3A_2678 = vector.broadcast %jit3A_2677 : i32 to vector<16xi32>
    %select_n3A_2679 = arith.select %gt3A_2675, %broadcast_in_dim3A_2678, %select_n3A_2668 : vector<16xi1>, vector<16xi32>
    %sub3A_2680 = arith.subf %select_n3A_2676, %select_n3A_2584 : vector<16xf32>
    %exp3A_2681 = math.exp %sub3A_2680 : vector<16xf32>
    %add3A_2682 = arith.constant 1.000000e+00 : f32
    %add3A_2683 = vector.broadcast %add3A_2682 : f32 to vector<16xf32>
    %add3A_2684 = arith.addf %add3A_2683, %exp3A_2681 : vector<16xf32>
    %div3A_2685 = arith.constant 1.000000e+00 : f32
    %div3A_2686 = vector.broadcast %div3A_2685 : f32 to vector<16xf32>
    %div3A_2687 = arith.divf %div3A_2686, %add3A_2684 : vector<16xf32>
    %sub3A_2688 = arith.constant 1.000000e+00 : f32
    %sub3A_2689 = vector.broadcast %sub3A_2688 : f32 to vector<16xf32>
    %sub3A_2690 = arith.subf %sub3A_2689, %div3A_2687 : vector<16xf32>
    %broadcast_in_dim3A_2691 = arith.constant 0 : i32
    %broadcast_in_dim3A_2692 = vector.broadcast %broadcast_in_dim3A_2691 : i32 to vector<16xi32>
    %broadcast_in_dim3A_2693 = arith.constant 0 : i32
    %broadcast_in_dim3A_2694 = vector.broadcast %broadcast_in_dim3A_2693 : i32 to vector<16xi32>
    %eq3A_2695 = arith.constant 0 : i32
    %eq3A_2696 = vector.broadcast %eq3A_2695 : i32 to vector<16xi32>
    %eq3A_2697 = arith.cmpi eq, %select_n3A_2587, %eq3A_2696 : vector<16xi32>
    %eq3A_2698 = arith.constant 0 : i32
    %eq3A_2699 = vector.broadcast %eq3A_2698 : i32 to vector<16xi32>
    %eq3A_2700 = arith.cmpi eq, %select_n3A_2679, %eq3A_2699 : vector<16xi32>
    %or3A_2701 = arith.ori %eq3A_2697, %eq3A_2700 : vector<16xi1>
    %convert_element_type3A_2702 = arith.extui %or3A_2701 : vector<16xi1> to vector<16xi32>
    %broadcast_in_dim3A_2703 = arith.constant true
    %broadcast_in_dim3A_2704 = vector.broadcast %broadcast_in_dim3A_2703 : i1 to vector<16xi1>
    %masked_cumsum3A_2705 = tpu.scan <sum>, %convert_element_type3A_2702 masked %broadcast_in_dim3A_2704 : vector<16xi32>, vector<16xi1> -> vector<16xi32>
    %sub3A_2706 = arith.subi %masked_cumsum3A_2705, %convert_element_type3A_2702 : vector<16xi32>
    %add3A_2707 = vector.broadcast %add3A_2304 : i32 to vector<16xi32>
    %add3A_2708 = arith.addi %add3A_2707, %sub3A_2706 : vector<16xi32>
    %eq3A_2709 = arith.constant 0 : i32
    %eq3A_2710 = vector.broadcast %eq3A_2709 : i32 to vector<16xi32>
    %eq3A_2711 = arith.cmpi eq, %select_n3A_2587, %eq3A_2710 : vector<16xi32>
    %select_n3A_2712 = arith.select %eq3A_2711, %add3A_2708, %broadcast_in_dim3A_2692 : vector<16xi1>, vector<16xi32>
    %eq3A_2713 = arith.constant 0 : i32
    %eq3A_2714 = vector.broadcast %eq3A_2713 : i32 to vector<16xi32>
    %eq3A_2715 = arith.cmpi eq, %select_n3A_2679, %eq3A_2714 : vector<16xi32>
    %select_n3A_2716 = arith.select %eq3A_2715, %add3A_2708, %broadcast_in_dim3A_2694 : vector<16xi1>, vector<16xi32>
    %reduce_sum3A_2717 = arith.constant true
    %reduce_sum3A_2718 = vector.broadcast %reduce_sum3A_2717 : i1 to vector<16xi1>
    %reduce_sum3A_2719 = tpu.scan <sum>, %convert_element_type3A_2702 masked %reduce_sum3A_2718 : vector<16xi32>, vector<16xi1> -> vector<16xi32>
    %reduce_sum3A_2720 = vector.extract %reduce_sum3A_2719[15] : i32 from vector<16xi32>
    %add3A_2721 = arith.addi %add3A_2304, %reduce_sum3A_2720 : i32
    %eq3A_2722 = arith.constant 1 : i32
    %eq3A_2723 = vector.broadcast %eq3A_2722 : i32 to vector<16xi32>
    %eq3A_2724 = arith.cmpi eq, %select_n3A_2587, %eq3A_2723 : vector<16xi32>
    %eq3A_2725 = arith.constant 1 : i32
    %eq3A_2726 = vector.broadcast %eq3A_2725 : i32 to vector<16xi32>
    %eq3A_2727 = arith.cmpi eq, %select_n3A_2679, %eq3A_2726 : vector<16xi32>
    %or3A_2728 = arith.ori %eq3A_2724, %eq3A_2727 : vector<16xi1>
    %convert_element_type3A_2729 = arith.extui %or3A_2728 : vector<16xi1> to vector<16xi32>
    %broadcast_in_dim3A_2730 = arith.constant true
    %broadcast_in_dim3A_2731 = vector.broadcast %broadcast_in_dim3A_2730 : i1 to vector<16xi1>
    %masked_cumsum3A_2732 = tpu.scan <sum>, %convert_element_type3A_2729 masked %broadcast_in_dim3A_2731 : vector<16xi32>, vector<16xi1> -> vector<16xi32>
    %sub3A_2733 = arith.subi %masked_cumsum3A_2732, %convert_element_type3A_2729 : vector<16xi32>
    %add3A_2734 = vector.broadcast %add3A_2331 : i32 to vector<16xi32>
    %add3A_2735 = arith.addi %add3A_2734, %sub3A_2733 : vector<16xi32>
    %eq3A_2736 = arith.constant 1 : i32
    %eq3A_2737 = vector.broadcast %eq3A_2736 : i32 to vector<16xi32>
    %eq3A_2738 = arith.cmpi eq, %select_n3A_2587, %eq3A_2737 : vector<16xi32>
    %select_n3A_2739 = arith.select %eq3A_2738, %add3A_2735, %select_n3A_2712 : vector<16xi1>, vector<16xi32>
    %eq3A_2740 = arith.constant 1 : i32
    %eq3A_2741 = vector.broadcast %eq3A_2740 : i32 to vector<16xi32>
    %eq3A_2742 = arith.cmpi eq, %select_n3A_2679, %eq3A_2741 : vector<16xi32>
    %select_n3A_2743 = arith.select %eq3A_2742, %add3A_2735, %select_n3A_2716 : vector<16xi1>, vector<16xi32>
    %reduce_sum3A_2744 = arith.constant true
    %reduce_sum3A_2745 = vector.broadcast %reduce_sum3A_2744 : i1 to vector<16xi1>
    %reduce_sum3A_2746 = tpu.scan <sum>, %convert_element_type3A_2729 masked %reduce_sum3A_2745 : vector<16xi32>, vector<16xi1> -> vector<16xi32>
    %reduce_sum3A_2747 = vector.extract %reduce_sum3A_2746[15] : i32 from vector<16xi32>
    %add3A_2748 = arith.addi %add3A_2331, %reduce_sum3A_2747 : i32
    %eq3A_2749 = arith.constant 2 : i32
    %eq3A_2750 = vector.broadcast %eq3A_2749 : i32 to vector<16xi32>
    %eq3A_2751 = arith.cmpi eq, %select_n3A_2587, %eq3A_2750 : vector<16xi32>
    %eq3A_2752 = arith.constant 2 : i32
    %eq3A_2753 = vector.broadcast %eq3A_2752 : i32 to vector<16xi32>
    %eq3A_2754 = arith.cmpi eq, %select_n3A_2679, %eq3A_2753 : vector<16xi32>
    %or3A_2755 = arith.ori %eq3A_2751, %eq3A_2754 : vector<16xi1>
    %convert_element_type3A_2756 = arith.extui %or3A_2755 : vector<16xi1> to vector<16xi32>
    %broadcast_in_dim3A_2757 = arith.constant true
    %broadcast_in_dim3A_2758 = vector.broadcast %broadcast_in_dim3A_2757 : i1 to vector<16xi1>
    %masked_cumsum3A_2759 = tpu.scan <sum>, %convert_element_type3A_2756 masked %broadcast_in_dim3A_2758 : vector<16xi32>, vector<16xi1> -> vector<16xi32>
    %sub3A_2760 = arith.subi %masked_cumsum3A_2759, %convert_element_type3A_2756 : vector<16xi32>
    %add3A_2761 = vector.broadcast %add3A_2358 : i32 to vector<16xi32>
    %add3A_2762 = arith.addi %add3A_2761, %sub3A_2760 : vector<16xi32>
    %eq3A_2763 = arith.constant 2 : i32
    %eq3A_2764 = vector.broadcast %eq3A_2763 : i32 to vector<16xi32>
    %eq3A_2765 = arith.cmpi eq, %select_n3A_2587, %eq3A_2764 : vector<16xi32>
    %select_n3A_2766 = arith.select %eq3A_2765, %add3A_2762, %select_n3A_2739 : vector<16xi1>, vector<16xi32>
    %eq3A_2767 = arith.constant 2 : i32
    %eq3A_2768 = vector.broadcast %eq3A_2767 : i32 to vector<16xi32>
    %eq3A_2769 = arith.cmpi eq, %select_n3A_2679, %eq3A_2768 : vector<16xi32>
    %select_n3A_2770 = arith.select %eq3A_2769, %add3A_2762, %select_n3A_2743 : vector<16xi1>, vector<16xi32>
    %reduce_sum3A_2771 = arith.constant true
    %reduce_sum3A_2772 = vector.broadcast %reduce_sum3A_2771 : i1 to vector<16xi1>
    %reduce_sum3A_2773 = tpu.scan <sum>, %convert_element_type3A_2756 masked %reduce_sum3A_2772 : vector<16xi32>, vector<16xi1> -> vector<16xi32>
    %reduce_sum3A_2774 = vector.extract %reduce_sum3A_2773[15] : i32 from vector<16xi32>
    %add3A_2775 = arith.addi %add3A_2358, %reduce_sum3A_2774 : i32
    %eq3A_2776 = arith.constant 3 : i32
    %eq3A_2777 = vector.broadcast %eq3A_2776 : i32 to vector<16xi32>
    %eq3A_2778 = arith.cmpi eq, %select_n3A_2587, %eq3A_2777 : vector<16xi32>
    %eq3A_2779 = arith.constant 3 : i32
    %eq3A_2780 = vector.broadcast %eq3A_2779 : i32 to vector<16xi32>
    %eq3A_2781 = arith.cmpi eq, %select_n3A_2679, %eq3A_2780 : vector<16xi32>
    %or3A_2782 = arith.ori %eq3A_2778, %eq3A_2781 : vector<16xi1>
    %convert_element_type3A_2783 = arith.extui %or3A_2782 : vector<16xi1> to vector<16xi32>
    %broadcast_in_dim3A_2784 = arith.constant true
    %broadcast_in_dim3A_2785 = vector.broadcast %broadcast_in_dim3A_2784 : i1 to vector<16xi1>
    %masked_cumsum3A_2786 = tpu.scan <sum>, %convert_element_type3A_2783 masked %broadcast_in_dim3A_2785 : vector<16xi32>, vector<16xi1> -> vector<16xi32>
    %sub3A_2787 = arith.subi %masked_cumsum3A_2786, %convert_element_type3A_2783 : vector<16xi32>
    %add3A_2788 = vector.broadcast %add3A_2385 : i32 to vector<16xi32>
    %add3A_2789 = arith.addi %add3A_2788, %sub3A_2787 : vector<16xi32>
    %eq3A_2790 = arith.constant 3 : i32
    %eq3A_2791 = vector.broadcast %eq3A_2790 : i32 to vector<16xi32>
    %eq3A_2792 = arith.cmpi eq, %select_n3A_2587, %eq3A_2791 : vector<16xi32>
    %select_n3A_2793 = arith.select %eq3A_2792, %add3A_2789, %select_n3A_2766 : vector<16xi1>, vector<16xi32>
    %eq3A_2794 = arith.constant 3 : i32
    %eq3A_2795 = vector.broadcast %eq3A_2794 : i32 to vector<16xi32>
    %eq3A_2796 = arith.cmpi eq, %select_n3A_2679, %eq3A_2795 : vector<16xi32>
    %select_n3A_2797 = arith.select %eq3A_2796, %add3A_2789, %select_n3A_2770 : vector<16xi1>, vector<16xi32>
    %reduce_sum3A_2798 = arith.constant true
    %reduce_sum3A_2799 = vector.broadcast %reduce_sum3A_2798 : i1 to vector<16xi1>
    %reduce_sum3A_2800 = tpu.scan <sum>, %convert_element_type3A_2783 masked %reduce_sum3A_2799 : vector<16xi32>, vector<16xi1> -> vector<16xi32>
    %reduce_sum3A_2801 = vector.extract %reduce_sum3A_2800[15] : i32 from vector<16xi32>
    %add3A_2802 = arith.addi %add3A_2385, %reduce_sum3A_2801 : i32
    %eq3A_2803 = arith.constant 4 : i32
    %eq3A_2804 = vector.broadcast %eq3A_2803 : i32 to vector<16xi32>
    %eq3A_2805 = arith.cmpi eq, %select_n3A_2587, %eq3A_2804 : vector<16xi32>
    %eq3A_2806 = arith.constant 4 : i32
    %eq3A_2807 = vector.broadcast %eq3A_2806 : i32 to vector<16xi32>
    %eq3A_2808 = arith.cmpi eq, %select_n3A_2679, %eq3A_2807 : vector<16xi32>
    %or3A_2809 = arith.ori %eq3A_2805, %eq3A_2808 : vector<16xi1>
    %convert_element_type3A_2810 = arith.extui %or3A_2809 : vector<16xi1> to vector<16xi32>
    %broadcast_in_dim3A_2811 = arith.constant true
    %broadcast_in_dim3A_2812 = vector.broadcast %broadcast_in_dim3A_2811 : i1 to vector<16xi1>
    %masked_cumsum3A_2813 = tpu.scan <sum>, %convert_element_type3A_2810 masked %broadcast_in_dim3A_2812 : vector<16xi32>, vector<16xi1> -> vector<16xi32>
    %sub3A_2814 = arith.subi %masked_cumsum3A_2813, %convert_element_type3A_2810 : vector<16xi32>
    %add3A_2815 = vector.broadcast %add3A_2412 : i32 to vector<16xi32>
    %add3A_2816 = arith.addi %add3A_2815, %sub3A_2814 : vector<16xi32>
    %eq3A_2817 = arith.constant 4 : i32
    %eq3A_2818 = vector.broadcast %eq3A_2817 : i32 to vector<16xi32>
    %eq3A_2819 = arith.cmpi eq, %select_n3A_2587, %eq3A_2818 : vector<16xi32>
    %select_n3A_2820 = arith.select %eq3A_2819, %add3A_2816, %select_n3A_2793 : vector<16xi1>, vector<16xi32>
    %eq3A_2821 = arith.constant 4 : i32
    %eq3A_2822 = vector.broadcast %eq3A_2821 : i32 to vector<16xi32>
    %eq3A_2823 = arith.cmpi eq, %select_n3A_2679, %eq3A_2822 : vector<16xi32>
    %select_n3A_2824 = arith.select %eq3A_2823, %add3A_2816, %select_n3A_2797 : vector<16xi1>, vector<16xi32>
    %reduce_sum3A_2825 = arith.constant true
    %reduce_sum3A_2826 = vector.broadcast %reduce_sum3A_2825 : i1 to vector<16xi1>
    %reduce_sum3A_2827 = tpu.scan <sum>, %convert_element_type3A_2810 masked %reduce_sum3A_2826 : vector<16xi32>, vector<16xi1> -> vector<16xi32>
    %reduce_sum3A_2828 = vector.extract %reduce_sum3A_2827[15] : i32 from vector<16xi32>
    %add3A_2829 = arith.addi %add3A_2412, %reduce_sum3A_2828 : i32
    %eq3A_2830 = arith.constant 5 : i32
    %eq3A_2831 = vector.broadcast %eq3A_2830 : i32 to vector<16xi32>
    %eq3A_2832 = arith.cmpi eq, %select_n3A_2587, %eq3A_2831 : vector<16xi32>
    %eq3A_2833 = arith.constant 5 : i32
    %eq3A_2834 = vector.broadcast %eq3A_2833 : i32 to vector<16xi32>
    %eq3A_2835 = arith.cmpi eq, %select_n3A_2679, %eq3A_2834 : vector<16xi32>
    %or3A_2836 = arith.ori %eq3A_2832, %eq3A_2835 : vector<16xi1>
    %convert_element_type3A_2837 = arith.extui %or3A_2836 : vector<16xi1> to vector<16xi32>
    %broadcast_in_dim3A_2838 = arith.constant true
    %broadcast_in_dim3A_2839 = vector.broadcast %broadcast_in_dim3A_2838 : i1 to vector<16xi1>
    %masked_cumsum3A_2840 = tpu.scan <sum>, %convert_element_type3A_2837 masked %broadcast_in_dim3A_2839 : vector<16xi32>, vector<16xi1> -> vector<16xi32>
    %sub3A_2841 = arith.subi %masked_cumsum3A_2840, %convert_element_type3A_2837 : vector<16xi32>
    %add3A_2842 = vector.broadcast %add3A_2439 : i32 to vector<16xi32>
    %add3A_2843 = arith.addi %add3A_2842, %sub3A_2841 : vector<16xi32>
    %eq3A_2844 = arith.constant 5 : i32
    %eq3A_2845 = vector.broadcast %eq3A_2844 : i32 to vector<16xi32>
    %eq3A_2846 = arith.cmpi eq, %select_n3A_2587, %eq3A_2845 : vector<16xi32>
    %select_n3A_2847 = arith.select %eq3A_2846, %add3A_2843, %select_n3A_2820 : vector<16xi1>, vector<16xi32>
    %eq3A_2848 = arith.constant 5 : i32
    %eq3A_2849 = vector.broadcast %eq3A_2848 : i32 to vector<16xi32>
    %eq3A_2850 = arith.cmpi eq, %select_n3A_2679, %eq3A_2849 : vector<16xi32>
    %select_n3A_2851 = arith.select %eq3A_2850, %add3A_2843, %select_n3A_2824 : vector<16xi1>, vector<16xi32>
    %reduce_sum3A_2852 = arith.constant true
    %reduce_sum3A_2853 = vector.broadcast %reduce_sum3A_2852 : i1 to vector<16xi1>
    %reduce_sum3A_2854 = tpu.scan <sum>, %convert_element_type3A_2837 masked %reduce_sum3A_2853 : vector<16xi32>, vector<16xi1> -> vector<16xi32>
    %reduce_sum3A_2855 = vector.extract %reduce_sum3A_2854[15] : i32 from vector<16xi32>
    %add3A_2856 = arith.addi %add3A_2439, %reduce_sum3A_2855 : i32
    %eq3A_2857 = arith.constant 6 : i32
    %eq3A_2858 = vector.broadcast %eq3A_2857 : i32 to vector<16xi32>
    %eq3A_2859 = arith.cmpi eq, %select_n3A_2587, %eq3A_2858 : vector<16xi32>
    %eq3A_2860 = arith.constant 6 : i32
    %eq3A_2861 = vector.broadcast %eq3A_2860 : i32 to vector<16xi32>
    %eq3A_2862 = arith.cmpi eq, %select_n3A_2679, %eq3A_2861 : vector<16xi32>
    %or3A_2863 = arith.ori %eq3A_2859, %eq3A_2862 : vector<16xi1>
    %convert_element_type3A_2864 = arith.extui %or3A_2863 : vector<16xi1> to vector<16xi32>
    %broadcast_in_dim3A_2865 = arith.constant true
    %broadcast_in_dim3A_2866 = vector.broadcast %broadcast_in_dim3A_2865 : i1 to vector<16xi1>
    %masked_cumsum3A_2867 = tpu.scan <sum>, %convert_element_type3A_2864 masked %broadcast_in_dim3A_2866 : vector<16xi32>, vector<16xi1> -> vector<16xi32>
    %sub3A_2868 = arith.subi %masked_cumsum3A_2867, %convert_element_type3A_2864 : vector<16xi32>
    %add3A_2869 = vector.broadcast %add3A_2466 : i32 to vector<16xi32>
    %add3A_2870 = arith.addi %add3A_2869, %sub3A_2868 : vector<16xi32>
    %eq3A_2871 = arith.constant 6 : i32
    %eq3A_2872 = vector.broadcast %eq3A_2871 : i32 to vector<16xi32>
    %eq3A_2873 = arith.cmpi eq, %select_n3A_2587, %eq3A_2872 : vector<16xi32>
    %select_n3A_2874 = arith.select %eq3A_2873, %add3A_2870, %select_n3A_2847 : vector<16xi1>, vector<16xi32>
    %eq3A_2875 = arith.constant 6 : i32
    %eq3A_2876 = vector.broadcast %eq3A_2875 : i32 to vector<16xi32>
    %eq3A_2877 = arith.cmpi eq, %select_n3A_2679, %eq3A_2876 : vector<16xi32>
    %select_n3A_2878 = arith.select %eq3A_2877, %add3A_2870, %select_n3A_2851 : vector<16xi1>, vector<16xi32>
    %reduce_sum3A_2879 = arith.constant true
    %reduce_sum3A_2880 = vector.broadcast %reduce_sum3A_2879 : i1 to vector<16xi1>
    %reduce_sum3A_2881 = tpu.scan <sum>, %convert_element_type3A_2864 masked %reduce_sum3A_2880 : vector<16xi32>, vector<16xi1> -> vector<16xi32>
    %reduce_sum3A_2882 = vector.extract %reduce_sum3A_2881[15] : i32 from vector<16xi32>
    %add3A_2883 = arith.addi %add3A_2466, %reduce_sum3A_2882 : i32
    %eq3A_2884 = arith.constant 7 : i32
    %eq3A_2885 = vector.broadcast %eq3A_2884 : i32 to vector<16xi32>
    %eq3A_2886 = arith.cmpi eq, %select_n3A_2587, %eq3A_2885 : vector<16xi32>
    %eq3A_2887 = arith.constant 7 : i32
    %eq3A_2888 = vector.broadcast %eq3A_2887 : i32 to vector<16xi32>
    %eq3A_2889 = arith.cmpi eq, %select_n3A_2679, %eq3A_2888 : vector<16xi32>
    %or3A_2890 = arith.ori %eq3A_2886, %eq3A_2889 : vector<16xi1>
    %convert_element_type3A_2891 = arith.extui %or3A_2890 : vector<16xi1> to vector<16xi32>
    %broadcast_in_dim3A_2892 = arith.constant true
    %broadcast_in_dim3A_2893 = vector.broadcast %broadcast_in_dim3A_2892 : i1 to vector<16xi1>
    %masked_cumsum3A_2894 = tpu.scan <sum>, %convert_element_type3A_2891 masked %broadcast_in_dim3A_2893 : vector<16xi32>, vector<16xi1> -> vector<16xi32>
    %sub3A_2895 = arith.subi %masked_cumsum3A_2894, %convert_element_type3A_2891 : vector<16xi32>
    %add3A_2896 = vector.broadcast %add3A_2493 : i32 to vector<16xi32>
    %add3A_2897 = arith.addi %add3A_2896, %sub3A_2895 : vector<16xi32>
    %eq3A_2898 = arith.constant 7 : i32
    %eq3A_2899 = vector.broadcast %eq3A_2898 : i32 to vector<16xi32>
    %eq3A_2900 = arith.cmpi eq, %select_n3A_2587, %eq3A_2899 : vector<16xi32>
    %select_n3A_2901 = arith.select %eq3A_2900, %add3A_2897, %select_n3A_2874 : vector<16xi1>, vector<16xi32>
    %eq3A_2902 = arith.constant 7 : i32
    %eq3A_2903 = vector.broadcast %eq3A_2902 : i32 to vector<16xi32>
    %eq3A_2904 = arith.cmpi eq, %select_n3A_2679, %eq3A_2903 : vector<16xi32>
    %select_n3A_2905 = arith.select %eq3A_2904, %add3A_2897, %select_n3A_2878 : vector<16xi1>, vector<16xi32>
    %reduce_sum3A_2906 = arith.constant true
    %reduce_sum3A_2907 = vector.broadcast %reduce_sum3A_2906 : i1 to vector<16xi1>
    %reduce_sum3A_2908 = tpu.scan <sum>, %convert_element_type3A_2891 masked %reduce_sum3A_2907 : vector<16xi32>, vector<16xi1> -> vector<16xi32>
    %reduce_sum3A_2909 = vector.extract %reduce_sum3A_2908[15] : i32 from vector<16xi32>
    %add3A_2910 = arith.addi %add3A_2493, %reduce_sum3A_2909 : i32
    %swap3A_2911 = arith.constant 96 : index
    %swap3A_2912 = tpu.vector_load %arg10[%swap3A_2911] {strides = array<i32>} : memref<128xi32, #tpu.memory_space<vmem>>, vector<16xi32>,
    tpu.vector_store %arg10[%swap3A_2911], %select_n3A_2587 {strides = array<i32>} : memref<128xi32, #tpu.memory_space<vmem>>, vector<16xi32>,
    %swap3A_2913 = arith.constant 96 : index
    %swap3A_2914 = tpu.vector_load %arg11[%swap3A_2913] {strides = array<i32>} : memref<128xi32, #tpu.memory_space<vmem>>, vector<16xi32>,
    tpu.vector_store %arg11[%swap3A_2913], %select_n3A_2679 {strides = array<i32>} : memref<128xi32, #tpu.memory_space<vmem>>, vector<16xi32>,
    %swap3A_2915 = arith.constant 96 : index
    %swap3A_2916 = tpu.vector_load %arg12[%swap3A_2915] {strides = array<i32>} : memref<128xf32, #tpu.memory_space<vmem>>, vector<16xf32>,
    tpu.vector_store %arg12[%swap3A_2915], %div3A_2687 {strides = array<i32>} : memref<128xf32, #tpu.memory_space<vmem>>, vector<16xf32>,
    %swap3A_2917 = arith.constant 96 : index
    %swap3A_2918 = tpu.vector_load %arg13[%swap3A_2917] {strides = array<i32>} : memref<128xf32, #tpu.memory_space<vmem>>, vector<16xf32>,
    tpu.vector_store %arg13[%swap3A_2917], %sub3A_2690 {strides = array<i32>} : memref<128xf32, #tpu.memory_space<vmem>>, vector<16xf32>,
    %swap3A_2919 = arith.constant 96 : index
    %swap3A_2920 = tpu.vector_load %arg14[%swap3A_2919] {strides = array<i32>} : memref<128xi32, #tpu.memory_space<vmem>>, vector<16xi32>,
    tpu.vector_store %arg14[%swap3A_2919], %select_n3A_2901 {strides = array<i32>} : memref<128xi32, #tpu.memory_space<vmem>>, vector<16xi32>,
    %swap3A_2921 = arith.constant 96 : index
    %swap3A_2922 = tpu.vector_load %arg15[%swap3A_2921] {strides = array<i32>} : memref<128xi32, #tpu.memory_space<vmem>>, vector<16xi32>,
    tpu.vector_store %arg15[%swap3A_2921], %select_n3A_2905 {strides = array<i32>} : memref<128xi32, #tpu.memory_space<vmem>>, vector<16xi32>,
    %add3A_2923 = arith.constant 112 : i32
    %add3A_2924 = vector.broadcast %add3A_2923 : i32 to vector<16xi32>
    %add3A_2925 = arith.addi %iota3A, %add3A_2924 : vector<16xi32>
    %mul3A_2926 = arith.constant 8 : i32
    %mul3A_2927 = vector.broadcast %mul3A_2926 : i32 to vector<16xi32>
    %mul3A_2928 = arith.muli %add3A_2925, %mul3A_2927 : vector<16xi32>
    %add3A_2929 = arith.constant 0 : i32
    %add3A_2930 = vector.broadcast %add3A_2929 : i32 to vector<16xi32>
    %add3A_2931 = arith.addi %mul3A_2928, %add3A_2930 : vector<16xi32>
    %gather3A_2932 = tpu.vector_load_idx %arg9[%add3A_2931] : memref<1024xf32, #tpu.memory_space<vmem>>[vector<16xi32>], vector<16xf32>,
    %add3A_2933 = arith.constant 1 : i32
    %add3A_2934 = vector.broadcast %add3A_2933 : i32 to vector<16xi32>
    %add3A_2935 = arith.addi %mul3A_2928, %add3A_2934 : vector<16xi32>
    %gather3A_2936 = tpu.vector_load_idx %arg9[%add3A_2935] : memref<1024xf32, #tpu.memory_space<vmem>>[vector<16xi32>], vector<16xf32>,
    %add3A_2937 = arith.constant 2 : i32
    %add3A_2938 = vector.broadcast %add3A_2937 : i32 to vector<16xi32>
    %add3A_2939 = arith.addi %mul3A_2928, %add3A_2938 : vector<16xi32>
    %gather3A_2940 = tpu.vector_load_idx %arg9[%add3A_2939] : memref<1024xf32, #tpu.memory_space<vmem>>[vector<16xi32>], vector<16xf32>,
    %add3A_2941 = arith.constant 3 : i32
    %add3A_2942 = vector.broadcast %add3A_2941 : i32 to vector<16xi32>
    %add3A_2943 = arith.addi %mul3A_2928, %add3A_2942 : vector<16xi32>
    %gather3A_2944 = tpu.vector_load_idx %arg9[%add3A_2943] : memref<1024xf32, #tpu.memory_space<vmem>>[vector<16xi32>], vector<16xf32>,
    %add3A_2945 = arith.constant 4 : i32
    %add3A_2946 = vector.broadcast %add3A_2945 : i32 to vector<16xi32>
    %add3A_2947 = arith.addi %mul3A_2928, %add3A_2946 : vector<16xi32>
    %gather3A_2948 = tpu.vector_load_idx %arg9[%add3A_2947] : memref<1024xf32, #tpu.memory_space<vmem>>[vector<16xi32>], vector<16xf32>,
    %add3A_2949 = arith.constant 5 : i32
    %add3A_2950 = vector.broadcast %add3A_2949 : i32 to vector<16xi32>
    %add3A_2951 = arith.addi %mul3A_2928, %add3A_2950 : vector<16xi32>
    %gather3A_2952 = tpu.vector_load_idx %arg9[%add3A_2951] : memref<1024xf32, #tpu.memory_space<vmem>>[vector<16xi32>], vector<16xf32>,
    %add3A_2953 = arith.constant 6 : i32
    %add3A_2954 = vector.broadcast %add3A_2953 : i32 to vector<16xi32>
    %add3A_2955 = arith.addi %mul3A_2928, %add3A_2954 : vector<16xi32>
    %gather3A_2956 = tpu.vector_load_idx %arg9[%add3A_2955] : memref<1024xf32, #tpu.memory_space<vmem>>[vector<16xi32>], vector<16xf32>,
    %add3A_2957 = arith.constant 7 : i32
    %add3A_2958 = vector.broadcast %add3A_2957 : i32 to vector<16xi32>
    %add3A_2959 = arith.addi %mul3A_2928, %add3A_2958 : vector<16xi32>
    %gather3A_2960 = tpu.vector_load_idx %arg9[%add3A_2959] : memref<1024xf32, #tpu.memory_space<vmem>>[vector<16xi32>], vector<16xf32>,
    %broadcast_in_dim3A_2961 = arith.constant 0xFF800000 : f32
    %broadcast_in_dim3A_2962 = vector.broadcast %broadcast_in_dim3A_2961 : f32 to vector<16xf32>
    %broadcast_in_dim3A_2963 = arith.constant 0 : i32
    %broadcast_in_dim3A_2964 = vector.broadcast %broadcast_in_dim3A_2963 : i32 to vector<16xi32>
    %gt3A_2965 = arith.cmpf ogt, %gather3A_2932, %broadcast_in_dim3A_2962 : vector<16xf32>
    %select_n3A_2966 = arith.select %gt3A_2965, %gather3A_2932, %broadcast_in_dim3A_2962 : vector<16xi1>, vector<16xf32>
    %jit3A_2967 = arith.constant 0 : i32
    %broadcast_in_dim3A_2968 = vector.broadcast %jit3A_2967 : i32 to vector<16xi32>
    %select_n3A_2969 = arith.select %gt3A_2965, %broadcast_in_dim3A_2968, %broadcast_in_dim3A_2964 : vector<16xi1>, vector<16xi32>
    %gt3A_2970 = arith.cmpf ogt, %gather3A_2936, %select_n3A_2966 : vector<16xf32>
    %select_n3A_2971 = arith.select %gt3A_2970, %gather3A_2936, %select_n3A_2966 : vector<16xi1>, vector<16xf32>
    %jit3A_2972 = arith.constant 1 : i32
    %broadcast_in_dim3A_2973 = vector.broadcast %jit3A_2972 : i32 to vector<16xi32>
    %select_n3A_2974 = arith.select %gt3A_2970, %broadcast_in_dim3A_2973, %select_n3A_2969 : vector<16xi1>, vector<16xi32>
    %gt3A_2975 = arith.cmpf ogt, %gather3A_2940, %select_n3A_2971 : vector<16xf32>
    %select_n3A_2976 = arith.select %gt3A_2975, %gather3A_2940, %select_n3A_2971 : vector<16xi1>, vector<16xf32>
    %jit3A_2977 = arith.constant 2 : i32
    %broadcast_in_dim3A_2978 = vector.broadcast %jit3A_2977 : i32 to vector<16xi32>
    %select_n3A_2979 = arith.select %gt3A_2975, %broadcast_in_dim3A_2978, %select_n3A_2974 : vector<16xi1>, vector<16xi32>
    %gt3A_2980 = arith.cmpf ogt, %gather3A_2944, %select_n3A_2976 : vector<16xf32>
    %select_n3A_2981 = arith.select %gt3A_2980, %gather3A_2944, %select_n3A_2976 : vector<16xi1>, vector<16xf32>
    %jit3A_2982 = arith.constant 3 : i32
    %broadcast_in_dim3A_2983 = vector.broadcast %jit3A_2982 : i32 to vector<16xi32>
    %select_n3A_2984 = arith.select %gt3A_2980, %broadcast_in_dim3A_2983, %select_n3A_2979 : vector<16xi1>, vector<16xi32>
    %gt3A_2985 = arith.cmpf ogt, %gather3A_2948, %select_n3A_2981 : vector<16xf32>
    %select_n3A_2986 = arith.select %gt3A_2985, %gather3A_2948, %select_n3A_2981 : vector<16xi1>, vector<16xf32>
    %jit3A_2987 = arith.constant 4 : i32
    %broadcast_in_dim3A_2988 = vector.broadcast %jit3A_2987 : i32 to vector<16xi32>
    %select_n3A_2989 = arith.select %gt3A_2985, %broadcast_in_dim3A_2988, %select_n3A_2984 : vector<16xi1>, vector<16xi32>
    %gt3A_2990 = arith.cmpf ogt, %gather3A_2952, %select_n3A_2986 : vector<16xf32>
    %select_n3A_2991 = arith.select %gt3A_2990, %gather3A_2952, %select_n3A_2986 : vector<16xi1>, vector<16xf32>
    %jit3A_2992 = arith.constant 5 : i32
    %broadcast_in_dim3A_2993 = vector.broadcast %jit3A_2992 : i32 to vector<16xi32>
    %select_n3A_2994 = arith.select %gt3A_2990, %broadcast_in_dim3A_2993, %select_n3A_2989 : vector<16xi1>, vector<16xi32>
    %gt3A_2995 = arith.cmpf ogt, %gather3A_2956, %select_n3A_2991 : vector<16xf32>
    %select_n3A_2996 = arith.select %gt3A_2995, %gather3A_2956, %select_n3A_2991 : vector<16xi1>, vector<16xf32>
    %jit3A_2997 = arith.constant 6 : i32
    %broadcast_in_dim3A_2998 = vector.broadcast %jit3A_2997 : i32 to vector<16xi32>
    %select_n3A_2999 = arith.select %gt3A_2995, %broadcast_in_dim3A_2998, %select_n3A_2994 : vector<16xi1>, vector<16xi32>
    %gt3A_3000 = arith.cmpf ogt, %gather3A_2960, %select_n3A_2996 : vector<16xf32>
    %select_n3A_3001 = arith.select %gt3A_3000, %gather3A_2960, %select_n3A_2996 : vector<16xi1>, vector<16xf32>
    %jit3A_3002 = arith.constant 7 : i32
    %broadcast_in_dim3A_3003 = vector.broadcast %jit3A_3002 : i32 to vector<16xi32>
    %select_n3A_3004 = arith.select %gt3A_3000, %broadcast_in_dim3A_3003, %select_n3A_2999 : vector<16xi1>, vector<16xi32>
    %broadcast_in_dim3A_3005 = arith.constant 0xFF800000 : f32
    %broadcast_in_dim3A_3006 = vector.broadcast %broadcast_in_dim3A_3005 : f32 to vector<16xf32>
    %broadcast_in_dim3A_3007 = arith.constant 0 : i32
    %broadcast_in_dim3A_3008 = vector.broadcast %broadcast_in_dim3A_3007 : i32 to vector<16xi32>
    %eq3A_3009 = arith.constant 0 : i32
    %eq3A_3010 = vector.broadcast %eq3A_3009 : i32 to vector<16xi32>
    %eq3A_3011 = arith.cmpi eq, %select_n3A_3004, %eq3A_3010 : vector<16xi32>
    %jit3A_3012 = arith.constant 0xFF800000 : f32
    %broadcast_in_dim3A_3013 = vector.broadcast %jit3A_3012 : f32 to vector<16xf32>
    %select_n3A_3014 = arith.select %eq3A_3011, %broadcast_in_dim3A_3013, %gather3A_2932 : vector<16xi1>, vector<16xf32>
    %gt3A_3015 = arith.cmpf ogt, %select_n3A_3014, %broadcast_in_dim3A_3006 : vector<16xf32>
    %select_n3A_3016 = arith.select %gt3A_3015, %select_n3A_3014, %broadcast_in_dim3A_3006 : vector<16xi1>, vector<16xf32>
    %jit3A_3017 = arith.constant 0 : i32
    %broadcast_in_dim3A_3018 = vector.broadcast %jit3A_3017 : i32 to vector<16xi32>
    %select_n3A_3019 = arith.select %gt3A_3015, %broadcast_in_dim3A_3018, %broadcast_in_dim3A_3008 : vector<16xi1>, vector<16xi32>
    %eq3A_3020 = arith.constant 1 : i32
    %eq3A_3021 = vector.broadcast %eq3A_3020 : i32 to vector<16xi32>
    %eq3A_3022 = arith.cmpi eq, %select_n3A_3004, %eq3A_3021 : vector<16xi32>
    %jit3A_3023 = arith.constant 0xFF800000 : f32
    %broadcast_in_dim3A_3024 = vector.broadcast %jit3A_3023 : f32 to vector<16xf32>
    %select_n3A_3025 = arith.select %eq3A_3022, %broadcast_in_dim3A_3024, %gather3A_2936 : vector<16xi1>, vector<16xf32>
    %gt3A_3026 = arith.cmpf ogt, %select_n3A_3025, %select_n3A_3016 : vector<16xf32>
    %select_n3A_3027 = arith.select %gt3A_3026, %select_n3A_3025, %select_n3A_3016 : vector<16xi1>, vector<16xf32>
    %jit3A_3028 = arith.constant 1 : i32
    %broadcast_in_dim3A_3029 = vector.broadcast %jit3A_3028 : i32 to vector<16xi32>
    %select_n3A_3030 = arith.select %gt3A_3026, %broadcast_in_dim3A_3029, %select_n3A_3019 : vector<16xi1>, vector<16xi32>
    %eq3A_3031 = arith.constant 2 : i32
    %eq3A_3032 = vector.broadcast %eq3A_3031 : i32 to vector<16xi32>
    %eq3A_3033 = arith.cmpi eq, %select_n3A_3004, %eq3A_3032 : vector<16xi32>
    %jit3A_3034 = arith.constant 0xFF800000 : f32
    %broadcast_in_dim3A_3035 = vector.broadcast %jit3A_3034 : f32 to vector<16xf32>
    %select_n3A_3036 = arith.select %eq3A_3033, %broadcast_in_dim3A_3035, %gather3A_2940 : vector<16xi1>, vector<16xf32>
    %gt3A_3037 = arith.cmpf ogt, %select_n3A_3036, %select_n3A_3027 : vector<16xf32>
    %select_n3A_3038 = arith.select %gt3A_3037, %select_n3A_3036, %select_n3A_3027 : vector<16xi1>, vector<16xf32>
    %jit3A_3039 = arith.constant 2 : i32
    %broadcast_in_dim3A_3040 = vector.broadcast %jit3A_3039 : i32 to vector<16xi32>
    %select_n3A_3041 = arith.select %gt3A_3037, %broadcast_in_dim3A_3040, %select_n3A_3030 : vector<16xi1>, vector<16xi32>
    %eq3A_3042 = arith.constant 3 : i32
    %eq3A_3043 = vector.broadcast %eq3A_3042 : i32 to vector<16xi32>
    %eq3A_3044 = arith.cmpi eq, %select_n3A_3004, %eq3A_3043 : vector<16xi32>
    %jit3A_3045 = arith.constant 0xFF800000 : f32
    %broadcast_in_dim3A_3046 = vector.broadcast %jit3A_3045 : f32 to vector<16xf32>
    %select_n3A_3047 = arith.select %eq3A_3044, %broadcast_in_dim3A_3046, %gather3A_2944 : vector<16xi1>, vector<16xf32>
    %gt3A_3048 = arith.cmpf ogt, %select_n3A_3047, %select_n3A_3038 : vector<16xf32>
    %select_n3A_3049 = arith.select %gt3A_3048, %select_n3A_3047, %select_n3A_3038 : vector<16xi1>, vector<16xf32>
    %jit3A_3050 = arith.constant 3 : i32
    %broadcast_in_dim3A_3051 = vector.broadcast %jit3A_3050 : i32 to vector<16xi32>
    %select_n3A_3052 = arith.select %gt3A_3048, %broadcast_in_dim3A_3051, %select_n3A_3041 : vector<16xi1>, vector<16xi32>
    %eq3A_3053 = arith.constant 4 : i32
    %eq3A_3054 = vector.broadcast %eq3A_3053 : i32 to vector<16xi32>
    %eq3A_3055 = arith.cmpi eq, %select_n3A_3004, %eq3A_3054 : vector<16xi32>
    %jit3A_3056 = arith.constant 0xFF800000 : f32
    %broadcast_in_dim3A_3057 = vector.broadcast %jit3A_3056 : f32 to vector<16xf32>
    %select_n3A_3058 = arith.select %eq3A_3055, %broadcast_in_dim3A_3057, %gather3A_2948 : vector<16xi1>, vector<16xf32>
    %gt3A_3059 = arith.cmpf ogt, %select_n3A_3058, %select_n3A_3049 : vector<16xf32>
    %select_n3A_3060 = arith.select %gt3A_3059, %select_n3A_3058, %select_n3A_3049 : vector<16xi1>, vector<16xf32>
    %jit3A_3061 = arith.constant 4 : i32
    %broadcast_in_dim3A_3062 = vector.broadcast %jit3A_3061 : i32 to vector<16xi32>
    %select_n3A_3063 = arith.select %gt3A_3059, %broadcast_in_dim3A_3062, %select_n3A_3052 : vector<16xi1>, vector<16xi32>
    %eq3A_3064 = arith.constant 5 : i32
    %eq3A_3065 = vector.broadcast %eq3A_3064 : i32 to vector<16xi32>
    %eq3A_3066 = arith.cmpi eq, %select_n3A_3004, %eq3A_3065 : vector<16xi32>
    %jit3A_3067 = arith.constant 0xFF800000 : f32
    %broadcast_in_dim3A_3068 = vector.broadcast %jit3A_3067 : f32 to vector<16xf32>
    %select_n3A_3069 = arith.select %eq3A_3066, %broadcast_in_dim3A_3068, %gather3A_2952 : vector<16xi1>, vector<16xf32>
    %gt3A_3070 = arith.cmpf ogt, %select_n3A_3069, %select_n3A_3060 : vector<16xf32>
    %select_n3A_3071 = arith.select %gt3A_3070, %select_n3A_3069, %select_n3A_3060 : vector<16xi1>, vector<16xf32>
    %jit3A_3072 = arith.constant 5 : i32
    %broadcast_in_dim3A_3073 = vector.broadcast %jit3A_3072 : i32 to vector<16xi32>
    %select_n3A_3074 = arith.select %gt3A_3070, %broadcast_in_dim3A_3073, %select_n3A_3063 : vector<16xi1>, vector<16xi32>
    %eq3A_3075 = arith.constant 6 : i32
    %eq3A_3076 = vector.broadcast %eq3A_3075 : i32 to vector<16xi32>
    %eq3A_3077 = arith.cmpi eq, %select_n3A_3004, %eq3A_3076 : vector<16xi32>
    %jit3A_3078 = arith.constant 0xFF800000 : f32
    %broadcast_in_dim3A_3079 = vector.broadcast %jit3A_3078 : f32 to vector<16xf32>
    %select_n3A_3080 = arith.select %eq3A_3077, %broadcast_in_dim3A_3079, %gather3A_2956 : vector<16xi1>, vector<16xf32>
    %gt3A_3081 = arith.cmpf ogt, %select_n3A_3080, %select_n3A_3071 : vector<16xf32>
    %select_n3A_3082 = arith.select %gt3A_3081, %select_n3A_3080, %select_n3A_3071 : vector<16xi1>, vector<16xf32>
    %jit3A_3083 = arith.constant 6 : i32
    %broadcast_in_dim3A_3084 = vector.broadcast %jit3A_3083 : i32 to vector<16xi32>
    %select_n3A_3085 = arith.select %gt3A_3081, %broadcast_in_dim3A_3084, %select_n3A_3074 : vector<16xi1>, vector<16xi32>
    %eq3A_3086 = arith.constant 7 : i32
    %eq3A_3087 = vector.broadcast %eq3A_3086 : i32 to vector<16xi32>
    %eq3A_3088 = arith.cmpi eq, %select_n3A_3004, %eq3A_3087 : vector<16xi32>
    %jit3A_3089 = arith.constant 0xFF800000 : f32
    %broadcast_in_dim3A_3090 = vector.broadcast %jit3A_3089 : f32 to vector<16xf32>
    %select_n3A_3091 = arith.select %eq3A_3088, %broadcast_in_dim3A_3090, %gather3A_2960 : vector<16xi1>, vector<16xf32>
    %gt3A_3092 = arith.cmpf ogt, %select_n3A_3091, %select_n3A_3082 : vector<16xf32>
    %select_n3A_3093 = arith.select %gt3A_3092, %select_n3A_3091, %select_n3A_3082 : vector<16xi1>, vector<16xf32>
    %jit3A_3094 = arith.constant 7 : i32
    %broadcast_in_dim3A_3095 = vector.broadcast %jit3A_3094 : i32 to vector<16xi32>
    %select_n3A_3096 = arith.select %gt3A_3092, %broadcast_in_dim3A_3095, %select_n3A_3085 : vector<16xi1>, vector<16xi32>
    %sub3A_3097 = arith.subf %select_n3A_3093, %select_n3A_3001 : vector<16xf32>
    %exp3A_3098 = math.exp %sub3A_3097 : vector<16xf32>
    %add3A_3099 = arith.constant 1.000000e+00 : f32
    %add3A_3100 = vector.broadcast %add3A_3099 : f32 to vector<16xf32>
    %add3A_3101 = arith.addf %add3A_3100, %exp3A_3098 : vector<16xf32>
    %div3A_3102 = arith.constant 1.000000e+00 : f32
    %div3A_3103 = vector.broadcast %div3A_3102 : f32 to vector<16xf32>
    %div3A_3104 = arith.divf %div3A_3103, %add3A_3101 : vector<16xf32>
    %sub3A_3105 = arith.constant 1.000000e+00 : f32
    %sub3A_3106 = vector.broadcast %sub3A_3105 : f32 to vector<16xf32>
    %sub3A_3107 = arith.subf %sub3A_3106, %div3A_3104 : vector<16xf32>
    %broadcast_in_dim3A_3108 = arith.constant 0 : i32
    %broadcast_in_dim3A_3109 = vector.broadcast %broadcast_in_dim3A_3108 : i32 to vector<16xi32>
    %broadcast_in_dim3A_3110 = arith.constant 0 : i32
    %broadcast_in_dim3A_3111 = vector.broadcast %broadcast_in_dim3A_3110 : i32 to vector<16xi32>
    %eq3A_3112 = arith.constant 0 : i32
    %eq3A_3113 = vector.broadcast %eq3A_3112 : i32 to vector<16xi32>
    %eq3A_3114 = arith.cmpi eq, %select_n3A_3004, %eq3A_3113 : vector<16xi32>
    %eq3A_3115 = arith.constant 0 : i32
    %eq3A_3116 = vector.broadcast %eq3A_3115 : i32 to vector<16xi32>
    %eq3A_3117 = arith.cmpi eq, %select_n3A_3096, %eq3A_3116 : vector<16xi32>
    %or3A_3118 = arith.ori %eq3A_3114, %eq3A_3117 : vector<16xi1>
    %convert_element_type3A_3119 = arith.extui %or3A_3118 : vector<16xi1> to vector<16xi32>
    %broadcast_in_dim3A_3120 = arith.constant true
    %broadcast_in_dim3A_3121 = vector.broadcast %broadcast_in_dim3A_3120 : i1 to vector<16xi1>
    %masked_cumsum3A_3122 = tpu.scan <sum>, %convert_element_type3A_3119 masked %broadcast_in_dim3A_3121 : vector<16xi32>, vector<16xi1> -> vector<16xi32>
    %sub3A_3123 = arith.subi %masked_cumsum3A_3122, %convert_element_type3A_3119 : vector<16xi32>
    %add3A_3124 = vector.broadcast %add3A_2721 : i32 to vector<16xi32>
    %add3A_3125 = arith.addi %add3A_3124, %sub3A_3123 : vector<16xi32>
    %eq3A_3126 = arith.constant 0 : i32
    %eq3A_3127 = vector.broadcast %eq3A_3126 : i32 to vector<16xi32>
    %eq3A_3128 = arith.cmpi eq, %select_n3A_3004, %eq3A_3127 : vector<16xi32>
    %select_n3A_3129 = arith.select %eq3A_3128, %add3A_3125, %broadcast_in_dim3A_3109 : vector<16xi1>, vector<16xi32>
    %eq3A_3130 = arith.constant 0 : i32
    %eq3A_3131 = vector.broadcast %eq3A_3130 : i32 to vector<16xi32>
    %eq3A_3132 = arith.cmpi eq, %select_n3A_3096, %eq3A_3131 : vector<16xi32>
    %select_n3A_3133 = arith.select %eq3A_3132, %add3A_3125, %broadcast_in_dim3A_3111 : vector<16xi1>, vector<16xi32>
    %reduce_sum3A_3134 = arith.constant true
    %reduce_sum3A_3135 = vector.broadcast %reduce_sum3A_3134 : i1 to vector<16xi1>
    %reduce_sum3A_3136 = tpu.scan <sum>, %convert_element_type3A_3119 masked %reduce_sum3A_3135 : vector<16xi32>, vector<16xi1> -> vector<16xi32>
    %reduce_sum3A_3137 = vector.extract %reduce_sum3A_3136[15] : i32 from vector<16xi32>
    %add3A_3138 = arith.addi %add3A_2721, %reduce_sum3A_3137 : i32
    %eq3A_3139 = arith.constant 1 : i32
    %eq3A_3140 = vector.broadcast %eq3A_3139 : i32 to vector<16xi32>
    %eq3A_3141 = arith.cmpi eq, %select_n3A_3004, %eq3A_3140 : vector<16xi32>
    %eq3A_3142 = arith.constant 1 : i32
    %eq3A_3143 = vector.broadcast %eq3A_3142 : i32 to vector<16xi32>
    %eq3A_3144 = arith.cmpi eq, %select_n3A_3096, %eq3A_3143 : vector<16xi32>
    %or3A_3145 = arith.ori %eq3A_3141, %eq3A_3144 : vector<16xi1>
    %convert_element_type3A_3146 = arith.extui %or3A_3145 : vector<16xi1> to vector<16xi32>
    %broadcast_in_dim3A_3147 = arith.constant true
    %broadcast_in_dim3A_3148 = vector.broadcast %broadcast_in_dim3A_3147 : i1 to vector<16xi1>
    %masked_cumsum3A_3149 = tpu.scan <sum>, %convert_element_type3A_3146 masked %broadcast_in_dim3A_3148 : vector<16xi32>, vector<16xi1> -> vector<16xi32>
    %sub3A_3150 = arith.subi %masked_cumsum3A_3149, %convert_element_type3A_3146 : vector<16xi32>
    %add3A_3151 = vector.broadcast %add3A_2748 : i32 to vector<16xi32>
    %add3A_3152 = arith.addi %add3A_3151, %sub3A_3150 : vector<16xi32>
    %eq3A_3153 = arith.constant 1 : i32
    %eq3A_3154 = vector.broadcast %eq3A_3153 : i32 to vector<16xi32>
    %eq3A_3155 = arith.cmpi eq, %select_n3A_3004, %eq3A_3154 : vector<16xi32>
    %select_n3A_3156 = arith.select %eq3A_3155, %add3A_3152, %select_n3A_3129 : vector<16xi1>, vector<16xi32>
    %eq3A_3157 = arith.constant 1 : i32
    %eq3A_3158 = vector.broadcast %eq3A_3157 : i32 to vector<16xi32>
    %eq3A_3159 = arith.cmpi eq, %select_n3A_3096, %eq3A_3158 : vector<16xi32>
    %select_n3A_3160 = arith.select %eq3A_3159, %add3A_3152, %select_n3A_3133 : vector<16xi1>, vector<16xi32>
    %reduce_sum3A_3161 = arith.constant true
    %reduce_sum3A_3162 = vector.broadcast %reduce_sum3A_3161 : i1 to vector<16xi1>
    %reduce_sum3A_3163 = tpu.scan <sum>, %convert_element_type3A_3146 masked %reduce_sum3A_3162 : vector<16xi32>, vector<16xi1> -> vector<16xi32>
    %reduce_sum3A_3164 = vector.extract %reduce_sum3A_3163[15] : i32 from vector<16xi32>
    %add3A_3165 = arith.addi %add3A_2748, %reduce_sum3A_3164 : i32
    %eq3A_3166 = arith.constant 2 : i32
    %eq3A_3167 = vector.broadcast %eq3A_3166 : i32 to vector<16xi32>
    %eq3A_3168 = arith.cmpi eq, %select_n3A_3004, %eq3A_3167 : vector<16xi32>
    %eq3A_3169 = arith.constant 2 : i32
    %eq3A_3170 = vector.broadcast %eq3A_3169 : i32 to vector<16xi32>
    %eq3A_3171 = arith.cmpi eq, %select_n3A_3096, %eq3A_3170 : vector<16xi32>
    %or3A_3172 = arith.ori %eq3A_3168, %eq3A_3171 : vector<16xi1>
    %convert_element_type3A_3173 = arith.extui %or3A_3172 : vector<16xi1> to vector<16xi32>
    %broadcast_in_dim3A_3174 = arith.constant true
    %broadcast_in_dim3A_3175 = vector.broadcast %broadcast_in_dim3A_3174 : i1 to vector<16xi1>
    %masked_cumsum3A_3176 = tpu.scan <sum>, %convert_element_type3A_3173 masked %broadcast_in_dim3A_3175 : vector<16xi32>, vector<16xi1> -> vector<16xi32>
    %sub3A_3177 = arith.subi %masked_cumsum3A_3176, %convert_element_type3A_3173 : vector<16xi32>
    %add3A_3178 = vector.broadcast %add3A_2775 : i32 to vector<16xi32>
    %add3A_3179 = arith.addi %add3A_3178, %sub3A_3177 : vector<16xi32>
    %eq3A_3180 = arith.constant 2 : i32
    %eq3A_3181 = vector.broadcast %eq3A_3180 : i32 to vector<16xi32>
    %eq3A_3182 = arith.cmpi eq, %select_n3A_3004, %eq3A_3181 : vector<16xi32>
    %select_n3A_3183 = arith.select %eq3A_3182, %add3A_3179, %select_n3A_3156 : vector<16xi1>, vector<16xi32>
    %eq3A_3184 = arith.constant 2 : i32
    %eq3A_3185 = vector.broadcast %eq3A_3184 : i32 to vector<16xi32>
    %eq3A_3186 = arith.cmpi eq, %select_n3A_3096, %eq3A_3185 : vector<16xi32>
    %select_n3A_3187 = arith.select %eq3A_3186, %add3A_3179, %select_n3A_3160 : vector<16xi1>, vector<16xi32>
    %reduce_sum3A_3188 = arith.constant true
    %reduce_sum3A_3189 = vector.broadcast %reduce_sum3A_3188 : i1 to vector<16xi1>
    %reduce_sum3A_3190 = tpu.scan <sum>, %convert_element_type3A_3173 masked %reduce_sum3A_3189 : vector<16xi32>, vector<16xi1> -> vector<16xi32>
    %reduce_sum3A_3191 = vector.extract %reduce_sum3A_3190[15] : i32 from vector<16xi32>
    %add3A_3192 = arith.addi %add3A_2775, %reduce_sum3A_3191 : i32
    %eq3A_3193 = arith.constant 3 : i32
    %eq3A_3194 = vector.broadcast %eq3A_3193 : i32 to vector<16xi32>
    %eq3A_3195 = arith.cmpi eq, %select_n3A_3004, %eq3A_3194 : vector<16xi32>
    %eq3A_3196 = arith.constant 3 : i32
    %eq3A_3197 = vector.broadcast %eq3A_3196 : i32 to vector<16xi32>
    %eq3A_3198 = arith.cmpi eq, %select_n3A_3096, %eq3A_3197 : vector<16xi32>
    %or3A_3199 = arith.ori %eq3A_3195, %eq3A_3198 : vector<16xi1>
    %convert_element_type3A_3200 = arith.extui %or3A_3199 : vector<16xi1> to vector<16xi32>
    %broadcast_in_dim3A_3201 = arith.constant true
    %broadcast_in_dim3A_3202 = vector.broadcast %broadcast_in_dim3A_3201 : i1 to vector<16xi1>
    %masked_cumsum3A_3203 = tpu.scan <sum>, %convert_element_type3A_3200 masked %broadcast_in_dim3A_3202 : vector<16xi32>, vector<16xi1> -> vector<16xi32>
    %sub3A_3204 = arith.subi %masked_cumsum3A_3203, %convert_element_type3A_3200 : vector<16xi32>
    %add3A_3205 = vector.broadcast %add3A_2802 : i32 to vector<16xi32>
    %add3A_3206 = arith.addi %add3A_3205, %sub3A_3204 : vector<16xi32>
    %eq3A_3207 = arith.constant 3 : i32
    %eq3A_3208 = vector.broadcast %eq3A_3207 : i32 to vector<16xi32>
    %eq3A_3209 = arith.cmpi eq, %select_n3A_3004, %eq3A_3208 : vector<16xi32>
    %select_n3A_3210 = arith.select %eq3A_3209, %add3A_3206, %select_n3A_3183 : vector<16xi1>, vector<16xi32>
    %eq3A_3211 = arith.constant 3 : i32
    %eq3A_3212 = vector.broadcast %eq3A_3211 : i32 to vector<16xi32>
    %eq3A_3213 = arith.cmpi eq, %select_n3A_3096, %eq3A_3212 : vector<16xi32>
    %select_n3A_3214 = arith.select %eq3A_3213, %add3A_3206, %select_n3A_3187 : vector<16xi1>, vector<16xi32>
    %reduce_sum3A_3215 = arith.constant true
    %reduce_sum3A_3216 = vector.broadcast %reduce_sum3A_3215 : i1 to vector<16xi1>
    %reduce_sum3A_3217 = tpu.scan <sum>, %convert_element_type3A_3200 masked %reduce_sum3A_3216 : vector<16xi32>, vector<16xi1> -> vector<16xi32>
    %reduce_sum3A_3218 = vector.extract %reduce_sum3A_3217[15] : i32 from vector<16xi32>
    %add3A_3219 = arith.addi %add3A_2802, %reduce_sum3A_3218 : i32
    %eq3A_3220 = arith.constant 4 : i32
    %eq3A_3221 = vector.broadcast %eq3A_3220 : i32 to vector<16xi32>
    %eq3A_3222 = arith.cmpi eq, %select_n3A_3004, %eq3A_3221 : vector<16xi32>
    %eq3A_3223 = arith.constant 4 : i32
    %eq3A_3224 = vector.broadcast %eq3A_3223 : i32 to vector<16xi32>
    %eq3A_3225 = arith.cmpi eq, %select_n3A_3096, %eq3A_3224 : vector<16xi32>
    %or3A_3226 = arith.ori %eq3A_3222, %eq3A_3225 : vector<16xi1>
    %convert_element_type3A_3227 = arith.extui %or3A_3226 : vector<16xi1> to vector<16xi32>
    %broadcast_in_dim3A_3228 = arith.constant true
    %broadcast_in_dim3A_3229 = vector.broadcast %broadcast_in_dim3A_3228 : i1 to vector<16xi1>
    %masked_cumsum3A_3230 = tpu.scan <sum>, %convert_element_type3A_3227 masked %broadcast_in_dim3A_3229 : vector<16xi32>, vector<16xi1> -> vector<16xi32>
    %sub3A_3231 = arith.subi %masked_cumsum3A_3230, %convert_element_type3A_3227 : vector<16xi32>
    %add3A_3232 = vector.broadcast %add3A_2829 : i32 to vector<16xi32>
    %add3A_3233 = arith.addi %add3A_3232, %sub3A_3231 : vector<16xi32>
    %eq3A_3234 = arith.constant 4 : i32
    %eq3A_3235 = vector.broadcast %eq3A_3234 : i32 to vector<16xi32>
    %eq3A_3236 = arith.cmpi eq, %select_n3A_3004, %eq3A_3235 : vector<16xi32>
    %select_n3A_3237 = arith.select %eq3A_3236, %add3A_3233, %select_n3A_3210 : vector<16xi1>, vector<16xi32>
    %eq3A_3238 = arith.constant 4 : i32
    %eq3A_3239 = vector.broadcast %eq3A_3238 : i32 to vector<16xi32>
    %eq3A_3240 = arith.cmpi eq, %select_n3A_3096, %eq3A_3239 : vector<16xi32>
    %select_n3A_3241 = arith.select %eq3A_3240, %add3A_3233, %select_n3A_3214 : vector<16xi1>, vector<16xi32>
    %reduce_sum3A_3242 = arith.constant true
    %reduce_sum3A_3243 = vector.broadcast %reduce_sum3A_3242 : i1 to vector<16xi1>
    %reduce_sum3A_3244 = tpu.scan <sum>, %convert_element_type3A_3227 masked %reduce_sum3A_3243 : vector<16xi32>, vector<16xi1> -> vector<16xi32>
    %reduce_sum3A_3245 = vector.extract %reduce_sum3A_3244[15] : i32 from vector<16xi32>
    %add3A_3246 = arith.addi %add3A_2829, %reduce_sum3A_3245 : i32
    %eq3A_3247 = arith.constant 5 : i32
    %eq3A_3248 = vector.broadcast %eq3A_3247 : i32 to vector<16xi32>
    %eq3A_3249 = arith.cmpi eq, %select_n3A_3004, %eq3A_3248 : vector<16xi32>
    %eq3A_3250 = arith.constant 5 : i32
    %eq3A_3251 = vector.broadcast %eq3A_3250 : i32 to vector<16xi32>
    %eq3A_3252 = arith.cmpi eq, %select_n3A_3096, %eq3A_3251 : vector<16xi32>
    %or3A_3253 = arith.ori %eq3A_3249, %eq3A_3252 : vector<16xi1>
    %convert_element_type3A_3254 = arith.extui %or3A_3253 : vector<16xi1> to vector<16xi32>
    %broadcast_in_dim3A_3255 = arith.constant true
    %broadcast_in_dim3A_3256 = vector.broadcast %broadcast_in_dim3A_3255 : i1 to vector<16xi1>
    %masked_cumsum3A_3257 = tpu.scan <sum>, %convert_element_type3A_3254 masked %broadcast_in_dim3A_3256 : vector<16xi32>, vector<16xi1> -> vector<16xi32>
    %sub3A_3258 = arith.subi %masked_cumsum3A_3257, %convert_element_type3A_3254 : vector<16xi32>
    %add3A_3259 = vector.broadcast %add3A_2856 : i32 to vector<16xi32>
    %add3A_3260 = arith.addi %add3A_3259, %sub3A_3258 : vector<16xi32>
    %eq3A_3261 = arith.constant 5 : i32
    %eq3A_3262 = vector.broadcast %eq3A_3261 : i32 to vector<16xi32>
    %eq3A_3263 = arith.cmpi eq, %select_n3A_3004, %eq3A_3262 : vector<16xi32>
    %select_n3A_3264 = arith.select %eq3A_3263, %add3A_3260, %select_n3A_3237 : vector<16xi1>, vector<16xi32>
    %eq3A_3265 = arith.constant 5 : i32
    %eq3A_3266 = vector.broadcast %eq3A_3265 : i32 to vector<16xi32>
    %eq3A_3267 = arith.cmpi eq, %select_n3A_3096, %eq3A_3266 : vector<16xi32>
    %select_n3A_3268 = arith.select %eq3A_3267, %add3A_3260, %select_n3A_3241 : vector<16xi1>, vector<16xi32>
    %reduce_sum3A_3269 = arith.constant true
    %reduce_sum3A_3270 = vector.broadcast %reduce_sum3A_3269 : i1 to vector<16xi1>
    %reduce_sum3A_3271 = tpu.scan <sum>, %convert_element_type3A_3254 masked %reduce_sum3A_3270 : vector<16xi32>, vector<16xi1> -> vector<16xi32>
    %reduce_sum3A_3272 = vector.extract %reduce_sum3A_3271[15] : i32 from vector<16xi32>
    %add3A_3273 = arith.addi %add3A_2856, %reduce_sum3A_3272 : i32
    %eq3A_3274 = arith.constant 6 : i32
    %eq3A_3275 = vector.broadcast %eq3A_3274 : i32 to vector<16xi32>
    %eq3A_3276 = arith.cmpi eq, %select_n3A_3004, %eq3A_3275 : vector<16xi32>
    %eq3A_3277 = arith.constant 6 : i32
    %eq3A_3278 = vector.broadcast %eq3A_3277 : i32 to vector<16xi32>
    %eq3A_3279 = arith.cmpi eq, %select_n3A_3096, %eq3A_3278 : vector<16xi32>
    %or3A_3280 = arith.ori %eq3A_3276, %eq3A_3279 : vector<16xi1>
    %convert_element_type3A_3281 = arith.extui %or3A_3280 : vector<16xi1> to vector<16xi32>
    %broadcast_in_dim3A_3282 = arith.constant true
    %broadcast_in_dim3A_3283 = vector.broadcast %broadcast_in_dim3A_3282 : i1 to vector<16xi1>
    %masked_cumsum3A_3284 = tpu.scan <sum>, %convert_element_type3A_3281 masked %broadcast_in_dim3A_3283 : vector<16xi32>, vector<16xi1> -> vector<16xi32>
    %sub3A_3285 = arith.subi %masked_cumsum3A_3284, %convert_element_type3A_3281 : vector<16xi32>
    %add3A_3286 = vector.broadcast %add3A_2883 : i32 to vector<16xi32>
    %add3A_3287 = arith.addi %add3A_3286, %sub3A_3285 : vector<16xi32>
    %eq3A_3288 = arith.constant 6 : i32
    %eq3A_3289 = vector.broadcast %eq3A_3288 : i32 to vector<16xi32>
    %eq3A_3290 = arith.cmpi eq, %select_n3A_3004, %eq3A_3289 : vector<16xi32>
    %select_n3A_3291 = arith.select %eq3A_3290, %add3A_3287, %select_n3A_3264 : vector<16xi1>, vector<16xi32>
    %eq3A_3292 = arith.constant 6 : i32
    %eq3A_3293 = vector.broadcast %eq3A_3292 : i32 to vector<16xi32>
    %eq3A_3294 = arith.cmpi eq, %select_n3A_3096, %eq3A_3293 : vector<16xi32>
    %select_n3A_3295 = arith.select %eq3A_3294, %add3A_3287, %select_n3A_3268 : vector<16xi1>, vector<16xi32>
    %reduce_sum3A_3296 = arith.constant true
    %reduce_sum3A_3297 = vector.broadcast %reduce_sum3A_3296 : i1 to vector<16xi1>
    %reduce_sum3A_3298 = tpu.scan <sum>, %convert_element_type3A_3281 masked %reduce_sum3A_3297 : vector<16xi32>, vector<16xi1> -> vector<16xi32>
    %reduce_sum3A_3299 = vector.extract %reduce_sum3A_3298[15] : i32 from vector<16xi32>
    %add3A_3300 = arith.addi %add3A_2883, %reduce_sum3A_3299 : i32
    %eq3A_3301 = arith.constant 7 : i32
    %eq3A_3302 = vector.broadcast %eq3A_3301 : i32 to vector<16xi32>
    %eq3A_3303 = arith.cmpi eq, %select_n3A_3004, %eq3A_3302 : vector<16xi32>
    %eq3A_3304 = arith.constant 7 : i32
    %eq3A_3305 = vector.broadcast %eq3A_3304 : i32 to vector<16xi32>
    %eq3A_3306 = arith.cmpi eq, %select_n3A_3096, %eq3A_3305 : vector<16xi32>
    %or3A_3307 = arith.ori %eq3A_3303, %eq3A_3306 : vector<16xi1>
    %convert_element_type3A_3308 = arith.extui %or3A_3307 : vector<16xi1> to vector<16xi32>
    %broadcast_in_dim3A_3309 = arith.constant true
    %broadcast_in_dim3A_3310 = vector.broadcast %broadcast_in_dim3A_3309 : i1 to vector<16xi1>
    %masked_cumsum3A_3311 = tpu.scan <sum>, %convert_element_type3A_3308 masked %broadcast_in_dim3A_3310 : vector<16xi32>, vector<16xi1> -> vector<16xi32>
    %sub3A_3312 = arith.subi %masked_cumsum3A_3311, %convert_element_type3A_3308 : vector<16xi32>
    %add3A_3313 = vector.broadcast %add3A_2910 : i32 to vector<16xi32>
    %add3A_3314 = arith.addi %add3A_3313, %sub3A_3312 : vector<16xi32>
    %eq3A_3315 = arith.constant 7 : i32
    %eq3A_3316 = vector.broadcast %eq3A_3315 : i32 to vector<16xi32>
    %eq3A_3317 = arith.cmpi eq, %select_n3A_3004, %eq3A_3316 : vector<16xi32>
    %select_n3A_3318 = arith.select %eq3A_3317, %add3A_3314, %select_n3A_3291 : vector<16xi1>, vector<16xi32>
    %eq3A_3319 = arith.constant 7 : i32
    %eq3A_3320 = vector.broadcast %eq3A_3319 : i32 to vector<16xi32>
    %eq3A_3321 = arith.cmpi eq, %select_n3A_3096, %eq3A_3320 : vector<16xi32>
    %select_n3A_3322 = arith.select %eq3A_3321, %add3A_3314, %select_n3A_3295 : vector<16xi1>, vector<16xi32>
    %reduce_sum3A_3323 = arith.constant true
    %reduce_sum3A_3324 = vector.broadcast %reduce_sum3A_3323 : i1 to vector<16xi1>
    %reduce_sum3A_3325 = tpu.scan <sum>, %convert_element_type3A_3308 masked %reduce_sum3A_3324 : vector<16xi32>, vector<16xi1> -> vector<16xi32>
    %reduce_sum3A_3326 = vector.extract %reduce_sum3A_3325[15] : i32 from vector<16xi32>
    %add3A_3327 = arith.addi %add3A_2910, %reduce_sum3A_3326 : i32
    %swap3A_3328 = arith.constant 112 : index
    %swap3A_3329 = tpu.vector_load %arg10[%swap3A_3328] {strides = array<i32>} : memref<128xi32, #tpu.memory_space<vmem>>, vector<16xi32>,
    tpu.vector_store %arg10[%swap3A_3328], %select_n3A_3004 {strides = array<i32>} : memref<128xi32, #tpu.memory_space<vmem>>, vector<16xi32>,
    %swap3A_3330 = arith.constant 112 : index
    %swap3A_3331 = tpu.vector_load %arg11[%swap3A_3330] {strides = array<i32>} : memref<128xi32, #tpu.memory_space<vmem>>, vector<16xi32>,
    tpu.vector_store %arg11[%swap3A_3330], %select_n3A_3096 {strides = array<i32>} : memref<128xi32, #tpu.memory_space<vmem>>, vector<16xi32>,
    %swap3A_3332 = arith.constant 112 : index
    %swap3A_3333 = tpu.vector_load %arg12[%swap3A_3332] {strides = array<i32>} : memref<128xf32, #tpu.memory_space<vmem>>, vector<16xf32>,
    tpu.vector_store %arg12[%swap3A_3332], %div3A_3104 {strides = array<i32>} : memref<128xf32, #tpu.memory_space<vmem>>, vector<16xf32>,
    %swap3A_3334 = arith.constant 112 : index
    %swap3A_3335 = tpu.vector_load %arg13[%swap3A_3334] {strides = array<i32>} : memref<128xf32, #tpu.memory_space<vmem>>, vector<16xf32>,
    tpu.vector_store %arg13[%swap3A_3334], %sub3A_3107 {strides = array<i32>} : memref<128xf32, #tpu.memory_space<vmem>>, vector<16xf32>,
    %swap3A_3336 = arith.constant 112 : index
    %swap3A_3337 = tpu.vector_load %arg14[%swap3A_3336] {strides = array<i32>} : memref<128xi32, #tpu.memory_space<vmem>>, vector<16xi32>,
    tpu.vector_store %arg14[%swap3A_3336], %select_n3A_3318 {strides = array<i32>} : memref<128xi32, #tpu.memory_space<vmem>>, vector<16xi32>,
    %swap3A_3338 = arith.constant 112 : index
    %swap3A_3339 = tpu.vector_load %arg15[%swap3A_3338] {strides = array<i32>} : memref<128xi32, #tpu.memory_space<vmem>>, vector<16xi32>,
    tpu.vector_store %arg15[%swap3A_3338], %select_n3A_3322 {strides = array<i32>} : memref<128xi32, #tpu.memory_space<vmem>>, vector<16xi32>,
    %broadcast_in_dim3A_3340 = arith.constant 0 : i32
    %broadcast_in_dim3A_3341 = vector.broadcast %broadcast_in_dim3A_3340 : i32 to vector<16xi32>
    %eq3A_3342 = arith.constant 0 : i32
    %eq3A_3343 = vector.broadcast %eq3A_3342 : i32 to vector<16xi32>
    %eq3A_3344 = arith.cmpi eq, %iota3A, %eq3A_3343 : vector<16xi32>
    %broadcast_in_dim3A_3345 = vector.broadcast %add3A_3138 : i32 to vector<16xi32>
    %select_n3A_3346 = arith.select %eq3A_3344, %broadcast_in_dim3A_3345, %broadcast_in_dim3A_3341 : vector<16xi1>, vector<16xi32>
    %eq3A_3347 = arith.constant 1 : i32
    %eq3A_3348 = vector.broadcast %eq3A_3347 : i32 to vector<16xi32>
    %eq3A_3349 = arith.cmpi eq, %iota3A, %eq3A_3348 : vector<16xi32>
    %broadcast_in_dim3A_3350 = vector.broadcast %add3A_3165 : i32 to vector<16xi32>
    %select_n3A_3351 = arith.select %eq3A_3349, %broadcast_in_dim3A_3350, %select_n3A_3346 : vector<16xi1>, vector<16xi32>
    %eq3A_3352 = arith.constant 2 : i32
    %eq3A_3353 = vector.broadcast %eq3A_3352 : i32 to vector<16xi32>
    %eq3A_3354 = arith.cmpi eq, %iota3A, %eq3A_3353 : vector<16xi32>
    %broadcast_in_dim3A_3355 = vector.broadcast %add3A_3192 : i32 to vector<16xi32>
    %select_n3A_3356 = arith.select %eq3A_3354, %broadcast_in_dim3A_3355, %select_n3A_3351 : vector<16xi1>, vector<16xi32>
    %eq3A_3357 = arith.constant 3 : i32
    %eq3A_3358 = vector.broadcast %eq3A_3357 : i32 to vector<16xi32>
    %eq3A_3359 = arith.cmpi eq, %iota3A, %eq3A_3358 : vector<16xi32>
    %broadcast_in_dim3A_3360 = vector.broadcast %add3A_3219 : i32 to vector<16xi32>
    %select_n3A_3361 = arith.select %eq3A_3359, %broadcast_in_dim3A_3360, %select_n3A_3356 : vector<16xi1>, vector<16xi32>
    %eq3A_3362 = arith.constant 4 : i32
    %eq3A_3363 = vector.broadcast %eq3A_3362 : i32 to vector<16xi32>
    %eq3A_3364 = arith.cmpi eq, %iota3A, %eq3A_3363 : vector<16xi32>
    %broadcast_in_dim3A_3365 = vector.broadcast %add3A_3246 : i32 to vector<16xi32>
    %select_n3A_3366 = arith.select %eq3A_3364, %broadcast_in_dim3A_3365, %select_n3A_3361 : vector<16xi1>, vector<16xi32>
    %eq3A_3367 = arith.constant 5 : i32
    %eq3A_3368 = vector.broadcast %eq3A_3367 : i32 to vector<16xi32>
    %eq3A_3369 = arith.cmpi eq, %iota3A, %eq3A_3368 : vector<16xi32>
    %broadcast_in_dim3A_3370 = vector.broadcast %add3A_3273 : i32 to vector<16xi32>
    %select_n3A_3371 = arith.select %eq3A_3369, %broadcast_in_dim3A_3370, %select_n3A_3366 : vector<16xi1>, vector<16xi32>
    %eq3A_3372 = arith.constant 6 : i32
    %eq3A_3373 = vector.broadcast %eq3A_3372 : i32 to vector<16xi32>
    %eq3A_3374 = arith.cmpi eq, %iota3A, %eq3A_3373 : vector<16xi32>
    %broadcast_in_dim3A_3375 = vector.broadcast %add3A_3300 : i32 to vector<16xi32>
    %select_n3A_3376 = arith.select %eq3A_3374, %broadcast_in_dim3A_3375, %select_n3A_3371 : vector<16xi1>, vector<16xi32>
    %eq3A_3377 = arith.constant 7 : i32
    %eq3A_3378 = vector.broadcast %eq3A_3377 : i32 to vector<16xi32>
    %eq3A_3379 = arith.cmpi eq, %iota3A, %eq3A_3378 : vector<16xi32>
    %broadcast_in_dim3A_3380 = vector.broadcast %add3A_3327 : i32 to vector<16xi32>
    %select_n3A_3381 = arith.select %eq3A_3379, %broadcast_in_dim3A_3380, %select_n3A_3376 : vector<16xi1>, vector<16xi32>
    %swap3A_3382 = arith.constant 0 : index
    %swap3A_3383 = tpu.vector_load %arg16[%swap3A_3382] {strides = array<i32>} : memref<16xi32, #tpu.memory_space<vmem>>, vector<16xi32>,
    tpu.vector_store %arg16[%swap3A_3382], %select_n3A_3381 {strides = array<i32>} : memref<16xi32, #tpu.memory_space<vmem>>, vector<16xi32>,
    "tpu.region"() ({
      %run_scoped3A = tpu.sem_alloc : memref<!tpu.dma_semaphore, #tpu.memory_space<semaphore_mem>>
      %dma_start3A = arith.constant 0 : i32
      %dma_start3A_3709 = tpu.memref_slice %arg8[%arg1, %dma_start3A] : memref<16x16xi32, #tpu.memory_space<hbm>> -> memref<1x16xi32, #tpu.memory_space<hbm>>
      %dma_start3A_3710 = tpu.memref_squeeze %dma_start3A_3709 : memref<1x16xi32, #tpu.memory_space<hbm>> -> memref<16xi32, #tpu.memory_space<hbm>>
      %dma_start3A_3711 = arith.constant 0 : i32
      %dma_start3A_3712 = tpu.memref_slice %arg8[%arg1, %dma_start3A_3711] : memref<16x16xi32, #tpu.memory_space<hbm>> -> memref<1x16xi32, #tpu.memory_space<hbm>>
      %dma_start3A_3713 = tpu.memref_squeeze %dma_start3A_3712 : memref<1x16xi32, #tpu.memory_space<hbm>> -> memref<16xi32, #tpu.memory_space<hbm>>
      tpu.enqueue_dma source(%arg16 : memref<16xi32, #tpu.memory_space<vmem>>) target(%dma_start3A_3713 : memref<16xi32, #tpu.memory_space<hbm>>) target_semaphore(%run_scoped3A : memref<!tpu.dma_semaphore, #tpu.memory_space<semaphore_mem>>)
      %dma_wait3A = arith.constant 0 : i32
      %dma_wait3A_3714 = tpu.memref_slice %arg8[%arg1, %dma_wait3A] : memref<16x16xi32, #tpu.memory_space<hbm>> -> memref<1x16xi32, #tpu.memory_space<hbm>>
      %dma_wait3A_3715 = tpu.memref_squeeze %dma_wait3A_3714 : memref<1x16xi32, #tpu.memory_space<hbm>> -> memref<16xi32, #tpu.memory_space<hbm>>
      %dma_wait3A_3716 = arith.constant 0 : i32
      %dma_wait3A_3717 = tpu.memref_slice %arg8[%arg1, %dma_wait3A_3716] : memref<16x16xi32, #tpu.memory_space<hbm>> -> memref<1x16xi32, #tpu.memory_space<hbm>>
      %dma_wait3A_3718 = tpu.memref_squeeze %dma_wait3A_3717 : memref<1x16xi32, #tpu.memory_space<hbm>> -> memref<16xi32, #tpu.memory_space<hbm>>
      tpu.wait_dma2 semaphore(%run_scoped3A : memref<!tpu.dma_semaphore, #tpu.memory_space<semaphore_mem>>) src(%arg16 : memref<16xi32, #tpu.memory_space<vmem>>) dst(%dma_wait3A_3718 : memref<16xi32, #tpu.memory_space<hbm>>)
      tpu.yield
    }) : () -> ()
    %barrier3A = arith.constant 0 : index
    tpu.barrier barrier_id(%barrier3A)
    "tpu.region"() ({
      %run_scoped3A = tpu.sem_alloc : memref<!tpu.dma_semaphore, #tpu.memory_space<semaphore_mem>>
      tpu.enqueue_dma source(%arg8 : memref<16x16xi32, #tpu.memory_space<hbm>>) target(%arg17 : memref<16x16xi32, #tpu.memory_space<vmem>>) target_semaphore(%run_scoped3A : memref<!tpu.dma_semaphore, #tpu.memory_space<semaphore_mem>>)
      tpu.wait_dma2 semaphore(%run_scoped3A : memref<!tpu.dma_semaphore, #tpu.memory_space<semaphore_mem>>) src(%arg8 : memref<16x16xi32, #tpu.memory_space<hbm>>) dst(%arg17 : memref<16x16xi32, #tpu.memory_space<vmem>>)
      tpu.yield
    }) : () -> ()
    %broadcast_in_dim3A_3384 = arith.constant 0 : i32
    %broadcast_in_dim3A_3385 = vector.broadcast %broadcast_in_dim3A_3384 : i32 to vector<16xi32>
    %broadcast_in_dim3A_3386 = arith.constant 0 : i32
    %broadcast_in_dim3A_3387 = vector.broadcast %broadcast_in_dim3A_3386 : i32 to vector<16xi32>
    %get3A = arith.constant 0 : i32
    %get3A_3388 = arith.index_cast %get3A : i32 to index
    %get3A_3389 = arith.constant 0 : index
    %get3A_3390 = tpu.vector_load %arg17[%get3A_3388, %get3A_3389] {strides = array<i32>} : memref<16x16xi32, #tpu.memory_space<vmem>>, vector<16xi32>,
    %gt3A_3391 = arith.constant 0 : i32
    %gt3A_3392 = arith.cmpi sgt, %arg1, %gt3A_3391 : i32
    %broadcast_in_dim3A_3393 = arith.constant 0 : i32
    %broadcast_in_dim3A_3394 = vector.broadcast %broadcast_in_dim3A_3393 : i32 to vector<16xi32>
    %select_n3A_3395 = arith.select %gt3A_3392, %get3A_3390, %broadcast_in_dim3A_3394 : vector<16xi32>
    %add3A_3396 = arith.addi %broadcast_in_dim3A_3385, %select_n3A_3395 : vector<16xi32>
    %add3A_3397 = arith.addi %broadcast_in_dim3A_3387, %get3A_3390 : vector<16xi32>
    %get3A_3398 = arith.constant 1 : i32
    %get3A_3399 = arith.index_cast %get3A_3398 : i32 to index
    %get3A_3400 = arith.constant 0 : index
    %get3A_3401 = tpu.vector_load %arg17[%get3A_3399, %get3A_3400] {strides = array<i32>} : memref<16x16xi32, #tpu.memory_space<vmem>>, vector<16xi32>,
    %gt3A_3402 = arith.constant 1 : i32
    %gt3A_3403 = arith.cmpi sgt, %arg1, %gt3A_3402 : i32
    %broadcast_in_dim3A_3404 = arith.constant 0 : i32
    %broadcast_in_dim3A_3405 = vector.broadcast %broadcast_in_dim3A_3404 : i32 to vector<16xi32>
    %select_n3A_3406 = arith.select %gt3A_3403, %get3A_3401, %broadcast_in_dim3A_3405 : vector<16xi32>
    %add3A_3407 = arith.addi %add3A_3396, %select_n3A_3406 : vector<16xi32>
    %add3A_3408 = arith.addi %add3A_3397, %get3A_3401 : vector<16xi32>
    %get3A_3409 = arith.constant 2 : i32
    %get3A_3410 = arith.index_cast %get3A_3409 : i32 to index
    %get3A_3411 = arith.constant 0 : index
    %get3A_3412 = tpu.vector_load %arg17[%get3A_3410, %get3A_3411] {strides = array<i32>} : memref<16x16xi32, #tpu.memory_space<vmem>>, vector<16xi32>,
    %gt3A_3413 = arith.constant 2 : i32
    %gt3A_3414 = arith.cmpi sgt, %arg1, %gt3A_3413 : i32
    %broadcast_in_dim3A_3415 = arith.constant 0 : i32
    %broadcast_in_dim3A_3416 = vector.broadcast %broadcast_in_dim3A_3415 : i32 to vector<16xi32>
    %select_n3A_3417 = arith.select %gt3A_3414, %get3A_3412, %broadcast_in_dim3A_3416 : vector<16xi32>
    %add3A_3418 = arith.addi %add3A_3407, %select_n3A_3417 : vector<16xi32>
    %add3A_3419 = arith.addi %add3A_3408, %get3A_3412 : vector<16xi32>
    %get3A_3420 = arith.constant 3 : i32
    %get3A_3421 = arith.index_cast %get3A_3420 : i32 to index
    %get3A_3422 = arith.constant 0 : index
    %get3A_3423 = tpu.vector_load %arg17[%get3A_3421, %get3A_3422] {strides = array<i32>} : memref<16x16xi32, #tpu.memory_space<vmem>>, vector<16xi32>,
    %gt3A_3424 = arith.constant 3 : i32
    %gt3A_3425 = arith.cmpi sgt, %arg1, %gt3A_3424 : i32
    %broadcast_in_dim3A_3426 = arith.constant 0 : i32
    %broadcast_in_dim3A_3427 = vector.broadcast %broadcast_in_dim3A_3426 : i32 to vector<16xi32>
    %select_n3A_3428 = arith.select %gt3A_3425, %get3A_3423, %broadcast_in_dim3A_3427 : vector<16xi32>
    %add3A_3429 = arith.addi %add3A_3418, %select_n3A_3428 : vector<16xi32>
    %add3A_3430 = arith.addi %add3A_3419, %get3A_3423 : vector<16xi32>
    %get3A_3431 = arith.constant 4 : i32
    %get3A_3432 = arith.index_cast %get3A_3431 : i32 to index
    %get3A_3433 = arith.constant 0 : index
    %get3A_3434 = tpu.vector_load %arg17[%get3A_3432, %get3A_3433] {strides = array<i32>} : memref<16x16xi32, #tpu.memory_space<vmem>>, vector<16xi32>,
    %gt3A_3435 = arith.constant 4 : i32
    %gt3A_3436 = arith.cmpi sgt, %arg1, %gt3A_3435 : i32
    %broadcast_in_dim3A_3437 = arith.constant 0 : i32
    %broadcast_in_dim3A_3438 = vector.broadcast %broadcast_in_dim3A_3437 : i32 to vector<16xi32>
    %select_n3A_3439 = arith.select %gt3A_3436, %get3A_3434, %broadcast_in_dim3A_3438 : vector<16xi32>
    %add3A_3440 = arith.addi %add3A_3429, %select_n3A_3439 : vector<16xi32>
    %add3A_3441 = arith.addi %add3A_3430, %get3A_3434 : vector<16xi32>
    %get3A_3442 = arith.constant 5 : i32
    %get3A_3443 = arith.index_cast %get3A_3442 : i32 to index
    %get3A_3444 = arith.constant 0 : index
    %get3A_3445 = tpu.vector_load %arg17[%get3A_3443, %get3A_3444] {strides = array<i32>} : memref<16x16xi32, #tpu.memory_space<vmem>>, vector<16xi32>,
    %gt3A_3446 = arith.constant 5 : i32
    %gt3A_3447 = arith.cmpi sgt, %arg1, %gt3A_3446 : i32
    %broadcast_in_dim3A_3448 = arith.constant 0 : i32
    %broadcast_in_dim3A_3449 = vector.broadcast %broadcast_in_dim3A_3448 : i32 to vector<16xi32>
    %select_n3A_3450 = arith.select %gt3A_3447, %get3A_3445, %broadcast_in_dim3A_3449 : vector<16xi32>
    %add3A_3451 = arith.addi %add3A_3440, %select_n3A_3450 : vector<16xi32>
    %add3A_3452 = arith.addi %add3A_3441, %get3A_3445 : vector<16xi32>
    %get3A_3453 = arith.constant 6 : i32
    %get3A_3454 = arith.index_cast %get3A_3453 : i32 to index
    %get3A_3455 = arith.constant 0 : index
    %get3A_3456 = tpu.vector_load %arg17[%get3A_3454, %get3A_3455] {strides = array<i32>} : memref<16x16xi32, #tpu.memory_space<vmem>>, vector<16xi32>,
    %gt3A_3457 = arith.constant 6 : i32
    %gt3A_3458 = arith.cmpi sgt, %arg1, %gt3A_3457 : i32
    %broadcast_in_dim3A_3459 = arith.constant 0 : i32
    %broadcast_in_dim3A_3460 = vector.broadcast %broadcast_in_dim3A_3459 : i32 to vector<16xi32>
    %select_n3A_3461 = arith.select %gt3A_3458, %get3A_3456, %broadcast_in_dim3A_3460 : vector<16xi32>
    %add3A_3462 = arith.addi %add3A_3451, %select_n3A_3461 : vector<16xi32>
    %add3A_3463 = arith.addi %add3A_3452, %get3A_3456 : vector<16xi32>
    %get3A_3464 = arith.constant 7 : i32
    %get3A_3465 = arith.index_cast %get3A_3464 : i32 to index
    %get3A_3466 = arith.constant 0 : index
    %get3A_3467 = tpu.vector_load %arg17[%get3A_3465, %get3A_3466] {strides = array<i32>} : memref<16x16xi32, #tpu.memory_space<vmem>>, vector<16xi32>,
    %gt3A_3468 = arith.constant 7 : i32
    %gt3A_3469 = arith.cmpi sgt, %arg1, %gt3A_3468 : i32
    %broadcast_in_dim3A_3470 = arith.constant 0 : i32
    %broadcast_in_dim3A_3471 = vector.broadcast %broadcast_in_dim3A_3470 : i32 to vector<16xi32>
    %select_n3A_3472 = arith.select %gt3A_3469, %get3A_3467, %broadcast_in_dim3A_3471 : vector<16xi32>
    %add3A_3473 = arith.addi %add3A_3462, %select_n3A_3472 : vector<16xi32>
    %add3A_3474 = arith.addi %add3A_3463, %get3A_3467 : vector<16xi32>
    %get3A_3475 = arith.constant 8 : i32
    %get3A_3476 = arith.index_cast %get3A_3475 : i32 to index
    %get3A_3477 = arith.constant 0 : index
    %get3A_3478 = tpu.vector_load %arg17[%get3A_3476, %get3A_3477] {strides = array<i32>} : memref<16x16xi32, #tpu.memory_space<vmem>>, vector<16xi32>,
    %gt3A_3479 = arith.constant 8 : i32
    %gt3A_3480 = arith.cmpi sgt, %arg1, %gt3A_3479 : i32
    %broadcast_in_dim3A_3481 = arith.constant 0 : i32
    %broadcast_in_dim3A_3482 = vector.broadcast %broadcast_in_dim3A_3481 : i32 to vector<16xi32>
    %select_n3A_3483 = arith.select %gt3A_3480, %get3A_3478, %broadcast_in_dim3A_3482 : vector<16xi32>
    %add3A_3484 = arith.addi %add3A_3473, %select_n3A_3483 : vector<16xi32>
    %add3A_3485 = arith.addi %add3A_3474, %get3A_3478 : vector<16xi32>
    %get3A_3486 = arith.constant 9 : i32
    %get3A_3487 = arith.index_cast %get3A_3486 : i32 to index
    %get3A_3488 = arith.constant 0 : index
    %get3A_3489 = tpu.vector_load %arg17[%get3A_3487, %get3A_3488] {strides = array<i32>} : memref<16x16xi32, #tpu.memory_space<vmem>>, vector<16xi32>,
    %gt3A_3490 = arith.constant 9 : i32
    %gt3A_3491 = arith.cmpi sgt, %arg1, %gt3A_3490 : i32
    %broadcast_in_dim3A_3492 = arith.constant 0 : i32
    %broadcast_in_dim3A_3493 = vector.broadcast %broadcast_in_dim3A_3492 : i32 to vector<16xi32>
    %select_n3A_3494 = arith.select %gt3A_3491, %get3A_3489, %broadcast_in_dim3A_3493 : vector<16xi32>
    %add3A_3495 = arith.addi %add3A_3484, %select_n3A_3494 : vector<16xi32>
    %add3A_3496 = arith.addi %add3A_3485, %get3A_3489 : vector<16xi32>
    %get3A_3497 = arith.constant 10 : i32
    %get3A_3498 = arith.index_cast %get3A_3497 : i32 to index
    %get3A_3499 = arith.constant 0 : index
    %get3A_3500 = tpu.vector_load %arg17[%get3A_3498, %get3A_3499] {strides = array<i32>} : memref<16x16xi32, #tpu.memory_space<vmem>>, vector<16xi32>,
    %gt3A_3501 = arith.constant 10 : i32
    %gt3A_3502 = arith.cmpi sgt, %arg1, %gt3A_3501 : i32
    %broadcast_in_dim3A_3503 = arith.constant 0 : i32
    %broadcast_in_dim3A_3504 = vector.broadcast %broadcast_in_dim3A_3503 : i32 to vector<16xi32>
    %select_n3A_3505 = arith.select %gt3A_3502, %get3A_3500, %broadcast_in_dim3A_3504 : vector<16xi32>
    %add3A_3506 = arith.addi %add3A_3495, %select_n3A_3505 : vector<16xi32>
    %add3A_3507 = arith.addi %add3A_3496, %get3A_3500 : vector<16xi32>
    %get3A_3508 = arith.constant 11 : i32
    %get3A_3509 = arith.index_cast %get3A_3508 : i32 to index
    %get3A_3510 = arith.constant 0 : index
    %get3A_3511 = tpu.vector_load %arg17[%get3A_3509, %get3A_3510] {strides = array<i32>} : memref<16x16xi32, #tpu.memory_space<vmem>>, vector<16xi32>,
    %gt3A_3512 = arith.constant 11 : i32
    %gt3A_3513 = arith.cmpi sgt, %arg1, %gt3A_3512 : i32
    %broadcast_in_dim3A_3514 = arith.constant 0 : i32
    %broadcast_in_dim3A_3515 = vector.broadcast %broadcast_in_dim3A_3514 : i32 to vector<16xi32>
    %select_n3A_3516 = arith.select %gt3A_3513, %get3A_3511, %broadcast_in_dim3A_3515 : vector<16xi32>
    %add3A_3517 = arith.addi %add3A_3506, %select_n3A_3516 : vector<16xi32>
    %add3A_3518 = arith.addi %add3A_3507, %get3A_3511 : vector<16xi32>
    %get3A_3519 = arith.constant 12 : i32
    %get3A_3520 = arith.index_cast %get3A_3519 : i32 to index
    %get3A_3521 = arith.constant 0 : index
    %get3A_3522 = tpu.vector_load %arg17[%get3A_3520, %get3A_3521] {strides = array<i32>} : memref<16x16xi32, #tpu.memory_space<vmem>>, vector<16xi32>,
    %gt3A_3523 = arith.constant 12 : i32
    %gt3A_3524 = arith.cmpi sgt, %arg1, %gt3A_3523 : i32
    %broadcast_in_dim3A_3525 = arith.constant 0 : i32
    %broadcast_in_dim3A_3526 = vector.broadcast %broadcast_in_dim3A_3525 : i32 to vector<16xi32>
    %select_n3A_3527 = arith.select %gt3A_3524, %get3A_3522, %broadcast_in_dim3A_3526 : vector<16xi32>
    %add3A_3528 = arith.addi %add3A_3517, %select_n3A_3527 : vector<16xi32>
    %add3A_3529 = arith.addi %add3A_3518, %get3A_3522 : vector<16xi32>
    %get3A_3530 = arith.constant 13 : i32
    %get3A_3531 = arith.index_cast %get3A_3530 : i32 to index
    %get3A_3532 = arith.constant 0 : index
    %get3A_3533 = tpu.vector_load %arg17[%get3A_3531, %get3A_3532] {strides = array<i32>} : memref<16x16xi32, #tpu.memory_space<vmem>>, vector<16xi32>,
    %gt3A_3534 = arith.constant 13 : i32
    %gt3A_3535 = arith.cmpi sgt, %arg1, %gt3A_3534 : i32
    %broadcast_in_dim3A_3536 = arith.constant 0 : i32
    %broadcast_in_dim3A_3537 = vector.broadcast %broadcast_in_dim3A_3536 : i32 to vector<16xi32>
    %select_n3A_3538 = arith.select %gt3A_3535, %get3A_3533, %broadcast_in_dim3A_3537 : vector<16xi32>
    %add3A_3539 = arith.addi %add3A_3528, %select_n3A_3538 : vector<16xi32>
    %add3A_3540 = arith.addi %add3A_3529, %get3A_3533 : vector<16xi32>
    %get3A_3541 = arith.constant 14 : i32
    %get3A_3542 = arith.index_cast %get3A_3541 : i32 to index
    %get3A_3543 = arith.constant 0 : index
    %get3A_3544 = tpu.vector_load %arg17[%get3A_3542, %get3A_3543] {strides = array<i32>} : memref<16x16xi32, #tpu.memory_space<vmem>>, vector<16xi32>,
    %gt3A_3545 = arith.constant 14 : i32
    %gt3A_3546 = arith.cmpi sgt, %arg1, %gt3A_3545 : i32
    %broadcast_in_dim3A_3547 = arith.constant 0 : i32
    %broadcast_in_dim3A_3548 = vector.broadcast %broadcast_in_dim3A_3547 : i32 to vector<16xi32>
    %select_n3A_3549 = arith.select %gt3A_3546, %get3A_3544, %broadcast_in_dim3A_3548 : vector<16xi32>
    %add3A_3550 = arith.addi %add3A_3539, %select_n3A_3549 : vector<16xi32>
    %add3A_3551 = arith.addi %add3A_3540, %get3A_3544 : vector<16xi32>
    %get3A_3552 = arith.constant 15 : i32
    %get3A_3553 = arith.index_cast %get3A_3552 : i32 to index
    %get3A_3554 = arith.constant 0 : index
    %get3A_3555 = tpu.vector_load %arg17[%get3A_3553, %get3A_3554] {strides = array<i32>} : memref<16x16xi32, #tpu.memory_space<vmem>>, vector<16xi32>,
    %gt3A_3556 = arith.constant 15 : i32
    %gt3A_3557 = arith.cmpi sgt, %arg1, %gt3A_3556 : i32
    %broadcast_in_dim3A_3558 = arith.constant 0 : i32
    %broadcast_in_dim3A_3559 = vector.broadcast %broadcast_in_dim3A_3558 : i32 to vector<16xi32>
    %select_n3A_3560 = arith.select %gt3A_3557, %get3A_3555, %broadcast_in_dim3A_3559 : vector<16xi32>
    %add3A_3561 = arith.addi %add3A_3550, %select_n3A_3560 : vector<16xi32>
    %add3A_3562 = arith.addi %add3A_3551, %get3A_3555 : vector<16xi32>
    %add3A_3563 = arith.constant 255 : i32
    %add3A_3564 = vector.broadcast %add3A_3563 : i32 to vector<16xi32>
    %add3A_3565 = arith.addi %add3A_3562, %add3A_3564 : vector<16xi32>
    %shift_right_logical3A = arith.constant 8 : i32
    %shift_right_logical3A_3566 = vector.broadcast %shift_right_logical3A : i32 to vector<16xi32>
    %shift_right_logical3A_3567 = arith.shrui %add3A_3565, %shift_right_logical3A_3566 : vector<16xi32>
    %shift_left3A = arith.constant 8 : i32
    %shift_left3A_3568 = vector.broadcast %shift_left3A : i32 to vector<16xi32>
    %shift_left3A_3569 = arith.shli %shift_right_logical3A_3567, %shift_left3A_3568 : vector<16xi32>
    %broadcast_in_dim3A_3570 = arith.constant true
    %broadcast_in_dim3A_3571 = vector.broadcast %broadcast_in_dim3A_3570 : i1 to vector<16xi1>
    %masked_cumsum3A_3572 = tpu.scan <sum>, %shift_left3A_3569 masked %broadcast_in_dim3A_3571 : vector<16xi32>, vector<16xi1> -> vector<16xi32>
    %sub3A_3573 = arith.subi %masked_cumsum3A_3572, %shift_left3A_3569 : vector<16xi32>
    %add3A_3574 = arith.addi %sub3A_3573, %add3A_3561 : vector<16xi32>
    %swap3A_3575 = arith.constant 0 : index
    %swap3A_3576 = tpu.vector_load %arg16[%swap3A_3575] {strides = array<i32>} : memref<16xi32, #tpu.memory_space<vmem>>, vector<16xi32>,
    tpu.vector_store %arg16[%swap3A_3575], %add3A_3574 {strides = array<i32>} : memref<16xi32, #tpu.memory_space<vmem>>, vector<16xi32>,
    %eq3A_3577 = arith.constant 0 : i32
    %eq3A_3578 = arith.cmpi eq, %arg1, %eq3A_3577 : i32
    %convert_element_type3A_3579 = arith.extui %eq3A_3578 : i1 to i32
    %cond3A = arith.constant 0 : i32
    %cond3A_3580 = arith.cmpi ne, %convert_element_type3A_3579, %cond3A : i32
    scf.if %cond3A_3580 {
      %swap3A_3709 = arith.constant 0 : i32
      %swap3A_3710 = arith.index_cast %swap3A_3709 : i32 to index
      %swap3A_3711 = arith.constant 0 : index
      %swap3A_3712 = tpu.vector_load %arg17[%swap3A_3710, %swap3A_3711] {strides = array<i32>} : memref<16x16xi32, #tpu.memory_space<vmem>>, vector<16xi32>,
      tpu.vector_store %arg17[%swap3A_3710, %swap3A_3711], %sub3A_3573 {strides = array<i32>} : memref<16x16xi32, #tpu.memory_space<vmem>>, vector<16xi32>,
      %shift_right_logical3A_3713 = arith.constant 8 : i32
      %shift_right_logical3A_3714 = vector.broadcast %shift_right_logical3A_3713 : i32 to vector<16xi32>
      %shift_right_logical3A_3715 = arith.shrui %shift_left3A_3569, %shift_right_logical3A_3714 : vector<16xi32>
      %swap3A_3716 = arith.constant 1 : i32
      %swap3A_3717 = arith.index_cast %swap3A_3716 : i32 to index
      %swap3A_3718 = arith.constant 0 : index
      %swap3A_3719 = tpu.vector_load %arg17[%swap3A_3717, %swap3A_3718] {strides = array<i32>} : memref<16x16xi32, #tpu.memory_space<vmem>>, vector<16xi32>,
      tpu.vector_store %arg17[%swap3A_3717, %swap3A_3718], %shift_right_logical3A_3715 {strides = array<i32>} : memref<16x16xi32, #tpu.memory_space<vmem>>, vector<16xi32>,
      "tpu.region"() ({
        %run_scoped3A = tpu.sem_alloc : memref<!tpu.dma_semaphore, #tpu.memory_space<semaphore_mem>>
        %dma_start3A = arith.constant 0 : i32
        %dma_start3A_3720 = arith.constant 0 : i32
        %dma_start3A_3721 = tpu.memref_slice %arg17[%dma_start3A, %dma_start3A_3720] : memref<16x16xi32, #tpu.memory_space<vmem>> -> memref<2x16xi32, #tpu.memory_space<vmem>>
        %dma_start3A_3722 = arith.constant 0 : i32
        %dma_start3A_3723 = arith.constant 0 : i32
        %dma_start3A_3724 = tpu.memref_slice %arg17[%dma_start3A_3722, %dma_start3A_3723] : memref<16x16xi32, #tpu.memory_space<vmem>> -> memref<2x16xi32, #tpu.memory_space<vmem>>
        tpu.enqueue_dma source(%dma_start3A_3724 : memref<2x16xi32, #tpu.memory_space<vmem>>) target(%arg7 : memref<2x16xi32, #tpu.memory_space<hbm>>) target_semaphore(%run_scoped3A : memref<!tpu.dma_semaphore, #tpu.memory_space<semaphore_mem>>)
        %dma_wait3A = arith.constant 0 : i32
        %dma_wait3A_3725 = arith.constant 0 : i32
        %dma_wait3A_3726 = tpu.memref_slice %arg17[%dma_wait3A, %dma_wait3A_3725] : memref<16x16xi32, #tpu.memory_space<vmem>> -> memref<2x16xi32, #tpu.memory_space<vmem>>
        %dma_wait3A_3727 = arith.constant 0 : i32
        %dma_wait3A_3728 = arith.constant 0 : i32
        %dma_wait3A_3729 = tpu.memref_slice %arg17[%dma_wait3A_3727, %dma_wait3A_3728] : memref<16x16xi32, #tpu.memory_space<vmem>> -> memref<2x16xi32, #tpu.memory_space<vmem>>
        tpu.wait_dma2 semaphore(%run_scoped3A : memref<!tpu.dma_semaphore, #tpu.memory_space<semaphore_mem>>) src(%dma_wait3A_3729 : memref<2x16xi32, #tpu.memory_space<vmem>>) dst(%arg7 : memref<2x16xi32, #tpu.memory_space<hbm>>)
        tpu.yield
      }) : () -> ()
    } else {
    }
    %get3A_3581 = arith.constant 0 : index
    %get3A_3582 = tpu.vector_load %arg10[%get3A_3581] {strides = array<i32>} : memref<128xi32, #tpu.memory_space<vmem>>, vector<16xi32>,
    %gather3A_3583 = tpu.vector_load_idx %arg16[%get3A_3582] : memref<16xi32, #tpu.memory_space<vmem>>[vector<16xi32>], vector<16xi32>,
    %get3A_3584 = arith.constant 0 : index
    %get3A_3585 = tpu.vector_load %arg14[%get3A_3584] {strides = array<i32>} : memref<128xi32, #tpu.memory_space<vmem>>, vector<16xi32>,
    %add3A_3586 = arith.addi %gather3A_3583, %get3A_3585 : vector<16xi32>
    %get3A_3587 = arith.constant 0 : index
    %get3A_3588 = tpu.vector_load %arg11[%get3A_3587] {strides = array<i32>} : memref<128xi32, #tpu.memory_space<vmem>>, vector<16xi32>,
    %gather3A_3589 = tpu.vector_load_idx %arg16[%get3A_3588] : memref<16xi32, #tpu.memory_space<vmem>>[vector<16xi32>], vector<16xi32>,
    %get3A_3590 = arith.constant 0 : index
    %get3A_3591 = tpu.vector_load %arg15[%get3A_3590] {strides = array<i32>} : memref<128xi32, #tpu.memory_space<vmem>>, vector<16xi32>,
    %add3A_3592 = arith.addi %gather3A_3589, %get3A_3591 : vector<16xi32>
    %swap3A_3593 = arith.constant 0 : index
    %swap3A_3594 = tpu.vector_load %arg10[%swap3A_3593] {strides = array<i32>} : memref<128xi32, #tpu.memory_space<vmem>>, vector<16xi32>,
    tpu.vector_store %arg10[%swap3A_3593], %add3A_3586 {strides = array<i32>} : memref<128xi32, #tpu.memory_space<vmem>>, vector<16xi32>,
    %swap3A_3595 = arith.constant 0 : index
    %swap3A_3596 = tpu.vector_load %arg11[%swap3A_3595] {strides = array<i32>} : memref<128xi32, #tpu.memory_space<vmem>>, vector<16xi32>,
    tpu.vector_store %arg11[%swap3A_3595], %add3A_3592 {strides = array<i32>} : memref<128xi32, #tpu.memory_space<vmem>>, vector<16xi32>,
    %get3A_3597 = arith.constant 16 : index
    %get3A_3598 = tpu.vector_load %arg10[%get3A_3597] {strides = array<i32>} : memref<128xi32, #tpu.memory_space<vmem>>, vector<16xi32>,
    %gather3A_3599 = tpu.vector_load_idx %arg16[%get3A_3598] : memref<16xi32, #tpu.memory_space<vmem>>[vector<16xi32>], vector<16xi32>,
    %get3A_3600 = arith.constant 16 : index
    %get3A_3601 = tpu.vector_load %arg14[%get3A_3600] {strides = array<i32>} : memref<128xi32, #tpu.memory_space<vmem>>, vector<16xi32>,
    %add3A_3602 = arith.addi %gather3A_3599, %get3A_3601 : vector<16xi32>
    %get3A_3603 = arith.constant 16 : index
    %get3A_3604 = tpu.vector_load %arg11[%get3A_3603] {strides = array<i32>} : memref<128xi32, #tpu.memory_space<vmem>>, vector<16xi32>,
    %gather3A_3605 = tpu.vector_load_idx %arg16[%get3A_3604] : memref<16xi32, #tpu.memory_space<vmem>>[vector<16xi32>], vector<16xi32>,
    %get3A_3606 = arith.constant 16 : index
    %get3A_3607 = tpu.vector_load %arg15[%get3A_3606] {strides = array<i32>} : memref<128xi32, #tpu.memory_space<vmem>>, vector<16xi32>,
    %add3A_3608 = arith.addi %gather3A_3605, %get3A_3607 : vector<16xi32>
    %swap3A_3609 = arith.constant 16 : index
    %swap3A_3610 = tpu.vector_load %arg10[%swap3A_3609] {strides = array<i32>} : memref<128xi32, #tpu.memory_space<vmem>>, vector<16xi32>,
    tpu.vector_store %arg10[%swap3A_3609], %add3A_3602 {strides = array<i32>} : memref<128xi32, #tpu.memory_space<vmem>>, vector<16xi32>,
    %swap3A_3611 = arith.constant 16 : index
    %swap3A_3612 = tpu.vector_load %arg11[%swap3A_3611] {strides = array<i32>} : memref<128xi32, #tpu.memory_space<vmem>>, vector<16xi32>,
    tpu.vector_store %arg11[%swap3A_3611], %add3A_3608 {strides = array<i32>} : memref<128xi32, #tpu.memory_space<vmem>>, vector<16xi32>,
    %get3A_3613 = arith.constant 32 : index
    %get3A_3614 = tpu.vector_load %arg10[%get3A_3613] {strides = array<i32>} : memref<128xi32, #tpu.memory_space<vmem>>, vector<16xi32>,
    %gather3A_3615 = tpu.vector_load_idx %arg16[%get3A_3614] : memref<16xi32, #tpu.memory_space<vmem>>[vector<16xi32>], vector<16xi32>,
    %get3A_3616 = arith.constant 32 : index
    %get3A_3617 = tpu.vector_load %arg14[%get3A_3616] {strides = array<i32>} : memref<128xi32, #tpu.memory_space<vmem>>, vector<16xi32>,
    %add3A_3618 = arith.addi %gather3A_3615, %get3A_3617 : vector<16xi32>
    %get3A_3619 = arith.constant 32 : index
    %get3A_3620 = tpu.vector_load %arg11[%get3A_3619] {strides = array<i32>} : memref<128xi32, #tpu.memory_space<vmem>>, vector<16xi32>,
    %gather3A_3621 = tpu.vector_load_idx %arg16[%get3A_3620] : memref<16xi32, #tpu.memory_space<vmem>>[vector<16xi32>], vector<16xi32>,
    %get3A_3622 = arith.constant 32 : index
    %get3A_3623 = tpu.vector_load %arg15[%get3A_3622] {strides = array<i32>} : memref<128xi32, #tpu.memory_space<vmem>>, vector<16xi32>,
    %add3A_3624 = arith.addi %gather3A_3621, %get3A_3623 : vector<16xi32>
    %swap3A_3625 = arith.constant 32 : index
    %swap3A_3626 = tpu.vector_load %arg10[%swap3A_3625] {strides = array<i32>} : memref<128xi32, #tpu.memory_space<vmem>>, vector<16xi32>,
    tpu.vector_store %arg10[%swap3A_3625], %add3A_3618 {strides = array<i32>} : memref<128xi32, #tpu.memory_space<vmem>>, vector<16xi32>,
    %swap3A_3627 = arith.constant 32 : index
    %swap3A_3628 = tpu.vector_load %arg11[%swap3A_3627] {strides = array<i32>} : memref<128xi32, #tpu.memory_space<vmem>>, vector<16xi32>,
    tpu.vector_store %arg11[%swap3A_3627], %add3A_3624 {strides = array<i32>} : memref<128xi32, #tpu.memory_space<vmem>>, vector<16xi32>,
    %get3A_3629 = arith.constant 48 : index
    %get3A_3630 = tpu.vector_load %arg10[%get3A_3629] {strides = array<i32>} : memref<128xi32, #tpu.memory_space<vmem>>, vector<16xi32>,
    %gather3A_3631 = tpu.vector_load_idx %arg16[%get3A_3630] : memref<16xi32, #tpu.memory_space<vmem>>[vector<16xi32>], vector<16xi32>,
    %get3A_3632 = arith.constant 48 : index
    %get3A_3633 = tpu.vector_load %arg14[%get3A_3632] {strides = array<i32>} : memref<128xi32, #tpu.memory_space<vmem>>, vector<16xi32>,
    %add3A_3634 = arith.addi %gather3A_3631, %get3A_3633 : vector<16xi32>
    %get3A_3635 = arith.constant 48 : index
    %get3A_3636 = tpu.vector_load %arg11[%get3A_3635] {strides = array<i32>} : memref<128xi32, #tpu.memory_space<vmem>>, vector<16xi32>,
    %gather3A_3637 = tpu.vector_load_idx %arg16[%get3A_3636] : memref<16xi32, #tpu.memory_space<vmem>>[vector<16xi32>], vector<16xi32>,
    %get3A_3638 = arith.constant 48 : index
    %get3A_3639 = tpu.vector_load %arg15[%get3A_3638] {strides = array<i32>} : memref<128xi32, #tpu.memory_space<vmem>>, vector<16xi32>,
    %add3A_3640 = arith.addi %gather3A_3637, %get3A_3639 : vector<16xi32>
    %swap3A_3641 = arith.constant 48 : index
    %swap3A_3642 = tpu.vector_load %arg10[%swap3A_3641] {strides = array<i32>} : memref<128xi32, #tpu.memory_space<vmem>>, vector<16xi32>,
    tpu.vector_store %arg10[%swap3A_3641], %add3A_3634 {strides = array<i32>} : memref<128xi32, #tpu.memory_space<vmem>>, vector<16xi32>,
    %swap3A_3643 = arith.constant 48 : index
    %swap3A_3644 = tpu.vector_load %arg11[%swap3A_3643] {strides = array<i32>} : memref<128xi32, #tpu.memory_space<vmem>>, vector<16xi32>,
    tpu.vector_store %arg11[%swap3A_3643], %add3A_3640 {strides = array<i32>} : memref<128xi32, #tpu.memory_space<vmem>>, vector<16xi32>,
    %get3A_3645 = arith.constant 64 : index
    %get3A_3646 = tpu.vector_load %arg10[%get3A_3645] {strides = array<i32>} : memref<128xi32, #tpu.memory_space<vmem>>, vector<16xi32>,
    %gather3A_3647 = tpu.vector_load_idx %arg16[%get3A_3646] : memref<16xi32, #tpu.memory_space<vmem>>[vector<16xi32>], vector<16xi32>,
    %get3A_3648 = arith.constant 64 : index
    %get3A_3649 = tpu.vector_load %arg14[%get3A_3648] {strides = array<i32>} : memref<128xi32, #tpu.memory_space<vmem>>, vector<16xi32>,
    %add3A_3650 = arith.addi %gather3A_3647, %get3A_3649 : vector<16xi32>
    %get3A_3651 = arith.constant 64 : index
    %get3A_3652 = tpu.vector_load %arg11[%get3A_3651] {strides = array<i32>} : memref<128xi32, #tpu.memory_space<vmem>>, vector<16xi32>,
    %gather3A_3653 = tpu.vector_load_idx %arg16[%get3A_3652] : memref<16xi32, #tpu.memory_space<vmem>>[vector<16xi32>], vector<16xi32>,
    %get3A_3654 = arith.constant 64 : index
    %get3A_3655 = tpu.vector_load %arg15[%get3A_3654] {strides = array<i32>} : memref<128xi32, #tpu.memory_space<vmem>>, vector<16xi32>,
    %add3A_3656 = arith.addi %gather3A_3653, %get3A_3655 : vector<16xi32>
    %swap3A_3657 = arith.constant 64 : index
    %swap3A_3658 = tpu.vector_load %arg10[%swap3A_3657] {strides = array<i32>} : memref<128xi32, #tpu.memory_space<vmem>>, vector<16xi32>,
    tpu.vector_store %arg10[%swap3A_3657], %add3A_3650 {strides = array<i32>} : memref<128xi32, #tpu.memory_space<vmem>>, vector<16xi32>,
    %swap3A_3659 = arith.constant 64 : index
    %swap3A_3660 = tpu.vector_load %arg11[%swap3A_3659] {strides = array<i32>} : memref<128xi32, #tpu.memory_space<vmem>>, vector<16xi32>,
    tpu.vector_store %arg11[%swap3A_3659], %add3A_3656 {strides = array<i32>} : memref<128xi32, #tpu.memory_space<vmem>>, vector<16xi32>,
    %get3A_3661 = arith.constant 80 : index
    %get3A_3662 = tpu.vector_load %arg10[%get3A_3661] {strides = array<i32>} : memref<128xi32, #tpu.memory_space<vmem>>, vector<16xi32>,
    %gather3A_3663 = tpu.vector_load_idx %arg16[%get3A_3662] : memref<16xi32, #tpu.memory_space<vmem>>[vector<16xi32>], vector<16xi32>,
    %get3A_3664 = arith.constant 80 : index
    %get3A_3665 = tpu.vector_load %arg14[%get3A_3664] {strides = array<i32>} : memref<128xi32, #tpu.memory_space<vmem>>, vector<16xi32>,
    %add3A_3666 = arith.addi %gather3A_3663, %get3A_3665 : vector<16xi32>
    %get3A_3667 = arith.constant 80 : index
    %get3A_3668 = tpu.vector_load %arg11[%get3A_3667] {strides = array<i32>} : memref<128xi32, #tpu.memory_space<vmem>>, vector<16xi32>,
    %gather3A_3669 = tpu.vector_load_idx %arg16[%get3A_3668] : memref<16xi32, #tpu.memory_space<vmem>>[vector<16xi32>], vector<16xi32>,
    %get3A_3670 = arith.constant 80 : index
    %get3A_3671 = tpu.vector_load %arg15[%get3A_3670] {strides = array<i32>} : memref<128xi32, #tpu.memory_space<vmem>>, vector<16xi32>,
    %add3A_3672 = arith.addi %gather3A_3669, %get3A_3671 : vector<16xi32>
    %swap3A_3673 = arith.constant 80 : index
    %swap3A_3674 = tpu.vector_load %arg10[%swap3A_3673] {strides = array<i32>} : memref<128xi32, #tpu.memory_space<vmem>>, vector<16xi32>,
    tpu.vector_store %arg10[%swap3A_3673], %add3A_3666 {strides = array<i32>} : memref<128xi32, #tpu.memory_space<vmem>>, vector<16xi32>,
    %swap3A_3675 = arith.constant 80 : index
    %swap3A_3676 = tpu.vector_load %arg11[%swap3A_3675] {strides = array<i32>} : memref<128xi32, #tpu.memory_space<vmem>>, vector<16xi32>,
    tpu.vector_store %arg11[%swap3A_3675], %add3A_3672 {strides = array<i32>} : memref<128xi32, #tpu.memory_space<vmem>>, vector<16xi32>,
    %get3A_3677 = arith.constant 96 : index
    %get3A_3678 = tpu.vector_load %arg10[%get3A_3677] {strides = array<i32>} : memref<128xi32, #tpu.memory_space<vmem>>, vector<16xi32>,
    %gather3A_3679 = tpu.vector_load_idx %arg16[%get3A_3678] : memref<16xi32, #tpu.memory_space<vmem>>[vector<16xi32>], vector<16xi32>,
    %get3A_3680 = arith.constant 96 : index
    %get3A_3681 = tpu.vector_load %arg14[%get3A_3680] {strides = array<i32>} : memref<128xi32, #tpu.memory_space<vmem>>, vector<16xi32>,
    %add3A_3682 = arith.addi %gather3A_3679, %get3A_3681 : vector<16xi32>
    %get3A_3683 = arith.constant 96 : index
    %get3A_3684 = tpu.vector_load %arg11[%get3A_3683] {strides = array<i32>} : memref<128xi32, #tpu.memory_space<vmem>>, vector<16xi32>,
    %gather3A_3685 = tpu.vector_load_idx %arg16[%get3A_3684] : memref<16xi32, #tpu.memory_space<vmem>>[vector<16xi32>], vector<16xi32>,
    %get3A_3686 = arith.constant 96 : index
    %get3A_3687 = tpu.vector_load %arg15[%get3A_3686] {strides = array<i32>} : memref<128xi32, #tpu.memory_space<vmem>>, vector<16xi32>,
    %add3A_3688 = arith.addi %gather3A_3685, %get3A_3687 : vector<16xi32>
    %swap3A_3689 = arith.constant 96 : index
    %swap3A_3690 = tpu.vector_load %arg10[%swap3A_3689] {strides = array<i32>} : memref<128xi32, #tpu.memory_space<vmem>>, vector<16xi32>,
    tpu.vector_store %arg10[%swap3A_3689], %add3A_3682 {strides = array<i32>} : memref<128xi32, #tpu.memory_space<vmem>>, vector<16xi32>,
    %swap3A_3691 = arith.constant 96 : index
    %swap3A_3692 = tpu.vector_load %arg11[%swap3A_3691] {strides = array<i32>} : memref<128xi32, #tpu.memory_space<vmem>>, vector<16xi32>,
    tpu.vector_store %arg11[%swap3A_3691], %add3A_3688 {strides = array<i32>} : memref<128xi32, #tpu.memory_space<vmem>>, vector<16xi32>,
    %get3A_3693 = arith.constant 112 : index
    %get3A_3694 = tpu.vector_load %arg10[%get3A_3693] {strides = array<i32>} : memref<128xi32, #tpu.memory_space<vmem>>, vector<16xi32>,
    %gather3A_3695 = tpu.vector_load_idx %arg16[%get3A_3694] : memref<16xi32, #tpu.memory_space<vmem>>[vector<16xi32>], vector<16xi32>,
    %get3A_3696 = arith.constant 112 : index
    %get3A_3697 = tpu.vector_load %arg14[%get3A_3696] {strides = array<i32>} : memref<128xi32, #tpu.memory_space<vmem>>, vector<16xi32>,
    %add3A_3698 = arith.addi %gather3A_3695, %get3A_3697 : vector<16xi32>
    %get3A_3699 = arith.constant 112 : index
    %get3A_3700 = tpu.vector_load %arg11[%get3A_3699] {strides = array<i32>} : memref<128xi32, #tpu.memory_space<vmem>>, vector<16xi32>,
    %gather3A_3701 = tpu.vector_load_idx %arg16[%get3A_3700] : memref<16xi32, #tpu.memory_space<vmem>>[vector<16xi32>], vector<16xi32>,
    %get3A_3702 = arith.constant 112 : index
    %get3A_3703 = tpu.vector_load %arg15[%get3A_3702] {strides = array<i32>} : memref<128xi32, #tpu.memory_space<vmem>>, vector<16xi32>,
    %add3A_3704 = arith.addi %gather3A_3701, %get3A_3703 : vector<16xi32>
    %swap3A_3705 = arith.constant 112 : index
    %swap3A_3706 = tpu.vector_load %arg10[%swap3A_3705] {strides = array<i32>} : memref<128xi32, #tpu.memory_space<vmem>>, vector<16xi32>,
    tpu.vector_store %arg10[%swap3A_3705], %add3A_3698 {strides = array<i32>} : memref<128xi32, #tpu.memory_space<vmem>>, vector<16xi32>,
    %swap3A_3707 = arith.constant 112 : index
    %swap3A_3708 = tpu.vector_load %arg11[%swap3A_3707] {strides = array<i32>} : memref<128xi32, #tpu.memory_space<vmem>>, vector<16xi32>,
    tpu.vector_store %arg11[%swap3A_3707], %add3A_3704 {strides = array<i32>} : memref<128xi32, #tpu.memory_space<vmem>>, vector<16xi32>,
    "tpu.region"() ({
      %run_scoped3A = tpu.sem_alloc : memref<!tpu.dma_semaphore, #tpu.memory_space<semaphore_mem>>
      %dma_start3A = tpu.memref_slice %arg3[%mul3A_0] : memref<2048xi32, #tpu.memory_space<hbm>> -> memref<128xi32, #tpu.memory_space<hbm>>
      %dma_start3A_3709 = tpu.memref_slice %arg3[%mul3A_0] : memref<2048xi32, #tpu.memory_space<hbm>> -> memref<128xi32, #tpu.memory_space<hbm>>
      tpu.enqueue_dma source(%arg10 : memref<128xi32, #tpu.memory_space<vmem>>) target(%dma_start3A_3709 : memref<128xi32, #tpu.memory_space<hbm>>) target_semaphore(%run_scoped3A : memref<!tpu.dma_semaphore, #tpu.memory_space<semaphore_mem>>)
      %dma_wait3A = tpu.memref_slice %arg3[%mul3A_0] : memref<2048xi32, #tpu.memory_space<hbm>> -> memref<128xi32, #tpu.memory_space<hbm>>
      %dma_wait3A_3710 = tpu.memref_slice %arg3[%mul3A_0] : memref<2048xi32, #tpu.memory_space<hbm>> -> memref<128xi32, #tpu.memory_space<hbm>>
      tpu.wait_dma2 semaphore(%run_scoped3A : memref<!tpu.dma_semaphore, #tpu.memory_space<semaphore_mem>>) src(%arg10 : memref<128xi32, #tpu.memory_space<vmem>>) dst(%dma_wait3A_3710 : memref<128xi32, #tpu.memory_space<hbm>>)
      tpu.yield
    }) : () -> ()
    "tpu.region"() ({
      %run_scoped3A = tpu.sem_alloc : memref<!tpu.dma_semaphore, #tpu.memory_space<semaphore_mem>>
      %dma_start3A = tpu.memref_slice %arg4[%mul3A_0] : memref<2048xi32, #tpu.memory_space<hbm>> -> memref<128xi32, #tpu.memory_space<hbm>>
      %dma_start3A_3709 = tpu.memref_slice %arg4[%mul3A_0] : memref<2048xi32, #tpu.memory_space<hbm>> -> memref<128xi32, #tpu.memory_space<hbm>>
      tpu.enqueue_dma source(%arg11 : memref<128xi32, #tpu.memory_space<vmem>>) target(%dma_start3A_3709 : memref<128xi32, #tpu.memory_space<hbm>>) target_semaphore(%run_scoped3A : memref<!tpu.dma_semaphore, #tpu.memory_space<semaphore_mem>>)
      %dma_wait3A = tpu.memref_slice %arg4[%mul3A_0] : memref<2048xi32, #tpu.memory_space<hbm>> -> memref<128xi32, #tpu.memory_space<hbm>>
      %dma_wait3A_3710 = tpu.memref_slice %arg4[%mul3A_0] : memref<2048xi32, #tpu.memory_space<hbm>> -> memref<128xi32, #tpu.memory_space<hbm>>
      tpu.wait_dma2 semaphore(%run_scoped3A : memref<!tpu.dma_semaphore, #tpu.memory_space<semaphore_mem>>) src(%arg11 : memref<128xi32, #tpu.memory_space<vmem>>) dst(%dma_wait3A_3710 : memref<128xi32, #tpu.memory_space<hbm>>)
      tpu.yield
    }) : () -> ()
    "tpu.region"() ({
      %run_scoped3A = tpu.sem_alloc : memref<!tpu.dma_semaphore, #tpu.memory_space<semaphore_mem>>
      %dma_start3A = tpu.memref_slice %arg5[%mul3A_0] : memref<2048xf32, #tpu.memory_space<hbm>> -> memref<128xf32, #tpu.memory_space<hbm>>
      %dma_start3A_3709 = tpu.memref_slice %arg5[%mul3A_0] : memref<2048xf32, #tpu.memory_space<hbm>> -> memref<128xf32, #tpu.memory_space<hbm>>
      tpu.enqueue_dma source(%arg12 : memref<128xf32, #tpu.memory_space<vmem>>) target(%dma_start3A_3709 : memref<128xf32, #tpu.memory_space<hbm>>) target_semaphore(%run_scoped3A : memref<!tpu.dma_semaphore, #tpu.memory_space<semaphore_mem>>)
      %dma_wait3A = tpu.memref_slice %arg5[%mul3A_0] : memref<2048xf32, #tpu.memory_space<hbm>> -> memref<128xf32, #tpu.memory_space<hbm>>
      %dma_wait3A_3710 = tpu.memref_slice %arg5[%mul3A_0] : memref<2048xf32, #tpu.memory_space<hbm>> -> memref<128xf32, #tpu.memory_space<hbm>>
      tpu.wait_dma2 semaphore(%run_scoped3A : memref<!tpu.dma_semaphore, #tpu.memory_space<semaphore_mem>>) src(%arg12 : memref<128xf32, #tpu.memory_space<vmem>>) dst(%dma_wait3A_3710 : memref<128xf32, #tpu.memory_space<hbm>>)
      tpu.yield
    }) : () -> ()
    "tpu.region"() ({
      %run_scoped3A = tpu.sem_alloc : memref<!tpu.dma_semaphore, #tpu.memory_space<semaphore_mem>>
      %dma_start3A = tpu.memref_slice %arg6[%mul3A_0] : memref<2048xf32, #tpu.memory_space<hbm>> -> memref<128xf32, #tpu.memory_space<hbm>>
      %dma_start3A_3709 = tpu.memref_slice %arg6[%mul3A_0] : memref<2048xf32, #tpu.memory_space<hbm>> -> memref<128xf32, #tpu.memory_space<hbm>>
      tpu.enqueue_dma source(%arg13 : memref<128xf32, #tpu.memory_space<vmem>>) target(%dma_start3A_3709 : memref<128xf32, #tpu.memory_space<hbm>>) target_semaphore(%run_scoped3A : memref<!tpu.dma_semaphore, #tpu.memory_space<semaphore_mem>>)
      %dma_wait3A = tpu.memref_slice %arg6[%mul3A_0] : memref<2048xf32, #tpu.memory_space<hbm>> -> memref<128xf32, #tpu.memory_space<hbm>>
      %dma_wait3A_3710 = tpu.memref_slice %arg6[%mul3A_0] : memref<2048xf32, #tpu.memory_space<hbm>> -> memref<128xf32, #tpu.memory_space<hbm>>
      tpu.wait_dma2 semaphore(%run_scoped3A : memref<!tpu.dma_semaphore, #tpu.memory_space<semaphore_mem>>) src(%arg13 : memref<128xf32, #tpu.memory_space<vmem>>) dst(%dma_wait3A_3710 : memref<128xf32, #tpu.memory_space<hbm>>)
      tpu.yield
    }) : () -> ()
    return
  }
}

module attributes {stable_mosaic.version = 14 : i64} {
  func.func @_router_body(%arg0: memref<2048x1024xf32, #tpu.memory_space<vmem>>, %arg1: memref<1024x128xf32, #tpu.memory_space<vmem>>, %arg2: memref<1x128xf32, #tpu.memory_space<vmem>>, %arg3: memref<2048x8xf32, #tpu.memory_space<vmem>>, %arg4: memref<2048x1024xbf16, #tpu.memory_space<vmem>>) attributes {dimension_semantics = [], scalar_prefetch = 0 : i64, scratch_operands = 0 : i64, tpu.core_type = #tpu.core_type<tc>} {
    %get3A = arith.constant 0 : index
    %get3A_0 = arith.constant 0 : index
    %get3A_1 = vector.load %arg0[%get3A, %get3A_0] : memref<2048x1024xf32, #tpu.memory_space<vmem>>, vector<2048x1024xf32>
    %get3A_2 = arith.constant 0 : index
    %get3A_3 = arith.constant 0 : index
    %get3A_4 = vector.load %arg1[%get3A_2, %get3A_3] : memref<1024x128xf32, #tpu.memory_space<vmem>>, vector<1024x128xf32>
    %dot_general3A = arith.constant dense<0.000000e+00> : vector<2048x128xf32>
    %dot_general3A_5 = tpu.matmul %get3A_1, %get3A_4, %dot_general3A {dimension_numbers = #tpu.dot_dimension_numbers<[1], [0], [0], [1], [0, 0, 1, 1], [], []>, transpose_lhs_hint = false} : vector<2048x1024xf32>, vector<1024x128xf32>, vector<2048x128xf32> -> vector<2048x128xf32>
    %get3A_6 = arith.constant 0 : index
    %get3A_7 = arith.constant 0 : index
    %get3A_8 = vector.load %arg2[%get3A_6, %get3A_7] : memref<1x128xf32, #tpu.memory_space<vmem>>, vector<1x128xf32>
    %add3A = vector.broadcast %get3A_8 : vector<1x128xf32> to vector<2048x128xf32>
    %add3A_9 = arith.addf %dot_general3A_5, %add3A : vector<2048x128xf32>
    %slice3A = vector.extract_strided_slice %add3A_9 {offsets = [0, 0], sizes = [2048, 8], strides = [1, 1]} : vector<2048x128xf32> to vector<2048x8xf32>
    %swap3A = arith.constant 0 : index
    %swap3A_10 = arith.constant 0 : index
    %swap3A_11 = vector.load %arg3[%swap3A, %swap3A_10] : memref<2048x8xf32, #tpu.memory_space<vmem>>, vector<2048x8xf32>
    tpu.vector_store %arg3[%swap3A, %swap3A_10], %slice3A {strides = array<i32>} : memref<2048x8xf32, #tpu.memory_space<vmem>>, vector<2048x8xf32>,
    %convert_element_type3A = arith.truncf %get3A_1 : vector<2048x1024xf32> to vector<2048x1024xbf16>
    %swap3A_12 = arith.constant 0 : index
    %swap3A_13 = arith.constant 0 : index
    %swap3A_14 = vector.load %arg4[%swap3A_12, %swap3A_13] : memref<2048x1024xbf16, #tpu.memory_space<vmem>>, vector<2048x1024xbf16>
    tpu.vector_store %arg4[%swap3A_12, %swap3A_13], %convert_element_type3A {strides = array<i32>} : memref<2048x1024xbf16, #tpu.memory_space<vmem>>, vector<2048x1024xbf16>,
    return
  }
}

module attributes {stable_mosaic.version = 14 : i64} {
  func.func @_ffn_body(%arg0: i32, %arg1: memref<16xi32, #tpu.memory_space<smem>>, %arg2: memref<2x1x2048xi32, #tpu.memory_space<vmem>>, %arg3: memref<2048x2xi32, #tpu.memory_space<vmem>>, %arg4: memref<2048x2xf32, #tpu.memory_space<vmem>>, %arg5: memref<2048x1024xbf16, #tpu.memory_space<vmem>>, %arg6: memref<1x1024x2048xf32, #tpu.memory_space<vmem>>, %arg7: memref<1x1x2048xf32, #tpu.memory_space<vmem>>, %arg8: memref<1x2048x1024xf32, #tpu.memory_space<vmem>>, %arg9: memref<1x1x1024xf32, #tpu.memory_space<vmem>>, %arg10: memref<2048x1024xf32, #tpu.memory_space<vmem>>) attributes {dimension_semantics = [#tpu.dimension_semantics<arbitrary>], iteration_bounds = array<i64: 8>, scalar_prefetch = 0 : i64, scratch_operands = 0 : i64, tpu.core_type = #tpu.core_type<tc>, window_params = [{transform_indices = @transform_0, window_bounds = array<i64: 16>}, {pipeline_mode = #tpu.pipeline_mode<synchronous>, transform_indices = @transform_1, window_bounds = array<i64: 2, 1, 2048>}, {pipeline_mode = #tpu.pipeline_mode<synchronous>, transform_indices = @transform_2, window_bounds = array<i64: 2048, 2>}, {pipeline_mode = #tpu.pipeline_mode<synchronous>, transform_indices = @transform_3, window_bounds = array<i64: 2048, 2>}, {pipeline_mode = #tpu.pipeline_mode<synchronous>, transform_indices = @transform_4, window_bounds = array<i64: 2048, 1024>}, {transform_indices = @transform_5, window_bounds = array<i64: 1, 1024, 2048>}, {transform_indices = @transform_6, window_bounds = array<i64: 1, 1, 2048>}, {transform_indices = @transform_7, window_bounds = array<i64: 1, 2048, 1024>}, {transform_indices = @transform_8, window_bounds = array<i64: 1, 1, 1024>}, {pipeline_mode = #tpu.pipeline_mode<synchronous>, transform_indices = @transform_9, window_bounds = array<i64: 2048, 1024>}]} {
    %get3A = arith.index_cast %arg0 : i32 to index
    %get3A_0 = memref.load %arg1[%get3A] : memref<16xi32, #tpu.memory_space<smem>>
    %add3A = arith.constant 8 : i32
    %add3A_1 = arith.addi %add3A, %arg0 : i32
    %get3A_2 = arith.index_cast %add3A_1 : i32 to index
    %get3A_3 = memref.load %arg1[%get3A_2] : memref<16xi32, #tpu.memory_space<smem>>
    %get3A_4 = arith.constant 0 : index
    %get3A_5 = arith.constant 0 : index
    %get3A_6 = arith.constant 0 : index
    %get3A_7 = vector.load %arg7[%get3A_4, %get3A_5, %get3A_6] : memref<1x1x2048xf32, #tpu.memory_space<vmem>>, vector<1x1x2048xf32>
    %get3A_8 = vector.shape_cast %get3A_7 : vector<1x1x2048xf32> to vector<1x2048xf32>
    %get3A_9 = arith.constant 0 : index
    %get3A_10 = arith.constant 0 : index
    %get3A_11 = arith.constant 0 : index
    %get3A_12 = vector.load %arg9[%get3A_9, %get3A_10, %get3A_11] : memref<1x1x1024xf32, #tpu.memory_space<vmem>>, vector<1x1x1024xf32>
    %get3A_13 = vector.shape_cast %get3A_12 : vector<1x1x1024xf32> to vector<1x1024xf32>
    %get3A_14 = arith.constant 0 : index
    %get3A_15 = arith.constant 0 : index
    %get3A_16 = arith.constant 0 : index
    %get3A_17 = vector.load %arg2[%get3A_14, %get3A_15, %get3A_16] : memref<2x1x2048xi32, #tpu.memory_space<vmem>>, vector<1x1x2048xi32>
    %get3A_18 = vector.shape_cast %get3A_17 : vector<1x1x2048xi32> to vector<1x2048xi32>
    %get3A_19 = arith.constant 1 : index
    %get3A_20 = arith.constant 0 : index
    %get3A_21 = arith.constant 0 : index
    %get3A_22 = vector.load %arg2[%get3A_19, %get3A_20, %get3A_21] : memref<2x1x2048xi32, #tpu.memory_space<vmem>>, vector<1x1x2048xi32>
    %get3A_23 = vector.shape_cast %get3A_22 : vector<1x1x2048xi32> to vector<1x2048xi32>
    %get3A_24 = arith.constant 0 : index
    %get3A_25 = arith.constant 0 : index
    %get3A_26 = vector.load %arg3[%get3A_24, %get3A_25] : memref<2048x2xi32, #tpu.memory_space<vmem>>, vector<2048x1xi32>
    %get3A_27 = arith.constant 0 : index
    %get3A_28 = arith.constant 1 : index
    %get3A_29 = vector.load %arg3[%get3A_27, %get3A_28] : memref<2048x2xi32, #tpu.memory_space<vmem>>, vector<2048x1xi32>
    %get3A_30 = arith.constant 0 : index
    %get3A_31 = arith.constant 0 : index
    %get3A_32 = vector.load %arg4[%get3A_30, %get3A_31] : memref<2048x2xf32, #tpu.memory_space<vmem>>, vector<2048x1xf32>
    %get3A_33 = arith.constant 0 : index
    %get3A_34 = arith.constant 1 : index
    %get3A_35 = vector.load %arg4[%get3A_33, %get3A_34] : memref<2048x2xf32, #tpu.memory_space<vmem>>, vector<2048x1xf32>
    %get3A_36 = arith.constant 0 : index
    %get3A_37 = arith.constant 0 : index
    %get3A_38 = vector.load %arg5[%get3A_36, %get3A_37] : memref<2048x1024xbf16, #tpu.memory_space<vmem>>, vector<2048x1024xbf16>
    %eq3A = arith.constant 0 : i32
    %eq3A_39 = arith.cmpi eq, %arg0, %eq3A : i32
    %convert_element_type3A = arith.extui %eq3A_39 : i1 to i32
    %cond3A = arith.constant 0 : i32
    %cond3A_40 = arith.cmpi ne, %convert_element_type3A, %cond3A : i32
    scf.if %cond3A_40 {
      %broadcast_in_dim3A = arith.constant 0.000000e+00 : f32
      %broadcast_in_dim3A_50 = vector.broadcast %broadcast_in_dim3A : f32 to vector<2048x1024xf32>
      %swap3A = arith.constant 0 : index
      %swap3A_51 = arith.constant 0 : index
      %swap3A_52 = vector.load %arg10[%swap3A, %swap3A_51] : memref<2048x1024xf32, #tpu.memory_space<vmem>>, vector<2048x1024xf32>
      tpu.vector_store %arg10[%swap3A, %swap3A_51], %broadcast_in_dim3A_50 {strides = array<i32>} : memref<2048x1024xf32, #tpu.memory_space<vmem>>, vector<2048x1024xf32>,
    } else {
    }
    %while3A = arith.constant 0 : i32
    %while3A_41 = arith.constant 0 : i32
    %while3A_42 = arith.subi %get3A_3, %while3A_41 : i32
    %while3A_43 = arith.addi %while3A_41, %while3A_42 : i32
    %while3A_44 = arith.constant 1 : i32
    %while3A_45 = arith.divsi %while3A_42, %while3A_44 : i32
    %while3A_46 = arith.muli %while3A_45, %while3A_44 : i32
    %while3A_47 = arith.addi %while3A_41, %while3A_46 : i32
    %while3A_48 = arith.constant 1 : i32
    scf.for %while3A_50 = %while3A_41 to %while3A_47 step %while3A_48  : i32 {
      %mul3A = arith.constant 256 : i32
      %mul3A_51 = arith.muli %while3A_50, %mul3A : i32
      %add3A_52 = arith.addi %get3A_0, %mul3A_51 : i32
      %iota3A = tpu.iota {dimensions = array<i32: 0>} : vector<256x2048xi32>
      %add3A_53 = vector.broadcast %add3A_52 : i32 to vector<256x2048xi32>
      %add3A_54 = arith.addi %iota3A, %add3A_53 : vector<256x2048xi32>
      %eq3A_55 = vector.broadcast %get3A_18 : vector<1x2048xi32> to vector<256x2048xi32>
      %eq3A_56 = arith.cmpi eq, %eq3A_55, %add3A_54 : vector<256x2048xi32>
      %eq3A_57 = vector.broadcast %get3A_23 : vector<1x2048xi32> to vector<256x2048xi32>
      %eq3A_58 = arith.cmpi eq, %eq3A_57, %add3A_54 : vector<256x2048xi32>
      %or3A = arith.ori %eq3A_56, %eq3A_58 : vector<256x2048xi1>
      %convert_element_type3A_59 = arith.extui %or3A : vector<256x2048xi1> to vector<256x2048xi32>
      %convert_element_type3A_60 = arith.sitofp %convert_element_type3A_59 : vector<256x2048xi32> to vector<256x2048xf32>
      %convert_element_type3A_61 = arith.truncf %convert_element_type3A_60 : vector<256x2048xf32> to vector<256x2048xbf16>
      %iota3A_62 = tpu.iota {dimensions = array<i32: 1>} : vector<2048x256xi32>
      %add3A_63 = vector.broadcast %add3A_52 : i32 to vector<2048x256xi32>
      %add3A_64 = arith.addi %iota3A_62, %add3A_63 : vector<2048x256xi32>
      %eq3A_65 = vector.broadcast %get3A_26 : vector<2048x1xi32> to vector<2048x256xi32>
      %eq3A_66 = arith.cmpi eq, %eq3A_65, %add3A_64 : vector<2048x256xi32>
      %jit3A = arith.constant 0.000000e+00 : f32
      %broadcast_in_dim3A = vector.shape_cast %get3A_32 : vector<2048x1xf32> to vector<2048x1xf32>
      %broadcast_in_dim3A_67 = vector.broadcast %broadcast_in_dim3A : vector<2048x1xf32> to vector<2048x256xf32>
      %broadcast_in_dim3A_68 = vector.broadcast %jit3A : f32 to vector<2048x256xf32>
      %select_n3A = arith.select %eq3A_66, %broadcast_in_dim3A_67, %broadcast_in_dim3A_68 : vector<2048x256xi1>, vector<2048x256xf32>
      %eq3A_69 = vector.broadcast %get3A_29 : vector<2048x1xi32> to vector<2048x256xi32>
      %eq3A_70 = arith.cmpi eq, %eq3A_69, %add3A_64 : vector<2048x256xi32>
      %jit3A_71 = arith.constant 0.000000e+00 : f32
      %broadcast_in_dim3A_72 = vector.shape_cast %get3A_35 : vector<2048x1xf32> to vector<2048x1xf32>
      %broadcast_in_dim3A_73 = vector.broadcast %broadcast_in_dim3A_72 : vector<2048x1xf32> to vector<2048x256xf32>
      %broadcast_in_dim3A_74 = vector.broadcast %jit3A_71 : f32 to vector<2048x256xf32>
      %select_n3A_75 = arith.select %eq3A_70, %broadcast_in_dim3A_73, %broadcast_in_dim3A_74 : vector<2048x256xi1>, vector<2048x256xf32>
      %add3A_76 = arith.addf %select_n3A, %select_n3A_75 : vector<2048x256xf32>
      %convert_element_type3A_77 = arith.truncf %add3A_76 : vector<2048x256xf32> to vector<2048x256xbf16>
      %dot_general3A = arith.constant dense<0.000000e+00> : vector<256x1024xf32>
      %dot_general3A_78 = tpu.matmul %convert_element_type3A_61, %get3A_38, %dot_general3A {dimension_numbers = #tpu.dot_dimension_numbers<[1], [0], [0], [1], [0, 0, 1, 1], [], []>, transpose_lhs_hint = false} : vector<256x2048xbf16>, vector<2048x1024xbf16>, vector<256x1024xf32> -> vector<256x1024xf32>
      %get3A_79 = arith.constant 0 : index
      %get3A_80 = arith.constant 0 : index
      %get3A_81 = arith.constant 0 : index
      %get3A_82 = vector.load %arg6[%get3A_79, %get3A_80, %get3A_81] : memref<1x1024x2048xf32, #tpu.memory_space<vmem>>, vector<1x1024x2048xf32>
      %get3A_83 = vector.shape_cast %get3A_82 : vector<1x1024x2048xf32> to vector<1024x2048xf32>
      %dot_general3A_84 = arith.constant dense<0.000000e+00> : vector<256x2048xf32>
      %dot_general3A_85 = tpu.matmul %dot_general3A_78, %get3A_83, %dot_general3A_84 {dimension_numbers = #tpu.dot_dimension_numbers<[1], [0], [0], [1], [0, 0, 1, 1], [], []>, transpose_lhs_hint = false} : vector<256x1024xf32>, vector<1024x2048xf32>, vector<256x2048xf32> -> vector<256x2048xf32>
      %add3A_86 = vector.broadcast %get3A_8 : vector<1x2048xf32> to vector<256x2048xf32>
      %add3A_87 = arith.addf %dot_general3A_85, %add3A_86 : vector<256x2048xf32>
      %integer_pow3A = arith.mulf %add3A_87, %add3A_87 : vector<256x2048xf32>
      %integer_pow3A_88 = arith.mulf %add3A_87, %integer_pow3A : vector<256x2048xf32>
      %mul3A_89 = arith.constant 4.471500e-02 : f32
      %mul3A_90 = vector.broadcast %mul3A_89 : f32 to vector<256x2048xf32>
      %mul3A_91 = arith.mulf %mul3A_90, %integer_pow3A_88 : vector<256x2048xf32>
      %add3A_92 = arith.addf %add3A_87, %mul3A_91 : vector<256x2048xf32>
      %mul3A_93 = arith.constant 0.797884583 : f32
      %mul3A_94 = vector.broadcast %mul3A_93 : f32 to vector<256x2048xf32>
      %mul3A_95 = arith.mulf %mul3A_94, %add3A_92 : vector<256x2048xf32>
      %tanh3A = math.tanh %mul3A_95 : vector<256x2048xf32>
      %add3A_96 = arith.constant 1.000000e+00 : f32
      %add3A_97 = vector.broadcast %add3A_96 : f32 to vector<256x2048xf32>
      %add3A_98 = arith.addf %add3A_97, %tanh3A : vector<256x2048xf32>
      %mul3A_99 = arith.constant 5.000000e-01 : f32
      %mul3A_100 = vector.broadcast %mul3A_99 : f32 to vector<256x2048xf32>
      %mul3A_101 = arith.mulf %mul3A_100, %add3A_98 : vector<256x2048xf32>
      %mul3A_102 = arith.mulf %add3A_87, %mul3A_101 : vector<256x2048xf32>
      %get3A_103 = arith.constant 0 : index
      %get3A_104 = arith.constant 0 : index
      %get3A_105 = arith.constant 0 : index
      %get3A_106 = vector.load %arg8[%get3A_103, %get3A_104, %get3A_105] : memref<1x2048x1024xf32, #tpu.memory_space<vmem>>, vector<1x2048x1024xf32>
      %get3A_107 = vector.shape_cast %get3A_106 : vector<1x2048x1024xf32> to vector<2048x1024xf32>
      %dot_general3A_108 = arith.constant dense<0.000000e+00> : vector<256x1024xf32>
      %dot_general3A_109 = tpu.matmul %mul3A_102, %get3A_107, %dot_general3A_108 {dimension_numbers = #tpu.dot_dimension_numbers<[1], [0], [0], [1], [0, 0, 1, 1], [], []>, transpose_lhs_hint = false} : vector<256x2048xf32>, vector<2048x1024xf32>, vector<256x1024xf32> -> vector<256x1024xf32>
      %add3A_110 = vector.broadcast %get3A_13 : vector<1x1024xf32> to vector<256x1024xf32>
      %add3A_111 = arith.addf %dot_general3A_109, %add3A_110 : vector<256x1024xf32>
      %get3A_112 = arith.constant 0 : index
      %get3A_113 = arith.constant 0 : index
      %get3A_114 = vector.load %arg10[%get3A_112, %get3A_113] : memref<2048x1024xf32, #tpu.memory_space<vmem>>, vector<2048x1024xf32>
      %convert_element_type3A_115 = arith.truncf %add3A_111 : vector<256x1024xf32> to vector<256x1024xbf16>
      %dot_general3A_116 = arith.constant dense<0.000000e+00> : vector<2048x1024xf32>
      %dot_general3A_117 = tpu.matmul %convert_element_type3A_77, %convert_element_type3A_115, %dot_general3A_116 {dimension_numbers = #tpu.dot_dimension_numbers<[1], [0], [0], [1], [0, 0, 1, 1], [], []>, transpose_lhs_hint = false} : vector<2048x256xbf16>, vector<256x1024xbf16>, vector<2048x1024xf32> -> vector<2048x1024xf32>
      %add3A_118 = arith.addf %get3A_114, %dot_general3A_117 : vector<2048x1024xf32>
      %swap3A = arith.constant 0 : index
      %swap3A_119 = arith.constant 0 : index
      %swap3A_120 = vector.load %arg10[%swap3A, %swap3A_119] : memref<2048x1024xf32, #tpu.memory_space<vmem>>, vector<2048x1024xf32>
      tpu.vector_store %arg10[%swap3A, %swap3A_119], %add3A_118 {strides = array<i32>} : memref<2048x1024xf32, #tpu.memory_space<vmem>>, vector<2048x1024xf32>,
    }
    %while3A_49 = arith.constant 1 : i32
    scf.for %while3A_50 = %while3A_47 to %while3A_43 step %while3A_49  : i32 {
      %mul3A = arith.constant 256 : i32
      %mul3A_51 = arith.muli %while3A_50, %mul3A : i32
      %add3A_52 = arith.addi %get3A_0, %mul3A_51 : i32
      %iota3A = tpu.iota {dimensions = array<i32: 0>} : vector<256x2048xi32>
      %add3A_53 = vector.broadcast %add3A_52 : i32 to vector<256x2048xi32>
      %add3A_54 = arith.addi %iota3A, %add3A_53 : vector<256x2048xi32>
      %eq3A_55 = vector.broadcast %get3A_18 : vector<1x2048xi32> to vector<256x2048xi32>
      %eq3A_56 = arith.cmpi eq, %eq3A_55, %add3A_54 : vector<256x2048xi32>
      %eq3A_57 = vector.broadcast %get3A_23 : vector<1x2048xi32> to vector<256x2048xi32>
      %eq3A_58 = arith.cmpi eq, %eq3A_57, %add3A_54 : vector<256x2048xi32>
      %or3A = arith.ori %eq3A_56, %eq3A_58 : vector<256x2048xi1>
      %convert_element_type3A_59 = arith.extui %or3A : vector<256x2048xi1> to vector<256x2048xi32>
      %convert_element_type3A_60 = arith.sitofp %convert_element_type3A_59 : vector<256x2048xi32> to vector<256x2048xf32>
      %convert_element_type3A_61 = arith.truncf %convert_element_type3A_60 : vector<256x2048xf32> to vector<256x2048xbf16>
      %iota3A_62 = tpu.iota {dimensions = array<i32: 1>} : vector<2048x256xi32>
      %add3A_63 = vector.broadcast %add3A_52 : i32 to vector<2048x256xi32>
      %add3A_64 = arith.addi %iota3A_62, %add3A_63 : vector<2048x256xi32>
      %eq3A_65 = vector.broadcast %get3A_26 : vector<2048x1xi32> to vector<2048x256xi32>
      %eq3A_66 = arith.cmpi eq, %eq3A_65, %add3A_64 : vector<2048x256xi32>
      %jit3A = arith.constant 0.000000e+00 : f32
      %broadcast_in_dim3A = vector.shape_cast %get3A_32 : vector<2048x1xf32> to vector<2048x1xf32>
      %broadcast_in_dim3A_67 = vector.broadcast %broadcast_in_dim3A : vector<2048x1xf32> to vector<2048x256xf32>
      %broadcast_in_dim3A_68 = vector.broadcast %jit3A : f32 to vector<2048x256xf32>
      %select_n3A = arith.select %eq3A_66, %broadcast_in_dim3A_67, %broadcast_in_dim3A_68 : vector<2048x256xi1>, vector<2048x256xf32>
      %eq3A_69 = vector.broadcast %get3A_29 : vector<2048x1xi32> to vector<2048x256xi32>
      %eq3A_70 = arith.cmpi eq, %eq3A_69, %add3A_64 : vector<2048x256xi32>
      %jit3A_71 = arith.constant 0.000000e+00 : f32
      %broadcast_in_dim3A_72 = vector.shape_cast %get3A_35 : vector<2048x1xf32> to vector<2048x1xf32>
      %broadcast_in_dim3A_73 = vector.broadcast %broadcast_in_dim3A_72 : vector<2048x1xf32> to vector<2048x256xf32>
      %broadcast_in_dim3A_74 = vector.broadcast %jit3A_71 : f32 to vector<2048x256xf32>
      %select_n3A_75 = arith.select %eq3A_70, %broadcast_in_dim3A_73, %broadcast_in_dim3A_74 : vector<2048x256xi1>, vector<2048x256xf32>
      %add3A_76 = arith.addf %select_n3A, %select_n3A_75 : vector<2048x256xf32>
      %convert_element_type3A_77 = arith.truncf %add3A_76 : vector<2048x256xf32> to vector<2048x256xbf16>
      %dot_general3A = arith.constant dense<0.000000e+00> : vector<256x1024xf32>
      %dot_general3A_78 = tpu.matmul %convert_element_type3A_61, %get3A_38, %dot_general3A {dimension_numbers = #tpu.dot_dimension_numbers<[1], [0], [0], [1], [0, 0, 1, 1], [], []>, transpose_lhs_hint = false} : vector<256x2048xbf16>, vector<2048x1024xbf16>, vector<256x1024xf32> -> vector<256x1024xf32>
      %get3A_79 = arith.constant 0 : index
      %get3A_80 = arith.constant 0 : index
      %get3A_81 = arith.constant 0 : index
      %get3A_82 = vector.load %arg6[%get3A_79, %get3A_80, %get3A_81] : memref<1x1024x2048xf32, #tpu.memory_space<vmem>>, vector<1x1024x2048xf32>
      %get3A_83 = vector.shape_cast %get3A_82 : vector<1x1024x2048xf32> to vector<1024x2048xf32>
      %dot_general3A_84 = arith.constant dense<0.000000e+00> : vector<256x2048xf32>
      %dot_general3A_85 = tpu.matmul %dot_general3A_78, %get3A_83, %dot_general3A_84 {dimension_numbers = #tpu.dot_dimension_numbers<[1], [0], [0], [1], [0, 0, 1, 1], [], []>, transpose_lhs_hint = false} : vector<256x1024xf32>, vector<1024x2048xf32>, vector<256x2048xf32> -> vector<256x2048xf32>
      %add3A_86 = vector.broadcast %get3A_8 : vector<1x2048xf32> to vector<256x2048xf32>
      %add3A_87 = arith.addf %dot_general3A_85, %add3A_86 : vector<256x2048xf32>
      %integer_pow3A = arith.mulf %add3A_87, %add3A_87 : vector<256x2048xf32>
      %integer_pow3A_88 = arith.mulf %add3A_87, %integer_pow3A : vector<256x2048xf32>
      %mul3A_89 = arith.constant 4.471500e-02 : f32
      %mul3A_90 = vector.broadcast %mul3A_89 : f32 to vector<256x2048xf32>
      %mul3A_91 = arith.mulf %mul3A_90, %integer_pow3A_88 : vector<256x2048xf32>
      %add3A_92 = arith.addf %add3A_87, %mul3A_91 : vector<256x2048xf32>
      %mul3A_93 = arith.constant 0.797884583 : f32
      %mul3A_94 = vector.broadcast %mul3A_93 : f32 to vector<256x2048xf32>
      %mul3A_95 = arith.mulf %mul3A_94, %add3A_92 : vector<256x2048xf32>
      %tanh3A = math.tanh %mul3A_95 : vector<256x2048xf32>
      %add3A_96 = arith.constant 1.000000e+00 : f32
      %add3A_97 = vector.broadcast %add3A_96 : f32 to vector<256x2048xf32>
      %add3A_98 = arith.addf %add3A_97, %tanh3A : vector<256x2048xf32>
      %mul3A_99 = arith.constant 5.000000e-01 : f32
      %mul3A_100 = vector.broadcast %mul3A_99 : f32 to vector<256x2048xf32>
      %mul3A_101 = arith.mulf %mul3A_100, %add3A_98 : vector<256x2048xf32>
      %mul3A_102 = arith.mulf %add3A_87, %mul3A_101 : vector<256x2048xf32>
      %get3A_103 = arith.constant 0 : index
      %get3A_104 = arith.constant 0 : index
      %get3A_105 = arith.constant 0 : index
      %get3A_106 = vector.load %arg8[%get3A_103, %get3A_104, %get3A_105] : memref<1x2048x1024xf32, #tpu.memory_space<vmem>>, vector<1x2048x1024xf32>
      %get3A_107 = vector.shape_cast %get3A_106 : vector<1x2048x1024xf32> to vector<2048x1024xf32>
      %dot_general3A_108 = arith.constant dense<0.000000e+00> : vector<256x1024xf32>
      %dot_general3A_109 = tpu.matmul %mul3A_102, %get3A_107, %dot_general3A_108 {dimension_numbers = #tpu.dot_dimension_numbers<[1], [0], [0], [1], [0, 0, 1, 1], [], []>, transpose_lhs_hint = false} : vector<256x2048xf32>, vector<2048x1024xf32>, vector<256x1024xf32> -> vector<256x1024xf32>
      %add3A_110 = vector.broadcast %get3A_13 : vector<1x1024xf32> to vector<256x1024xf32>
      %add3A_111 = arith.addf %dot_general3A_109, %add3A_110 : vector<256x1024xf32>
      %get3A_112 = arith.constant 0 : index
      %get3A_113 = arith.constant 0 : index
      %get3A_114 = vector.load %arg10[%get3A_112, %get3A_113] : memref<2048x1024xf32, #tpu.memory_space<vmem>>, vector<2048x1024xf32>
      %convert_element_type3A_115 = arith.truncf %add3A_111 : vector<256x1024xf32> to vector<256x1024xbf16>
      %dot_general3A_116 = arith.constant dense<0.000000e+00> : vector<2048x1024xf32>
      %dot_general3A_117 = tpu.matmul %convert_element_type3A_77, %convert_element_type3A_115, %dot_general3A_116 {dimension_numbers = #tpu.dot_dimension_numbers<[1], [0], [0], [1], [0, 0, 1, 1], [], []>, transpose_lhs_hint = false} : vector<2048x256xbf16>, vector<256x1024xbf16>, vector<2048x1024xf32> -> vector<2048x1024xf32>
      %add3A_118 = arith.addf %get3A_114, %dot_general3A_117 : vector<2048x1024xf32>
      %swap3A = arith.constant 0 : index
      %swap3A_119 = arith.constant 0 : index
      %swap3A_120 = vector.load %arg10[%swap3A, %swap3A_119] : memref<2048x1024xf32, #tpu.memory_space<vmem>>, vector<2048x1024xf32>
      tpu.vector_store %arg10[%swap3A, %swap3A_119], %add3A_118 {strides = array<i32>} : memref<2048x1024xf32, #tpu.memory_space<vmem>>, vector<2048x1024xf32>,
    }
    return
  }
  func.func @transform_0(%arg0: i32) -> i32 {
    %c0_i32 = arith.constant 0 : i32
    %c0_i32_0 = arith.constant 0 : i32
    return %c0_i32 : i32
  }
  func.func @transform_1(%arg0: i32) -> (i32, i32, i32) {
    %c0_i32 = arith.constant 0 : i32
    %c0_i32_0 = arith.constant 0 : i32
    %c0_i32_1 = arith.constant 0 : i32
    %c0_i32_2 = arith.constant 0 : i32
    return %c0_i32, %c0_i32_0, %c0_i32_1 : i32, i32, i32
  }
  func.func @transform_2(%arg0: i32) -> (i32, i32) {
    %c0_i32 = arith.constant 0 : i32
    %c0_i32_0 = arith.constant 0 : i32
    %c0_i32_1 = arith.constant 0 : i32
    return %c0_i32, %c0_i32_0 : i32, i32
  }
  func.func @transform_3(%arg0: i32) -> (i32, i32) {
    %c0_i32 = arith.constant 0 : i32
    %c0_i32_0 = arith.constant 0 : i32
    %c0_i32_1 = arith.constant 0 : i32
    return %c0_i32, %c0_i32_0 : i32, i32
  }
  func.func @transform_4(%arg0: i32) -> (i32, i32) {
    %c0_i32 = arith.constant 0 : i32
    %c0_i32_0 = arith.constant 0 : i32
    %c0_i32_1 = arith.constant 0 : i32
    return %c0_i32, %c0_i32_0 : i32, i32
  }
  func.func @transform_5(%arg0: i32) -> (i32, i32, i32) {
    %c0_i32 = arith.constant 0 : i32
    %c0_i32_0 = arith.constant 0 : i32
    %c0_i32_1 = arith.constant 0 : i32
    return %arg0, %c0_i32, %c0_i32_0 : i32, i32, i32
  }
  func.func @transform_6(%arg0: i32) -> (i32, i32, i32) {
    %c0_i32 = arith.constant 0 : i32
    %c0_i32_0 = arith.constant 0 : i32
    %c0_i32_1 = arith.constant 0 : i32
    return %arg0, %c0_i32, %c0_i32_0 : i32, i32, i32
  }
  func.func @transform_7(%arg0: i32) -> (i32, i32, i32) {
    %c0_i32 = arith.constant 0 : i32
    %c0_i32_0 = arith.constant 0 : i32
    %c0_i32_1 = arith.constant 0 : i32
    return %arg0, %c0_i32, %c0_i32_0 : i32, i32, i32
  }
  func.func @transform_8(%arg0: i32) -> (i32, i32, i32) {
    %c0_i32 = arith.constant 0 : i32
    %c0_i32_0 = arith.constant 0 : i32
    %c0_i32_1 = arith.constant 0 : i32
    return %arg0, %c0_i32, %c0_i32_0 : i32, i32, i32
  }
  func.func @transform_9(%arg0: i32) -> (i32, i32) {
    %c0_i32 = arith.constant 0 : i32
    %c0_i32_0 = arith.constant 0 : i32
    %c0_i32_1 = arith.constant 0 : i32
    return %c0_i32, %c0_i32_0 : i32, i32
  }
}

</mosaic_0001>

<sc_bundles>
// kernel: kernel.5.cloned.1.call-start
scs
__scs_entry_jumppad:
0x0: {  	(pc) =	sbr.rel $0x88, $3  }
0x1: {  	(tag) =	ssettag $0x0;
	lr =	simm.s32 $0x1  }
0x2: {  	[smem:$0x3F9A] =	sst lr;
	_ =	strace $0xD0000000  }
0x3: {  	_ = 	snop  }
0x4: {  	_ = 	snop  }
0x5: {  	_ = 	snop  }
0x6: {  	_ = 	snop  }
0x7: {  	_ = 	snop  }
__scs_overlays_trampoline_lowered:
0x8: {  	[smem:$0x3FA9] =	sst s0  }
0x9: {  	[smem:$0x3FAA] =	sst s1  }
0xa: {  	[smem:$0x3FAB] =	sst s2  }
0xb: {  	[smem:$0x3FAC] =	sst s3  }
0xc: {  	[smem:$0x3FAD] =	sst s4  }
0xd: {  	[smem:$0x3FAE] =	sst s5  }
0xe: {  	[smem:$0x3FAF] =	sst s6  }
0xf: {  	[smem:$0x3FB0] =	sst s7  }
0x10: {  	[smem:$0x3FB1] =	sst s8  }
0x11: {  	[smem:$0x3FB2] =	sst s9;
	s0 =	simm.s32 @!p0 $0x0  }
0x12: {  	s1 =	sld [smem:$0x3F98];
	s0 =	simm.s32 @p0 $0x1  }
0x13: {  	[smem:$0x3FB3] =	sst s0;
	s0 =	simm.s32 @!p1 $0x0  }
0x14: {  	s2 =	sld [smem:$0x3F97];
	s0 =	simm.s32 @p1 $0x1  }
0x15: {  	[smem:$0x3FB4] =	sst s0;
	s0 =	simm.s32 @!p2 $0x0  }
0x16: {  	s3 =	sld [smem:$0x3FDB];
	s0 =	simm.s32 @p2 $0x1  }
0x17: {  	s4 =	simm.s32 $0x1BF5;
	[smem:$0x3FB6] =	sst s0  }
0x18: {  	s0 =	sld [smem:$0x3F99];
	_ =	swait.ge [sflag:s4], $0x0  }
0x19: {  	s7 =	sld [smem:$0x3F9A]  }
0x1a: {  	s8 =	sadd.s32 $0xFFFFE003, lr  }
0x1b: {  	s9 =	sadd.s32 $0xFFFFFEF7, lr;
	s5 =	simm.s32 $0xFFFFFFFF;
	p2 =	slt.u32 s8, $0xFFFFF086  }
0x1c: {  	p1 =	slt.u32 s9, $0xF7A;
	s5 =	simm.s32 @!p2 $0x0  }
0x1d: {  	s5 =	simm.s32 @p1 $0x1;
	p0 =	seq.s32 s7, s2  }
0x1e: {  	s7 =	smul.u32 @!p0 $0xF7A, s2;
	p2 =	seq.s32 @!p0 s5, $0x0  }
0x1f: {  	s9 =	smul.u32 $0xF7A, s1;
	s8 =	simm.s32 @!p0 $0x1BF5;
	p2 =	por !p2, p0  }
0x20: {  	[sflag:s8] =	ssyncset.s32 @!p0 $0xFFFFF086;
	s6 =	sadd.s32 @!p0 s3, s7;
	s7 =	simm.s32 @!p0 $0x108  }
0x21: {  	s3 =	sadd.s32 s3, s9;
	s6 =	sadd.s32 @!p0 $0x88, s6;
	s7 =	simm.s32 @p2 $0x1082  }
0x22: {  	[simem:s7], [sflag:s8] =	dma.local @!p0 [hbm:s6], $0xF7A  }
0x23: {  	s9 =	sor.u32 $0xD0000000, s2;
	s6 =	simm.s32 $0x108;
	_ =	swait.ge @!p0 [sflag:s8], $0x0  }
0x24: {  	s3 =	sadd.s32 $0x88, s3;
	s6 =	simm.s32 @!p1 $0x1082;
	[sflag:s4] =	ssyncset.s32 $0xFFFFF086  }
0x25: {  	[simem:s6], [sflag:s4] =	dma.local [hbm:s3], $0xF7A  }
0x26: {  	[smem:$0x3F9A] =	sst s1;
	(tag) =	ssettag s2;
	_ =	strace s9  }
0x27: {  	s1 =	sld [smem:$0x3FAA]  }
0x28: {  	s2 =	sld [smem:$0x3FAB]  }
0x29: {  	s4 =	sld [smem:$0x3FAD]  }
0x2a: {  	p0 =	seq.s32 s5, $0x0;
	s5 =	sld [smem:$0x3FAE]  }
0x2b: {  	s6 =	sld [smem:$0x3FAF]  }
0x2c: {  	s7 =	sld [smem:$0x3FB0]  }
0x2d: {  	s3 =	simm.s32 $0x108;
	s8 =	sld [smem:$0x3FB1]  }
0x2e: {  	s3 =	simm.s32 @!p0 $0x1082;
	s9 =	sld [smem:$0x3FB2]  }
0x2f: {  	lr =	sadd.s32 s0, s3;
	s0 =	sld [smem:$0x3FA9]  }
0x30: {  	s3 =	sld [smem:$0x3FAC]  }
0x31: {  	[smem:$0x3FB5] =	sst s10  }
0x32: {  	s10 =	sld [smem:$0x3FB3];
	_ =	sdelay $0x3  }
0x33: {  	p0 =	seq.s32 s10, $0x1;
	s10 =	sld [smem:$0x3FB5];
	_ =	sdelay $0x3  }
0x34: {  	[smem:$0x3FB5] =	sst s10  }
0x35: {  	s10 =	sld [smem:$0x3FB4];
	_ =	sdelay $0x3  }
0x36: {  	p1 =	seq.s32 s10, $0x1;
	s10 =	sld [smem:$0x3FB5];
	_ =	sdelay $0x3  }
0x37: {  	[smem:$0x3FB5] =	sst s10  }
0x38: {  	s10 =	sld [smem:$0x3FB6]  }
0x39: {  	_ = 	snop;
	(pc) =	sbr.ind lr, $3  }
0x3a: {  	_ = 	snop  }
0x3b: {  	_ = 	snop  }
0x3c: {  	p2 =	seq.s32 s10, $0x1;
	s10 =	sld [smem:$0x3FB5]  }
0x3d: {  	_ =	shalt  }
0x3e: {  	_ =	shalt  }
0x3f: {  	_ =	shalt  }
0x40: {  	_ =	shalt  }
0x41: {  	_ =	shalt  }
0x42: {  	_ =	shalt  }
0x43: {  	_ =	shalt  }
0x44: {  	_ =	shalt  }
0x45: {  	_ =	shalt  }
0x46: {  	_ =	shalt  }
0x47: {  	_ =	shalt  }
0x48: {  	_ =	shalt  }
0x49: {  	_ =	shalt  }
0x4a: {  	_ =	shalt  }
0x4b: {  	_ =	shalt  }
0x4c: {  	_ =	shalt  }
0x4d: {  	_ =	shalt  }
0x4e: {  	_ =	shalt  }
0x4f: {  	_ =	shalt  }
0x50: {  	_ =	shalt  }
0x51: {  	_ =	shalt  }
0x52: {  	_ =	shalt  }
0x53: {  	_ =	shalt  }
0x54: {  	_ =	shalt  }
0x55: {  	_ =	shalt  }
0x56: {  	_ =	shalt  }
0x57: {  	_ =	shalt  }
0x58: {  	_ =	shalt  }
0x59: {  	_ =	shalt  }
0x5a: {  	_ =	shalt  }
0x5b: {  	_ =	shalt  }
0x5c: {  	_ =	shalt  }
0x5d: {  	_ =	shalt  }
0x5e: {  	_ =	shalt  }
0x5f: {  	_ =	shalt  }
0x60: {  	_ =	shalt  }
0x61: {  	_ =	shalt  }
0x62: {  	_ =	shalt  }
0x63: {  	_ =	shalt  }
0x64: {  	_ =	shalt  }
0x65: {  	_ =	shalt  }
0x66: {  	_ =	shalt  }
0x67: {  	_ =	shalt  }
0x68: {  	_ =	shalt  }
0x69: {  	_ =	shalt  }
0x6a: {  	_ =	shalt  }
0x6b: {  	_ =	shalt  }
0x6c: {  	_ =	shalt  }
0x6d: {  	_ =	shalt  }
0x6e: {  	_ =	shalt  }
0x6f: {  	_ =	shalt  }
0x70: {  	_ =	shalt  }
0x71: {  	_ =	shalt  }
0x72: {  	_ =	shalt  }
0x73: {  	_ =	shalt  }
0x74: {  	_ =	shalt  }
0x75: {  	_ =	shalt  }
0x76: {  	_ =	shalt  }
0x77: {  	_ =	shalt  }
0x78: {  	_ =	shalt  }
0x79: {  	_ =	shalt  }
0x7a: {  	_ =	shalt  }
0x7b: {  	_ =	shalt  }
0x7c: {  	_ =	shalt  }
0x7d: {  	_ =	shalt  }
0x7e: {  	_ =	shalt  }
0x7f: {  	_ =	shalt  }
0x80: {  	_ =	shalt  }
0x81: {  	_ =	shalt  }
0x82: {  	_ =	shalt  }
0x83: {  	_ =	shalt  }
0x84: {  	_ =	shalt  }
0x85: {  	_ =	shalt  }
0x86: {  	_ =	shalt  }
0x87: {  	_ =	shalt  }
.Lfunc_end0:
.L_simem_size_0:
called_computation_lowered:
.L_overlay_start_0:
0x88: {  	s0 =	sld [smem:$0x3FD9]  }
0x89: {  	s1 =	sld [smem:$0x3FFE];
	_ =	sdelay $0x3  }
0x8a: {  	s0 =	sadd.s32 s1, s0  }
0x8b: {  	[smem:$0x3FC1] =	sst s0  }
0x8c: {  	_ = 	snop  }
0x8d: {  	s0 =	sld [smem:$0x3FD0];
	_ =	sdelay $0x2  }
0x8e: {  	s13 =	simm.s32 $0xA;
	s2 =	simm.s32 $0x10  }
0x8f: {  	[smem:s2], [sflag:s13] =	dma.local [hbm:s0], $0x1  }
0x90: {  	_ =	swait.eq [sflag:s13], $0x1  }
0x91: {  	[sflag:s13] =	ssyncset.done $0x0  }
0x92: {  	[sflag:s13] =	ssyncadd.s32 $0xFFFFFFFF  }
0x93: {  	s14 =	sld [smem:$0x10];
	(tm) =	ssettm $0x1  }
0x94: {  	s15 =	sld [smem:$0x3FFB];
	_ =	sdelay $0x3  }
0x95: {  	_ =	strace s15  }
0x96: {  	s1 =	sld [smem:$0x3FFC];
	_ =	sdelay $0x3  }
0x97: {  	_ =	strace s1  }
0x98: {  	s1 =	sld [smem:$0x3FFD];
	_ =	sdelay $0x3  }
0x99: {  	_ =	strace s1  }
0x9a: {  	_ =	strace $0x8FFFFFFF  }
0x9b: {  	s16 =	sld [smem:$0x3FDB];
	_ =	sdelay $0x1  }
0x9c: {  	s17 =	simm.s32 $_scs_section_size  }
0x9d: {  	s3 =	simm.s32 $_size__tile_overlayer_lowered;
	s4 =	simm.s32 $_tile_overlayer_lowered  }
0x9e: {  	s20 =	simm.s32 $0x1BFF;
	s19 =	sshll.u32 s4, $0x1;
	s1 =	sadd.s32 s17, s16  }
0x9f: {  	s5 =	simm.s32 $0x0;
	s18 =	sshll.u32 s3, $0x1;
	s3 =	sadd.s32 s19, s1  }
0xa0: {  	[timem:s5], [sflag:s20] =	dma.local [hbm:s3], s18  }
0xa1: {  	_ =	swait.ge [sflag:s20], s18  }
0xa2: {  	s2 =	ssub.s32 $0x0, s18;
	[sflag:s20] =	ssyncset.done $0x0  }
0xa3: {  	[sflag:s20] =	ssyncadd.s32 s2;
	_ =	sdelay $0x1  }
0xa4: {  	s21 =	simm.s32 $0x1B8B  }
0xa5: {  	_ =	swait.ge [sflag:s21], $0x1  }
0xa6: {  	[sflag:s21] =	ssyncset.done $0x0  }
0xa7: {  	s23 =	simm.s32 $0x1B8E;
	s22 =	sld [smem:$0x3FFE];
	[sflag:s21] =	ssyncadd.s32 $0xFFFFFFFF  }
0xa8: {  	s24 =	simm.s32 $execute0_lowered;
	[smem:$0x3FD2] =	sst s23  }
0xa9: {  	s3 =	sshll.u32 s24, $0x1;
	_ =	strace $0x80000046;
	[dreg:$0x1] =	wrdreg $0xFFFFFFFF  }
0xaa: {  	s25 =	simm.s32 $_size_execute0_lowered;
	s1 =	sadd.s32 s1, s3;
	[dreg:$0x0] =	wrdreg $0x0  }
0xab: {  	s3 =	sshll.u32 s25, $0x1;
	[dreg:$0x2] =	wrdreg s1  }
0xac: {  	[dreg:$0x3] =	wrdreg s3  }
0xad: {  	[dreg:$0x4] =	wrdreg $0xC0  }
0xae: {  	_ =	task [dreg:s5], $0x5FFFF  }
0xaf: {  	[dreg:$0x1] =	wrdreg $0xFFFFFFFF  }
0xb0: {  	[dreg:$0x0] =	wrdreg $0x60  }
0xb1: {  	[dreg:$0x2] =	wrdreg s14  }
0xb2: {  	[dreg:$0x3] =	wrdreg s22  }
0xb3: {  	[dreg:$0x4] =	wrdreg $0x9  }
0xb4: {  	_ =	task.clear_ibuf [dreg:s5], $0x5FFFF;
	_ =	strace $0x90000046  }
0xb5: {  	s26 =	simm.s32 $0x9;
	_ =	strace $0x80000048  }
0xb6: {  	_ =	swait.ge [sflag:s26], $0x1  }
0xb7: {  	[sflag:s26] =	ssyncadd.s32 $0xFFFFFFFF  }
0xb8: {  	_ =	strace $0x90000048  }
0xb9: {  	_ =	sfence  }
0xba: {  	s28 =	sld [smem:$0x0];
	_ =	sdelay $0x1  }
0xbb: {  	s29 =	srdreg.scid  }
0xbc: {  	s30 =	sshll.u32 s29, $0xD;
	s31 =	sshrl.u32 s29, $0x2  }
0xbd: {  	s2 =	sand.u32 $0x4000, s30;
	s1 =	sand.u32 $0x1, s29;
	s0 =	sadd.s32 s31, s28  }
0xbe: {  	s1 =	sor.u32 s2, s1;
	s0 =	sshll.u32 s0, $0x11  }
0xbf: {  	s0 =	sor.u32 s0, s1  }
0xc0: {  	s0 =	sadd.s32 $0x8F2B, s0  }
0xc1: {  	[sflag:s0] =	ssyncadd.remote.s32 $0x1  }
0xc2: {  	_ =	sfence.sel $0xFFFF  }
0xc3: {  	[dreg:$0x0] =	wrdreg $0xFFFFFFFF;
	(pc) =	sbr.abs _section_cstart, $3  }
0xc4: {  	[dreg:$0x1] =	wrdreg $0xFFFFFFFF  }
0xc5: {  	_ =	task.clear_ibuf [dreg:s5], $0x2FFFF;
	_ =	strace $0x9FFFFFFF  }
0xc6: {  	(tm) =	ssettm $0x7FFFFFFF  }
0xc7: {  	_ =	shalt  }
tec
execute0_lowered:
.L_overlay_start_1:
0x0: {  	(tag) =	ssettag $0x1  }
0x1: {  	s2 =	rddreg [dreg:$0x0]  }
0x2: {  	s3 =	rddreg [dreg:$0x1];
	s1 =	simm.s32 $0x0;
	s4 =	stileid.u32  }
0x3: {  	v0 =	vlaneseq.u32;
	[smem:$0x7FF] =	sst s1;
	s5 =	sshll.u32 s4, $0x7  }
0x4: {  	s0 =	rddreg [dreg:$0x2];
	v1 =	vmul.u32 $0x8, v0;
	_ =	strace $0x80000047;
	s2 =	sadd.s32 s2, s5  }
0x5: {  	[tilespmem:s1], [sflag:$0x1] =	stream.linear.gather [hbm4b:s2+s1], $0x400, $0x38;
	[tilespmem:$0xF80] =	vst v63  }
0x6: {  	s2 =	simm.s32 $0x1  }
0x7: {  	v0 =	vor.u32 $0x1, v1;
	_ =	swait.ge [sflag:s2], $0x400  }
0x8: {  	[sflag:s2] =	ssyncset.done $0x0  }
0x9: {  	v2 =	vor.u32 $0x2, v1;
	[sflag:s2] =	ssyncadd.s32 $0xFFFFFC00  }
0xa: {  	v3 =	vld.idx.msk [tilespmem:v1+s1+$0x0], $0xffff  }
0xb: {  	v4 =	vor.u32 $0x3, v1  }
0xc: {  	v5 =	vld.idx.msk [tilespmem:v0+s1+$0x0], $0xffff  }
0xd: {  	v31 =	vor.u32 $0x4, v1  }
0xe: {  	v2 =	vld.idx.msk [tilespmem:v2+s1+$0x0], $0xffff  }
0xf: {  	v6 =	vor.u32 $0x5, v1;
	vm0 =	vgt.f32 v3, $-Inf  }
0x10: {  	v4 =	vld.idx.msk [tilespmem:v4+s1+$0x0], $0xffff;
	v7 =	vnsel vm0, $0xFF800000, v3  }
0x11: {  	v8 =	vor.u32 $0x6, v1;
	vm0 =	vgt.f32 v5, v7  }
0x12: {  	v9 =	vld.idx.msk [tilespmem:v31+s1+$0x0], $0xffff;
	v32 =	vsel vm0, v5, v7  }
0x13: {  	v33 =	vor.u32 $0x7, v1;
	vm1 =	vgt.f32 v2, v32  }
0x14: {  	v6 =	vld.idx.msk [tilespmem:v6+s1+$0x0], $0xffff;
	v0 =	vsel vm1, v2, v32  }
0x15: {  	vm2 =	vgt.f32 v4, v0  }
0x16: {  	v8 =	vld.idx.msk [tilespmem:v8+s1+$0x0], $0xffff;
	v10 =	vsel vm2, v4, v0  }
0x17: {  	v0 =	vimm.s32 $0x0;
	vm3 =	vgt.f32 v9, v10  }
0x18: {  	v7 =	vld.idx.msk [tilespmem:v33+s1+$0x0], $0xffff;
	v11 =	vsel vm0, $0x1, v0;
	v10 =	vsel vm3, v9, v10  }
0x19: {  	v11 =	vsel vm1, $0x2, v11;
	vm13 =	vgt.f32 v6, v10  }
0x1a: {  	v11 =	vsel vm2, $0x3, v11;
	v10 =	vsel vm13, v6, v10  }
0x1b: {  	v11 =	vsel vm3, $0x4, v11;
	vm1 =	vgt.f32 v8, v10  }
0x1c: {  	v11 =	vsel vm13, $0x5, v11;
	v10 =	vsel vm1, v8, v10  }
0x1d: {  	v11 =	vsel vm1, $0x6, v11;
	vm3 =	vgt.f32 v7, v10  }
0x1e: {  	v11 =	vsel vm3, $0x7, v11  }
0x1f: {  	vm4 =	veq.s32 v11, $0x0  }
0x20: {  	v3 =	vsel vm4, $0xFF800000, v3  }
0x21: {  	vm5 =	veq.s32 v11, $0x1;
	vm14 =	vgt.f32 v3, $-Inf  }
0x22: {  	v5 =	vsel vm5, $0xFF800000, v5;
	v3 =	vnsel vm14, $0xFF800000, v3  }
0x23: {  	vm6 =	veq.s32 v11, $0x2;
	vm10 =	vgt.f32 v5, v3  }
0x24: {  	v2 =	vsel vm6, $0xFF800000, v2;
	v3 =	vsel vm10, v5, v3  }
0x25: {  	vm7 =	veq.s32 v11, $0x3;
	vm11 =	vgt.f32 v2, v3  }
0x26: {  	v34 =	vsel vm7, $0xFF800000, v4;
	v2 =	vsel vm11, v2, v3  }
0x27: {  	vm8 =	veq.s32 v11, $0x4;
	vm12 =	vgt.f32 v34, v2  }
0x28: {  	v35 =	vsel vm8, $0xFF800000, v9;
	v2 =	vsel vm12, v34, v2  }
0x29: {  	v36 =	vimm.s32 $0x0;
	vm15 =	veq.s32 v11, $0x5;
	vm13 =	vgt.f32 v35, v2  }
0x2a: {  	vm9 =	vmneg vm3;
	v37 =	vsel vm15, $0xFF800000, v6;
	v2 =	vsel vm13, v35, v2  }
0x2b: {  	v4 =	vsel vm15, $0xFFFFFFFF, v36;
	vm15 =	vmand vm9, vm1;
	vm14 =	vgt.f32 v37, v2  }
0x2c: {  	v39 =	vsel vm15, $0xFF800000, v8;
	v2 =	vsel vm14, v37, v2  }
0x2d: {  	vm9 =	vgt.f32 v39, v2  }
0x2e: {  	v40 =	vsel vm3, $0xFF800000, v7;
	v2 =	vsel vm9, v39, v2  }
0x2f: {  	vm2 =	vgt.f32 v40, v2  }
0x30: {  	v41 =	vsel vm3, v7, v10;
	v2 =	vsel vm2, v40, v2  }
0x31: {  	v2 =	vsub.f32 v2, v41;
	_ =	sdelay $0x1  }
0x32: {  	v2 =	vmul.f32 $1.442695020e+00, v2  }
0x33: {  	v42 =	vsel vm10, $0x1, v0  }
0x34: {  	(erf) = vpow2.f32 v2;
	v2 =	vsel vm11, $0x2, v42  }
0x35: {  	v2 =	vsel vm12, $0x3, v2  }
0x36: {  	v2 =	vsel vm13, $0x4, v2  }
0x37: {  	v2 =	vsel vm14, $0x5, v2  }
0x38: {  	v2 =	vsel vm9, $0x6, v2  }
0x39: {  	v12 =	vimm.s32 $0x0;
	v38 =	vimm.s32 $0x0;
	v44 =	vsel vm2, $0x7, v2  }
0x3a: {  	v12 =	vsel vm4, $0xFFFFFFFF, v12;
	[tilespmem:$0x1FE80] =	vst v4;
	v4 =	vsel vm15, $0xFFFFFFFF, v38;
	vm14 =	veq.s32 v44, $0x0  }
0x3b: {  	v50 =	vld [tilespmem:$0x1FE80];
	vm15 =	veq.s32 v44, $0x1;
	vm12 =	veq.s32 v44, $0x2;
	vm1 =	vmor vm4, vm14  }
0x3c: {  	[tilespmem:$0x1FE90] =	vst v4;
	vm11 =	veq.s32 v44, $0x3;
	vm4 =	vmor vm5, vm15;
	v45 =	vsel vm1, $0x1, v0  }
0x3d: {  	v52 =	vld [tilespmem:$0x1FE90];
	vm13 =	veq.s32 v44, $0x4;
	vm0 =	vmor vm6, vm12;
	v46 =	vsel vm4, $0x1, v0;
	(xrf0) =	vadd.scan.msk.s32 $0xffff, v45  }
0x3e: {  	vm10 =	veq.s32 v44, $0x5;
	vm1 =	vmor vm7, vm11;
	v47 =	vsel vm0, $0x1, v0;
	(xrf0) =	vadd.scan.msk.s32 $0xffff, v46  }
0x3f: {  	vm4 =	vmor vm8, vm13;
	v43 =	vpop (erf);
	v48 =	vsel vm1, $0x1, v0;
	vm1 =	vmneg vm2;
	(xrf0) =	vadd.scan.msk.s32 $0xffff, v47  }
0x40: {  	[tilespmem:$0x1FEA0] =	vst v12;
	v3 =	vadd.f32 $1.000000000e+00, v43;
	vm9 =	vmand vm1, vm9;
	vm1 =	vnez.u8 v50  }
0x41: {  	v17 =	vld [tilespmem:$0x1FEA0];
	v49 =	vsel vm4, $0x1, v0;
	vm4 =	vmor vm1, vm10  }
0x42: {  	(erf) = vrcp.f32 v3;
	(xrf0) =	vadd.scan.msk.s32 $0xffff, v48;
	v51 =	vsel vm4, $0x1, v0;
	vm4 =	vnez.u8 v52  }
0x43: {  	(xrf0) =	vadd.scan.msk.s32 $0xffff, v49;
	vm0 =	vmor vm4, vm9;
	v2, _, _ =	vpop (xrf0)  }
0x44: {  	v53 =	vsel vm0, $0x1, v0;
	vm0 =	vmor vm3, vm2;
	v3, _, _ =	vpop (xrf0)  }
0x45: {  	v14 =	vsel vm0, $0x1, v0;
	v4, _, _ =	vpop (xrf0);
	v5 =	vsub.s32 v3, v46  }
0x46: {  	(xrf0) =	vadd.scan.msk.s32 $0xffff, v51;
	vm0 =	vnez.u8 v17;
	v16 =	vsub.s32 v2, v45;
	v6 =	vsub.s32 v4, v47  }
0x47: {  	(xrf0) =	vadd.scan.msk.s32 $0xffff, v53;
	v17 =	vnsel vm0, $0x0, v16;
	v16 =	vnsel vm14, $0x0, v16  }
0x48: {  	(xrf0) =	vadd.scan.msk.s32 $0xffff, v14;
	v17 =	vsel vm5, v5, v17;
	v16 =	vsel vm15, v5, v16;
	v5, _, _ =	vpop (xrf0)  }
0x49: {  	v17 =	vsel vm6, v6, v17;
	v16 =	vsel vm12, v6, v16;
	v7 =	vsub.s32 v5, v48;
	v6, _, _ =	vpop (xrf0)  }
0x4a: {  	v8 =	vsub.s32 v6, v49  }
0x4b: {  	v13 =	vpop (erf)  }
0x4c: {  	v55 =	vor.u32 $0x80, v1;
	v17 =	vsel vm7, v7, v17;
	v16 =	vsel vm11, v7, v16;
	v7, _, _ =	vpop (xrf0)  }
0x4d: {  	[tilespmem:$0x400] =	vst v11;
	v17 =	vsel vm8, v8, v17;
	v16 =	vsel vm13, v8, v16;
	v18 =	vsub.s32 v7, v51;
	v8, _, _ =	vpop (xrf0)  }
0x4e: {  	[tilespmem:$0x480] =	vst v44;
	v15 =	vsub.f32 $1.000000000e+00, v13;
	v54 =	vsel vm1, v18, v17;
	v12 =	vsub.s32 v8, v53;
	v9, _, _ =	vpop (xrf0)  }
0x4f: {  	[tilespmem:$0x500] =	vst v13;
	v16 =	vsel vm10, v18, v16;
	v11 =	vsel vm4, v12, v54;
	v14 =	vsub.s32 v9, v14  }
0x50: {  	v56 =	vor.u32 $0x81, v1;
	[tilespmem:$0x580] =	vst v15;
	v12 =	vsel vm9, v12, v16;
	v11 =	vsel vm3, v14, v11  }
0x51: {  	v12 =	vsel vm2, v14, v12;
	[tilespmem:$0x600] =	vst v11  }
0x52: {  	v57 =	vor.u32 $0x82, v1;
	[tilespmem:$0x680] =	vst v12  }
0x53: {  	v10 =	vld.idx.msk [tilespmem:v55+s1+$0x0], $0xffff  }
0x54: {  	v58 =	vor.u32 $0x83, v1  }
0x55: {  	v13 =	vld.idx.msk [tilespmem:v56+s1+$0x0], $0xffff  }
0x56: {  	v59 =	vor.u32 $0x84, v1  }
0x57: {  	v11 =	vld.idx.msk [tilespmem:v57+s1+$0x0], $0xffff  }
0x58: {  	v60 =	vor.u32 $0x85, v1;
	vm10 =	vgt.f32 v10, $-Inf  }
0x59: {  	v12 =	vld.idx.msk [tilespmem:v58+s1+$0x0], $0xffff;
	v61 =	vnsel vm10, $0xFF800000, v10  }
0x5a: {  	v62 =	vor.u32 $0x86, v1;
	vm0 =	vgt.f32 v13, v61  }
0x5b: {  	v14 =	vld.idx.msk [tilespmem:v59+s1+$0x0], $0xffff;
	v16 =	vsel vm0, v13, v61  }
0x5c: {  	v63 =	vor.u32 $0x87, v1;
	vm11 =	vgt.f32 v11, v16  }
0x5d: {  	v15 =	vld.idx.msk [tilespmem:v60+s1+$0x0], $0xffff;
	v16 =	vsel vm11, v11, v16  }
0x5e: {  	vm12 =	vgt.f32 v12, v16  }
0x5f: {  	v17 =	vld.idx.msk [tilespmem:v62+s1+$0x0], $0xffff;
	v16 =	vsel vm12, v12, v16  }
0x60: {  	vm13 =	vgt.f32 v14, v16  }
0x61: {  	v18 =	vld.idx.msk [tilespmem:v63+s1+$0x0], $0xffff;
	v19 =	vsel vm0, $0x1, v0;
	v16 =	vsel vm13, v14, v16  }
0x62: {  	v19 =	vsel vm11, $0x2, v19;
	vm14 =	vgt.f32 v15, v16  }
0x63: {  	v19 =	vsel vm12, $0x3, v19;
	v16 =	vsel vm14, v15, v16  }
0x64: {  	v19 =	vsel vm13, $0x4, v19;
	vm1 =	vgt.f32 v17, v16  }
0x65: {  	v19 =	vsel vm14, $0x5, v19;
	v16 =	vsel vm1, v17, v16  }
0x66: {  	v19 =	vsel vm1, $0x6, v19;
	vm0 =	vgt.f32 v18, v16  }
0x67: {  	v19 =	vsel vm0, $0x7, v19  }
0x68: {  	vm8 =	veq.s32 v19, $0x0  }
0x69: {  	v10 =	vsel vm8, $0xFF800000, v10  }
0x6a: {  	vm7 =	veq.s32 v19, $0x1;
	vm15 =	vgt.f32 v10, $-Inf  }
0x6b: {  	v13 =	vsel vm7, $0xFF800000, v13;
	v10 =	vnsel vm15, $0xFF800000, v10  }
0x6c: {  	vm6 =	veq.s32 v19, $0x2;
	vm10 =	vgt.f32 v13, v10  }
0x6d: {  	v11 =	vsel vm6, $0xFF800000, v11;
	v10 =	vsel vm10, v13, v10  }
0x6e: {  	vm5 =	veq.s32 v19, $0x3;
	vm11 =	vgt.f32 v11, v10  }
0x6f: {  	v13 =	vsel vm5, $0xFF800000, v12;
	v10 =	vsel vm11, v11, v10  }
0x70: {  	vm4 =	veq.s32 v19, $0x4;
	vm12 =	vgt.f32 v13, v10  }
0x71: {  	v14 =	vsel vm4, $0xFF800000, v14;
	v10 =	vsel vm12, v13, v10  }
0x72: {  	vm3 =	veq.s32 v19, $0x5;
	vm13 =	vgt.f32 v14, v10  }
0x73: {  	vm9 =	vmneg vm0;
	v15 =	vsel vm3, $0xFF800000, v15;
	v10 =	vsel vm13, v14, v10  }
0x74: {  	vm2 =	vmand vm9, vm1;
	vm14 =	vgt.f32 v15, v10  }
0x75: {  	v17 =	vsel vm2, $0xFF800000, v17;
	v10 =	vsel vm14, v15, v10  }
0x76: {  	vm9 =	vgt.f32 v17, v10  }
0x77: {  	v20 =	vsel vm0, $0xFF800000, v18;
	v10 =	vsel vm9, v17, v10  }
0x78: {  	vm1 =	vgt.f32 v20, v10  }
0x79: {  	v21 =	vsel vm0, v18, v16;
	v10 =	vsel vm1, v20, v10  }
0x7a: {  	v10 =	vsub.f32 v10, v21;
	_ =	sdelay $0x1  }
0x7b: {  	v22 =	vsel vm10, $0x1, v0;
	v10 =	vmul.f32 $1.442695020e+00, v10  }
0x7c: {  	v11 =	vsel vm11, $0x2, v22  }
0x7d: {  	v11 =	vsel vm12, $0x3, v11;
	(erf) = vpow2.f32 v10  }
0x7e: {  	v11 =	vsel vm13, $0x4, v11  }
0x7f: {  	v11 =	vsel vm14, $0x5, v11  }
0x80: {  	v23 =	vsel vm9, $0x6, v11  }
0x81: {  	v11 =	vsel vm1, $0x7, v23  }
0x82: {  	vm14 =	veq.s32 v11, $0x0  }
0x83: {  	vm12 =	vmor vm8, vm14  }
0x84: {  	v24 =	vsel vm12, $0x1, v0  }
0x85: {  	(xrf0) =	vadd.scan.msk.s32 $0xffff, v24  }
0x86: {  	v25 =	vpop (erf)  }
0x87: {  	vm12 =	veq.s32 v11, $0x1;
	v10 =	vadd.f32 $1.000000000e+00, v25  }
0x88: {  	vm13 =	vmor vm7, vm12  }
0x89: {  	v26 =	vsel vm13, $0x1, v0  }
0x8a: {  	(xrf0) =	vadd.scan.msk.s32 $0xffff, v26  }
0x8b: {  	v27 =	vbroadcast v2, $0xF;
	vm13 =	veq.s32 v11, $0x2;
	(erf) = vrcp.f32 v10;
	v10, _, _ =	vpop (xrf0)  }
0x8c: {  	vm15 =	vmor vm6, vm13;
	v12 =	vsub.s32 v10, v24  }
0x8d: {  	vm10 =	veq.s32 v11, $0x3;
	v28 =	vsel vm15, $0x1, v0;
	v12 =	vadd.s32 v27, v12  }
0x8e: {  	vm15 =	vmor vm5, vm10;
	(xrf0) =	vadd.scan.msk.s32 $0xffff, v28  }
0x8f: {  	vm11 =	veq.s32 v11, $0x4;
	v29 =	vsel vm15, $0x1, v0  }
0x90: {  	v14 =	vnsel vm8, $0x0, v12;
	vm8 =	vmor vm4, vm11;
	v31 =	vnsel vm14, $0x0, v12;
	v12, _, _ =	vpop (xrf0)  }
0x91: {  	(xrf0) =	vadd.scan.msk.s32 $0xffff, v29;
	v30 =	vsel vm8, $0x1, v0;
	vm8 =	veq.s32 v11, $0x5;
	v13 =	vsub.s32 v12, v26  }
0x92: {  	v20 =	vbroadcast v3, $0xF;
	vm15 =	vmneg vm1;
	vm14 =	vmor vm3, vm8  }
0x93: {  	vm9 =	vmand vm15, vm9;
	(xrf0) =	vadd.scan.msk.s32 $0xffff, v30;
	v21 =	vsel vm14, $0x1, v0  }
0x94: {  	v37 =	vbroadcast v7, $0xF;
	vm14 =	vmor vm2, vm9;
	v20 =	vadd.s32 v20, v13;
	(xrf0) =	vadd.scan.msk.s32 $0xffff, v21;
	v13, _, _ =	vpop (xrf0)  }
0x95: {  	v42 =	vbroadcast v8, $0xF;
	v23 =	vsel vm14, $0x1, v0;
	vm14 =	vmor vm0, vm1;
	v32 =	vpop (erf)  }
0x96: {  	v44 =	vbroadcast v9, $0xF;
	v22 =	vbroadcast v4, $0xF;
	v24 =	vsel vm14, $0x1, v0;
	(xrf0) =	vadd.scan.msk.s32 $0xffff, v23  }
0x97: {  	v46 =	vor.u32 $0x100, v1;
	v25 =	vbroadcast v5, $0xF;
	v26 =	vbroadcast v6, $0xF;
	v34, _, _ =	vpop (xrf0);
	(xrf0) =	vadd.scan.msk.s32 $0xffff, v24  }
0x98: {  	v14 =	vsel vm7, v20, v14;
	v18 =	vsel vm12, v20, v31;
	v15 =	vsub.s32 v13, v28  }
0x99: {  	v15 =	vadd.s32 v22, v15;
	v27 =	vsub.f32 $1.000000000e+00, v32;
	v16 =	vsub.s32 v34, v29;
	v35, _, _ =	vpop (xrf0)  }
0x9a: {  	v33 =	vsel vm6, v15, v14;
	v16 =	vadd.s32 v25, v16;
	v17 =	vsub.s32 v35, v30  }
0x9b: {  	v15 =	vsel vm13, v15, v18;
	v36, _, _ =	vpop (xrf0);
	v20 =	vsel vm5, v16, v33;
	v17 =	vadd.s32 v26, v17  }
0x9c: {  	v15 =	vsel vm10, v16, v15;
	v39 =	vsub.s32 v36, v21;
	v38 =	vsel vm4, v17, v20;
	v41, _, _ =	vpop (xrf0)  }
0x9d: {  	[tilespmem:$0x410] =	vst v19;
	v15 =	vsel vm11, v17, v15;
	v40 =	vadd.s32 v37, v39;
	v23 =	vsub.s32 v41, v23;
	v43, _, _ =	vpop (xrf0)  }
0x9e: {  	[tilespmem:$0x490] =	vst v11;
	v16 =	vsel vm3, v40, v38;
	v21 =	vadd.s32 v42, v23;
	v45 =	vsub.s32 v43, v24  }
0x9f: {  	[tilespmem:$0x510] =	vst v32;
	v15 =	vsel vm8, v40, v15;
	v16 =	vsel vm2, v21, v16;
	v47 =	vadd.s32 v44, v45  }
0xa0: {  	v48 =	vor.u32 $0x101, v1;
	[tilespmem:$0x590] =	vst v27;
	v15 =	vsel vm9, v21, v15;
	v16 =	vsel vm0, v47, v16  }
0xa1: {  	v15 =	vsel vm1, v47, v15;
	[tilespmem:$0x610] =	vst v16  }
0xa2: {  	v49 =	vor.u32 $0x102, v1;
	[tilespmem:$0x690] =	vst v15  }
0xa3: {  	v16 =	vld.idx.msk [tilespmem:v46+s1+$0x0], $0xffff  }
0xa4: {  	v50 =	vor.u32 $0x103, v1  }
0xa5: {  	v51 =	vld.idx.msk [tilespmem:v48+s1+$0x0], $0xffff  }
0xa6: {  	v52 =	vor.u32 $0x104, v1  }
0xa7: {  	v15 =	vld.idx.msk [tilespmem:v49+s1+$0x0], $0xffff  }
0xa8: {  	v53 =	vor.u32 $0x105, v1;
	vm13 =	vgt.f32 v16, $-Inf  }
0xa9: {  	v22 =	vld.idx.msk [tilespmem:v50+s1+$0x0], $0xffff;
	v54 =	vnsel vm13, $0xFF800000, v16  }
0xaa: {  	v55 =	vor.u32 $0x106, v1;
	vm0 =	vgt.f32 v51, v54  }
0xab: {  	v19 =	vld.idx.msk [tilespmem:v52+s1+$0x0], $0xffff;
	v11 =	vsel vm0, v51, v54  }
0xac: {  	v56 =	vor.u32 $0x107, v1;
	vm14 =	vgt.f32 v15, v11  }
0xad: {  	v21 =	vld.idx.msk [tilespmem:v53+s1+$0x0], $0xffff;
	v11 =	vsel vm14, v15, v11  }
0xae: {  	vm15 =	vgt.f32 v22, v11  }
0xaf: {  	v23 =	vld.idx.msk [tilespmem:v55+s1+$0x0], $0xffff;
	v11 =	vsel vm15, v22, v11  }
0xb0: {  	vm6 =	vgt.f32 v19, v11  }
0xb1: {  	v24 =	vld.idx.msk [tilespmem:v56+s1+$0x0], $0xffff;
	v57 =	vsel vm0, $0x1, v0;
	v11 =	vsel vm6, v19, v11  }
0xb2: {  	v27 =	vsel vm14, $0x2, v57;
	vm7 =	vgt.f32 v21, v11  }
0xb3: {  	v27 =	vsel vm15, $0x3, v27;
	v11 =	vsel vm7, v21, v11  }
0xb4: {  	v27 =	vsel vm6, $0x4, v27;
	vm1 =	vgt.f32 v23, v11  }
0xb5: {  	v27 =	vsel vm7, $0x5, v27;
	v28 =	vsel vm1, v23, v11  }
0xb6: {  	(v2sf) =	vpush v2, $0xF;
	v58 =	vsel vm1, $0x6, v27;
	vm3 =	vgt.f32 v24, v28  }
0xb7: {  	v59 =	vimm.s32 $0x0;
	(v2sf) =	vpush v3, $0xF;
	v11 =	vsel vm3, $0x7, v58  }
0xb8: {  	v60 =	vimm.s32 $0x0;
	(v2sf) =	vpush v4, $0xF;
	vm8 =	veq.s32 v11, $0x0  }
0xb9: {  	v61 =	vimm.s32 $0x0;
	(v2sf) =	vpush v5, $0xF;
	v16 =	vsel vm8, $0xFF800000, v16  }
0xba: {  	(v2sf) =	vpush v6, $0xF;
	vm4 =	veq.s32 v11, $0x1;
	vm9 =	vgt.f32 v16, $-Inf  }
0xbb: {  	(v2sf) =	vpush v7, $0xF;
	v17 =	vsel vm4, $0xFF800000, v51;
	v16 =	vnsel vm9, $0xFF800000, v16  }
0xbc: {  	(v2sf) =	vpush v8, $0xF;
	vm5 =	veq.s32 v11, $0x2;
	vm9 =	vgt.f32 v17, v16  }
0xbd: {  	(v2sf) =	vpush v9, $0xF;
	v15 =	vsel vm5, $0xFF800000, v15;
	v16 =	vsel vm9, v17, v16  }
0xbe: {  	(v2sf) =	vpush v10, $0xF;
	vm7 =	veq.s32 v11, $0x3;
	vm11 =	vgt.f32 v15, v16  }
0xbf: {  	(v2sf) =	vpush v12, $0xF;
	v62 =	vsel vm7, $0xFF800000, v22;
	v15 =	vsel vm11, v15, v16  }
0xc0: {  	(v2sf) =	vpush v13, $0xF;
	vm6 =	veq.s32 v11, $0x4;
	vm12 =	vgt.f32 v62, v15  }
0xc1: {  	(v2sf) =	vpush v34, $0xF;
	v63 =	vsel vm6, $0xFF800000, v19;
	v15 =	vsel vm12, v62, v15  }
0xc2: {  	v27 =	vsel vm8, $0xFFFFFFFF, v59;
	vm8 =	veq.s32 v11, $0x5;
	vm13 =	vgt.f32 v63, v15  }
0xc3: {  	vm10 =	vmneg vm3;
	v22 =	vsel vm8, $0xFF800000, v21;
	v15 =	vsel vm13, v63, v15  }
0xc4: {  	(v2sf) =	vpush v35, $0xF;
	vm15 =	vmand vm10, vm1;
	vm14 =	vgt.f32 v22, v15  }
0xc5: {  	v29 =	vsel vm15, $0xFF800000, v23;
	v32 =	vsel vm9, $0x1, v0;
	v15 =	vsel vm14, v22, v15  }
0xc6: {  	v30 =	vsel vm3, $0xFF800000, v24;
	[tilespmem:$0x1FEB0] =	vst v27;
	v2 =	vsel vm11, $0x2, v32;
	vm10 =	vgt.f32 v29, v15  }
0xc7: {  	v31 =	vsel vm3, v24, v28;
	v35 =	vld [tilespmem:$0x1FEB0];
	v2 =	vsel vm12, $0x3, v2;
	v15 =	vsel vm10, v29, v15  }
0xc8: {  	v27 =	vsel vm4, $0xFFFFFFFF, v60;
	v2 =	vsel vm13, $0x4, v2;
	vm1 =	vgt.f32 v30, v15  }
0xc9: {  	[tilespmem:$0x1FED0] =	vst v27;
	v27 =	vimm.s32 $0x0;
	v2 =	vsel vm14, $0x5, v2;
	v15 =	vsel vm1, v30, v15  }
0xca: {  	v17 =	vsel vm5, $0xFFFFFFFF, v61;
	v2 =	vsel vm10, $0x6, v2;
	v15 =	vsub.f32 v15, v31  }
0xcb: {  	(v2sf) =	vpush v36, $0xF;
	[tilespmem:$0x1FEE0] =	vst v17;
	v17 =	vsel vm15, $0xFFFFFFFF, v27;
	v34 =	vsel vm1, $0x7, v2  }
0xcc: {  	vm11 =	vnez.u8 v35;
	vm15 =	veq.s32 v34, $0x0;
	v15 =	vmul.f32 $1.442695020e+00, v15  }
0xcd: {  	s25 =	spop (v2sf);
	(v2sf) =	vpush v41, $0xF;
	vm14 =	veq.s32 v34, $0x1;
	vm2 =	vmor vm11, vm15  }
0xce: {  	s6 =	spop (v2sf);
	vm4 =	vmor vm4, vm14;
	v36 =	vsel vm2, $0x1, v0;
	(erf) = vpow2.f32 v15  }
0xcf: {  	s7 =	spop (v2sf);
	[tilespmem:$0x1FEC0] =	vst v17;
	vm12 =	veq.s32 v34, $0x2;
	v37 =	vsel vm4, $0x1, v0;
	(xrf0) =	vadd.scan.msk.s32 $0xffff, v36  }
0xd0: {  	(v2sf) =	vpush v43, $0xF;
	s8 =	spop (v2sf);
	v44 =	vld [tilespmem:$0x1FEC0];
	vm0 =	vmor vm5, vm12;
	(xrf0) =	vadd.scan.msk.s32 $0xffff, v37  }
0xd1: {  	s9 =	spop (v2sf);
	vm13 =	veq.s32 v34, $0x3;
	vm9 =	veq.s32 v34, $0x5;
	v38 =	vsel vm0, $0x1, v0  }
0xd2: {  	s10 =	spop (v2sf);
	vm5 =	vmmov vm7;
	vm2 =	vmor vm7, vm13;
	vm7 =	veq.s32 v34, $0x4;
	(xrf0) =	vadd.scan.msk.s32 $0xffff, v38  }
0xd3: {  	s11 =	spop (v2sf);
	vm0 =	vmneg vm1;
	v39 =	vsel vm2, $0x1, v0;
	vm4 =	vmor vm6, vm7  }
0xd4: {  	s12 =	spop (v2sf);
	v53 =	vld [tilespmem:$0x1FED0];
	vm10 =	vmand vm0, vm10;
	v40 =	vsel vm4, $0x1, v0;
	vm4 =	vmor vm8, vm9;
	(xrf0) =	vadd.scan.msk.s32 $0xffff, v39  }
0xd5: {  	s13 =	spop (v2sf);
	v55 =	vld [tilespmem:$0x1FEE0];
	vm2 =	vmor vm3, vm1;
	v41 =	vsel vm4, $0x1, v0;
	vm4 =	vnez.u8 v44;
	(xrf0) =	vadd.scan.msk.s32 $0xffff, v40;
	v43, _, _ =	vpop (xrf0)  }
0xd6: {  	s5 =	sadd.s32 s25, s13;
	s26 =	spop (v2sf);
	v46 =	vsel vm2, $0x1, v0;
	vm0 =	vmor vm4, vm10;
	v47 =	vsub.s32 v43, v36;
	v48, _, _ =	vpop (xrf0)  }
0xd7: {  	s6 =	sadd.s32 s6, s26;
	v45 =	vsel vm0, $0x1, v0;
	(xrf0) =	vadd.scan.msk.s32 $0xffff, v41;
	v14 =	vadd.s32 s5, v47;
	v50 =	vsub.s32 v48, v37;
	v33 =	vpop (erf)  }
0xd8: {  	(xrf0) =	vadd.scan.msk.s32 $0xffff, v45;
	v51, _, _ =	vpop (xrf0);
	v52 =	vnsel vm11, $0x0, v14;
	v16 =	vadd.s32 s6, v50;
	v3 =	vadd.f32 $1.000000000e+00, v33  }
0xd9: {  	s28 =	spop (v2sf);
	(xrf0) =	vadd.scan.msk.s32 $0xffff, v46;
	v6 =	vsub.s32 v51, v38;
	v14 =	vnsel vm15, $0x0, v14;
	vm11 =	vnez.u8 v53  }
0xda: {  	s7 =	sadd.s32 s7, s28;
	s29 =	spop (v2sf);
	v54, _, _ =	vpop (xrf0);
	vm15 =	vnez.u8 v55;
	v17 =	vsel vm11, v16, v52;
	(erf) = vrcp.f32 v3  }
0xdb: {  	s8 =	sadd.s32 s8, s29;
	s30 =	spop (v2sf);
	v6 =	vadd.s32 s7, v6;
	v14 =	vsel vm14, v16, v14;
	v7 =	vsub.s32 v54, v39;
	v56, _, _ =	vpop (xrf0)  }
0xdc: {  	s9 =	sadd.s32 s9, s30;
	v16 =	vsel vm15, v6, v17;
	v7 =	vadd.s32 s8, v7;
	v8 =	vsub.s32 v56, v40  }
0xdd: {  	s31 =	spop (v2sf);
	v6 =	vsel vm12, v6, v14;
	v57, _, _ =	vpop (xrf0);
	v16 =	vsel vm5, v7, v16;
	v8 =	vadd.s32 s9, v8  }
0xde: {  	s10 =	sadd.s32 s10, s31;
	s14 =	spop (v2sf);
	v6 =	vsel vm13, v7, v6;
	v9 =	vsub.s32 v57, v41;
	v58 =	vsel vm6, v8, v16;
	v59, _, _ =	vpop (xrf0)  }
0xdf: {  	s11 =	sadd.s32 s11, s14;
	s15 =	spop (v2sf);
	v6 =	vsel vm7, v8, v6;
	v9 =	vadd.s32 s10, v9;
	v60 =	vsub.s32 v59, v45;
	v61, _, _ =	vpop (xrf0)  }
0xe0: {  	s12 =	sadd.s32 s12, s15;
	v7 =	vsel vm8, v9, v58;
	v8 =	vadd.s32 s11, v60;
	v62 =	vsub.s32 v61, v46  }
0xe1: {  	[tilespmem:$0x420] =	vst v11;
	v6 =	vsel vm9, v9, v6;
	v7 =	vsel vm4, v8, v7;
	v13 =	vadd.s32 s12, v62  }
0xe2: {  	v63 =	vor.u32 $0x180, v1;
	[tilespmem:$0x4A0] =	vst v34;
	v6 =	vsel vm10, v8, v6;
	v7 =	vsel vm3, v13, v7  }
0xe3: {  	v6 =	vsel vm1, v13, v6;
	[tilespmem:$0x620] =	vst v7;
	v42 =	vpop (erf)  }
0xe4: {  	v19 =	vor.u32 $0x181, v1;
	[tilespmem:$0x6A0] =	vst v6;
	v49 =	vsub.f32 $1.000000000e+00, v42  }
0xe5: {  	[tilespmem:$0x520] =	vst v42  }
0xe6: {  	v20 =	vor.u32 $0x182, v1;
	[tilespmem:$0x5A0] =	vst v49  }
0xe7: {  	v7 =	vld.idx.msk [tilespmem:v63+s1+$0x0], $0xffff  }
0xe8: {  	v21 =	vor.u32 $0x183, v1  }
0xe9: {  	v8 =	vld.idx.msk [tilespmem:v19+s1+$0x0], $0xffff  }
0xea: {  	v22 =	vor.u32 $0x184, v1  }
0xeb: {  	v6 =	vld.idx.msk [tilespmem:v20+s1+$0x0], $0xffff  }
0xec: {  	v23 =	vor.u32 $0x185, v1;
	vm9 =	vgt.f32 v7, $-Inf  }
0xed: {  	v24 =	vld.idx.msk [tilespmem:v21+s1+$0x0], $0xffff;
	v25 =	vnsel vm9, $0xFF800000, v7  }
0xee: {  	v26 =	vor.u32 $0x186, v1;
	vm0 =	vgt.f32 v8, v25  }
0xef: {  	v9 =	vld.idx.msk [tilespmem:v22+s1+$0x0], $0xffff;
	v4 =	vsel vm0, v8, v25  }
0xf0: {  	v27 =	vor.u32 $0x187, v1;
	vm10 =	vgt.f32 v6, v4  }
0xf1: {  	v10 =	vld.idx.msk [tilespmem:v23+s1+$0x0], $0xffff;
	v4 =	vsel vm10, v6, v4  }
0xf2: {  	vm11 =	vgt.f32 v24, v4  }
0xf3: {  	v13 =	vld.idx.msk [tilespmem:v26+s1+$0x0], $0xffff;
	v4 =	vsel vm11, v24, v4  }
0xf4: {  	vm12 =	vgt.f32 v9, v4  }
0xf5: {  	v15 =	vld.idx.msk [tilespmem:v27+s1+$0x0], $0xffff;
	v28 =	vsel vm0, $0x1, v0;
	v4 =	vsel vm12, v9, v4  }
0xf6: {  	v19 =	vsel vm10, $0x2, v28;
	vm13 =	vgt.f32 v10, v4  }
0xf7: {  	v19 =	vsel vm11, $0x3, v19;
	v4 =	vsel vm13, v10, v4  }
0xf8: {  	v19 =	vsel vm12, $0x4, v19;
	vm1 =	vgt.f32 v13, v4  }
0xf9: {  	v19 =	vsel vm13, $0x5, v19;
	v29 =	vsel vm1, v13, v4  }
0xfa: {  	v30 =	vsel vm1, $0x6, v19;
	vm4 =	vgt.f32 v15, v29  }
0xfb: {  	v4 =	vsel vm4, $0x7, v30  }
0xfc: {  	vm14 =	veq.s32 v4, $0x0  }
0xfd: {  	v32 =	vimm.s32 $0x0;
	v7 =	vsel vm14, $0xFF800000, v7  }
0xfe: {  	v31 =	vimm.s32 $0x0;
	vm5 =	veq.s32 v4, $0x1;
	vm15 =	vgt.f32 v7, $-Inf  }
0xff: {  	v33 =	vimm.s32 $0x0;
	v8 =	vsel vm5, $0xFF800000, v8;
	v7 =	vnsel vm15, $0xFF800000, v7  }
0x100: {  	vm8 =	veq.s32 v4, $0x2;
	v19 =	vsel vm14, $0xFFFFFFFF, v31;
	vm9 =	vgt.f32 v8, v7  }
0x101: {  	v6 =	vsel vm8, $0xFF800000, v6;
	[tilespmem:$0x1FEF0] =	vst v19;
	v19 =	vsel vm5, $0xFFFFFFFF, v32;
	v7 =	vsel vm9, v8, v7  }
0x102: {  	[tilespmem:$0x1FF10] =	vst v19;
	v19 =	vsel vm8, $0xFFFFFFFF, v33;
	vm8 =	veq.s32 v4, $0x3;
	vm11 =	vgt.f32 v6, v7  }
0x103: {  	v34 =	vsel vm8, $0xFF800000, v24;
	v6 =	vsel vm11, v6, v7  }
0x104: {  	vm7 =	veq.s32 v4, $0x4;
	vm12 =	vgt.f32 v34, v6  }
0x105: {  	v35 =	vsel vm7, $0xFF800000, v9;
	v6 =	vsel vm12, v34, v6  }
0x106: {  	vm6 =	veq.s32 v4, $0x5;
	vm13 =	vgt.f32 v35, v6  }
0x107: {  	vm10 =	vmneg vm4;
	v36 =	vsel vm6, $0xFF800000, v10;
	v6 =	vsel vm13, v35, v6  }
0x108: {  	vm15 =	vmand vm10, vm1;
	vm14 =	vgt.f32 v36, v6  }
0x109: {  	v38 =	vsel vm15, $0xFF800000, v13;
	v6 =	vsel vm14, v36, v6  }
0x10a: {  	vm10 =	vgt.f32 v38, v6  }
0x10b: {  	v39 =	vsel vm4, $0xFF800000, v15;
	v6 =	vsel vm10, v38, v6  }
0x10c: {  	vm3 =	vgt.f32 v39, v6  }
0x10d: {  	v40 =	vsel vm4, v15, v29;
	v6 =	vsel vm3, v39, v6  }
0x10e: {  	v41 =	vsel vm9, $0x1, v0;
	v6 =	vsub.f32 v6, v40  }
0x10f: {  	(v2sf) =	vpush v43, $0xF;
	v42 =	vsel vm11, $0x2, v41  }
0x110: {  	v45 =	vld [tilespmem:$0x1FEF0];
	v2 =	vsel vm12, $0x3, v42;
	v6 =	vmul.f32 $1.442695020e+00, v6  }
0x111: {  	(v2sf) =	vpush v48, $0xF;
	v2 =	vsel vm13, $0x4, v2  }
0x112: {  	(v2sf) =	vpush v51, $0xF;
	[tilespmem:$0x1FF00] =	vst v19;
	v2 =	vsel vm14, $0x5, v2;
	(erf) = vpow2.f32 v6  }
0x113: {  	(v2sf) =	vpush v54, $0xF;
	v48 =	vld [tilespmem:$0x1FF00];
	v2 =	vsel vm10, $0x6, v2  }
0x114: {  	v37 =	vimm.s32 $0x0;
	(v2sf) =	vpush v56, $0xF;
	v44 =	vsel vm3, $0x7, v2  }
0x115: {  	v8 =	vsel vm15, $0xFFFFFFFF, v37;
	vm1 =	vnez.u8 v45;
	vm15 =	veq.s32 v44, $0x0  }
0x116: {  	(v2sf) =	vpush v57, $0xF;
	vm14 =	veq.s32 v44, $0x1;
	vm2 =	vmor vm1, vm15  }
0x117: {  	(v2sf) =	vpush v59, $0xF;
	[tilespmem:$0x1FF20] =	vst v8;
	vm5 =	vmor vm5, vm14;
	v46 =	vsel vm2, $0x1, v0  }
0x118: {  	v54 =	vld [tilespmem:$0x1FF20];
	vm13 =	veq.s32 v44, $0x2;
	v47 =	vsel vm5, $0x1, v0;
	vm5 =	vnez.u8 v48;
	(xrf0) =	vadd.scan.msk.s32 $0xffff, v46  }
0x119: {  	(v2sf) =	vpush v61, $0xF;
	vm12 =	veq.s32 v44, $0x3;
	vm0 =	vmor vm5, vm13  }
0x11a: {  	vm11 =	veq.s32 v44, $0x4;
	vm2 =	vmor vm8, vm12;
	(xrf0) =	vadd.scan.msk.s32 $0xffff, v47;
	v49 =	vsel vm0, $0x1, v0  }
0x11b: {  	vm9 =	veq.s32 v44, $0x5;
	v50 =	vsel vm2, $0x1, v0;
	vm0 =	vmor vm7, vm11;
	(xrf0) =	vadd.scan.msk.s32 $0xffff, v49;
	v43 =	vpop (erf)  }
0x11c: {  	v51 =	vsel vm0, $0x1, v0;
	vm0 =	vmneg vm3;
	(xrf0) =	vadd.scan.msk.s32 $0xffff, v50;
	v3 =	vadd.f32 $1.000000000e+00, v43  }
0x11d: {  	v61 =	vld [tilespmem:$0x1FF10];
	vm2 =	vmor vm6, vm9;
	vm10 =	vmand vm0, vm10;
	vm0 =	vnez.u8 v54  }
0x11e: {  	s16 =	spop (v2sf);
	v52 =	vsel vm2, $0x1, v0;
	(xrf0) =	vadd.scan.msk.s32 $0xffff, v51;
	vm0 =	vmor vm0, vm10;
	v2, _, _ =	vpop (xrf0);
	(erf) = vrcp.f32 v3  }
0x11f: {  	s5 =	sadd.s32 s5, s16;
	vm2 =	vmor vm4, vm3;
	v55 =	vsel vm0, $0x1, v0;
	(xrf0) =	vadd.scan.msk.s32 $0xffff, v52;
	v57 =	vsub.s32 v2, v46  }
0x120: {  	s17 =	spop (v2sf);
	v31 =	vor.u32 $0x200, v1;
	v56 =	vsel vm2, $0x1, v0;
	v14 =	vadd.s32 s5, v57;
	v3, _, _ =	vpop (xrf0);
	(xrf0) =	vadd.scan.msk.s32 $0xffff, v55  }
0x121: {  	s6 =	sadd.s32 s6, s17;
	s18 =	spop (v2sf);
	v60 =	vnsel vm1, $0x0, v14;
	v14 =	vnsel vm15, $0x0, v14;
	v59 =	vsub.s32 v3, v47;
	v5, _, _ =	vpop (xrf0)  }
0x122: {  	s7 =	sadd.s32 s7, s18;
	s19 =	spop (v2sf);
	v32 =	vld [tilespmem:$0x1FF20];
	vm15 =	vnez.u8 v61;
	(xrf0) =	vadd.scan.msk.s32 $0xffff, v56;
	v16 =	vadd.s32 s6, v59;
	v7 =	vsub.s32 v5, v49;
	v18, _, _ =	vpop (xrf0)  }
0x123: {  	s8 =	sadd.s32 s8, s19;
	v17 =	vsel vm15, v16, v60;
	v7 =	vadd.s32 s7, v7;
	v8 =	vsub.s32 v18, v50  }
0x124: {  	s20 =	spop (v2sf);
	v14 =	vsel vm14, v16, v14;
	v63, _, _ =	vpop (xrf0);
	v62 =	vsel vm5, v7, v17;
	v8 =	vadd.s32 s8, v8  }
0x125: {  	s9 =	sadd.s32 s9, s20;
	s21 =	spop (v2sf);
	v7 =	vsel vm13, v7, v14;
	v9 =	vsub.s32 v63, v51;
	v24, _, _ =	vpop (xrf0);
	v16 =	vsel vm8, v8, v62  }
0x126: {  	s10 =	sadd.s32 s10, s21;
	v9 =	vadd.s32 s9, v9;
	v10 =	vsub.s32 v24, v52;
	v7 =	vsel vm12, v8, v7;
	v26, _, _ =	vpop (xrf0)  }
0x127: {  	s22 =	spop (v2sf);
	vm8 =	vnez.u8 v32;
	v25 =	vsel vm7, v9, v16;
	v10 =	vadd.s32 s10, v10;
	v53 =	vpop (erf)  }
0x128: {  	s11 =	sadd.s32 s11, s22;
	s23 =	spop (v2sf);
	[tilespmem:$0x430] =	vst v4;
	v7 =	vsel vm11, v9, v7;
	v8 =	vsel vm6, v10, v25;
	v27 =	vsub.s32 v26, v55;
	v28, _, _ =	vpop (xrf0)  }
0x129: {  	s12 =	sadd.s32 s12, s23;
	[tilespmem:$0x4B0] =	vst v44;
	v58 =	vsub.f32 $1.000000000e+00, v53;
	v29 =	vadd.s32 s11, v27;
	v30 =	vsub.s32 v28, v56  }
0x12a: {  	v7 =	vsel vm9, v10, v7;
	[tilespmem:$0x530] =	vst v53;
	v8 =	vsel vm8, v29, v8;
	v9 =	vadd.s32 s12, v30  }
0x12b: {  	v34 =	vor.u32 $0x201, v1;
	v4 =	vsel vm10, v29, v7;
	v33 =	vsel vm4, v9, v8;
	[tilespmem:$0x5B0] =	vst v58  }
0x12c: {  	v4 =	vsel vm3, v9, v4;
	[tilespmem:$0x630] =	vst v33  }
0x12d: {  	v35 =	vor.u32 $0x202, v1;
	[tilespmem:$0x6B0] =	vst v4  }
0x12e: {  	v6 =	vld.idx.msk [tilespmem:v31+s1+$0x0], $0xffff  }
0x12f: {  	v36 =	vor.u32 $0x203, v1  }
0x130: {  	v8 =	vld.idx.msk [tilespmem:v34+s1+$0x0], $0xffff  }
0x131: {  	v37 =	vor.u32 $0x204, v1  }
0x132: {  	v38 =	vld.idx.msk [tilespmem:v35+s1+$0x0], $0xffff  }
0x133: {  	v39 =	vor.u32 $0x205, v1;
	vm9 =	vgt.f32 v6, $-Inf  }
0x134: {  	v7 =	vld.idx.msk [tilespmem:v36+s1+$0x0], $0xffff;
	v40 =	vnsel vm9, $0xFF800000, v6  }
0x135: {  	v41 =	vor.u32 $0x206, v1;
	vm0 =	vgt.f32 v8, v40  }
0x136: {  	v9 =	vld.idx.msk [tilespmem:v37+s1+$0x0], $0xffff;
	v11 =	vsel vm0, v8, v40  }
0x137: {  	v42 =	vor.u32 $0x207, v1;
	vm10 =	vgt.f32 v38, v11  }
0x138: {  	v43 =	vld.idx.msk [tilespmem:v39+s1+$0x0], $0xffff;
	v44 =	vsel vm10, v38, v11  }
0x139: {  	vm11 =	vgt.f32 v7, v44  }
0x13a: {  	v45 =	vld.idx.msk [tilespmem:v41+s1+$0x0], $0xffff;
	v4 =	vsel vm11, v7, v44  }
0x13b: {  	vm12 =	vgt.f32 v9, v4  }
0x13c: {  	v46 =	vld.idx.msk [tilespmem:v42+s1+$0x0], $0xffff;
	v47 =	vsel vm0, $0x1, v0;
	v4 =	vsel vm12, v9, v4  }
0x13d: {  	v15 =	vsel vm10, $0x2, v47;
	vm13 =	vgt.f32 v43, v4  }
0x13e: {  	v15 =	vsel vm11, $0x3, v15;
	v4 =	vsel vm13, v43, v4  }
0x13f: {  	v15 =	vsel vm12, $0x4, v15;
	vm1 =	vgt.f32 v45, v4  }
0x140: {  	v15 =	vsel vm13, $0x5, v15;
	v48 =	vsel vm1, v45, v4  }
0x141: {  	v49 =	vsel vm1, $0x6, v15;
	vm4 =	vgt.f32 v46, v48  }
0x142: {  	v4 =	vsel vm4, $0x7, v49  }
0x143: {  	vm14 =	veq.s32 v4, $0x0  }
0x144: {  	v50 =	vimm.s32 $0x0;
	v6 =	vsel vm14, $0xFF800000, v6  }
0x145: {  	v51 =	vimm.s32 $0x0;
	vm5 =	veq.s32 v4, $0x1;
	vm15 =	vgt.f32 v6, $-Inf  }
0x146: {  	v52 =	vimm.s32 $0x0;
	v8 =	vsel vm5, $0xFF800000, v8;
	v6 =	vnsel vm15, $0xFF800000, v6  }
0x147: {  	vm8 =	veq.s32 v4, $0x2;
	v15 =	vsel vm14, $0xFFFFFFFF, v50;
	vm9 =	vgt.f32 v8, v6  }
0x148: {  	v53 =	vsel vm8, $0xFF800000, v38;
	[tilespmem:$0x1FF30] =	vst v15;
	v15 =	vsel vm5, $0xFFFFFFFF, v51;
	v6 =	vsel vm9, v8, v6  }
0x149: {  	[tilespmem:$0x1FF50] =	vst v15;
	v15 =	vsel vm8, $0xFFFFFFFF, v52;
	vm8 =	veq.s32 v4, $0x3;
	vm11 =	vgt.f32 v53, v6  }
0x14a: {  	v7 =	vsel vm8, $0xFF800000, v7;
	v6 =	vsel vm11, v53, v6  }
0x14b: {  	vm7 =	veq.s32 v4, $0x4;
	vm12 =	vgt.f32 v7, v6  }
0x14c: {  	v54 =	vsel vm7, $0xFF800000, v9;
	v6 =	vsel vm12, v7, v6  }
0x14d: {  	vm6 =	veq.s32 v4, $0x5;
	vm13 =	vgt.f32 v54, v6  }
0x14e: {  	vm10 =	vmneg vm4;
	v55 =	vsel vm6, $0xFF800000, v43;
	v6 =	vsel vm13, v54, v6  }
0x14f: {  	vm15 =	vmand vm10, vm1;
	vm14 =	vgt.f32 v55, v6  }
0x150: {  	v57 =	vsel vm15, $0xFF800000, v45;
	v6 =	vsel vm14, v55, v6  }
0x151: {  	vm10 =	vgt.f32 v57, v6  }
0x152: {  	v58 =	vsel vm4, $0xFF800000, v46;
	v6 =	vsel vm10, v57, v6  }
0x153: {  	vm3 =	vgt.f32 v58, v6  }
0x154: {  	v59 =	vsel vm4, v46, v48;
	v6 =	vsel vm3, v58, v6  }
0x155: {  	v60 =	vsel vm9, $0x1, v0;
	v6 =	vsub.f32 v6, v59  }
0x156: {  	(v2sf) =	vpush v2, $0xF;
	v61 =	vsel vm11, $0x2, v60  }
0x157: {  	v20 =	vld [tilespmem:$0x1FF30];
	v2 =	vsel vm12, $0x3, v61;
	v6 =	vmul.f32 $1.442695020e+00, v6  }
0x158: {  	(v2sf) =	vpush v3, $0xF;
	v2 =	vsel vm13, $0x4, v2  }
0x159: {  	(v2sf) =	vpush v5, $0xF;
	[tilespmem:$0x1FF40] =	vst v15;
	v2 =	vsel vm14, $0x5, v2;
	(erf) = vpow2.f32 v6  }
0x15a: {  	(v2sf) =	vpush v18, $0xF;
	v23 =	vld [tilespmem:$0x1FF40];
	v2 =	vsel vm10, $0x6, v2  }
0x15b: {  	(v2sf) =	vpush v63, $0xF;
	v56 =	vimm.s32 $0x0;
	v63 =	vsel vm3, $0x7, v2  }
0x15c: {  	v8 =	vsel vm15, $0xFFFFFFFF, v56;
	vm1 =	vnez.u8 v20;
	vm15 =	veq.s32 v63, $0x0  }
0x15d: {  	(v2sf) =	vpush v24, $0xF;
	vm14 =	veq.s32 v63, $0x1;
	vm2 =	vmor vm1, vm15  }
0x15e: {  	(v2sf) =	vpush v26, $0xF;
	[tilespmem:$0x1FF60] =	vst v8;
	vm5 =	vmor vm5, vm14;
	v21 =	vsel vm2, $0x1, v0  }
0x15f: {  	v29 =	vld [tilespmem:$0x1FF60];
	vm13 =	veq.s32 v63, $0x2;
	v22 =	vsel vm5, $0x1, v0;
	vm5 =	vnez.u8 v23;
	(xrf0) =	vadd.scan.msk.s32 $0xffff, v21  }
0x160: {  	(v2sf) =	vpush v28, $0xF;
	vm12 =	veq.s32 v63, $0x3;
	vm0 =	vmor vm5, vm13  }
0x161: {  	vm11 =	veq.s32 v63, $0x4;
	vm2 =	vmor vm8, vm12;
	(xrf0) =	vadd.scan.msk.s32 $0xffff, v22;
	v24 =	vsel vm0, $0x1, v0  }
0x162: {  	vm9 =	veq.s32 v63, $0x5;
	v25 =	vsel vm2, $0x1, v0;
	vm0 =	vmor vm7, vm11;
	(xrf0) =	vadd.scan.msk.s32 $0xffff, v24;
	v62 =	vpop (erf)  }
0x163: {  	v26 =	vsel vm0, $0x1, v0;
	vm0 =	vmneg vm3;
	(xrf0) =	vadd.scan.msk.s32 $0xffff, v25;
	v3 =	vadd.f32 $1.000000000e+00, v62  }
0x164: {  	v36 =	vld [tilespmem:$0x1FF50];
	vm2 =	vmor vm6, vm9;
	vm10 =	vmand vm0, vm10;
	vm0 =	vnez.u8 v29  }
0x165: {  	s24 =	spop (v2sf);
	v27 =	vsel vm2, $0x1, v0;
	(xrf0) =	vadd.scan.msk.s32 $0xffff, v26;
	vm0 =	vmor vm0, vm10;
	v2, _, _ =	vpop (xrf0);
	(erf) = vrcp.f32 v3  }
0x166: {  	s5 =	sadd.s32 s5, s24;
	vm2 =	vmor vm4, vm3;
	v30 =	vsel vm0, $0x1, v0;
	(xrf0) =	vadd.scan.msk.s32 $0xffff, v27;
	v32 =	vsub.s32 v2, v21  }
0x167: {  	s25 =	spop (v2sf);
	v46 =	vor.u32 $0x280, v1;
	v31 =	vsel vm2, $0x1, v0;
	v14 =	vadd.s32 s5, v32;
	v3, _, _ =	vpop (xrf0);
	(xrf0) =	vadd.scan.msk.s32 $0xffff, v30  }
0x168: {  	s6 =	sadd.s32 s6, s25;
	s26 =	spop (v2sf);
	v35 =	vnsel vm1, $0x0, v14;
	v14 =	vnsel vm15, $0x0, v14;
	v34 =	vsub.s32 v3, v22;
	v5, _, _ =	vpop (xrf0)  }
0x169: {  	s7 =	sadd.s32 s7, s26;
	s28 =	spop (v2sf);
	v47 =	vld [tilespmem:$0x1FF60];
	vm15 =	vnez.u8 v36;
	(xrf0) =	vadd.scan.msk.s32 $0xffff, v31;
	v16 =	vadd.s32 s6, v34;
	v7 =	vsub.s32 v5, v24;
	v18, _, _ =	vpop (xrf0)  }
0x16a: {  	s8 =	sadd.s32 s8, s28;
	v17 =	vsel vm15, v16, v35;
	v7 =	vadd.s32 s7, v7;
	v8 =	vsub.s32 v18, v25  }
0x16b: {  	s29 =	spop (v2sf);
	v14 =	vsel vm14, v16, v14;
	v38, _, _ =	vpop (xrf0);
	v37 =	vsel vm5, v7, v17;
	v8 =	vadd.s32 s8, v8  }
0x16c: {  	s9 =	sadd.s32 s9, s29;
	s30 =	spop (v2sf);
	v7 =	vsel vm13, v7, v14;
	v9 =	vsub.s32 v38, v26;
	v39, _, _ =	vpop (xrf0);
	v16 =	vsel vm8, v8, v37  }
0x16d: {  	s10 =	sadd.s32 s10, s30;
	v9 =	vadd.s32 s9, v9;
	v10 =	vsub.s32 v39, v27;
	v7 =	vsel vm12, v8, v7;
	v41, _, _ =	vpop (xrf0)  }
0x16e: {  	s31 =	spop (v2sf);
	vm8 =	vnez.u8 v47;
	v40 =	vsel vm7, v9, v16;
	v10 =	vadd.s32 s10, v10;
	v28 =	vpop (erf)  }
0x16f: {  	s11 =	sadd.s32 s11, s31;
	s14 =	spop (v2sf);
	[tilespmem:$0x440] =	vst v4;
	v7 =	vsel vm11, v9, v7;
	v8 =	vsel vm6, v10, v40;
	v42 =	vsub.s32 v41, v30;
	v43, _, _ =	vpop (xrf0)  }
0x170: {  	s12 =	sadd.s32 s12, s14;
	[tilespmem:$0x4C0] =	vst v63;
	v33 =	vsub.f32 $1.000000000e+00, v28;
	v44 =	vadd.s32 s11, v42;
	v45 =	vsub.s32 v43, v31  }
0x171: {  	v7 =	vsel vm9, v10, v7;
	[tilespmem:$0x540] =	vst v28;
	v8 =	vsel vm8, v44, v8;
	v9 =	vadd.s32 s12, v45  }
0x172: {  	v49 =	vor.u32 $0x281, v1;
	v4 =	vsel vm10, v44, v7;
	v48 =	vsel vm4, v9, v8;
	[tilespmem:$0x5C0] =	vst v33  }
0x173: {  	v4 =	vsel vm3, v9, v4;
	[tilespmem:$0x640] =	vst v48  }
0x174: {  	v50 =	vor.u32 $0x282, v1;
	[tilespmem:$0x6C0] =	vst v4  }
0x175: {  	v6 =	vld.idx.msk [tilespmem:v46+s1+$0x0], $0xffff  }
0x176: {  	v51 =	vor.u32 $0x283, v1  }
0x177: {  	v8 =	vld.idx.msk [tilespmem:v49+s1+$0x0], $0xffff  }
0x178: {  	v52 =	vor.u32 $0x284, v1  }
0x179: {  	v53 =	vld.idx.msk [tilespmem:v50+s1+$0x0], $0xffff  }
0x17a: {  	v54 =	vor.u32 $0x285, v1;
	vm9 =	vgt.f32 v6, $-Inf  }
0x17b: {  	v7 =	vld.idx.msk [tilespmem:v51+s1+$0x0], $0xffff;
	v55 =	vnsel vm9, $0xFF800000, v6  }
0x17c: {  	v56 =	vor.u32 $0x286, v1;
	vm0 =	vgt.f32 v8, v55  }
0x17d: {  	v9 =	vld.idx.msk [tilespmem:v52+s1+$0x0], $0xffff;
	v11 =	vsel vm0, v8, v55  }
0x17e: {  	v57 =	vor.u32 $0x287, v1;
	vm10 =	vgt.f32 v53, v11  }
0x17f: {  	v58 =	vld.idx.msk [tilespmem:v54+s1+$0x0], $0xffff;
	v59 =	vsel vm10, v53, v11  }
0x180: {  	vm11 =	vgt.f32 v7, v59  }
0x181: {  	v60 =	vld.idx.msk [tilespmem:v56+s1+$0x0], $0xffff;
	v4 =	vsel vm11, v7, v59  }
0x182: {  	vm12 =	vgt.f32 v9, v4  }
0x183: {  	v61 =	vld.idx.msk [tilespmem:v57+s1+$0x0], $0xffff;
	v62 =	vsel vm0, $0x1, v0;
	v4 =	vsel vm12, v9, v4  }
0x184: {  	v15 =	vsel vm10, $0x2, v62;
	vm13 =	vgt.f32 v58, v4  }
0x185: {  	v15 =	vsel vm11, $0x3, v15;
	v4 =	vsel vm13, v58, v4  }
0x186: {  	v15 =	vsel vm12, $0x4, v15;
	vm1 =	vgt.f32 v60, v4  }
0x187: {  	v15 =	vsel vm13, $0x5, v15;
	v63 =	vsel vm1, v60, v4  }
0x188: {  	v23 =	vsel vm1, $0x6, v15;
	vm4 =	vgt.f32 v61, v63  }
0x189: {  	v4 =	vsel vm4, $0x7, v23  }
0x18a: {  	vm14 =	veq.s32 v4, $0x0  }
0x18b: {  	v24 =	vimm.s32 $0x0;
	v6 =	vsel vm14, $0xFF800000, v6  }
0x18c: {  	v25 =	vimm.s32 $0x0;
	vm5 =	veq.s32 v4, $0x1;
	vm15 =	vgt.f32 v6, $-Inf  }
0x18d: {  	v26 =	vimm.s32 $0x0;
	v8 =	vsel vm5, $0xFF800000, v8;
	v6 =	vnsel vm15, $0xFF800000, v6  }
0x18e: {  	vm8 =	veq.s32 v4, $0x2;
	v15 =	vsel vm14, $0xFFFFFFFF, v24;
	vm9 =	vgt.f32 v8, v6  }
0x18f: {  	v27 =	vsel vm8, $0xFF800000, v53;
	[tilespmem:$0x1FF70] =	vst v15;
	v15 =	vsel vm5, $0xFFFFFFFF, v25;
	v6 =	vsel vm9, v8, v6  }
0x190: {  	[tilespmem:$0x1FF90] =	vst v15;
	v15 =	vsel vm8, $0xFFFFFFFF, v26;
	vm8 =	veq.s32 v4, $0x3;
	vm11 =	vgt.f32 v27, v6  }
0x191: {  	v7 =	vsel vm8, $0xFF800000, v7;
	v6 =	vsel vm11, v27, v6  }
0x192: {  	vm7 =	veq.s32 v4, $0x4;
	vm12 =	vgt.f32 v7, v6  }
0x193: {  	v28 =	vsel vm7, $0xFF800000, v9;
	v6 =	vsel vm12, v7, v6  }
0x194: {  	vm6 =	veq.s32 v4, $0x5;
	vm13 =	vgt.f32 v28, v6  }
0x195: {  	vm10 =	vmneg vm4;
	v29 =	vsel vm6, $0xFF800000, v58;
	v6 =	vsel vm13, v28, v6  }
0x196: {  	vm15 =	vmand vm10, vm1;
	vm14 =	vgt.f32 v29, v6  }
0x197: {  	v31 =	vsel vm15, $0xFF800000, v60;
	v6 =	vsel vm14, v29, v6  }
0x198: {  	vm10 =	vgt.f32 v31, v6  }
0x199: {  	v32 =	vsel vm4, $0xFF800000, v61;
	v6 =	vsel vm10, v31, v6  }
0x19a: {  	(v2sf) =	vpush v2, $0xF;
	vm3 =	vgt.f32 v32, v6  }
0x19b: {  	(v2sf) =	vpush v3, $0xF;
	v33 =	vsel vm4, v61, v63;
	v6 =	vsel vm3, v32, v6  }
0x19c: {  	(v2sf) =	vpush v5, $0xF;
	v34 =	vsel vm9, $0x1, v0;
	v6 =	vsub.f32 v6, v33  }
0x19d: {  	(v2sf) =	vpush v18, $0xF;
	v35 =	vsel vm11, $0x2, v34  }
0x19e: {  	(v2sf) =	vpush v38, $0xF;
	v38 =	vld [tilespmem:$0x1FF70];
	v2 =	vsel vm12, $0x3, v35;
	v6 =	vmul.f32 $1.442695020e+00, v6  }
0x19f: {  	v2 =	vsel vm13, $0x4, v2  }
0x1a0: {  	(v2sf) =	vpush v39, $0xF;
	[tilespmem:$0x1FF80] =	vst v15;
	v2 =	vsel vm14, $0x5, v2;
	(erf) = vpow2.f32 v6  }
0x1a1: {  	(v2sf) =	vpush v41, $0xF;
	v41 =	vld [tilespmem:$0x1FF80];
	v2 =	vsel vm10, $0x6, v2  }
0x1a2: {  	v30 =	vimm.s32 $0x0;
	v37 =	vsel vm3, $0x7, v2  }
0x1a3: {  	v8 =	vsel vm15, $0xFFFFFFFF, v30;
	vm1 =	vnez.u8 v38;
	vm15 =	veq.s32 v37, $0x0  }
0x1a4: {  	vm14 =	veq.s32 v37, $0x1;
	vm2 =	vmor vm1, vm15  }
0x1a5: {  	[tilespmem:$0x1FFA0] =	vst v8;
	vm5 =	vmor vm5, vm14;
	v39 =	vsel vm2, $0x1, v0  }
0x1a6: {  	v47 =	vld [tilespmem:$0x1FFA0];
	vm13 =	veq.s32 v37, $0x2;
	v40 =	vsel vm5, $0x1, v0;
	vm5 =	vnez.u8 v41;
	(xrf0) =	vadd.scan.msk.s32 $0xffff, v39  }
0x1a7: {  	(v2sf) =	vpush v43, $0xF;
	vm12 =	veq.s32 v37, $0x3;
	vm0 =	vmor vm5, vm13  }
0x1a8: {  	vm11 =	veq.s32 v37, $0x4;
	vm2 =	vmor vm8, vm12;
	(xrf0) =	vadd.scan.msk.s32 $0xffff, v40;
	v42 =	vsel vm0, $0x1, v0  }
0x1a9: {  	vm9 =	veq.s32 v37, $0x5;
	v43 =	vsel vm2, $0x1, v0;
	vm0 =	vmor vm7, vm11;
	(xrf0) =	vadd.scan.msk.s32 $0xffff, v42;
	v36 =	vpop (erf)  }
0x1aa: {  	v44 =	vsel vm0, $0x1, v0;
	vm0 =	vmneg vm3;
	(xrf0) =	vadd.scan.msk.s32 $0xffff, v43;
	v3 =	vadd.f32 $1.000000000e+00, v36  }
0x1ab: {  	v55 =	vld [tilespmem:$0x1FF90];
	vm2 =	vmor vm6, vm9;
	vm10 =	vmand vm0, vm10;
	vm0 =	vnez.u8 v47  }
0x1ac: {  	s15 =	spop (v2sf);
	v45 =	vsel vm2, $0x1, v0;
	(xrf0) =	vadd.scan.msk.s32 $0xffff, v44;
	vm0 =	vmor vm0, vm10;
	v2, _, _ =	vpop (xrf0);
	(erf) = vrcp.f32 v3  }
0x1ad: {  	s5 =	sadd.s32 s5, s15;
	vm2 =	vmor vm4, vm3;
	v48 =	vsel vm0, $0x1, v0;
	(xrf0) =	vadd.scan.msk.s32 $0xffff, v45;
	v50 =	vsub.s32 v2, v39  }
0x1ae: {  	s16 =	spop (v2sf);
	v26 =	vor.u32 $0x300, v1;
	v49 =	vsel vm2, $0x1, v0;
	v14 =	vadd.s32 s5, v50;
	v3, _, _ =	vpop (xrf0);
	(xrf0) =	vadd.scan.msk.s32 $0xffff, v48  }
0x1af: {  	s6 =	sadd.s32 s6, s16;
	s17 =	spop (v2sf);
	v54 =	vnsel vm1, $0x0, v14;
	v14 =	vnsel vm15, $0x0, v14;
	v52 =	vsub.s32 v3, v40;
	v53, _, _ =	vpop (xrf0)  }
0x1b0: {  	s7 =	sadd.s32 s7, s17;
	s18 =	spop (v2sf);
	v27 =	vld [tilespmem:$0x1FFA0];
	vm15 =	vnez.u8 v55;
	(xrf0) =	vadd.scan.msk.s32 $0xffff, v49;
	v16 =	vadd.s32 s6, v52;
	v7 =	vsub.s32 v53, v42;
	v56, _, _ =	vpop (xrf0)  }
0x1b1: {  	s8 =	sadd.s32 s8, s18;
	v17 =	vsel vm15, v16, v54;
	v7 =	vadd.s32 s7, v7;
	v8 =	vsub.s32 v56, v43  }
0x1b2: {  	s19 =	spop (v2sf);
	v14 =	vsel vm14, v16, v14;
	v58, _, _ =	vpop (xrf0);
	v57 =	vsel vm5, v7, v17;
	v8 =	vadd.s32 s8, v8  }
0x1b3: {  	s13 =	sadd.s32 s9, s19;
	s20 =	spop (v2sf);
	v7 =	vsel vm13, v7, v14;
	v9 =	vsub.s32 v58, v44;
	v59, _, _ =	vpop (xrf0);
	v16 =	vsel vm8, v8, v57  }
0x1b4: {  	s14 =	sadd.s32 s10, s20;
	v9 =	vadd.s32 s13, v9;
	v10 =	vsub.s32 v59, v45;
	v7 =	vsel vm12, v8, v7;
	v61, _, _ =	vpop (xrf0)  }
0x1b5: {  	s21 =	spop (v2sf);
	vm8 =	vnez.u8 v27;
	v60 =	vsel vm7, v9, v16;
	v10 =	vadd.s32 s14, v10;
	v46 =	vpop (erf)  }
0x1b6: {  	s15 =	sadd.s32 s11, s21;
	s22 =	spop (v2sf);
	[tilespmem:$0x450] =	vst v4;
	v7 =	vsel vm11, v9, v7;
	v8 =	vsel vm6, v10, v60;
	v62 =	vsub.s32 v61, v48;
	v63, _, _ =	vpop (xrf0)  }
0x1b7: {  	s16 =	sadd.s32 s12, s22;
	[tilespmem:$0x4D0] =	vst v37;
	v51 =	vsub.f32 $1.000000000e+00, v46;
	v24 =	vadd.s32 s15, v62;
	v25 =	vsub.s32 v63, v49  }
0x1b8: {  	v7 =	vsel vm9, v10, v7;
	[tilespmem:$0x550] =	vst v46;
	v8 =	vsel vm8, v24, v8;
	v9 =	vadd.s32 s16, v25  }
0x1b9: {  	v29 =	vor.u32 $0x301, v1;
	v4 =	vsel vm10, v24, v7;
	v28 =	vsel vm4, v9, v8;
	[tilespmem:$0x5D0] =	vst v51  }
0x1ba: {  	v4 =	vsel vm3, v9, v4;
	[tilespmem:$0x650] =	vst v28  }
0x1bb: {  	v30 =	vor.u32 $0x302, v1;
	[tilespmem:$0x6D0] =	vst v4  }
0x1bc: {  	v7 =	vld.idx.msk [tilespmem:v26+s1+$0x0], $0xffff  }
0x1bd: {  	v31 =	vor.u32 $0x303, v1  }
0x1be: {  	v8 =	vld.idx.msk [tilespmem:v29+s1+$0x0], $0xffff  }
0x1bf: {  	v32 =	vor.u32 $0x304, v1  }
0x1c0: {  	v4 =	vld.idx.msk [tilespmem:v30+s1+$0x0], $0xffff  }
0x1c1: {  	v33 =	vor.u32 $0x305, v1;
	vm9 =	vgt.f32 v7, $-Inf  }
0x1c2: {  	v11 =	vld.idx.msk [tilespmem:v31+s1+$0x0], $0xffff;
	v34 =	vnsel vm9, $0xFF800000, v7  }
0x1c3: {  	v35 =	vor.u32 $0x306, v1;
	vm0 =	vgt.f32 v8, v34  }
0x1c4: {  	v9 =	vld.idx.msk [tilespmem:v32+s1+$0x0], $0xffff;
	v5 =	vsel vm0, v8, v34  }
0x1c5: {  	v36 =	vor.u32 $0x307, v1;
	vm10 =	vgt.f32 v4, v5  }
0x1c6: {  	v10 =	vld.idx.msk [tilespmem:v33+s1+$0x0], $0xffff;
	v5 =	vsel vm10, v4, v5  }
0x1c7: {  	vm11 =	vgt.f32 v11, v5  }
0x1c8: {  	v13 =	vld.idx.msk [tilespmem:v35+s1+$0x0], $0xffff;
	v5 =	vsel vm11, v11, v5  }
0x1c9: {  	vm12 =	vgt.f32 v9, v5  }
0x1ca: {  	v15 =	vld.idx.msk [tilespmem:v36+s1+$0x0], $0xffff;
	v37 =	vsel vm0, $0x1, v0;
	v5 =	vsel vm12, v9, v5  }
0x1cb: {  	v19 =	vsel vm10, $0x2, v37;
	vm13 =	vgt.f32 v10, v5  }
0x1cc: {  	v19 =	vsel vm11, $0x3, v19;
	v5 =	vsel vm13, v10, v5  }
0x1cd: {  	v19 =	vsel vm12, $0x4, v19;
	vm1 =	vgt.f32 v13, v5  }
0x1ce: {  	v19 =	vsel vm13, $0x5, v19;
	v38 =	vsel vm1, v13, v5  }
0x1cf: {  	v39 =	vsel vm1, $0x6, v19;
	vm4 =	vgt.f32 v15, v38  }
0x1d0: {  	v5 =	vsel vm4, $0x7, v39  }
0x1d1: {  	vm14 =	veq.s32 v5, $0x0  }
0x1d2: {  	v41 =	vimm.s32 $0x0;
	v7 =	vsel vm14, $0xFF800000, v7  }
0x1d3: {  	v40 =	vimm.s32 $0x0;
	vm5 =	veq.s32 v5, $0x1;
	vm15 =	vgt.f32 v7, $-Inf  }
0x1d4: {  	v42 =	vimm.s32 $0x0;
	v8 =	vsel vm5, $0xFF800000, v8;
	v7 =	vnsel vm15, $0xFF800000, v7  }
0x1d5: {  	vm8 =	veq.s32 v5, $0x2;
	v19 =	vsel vm14, $0xFFFFFFFF, v40;
	vm9 =	vgt.f32 v8, v7  }
0x1d6: {  	v4 =	vsel vm8, $0xFF800000, v4;
	[tilespmem:$0x1FFB0] =	vst v19;
	v19 =	vsel vm5, $0xFFFFFFFF, v41;
	v7 =	vsel vm9, v8, v7  }
0x1d7: {  	[tilespmem:$0x1FFD0] =	vst v19;
	v19 =	vsel vm8, $0xFFFFFFFF, v42;
	vm8 =	veq.s32 v5, $0x3;
	vm11 =	vgt.f32 v4, v7  }
0x1d8: {  	v43 =	vsel vm8, $0xFF800000, v11;
	v4 =	vsel vm11, v4, v7  }
0x1d9: {  	vm7 =	veq.s32 v5, $0x4;
	vm12 =	vgt.f32 v43, v4  }
0x1da: {  	(v2sf) =	vpush v2, $0xF;
	v44 =	vsel vm7, $0xFF800000, v9;
	v4 =	vsel vm12, v43, v4  }
0x1db: {  	(v2sf) =	vpush v3, $0xF;
	vm6 =	veq.s32 v5, $0x5;
	vm13 =	vgt.f32 v44, v4  }
0x1dc: {  	vm10 =	vmneg vm4;
	v45 =	vsel vm6, $0xFF800000, v10;
	v4 =	vsel vm13, v44, v4  }
0x1dd: {  	(v2sf) =	vpush v53, $0xF;
	vm15 =	vmand vm10, vm1;
	vm14 =	vgt.f32 v45, v4  }
0x1de: {  	v47 =	vsel vm15, $0xFF800000, v13;
	v50 =	vsel vm9, $0x1, v0;
	v4 =	vsel vm14, v45, v4  }
0x1df: {  	(v2sf) =	vpush v56, $0xF;
	v51 =	vsel vm11, $0x2, v50;
	vm10 =	vgt.f32 v47, v4  }
0x1e0: {  	v48 =	vsel vm4, $0xFF800000, v15;
	v54 =	vld [tilespmem:$0x1FFB0];
	v2 =	vsel vm12, $0x3, v51;
	v4 =	vsel vm10, v47, v4  }
0x1e1: {  	(v2sf) =	vpush v58, $0xF;
	v2 =	vsel vm13, $0x4, v2;
	vm3 =	vgt.f32 v48, v4  }
0x1e2: {  	v49 =	vsel vm4, v15, v38;
	[tilespmem:$0x1FFC0] =	vst v19;
	v2 =	vsel vm14, $0x5, v2;
	v4 =	vsel vm3, v48, v4  }
0x1e3: {  	v46 =	vimm.s32 $0x0;
	v57 =	vld [tilespmem:$0x1FFC0];
	v2 =	vsel vm10, $0x6, v2;
	v4 =	vsub.f32 v4, v49  }
0x1e4: {  	(v2sf) =	vpush v59, $0xF;
	v8 =	vsel vm15, $0xFFFFFFFF, v46;
	v53 =	vsel vm3, $0x7, v2  }
0x1e5: {  	vm1 =	vnez.u8 v54;
	vm15 =	veq.s32 v53, $0x0;
	v4 =	vmul.f32 $1.442695020e+00, v4  }
0x1e6: {  	(v2sf) =	vpush v61, $0xF;
	vm14 =	veq.s32 v53, $0x1;
	vm2 =	vmor vm1, vm15  }
0x1e7: {  	[tilespmem:$0x1FFE0] =	vst v8;
	vm5 =	vmor vm5, vm14;
	v55 =	vsel vm2, $0x1, v0;
	(erf) = vpow2.f32 v4  }
0x1e8: {  	vm13 =	veq.s32 v53, $0x2;
	v56 =	vsel vm5, $0x1, v0;
	vm5 =	vnez.u8 v57;
	(xrf0) =	vadd.scan.msk.s32 $0xffff, v55  }
0x1e9: {  	(v2sf) =	vpush v63, $0xF;
	v21 =	vld [tilespmem:$0x1FFE0];
	vm12 =	veq.s32 v53, $0x3;
	vm0 =	vmor vm5, vm13;
	(xrf0) =	vadd.scan.msk.s32 $0xffff, v56  }
0x1ea: {  	vm11 =	veq.s32 v53, $0x4;
	vm2 =	vmor vm8, vm12;
	v58 =	vsel vm0, $0x1, v0  }
0x1eb: {  	vm9 =	veq.s32 v53, $0x5;
	v59 =	vsel vm2, $0x1, v0;
	vm0 =	vmor vm7, vm11;
	(xrf0) =	vadd.scan.msk.s32 $0xffff, v58  }
0x1ec: {  	vm2 =	vmor vm6, vm9;
	v60 =	vsel vm0, $0x1, v0;
	(xrf0) =	vadd.scan.msk.s32 $0xffff, v59  }
0x1ed: {  	v61 =	vsel vm2, $0x1, v0;
	vm0 =	vmneg vm3;
	(xrf0) =	vadd.scan.msk.s32 $0xffff, v60  }
0x1ee: {  	vm10 =	vmand vm0, vm10;
	vm0 =	vnez.u8 v21;
	v63, _, _ =	vpop (xrf0);
	(xrf0) =	vadd.scan.msk.s32 $0xffff, v61  }
0x1ef: {  	s23 =	spop (v2sf);
	vm0 =	vmor vm0, vm10;
	v24, _, _ =	vpop (xrf0)  }
0x1f0: {  	s24 =	spop (v2sf);
	v22 =	vsel vm0, $0x1, v0;
	v52 =	vpop (erf)  }
0x1f1: {  	s6 =	sadd.s32 s6, s24;
	s25 =	spop (v2sf);
	v28 =	vld [tilespmem:$0x1FFD0];
	vm2 =	vmor vm4, vm3;
	(xrf0) =	vadd.scan.msk.s32 $0xffff, v22;
	v6 =	vsub.s32 v24, v56;
	v26, _, _ =	vpop (xrf0);
	v3 =	vadd.f32 $1.000000000e+00, v52  }
0x1f2: {  	s7 =	sadd.s32 s7, s25;
	s26 =	spop (v2sf);
	v23 =	vsel vm2, $0x1, v0;
	v6 =	vadd.s32 s6, v6;
	v8 =	vsub.s32 v26, v58;
	v29, _, _ =	vpop (xrf0)  }
0x1f3: {  	s28 =	sadd.s32 s8, s26;
	s29 =	spop (v2sf);
	(xrf0) =	vadd.scan.msk.s32 $0xffff, v23;
	v8 =	vadd.s32 s7, v8;
	v9 =	vsub.s32 v29, v59;
	v30, _, _ =	vpop (xrf0);
	(erf) = vrcp.f32 v3  }
0x1f4: {  	s9 =	sadd.s32 s5, s23;
	s30 =	sadd.s32 s13, s29;
	v9 =	vadd.s32 s28, v9;
	v11 =	vsub.s32 v30, v60;
	v31, _, _ =	vpop (xrf0);
	v3 =	vsub.s32 v63, v55  }
0x1f5: {  	s31 =	spop (v2sf);
	v11 =	vadd.s32 s30, v11;
	v12 =	vsub.s32 v31, v61;
	v3 =	vadd.s32 s9, v3  }
0x1f6: {  	s8 =	sadd.s32 s14, s31;
	v37 =	vld [tilespmem:$0x1FFE0];
	v27 =	vnsel vm1, $0x0, v3;
	v3 =	vnsel vm15, $0x0, v3;
	vm15 =	vnez.u8 v28  }
0x1f7: {  	s14 =	spop (v2sf);
	v32, _, _ =	vpop (xrf0);
	v12 =	vadd.s32 s8, v12;
	v17 =	vsel vm15, v6, v27;
	v3 =	vsel vm14, v6, v3  }
0x1f8: {  	s17 =	sadd.s32 s15, s14;
	v14 =	vsub.s32 v32, v22;
	v17 =	vsel vm5, v8, v17;
	v8 =	vsel vm13, v8, v3  }
0x1f9: {  	v33, _, _ =	vpop (xrf0);
	v34 =	vadd.s32 s17, v14;
	v17 =	vsel vm8, v9, v17;
	v9 =	vsel vm12, v9, v8  }
0x1fa: {  	s18 =	spop (v2sf);
	v35 =	vsub.s32 v33, v23;
	v17 =	vsel vm7, v11, v17;
	v11 =	vsel vm11, v11, v9  }
0x1fb: {  	s5 =	sadd.s32 s16, s18;
	[tilespmem:$0x460] =	vst v5;
	v17 =	vsel vm6, v12, v17;
	v11 =	vsel vm9, v12, v11;
	vm9 =	vnez.u8 v37  }
0x1fc: {  	v36 =	vor.u32 $0x380, v1;
	[tilespmem:$0x4E0] =	vst v53;
	v14 =	vadd.s32 s5, v35;
	v12 =	vsel vm9, v34, v17;
	v62 =	vpop (erf)  }
0x1fd: {  	v5 =	vsel vm10, v34, v11;
	v38 =	vsel vm4, v14, v12;
	[tilespmem:$0x560] =	vst v62  }
0x1fe: {  	v39 =	vor.u32 $0x381, v1;
	v5 =	vsel vm3, v14, v5;
	v25 =	vsub.f32 $1.000000000e+00, v62;
	[tilespmem:$0x660] =	vst v38  }
0x1ff: {  	[tilespmem:$0x6E0] =	vst v5  }
0x200: {  	v40 =	vor.u32 $0x382, v1;
	[tilespmem:$0x5E0] =	vst v25  }
0x201: {  	v10 =	vld.idx.msk [tilespmem:v36+s1+$0x0], $0xffff  }
0x202: {  	v41 =	vor.u32 $0x383, v1  }
0x203: {  	v12 =	vld.idx.msk [tilespmem:v39+s1+$0x0], $0xffff  }
0x204: {  	v42 =	vor.u32 $0x384, v1  }
0x205: {  	v5 =	vld.idx.msk [tilespmem:v40+s1+$0x0], $0xffff  }
0x206: {  	v43 =	vor.u32 $0x385, v1;
	vm10 =	vgt.f32 v10, $-Inf  }
0x207: {  	v11 =	vld.idx.msk [tilespmem:v41+s1+$0x0], $0xffff;
	v44 =	vnsel vm10, $0xFF800000, v10  }
0x208: {  	v45 =	vor.u32 $0x386, v1;
	vm0 =	vgt.f32 v12, v44  }
0x209: {  	v13 =	vld.idx.msk [tilespmem:v42+s1+$0x0], $0xffff;
	v15 =	vsel vm0, v12, v44  }
0x20a: {  	v1 =	vor.u32 $0x387, v1;
	vm11 =	vgt.f32 v5, v15  }
0x20b: {  	v14 =	vld.idx.msk [tilespmem:v43+s1+$0x0], $0xffff;
	v15 =	vsel vm11, v5, v15  }
0x20c: {  	vm12 =	vgt.f32 v11, v15  }
0x20d: {  	v16 =	vld.idx.msk [tilespmem:v45+s1+$0x0], $0xffff;
	v15 =	vsel vm12, v11, v15  }
0x20e: {  	vm13 =	vgt.f32 v13, v15  }
0x20f: {  	v46 =	vld.idx.msk [tilespmem:v1+s1+$0x0], $0xffff;
	v47 =	vsel vm0, $0x1, v0;
	v15 =	vsel vm13, v13, v15  }
0x210: {  	v1 =	vsel vm11, $0x2, v47;
	vm14 =	vgt.f32 v14, v15  }
0x211: {  	v1 =	vsel vm12, $0x3, v1;
	v15 =	vsel vm14, v14, v15  }
0x212: {  	v1 =	vsel vm13, $0x4, v1;
	vm1 =	vgt.f32 v16, v15  }
0x213: {  	v1 =	vsel vm14, $0x5, v1;
	v15 =	vsel vm1, v16, v15  }
0x214: {  	v1 =	vsel vm1, $0x6, v1;
	vm8 =	vgt.f32 v46, v15  }
0x215: {  	v1 =	vsel vm8, $0x7, v1  }
0x216: {  	vm14 =	veq.s32 v1, $0x0  }
0x217: {  	v10 =	vsel vm14, $0xFF800000, v10  }
0x218: {  	vm5 =	veq.s32 v1, $0x1;
	vm15 =	vgt.f32 v10, $-Inf  }
0x219: {  	v12 =	vsel vm5, $0xFF800000, v12;
	v10 =	vnsel vm15, $0xFF800000, v10  }
0x21a: {  	vm4 =	veq.s32 v1, $0x2;
	vm9 =	vgt.f32 v12, v10  }
0x21b: {  	v5 =	vsel vm4, $0xFF800000, v5;
	v10 =	vsel vm9, v12, v10  }
0x21c: {  	(v2sf) =	vpush v63, $0xF;
	vm3 =	veq.s32 v1, $0x3;
	vm10 =	vgt.f32 v5, v10  }
0x21d: {  	(v2sf) =	vpush v24, $0xF;
	v49 =	vsel vm3, $0xFF800000, v11;
	v5 =	vsel vm10, v5, v10  }
0x21e: {  	(v2sf) =	vpush v26, $0xF;
	vm6 =	veq.s32 v1, $0x4;
	vm11 =	vgt.f32 v49, v5  }
0x21f: {  	(v2sf) =	vpush v29, $0xF;
	v50 =	vsel vm6, $0xFF800000, v13;
	v5 =	vsel vm11, v49, v5  }
0x220: {  	vm2 =	vmneg vm8;
	vm7 =	veq.s32 v1, $0x5;
	vm12 =	vgt.f32 v50, v5  }
0x221: {  	v51 =	vsel vm7, $0xFF800000, v14;
	v53 =	vsel vm9, $0x1, v0;
	v5 =	vsel vm12, v50, v5  }
0x222: {  	vm2 =	vmand vm2, vm1;
	v11 =	vsel vm10, $0x2, v53;
	vm13 =	vgt.f32 v51, v5  }
0x223: {  	v52 =	vsel vm2, $0xFF800000, v16;
	v11 =	vsel vm11, $0x3, v11;
	v5 =	vsel vm13, v51, v5  }
0x224: {  	(v2sf) =	vpush v30, $0xF;
	v11 =	vsel vm12, $0x4, v11;
	vm9 =	vgt.f32 v52, v5  }
0x225: {  	v54 =	vsel vm8, $0xFF800000, v46;
	v56 =	vsel vm13, $0x5, v11;
	v5 =	vsel vm9, v52, v5  }
0x226: {  	(v2sf) =	vpush v31, $0xF;
	v2 =	vsel vm9, $0x6, v56;
	vm1 =	vgt.f32 v54, v5  }
0x227: {  	v48 =	vimm.s32 $0x0;
	(v2sf) =	vpush v32, $0xF;
	v2 =	vsel vm1, $0x7, v2  }
0x228: {  	v55 =	vsel vm8, v46, v15;
	v19 =	vsel vm14, $0xFFFFFFFF, v48;
	vm15 =	veq.s32 v2, $0x0  }
0x229: {  	v5 =	vsel vm1, v54, v5;
	vm0 =	vmor vm14, vm15;
	vm14 =	veq.s32 v2, $0x1  }
0x22a: {  	vm12 =	veq.s32 v2, $0x2;
	v58 =	vsel vm0, $0x1, v0;
	vm0 =	vmor vm5, vm14  }
0x22b: {  	vm11 =	veq.s32 v2, $0x3;
	vm13 =	vmor vm4, vm12;
	(xrf0) =	vadd.scan.msk.s32 $0xffff, v58;
	v59 =	vsel vm0, $0x1, v0  }
0x22c: {  	vm10 =	veq.s32 v2, $0x4;
	v60 =	vsel vm13, $0x1, v0;
	vm0 =	vmor vm3, vm11;
	(xrf0) =	vadd.scan.msk.s32 $0xffff, v59  }
0x22d: {  	v5 =	vsub.f32 v5, v55;
	v61 =	vsel vm0, $0x1, v0;
	vm0 =	vmor vm6, vm10;
	(xrf0) =	vadd.scan.msk.s32 $0xffff, v60  }
0x22e: {  	vm13 =	veq.s32 v2, $0x5;
	v62 =	vsel vm0, $0x1, v0;
	vm0 =	vmneg vm1  }
0x22f: {  	v57 =	vmul.f32 $1.442695020e+00, v5;
	(xrf0) =	vadd.scan.msk.s32 $0xffff, v61;
	vm9 =	vmand vm0, vm9;
	vm0 =	vmor vm7, vm13  }
0x230: {  	(v2sf) =	vpush v33, $0xF;
	v63 =	vsel vm0, $0x1, v0;
	(xrf0) =	vadd.scan.msk.s32 $0xffff, v62;
	vm0 =	vmor vm2, vm9  }
0x231: {  	(erf) = vpow2.f32 v57;
	v20 =	vsel vm0, $0x1, v0;
	vm0 =	vmor vm8, vm1;
	v21, _, _ =	vpop (xrf0);
	(xrf0) =	vadd.scan.msk.s32 $0xffff, v63  }
0x232: {  	v0 =	vsel vm0, $0x1, v0;
	(v2sf) =	vpush v21, $0xF;
	v22, _, _ =	vpop (xrf0);
	(xrf0) =	vadd.scan.msk.s32 $0xffff, v20  }
0x233: {  	[tilespmem:$0x1FFF0] =	vst v19;
	v23, _, _ =	vpop (xrf0);
	(xrf0) =	vadd.scan.msk.s32 $0xffff, v0  }
0x234: {  	v30 =	vld [tilespmem:$0x1FFF0];
	(v2sf) =	vpush v22, $0xF  }
0x235: {  	v24, _, _ =	vpop (xrf0);
	(v2sf) =	vpush v23, $0xF  }
0x236: {  	v26, _, _ =	vpop (xrf0);
	(v2sf) =	vpush v24, $0xF  }
0x237: {  	s19 =	spop (v2sf);
	(v2sf) =	vpush v26, $0xF;
	v27, _, _ =	vpop (xrf0)  }
0x238: {  	s9 =	sadd.s32 s9, s19;
	s20 =	spop (v2sf);
	v4 =	vsub.s32 v21, v58;
	v28, _, _ =	vpop (xrf0);
	(v2sf) =	vpush v27, $0xF  }
0x239: {  	s21 =	spop (v2sf);
	vm0 =	vnez.u8 v30;
	v4 =	vadd.s32 s9, v4;
	(v2sf) =	vpush v28, $0xF;
	v29, _, _ =	vpop (xrf0)  }
0x23a: {  	s6 =	sadd.s32 s6, s20;
	s22 =	spop (v2sf);
	v5 =	vsub.s32 v22, v59;
	v7 =	vsub.s32 v23, v60;
	v25 =	vpop (erf);
	(v2sf) =	vpush v29, $0xF  }
0x23b: {  	s7 =	sadd.s32 s7, s21;
	s23 =	spop (v2sf);
	s11 =	sadd.s32 s28, s22;
	v5 =	vadd.s32 s6, v5;
	v6 =	vsub.s32 v24, v61;
	v14 =	vadd.f32 $1.000000000e+00, v25  }
0x23c: {  	s10 =	sadd.s32 s30, s23;
	v7 =	vadd.s32 s7, v7;
	v6 =	vadd.s32 s11, v6;
	v33 =	vsub.s32 v26, v62  }
0x23d: {  	s24 =	spop (v2sf);
	v34 =	vadd.s32 s10, v33;
	(erf) = vrcp.f32 v14;
	v14 =	vnsel vm0, $0x0, v4  }
0x23e: {  	s12 =	sadd.s32 s8, s24;
	v4 =	vnsel vm15, $0x0, v4;
	v3 =	vsub.s32 v27, v63;
	v31 =	vsel vm5, v5, v14  }
0x23f: {  	s25 =	spop (v2sf);
	v4 =	vsel vm14, v5, v4;
	v3 =	vadd.s32 s12, v3;
	v37 =	vsub.s32 v28, v20  }
0x240: {  	s26 =	spop (v2sf);
	v32 =	vsel vm4, v7, v31;
	v4 =	vsel vm12, v7, v4;
	v0 =	vsub.s32 v29, v0  }
0x241: {  	vm12 =	vcmask $0x1310;
	v5 =	vsel vm3, v6, v32;
	v4 =	vsel vm11, v6, v4;
	s28 =	spop (v2sf)  }
0x242: {  	vm11 =	vcmask $0xF0C;
	v5 =	vsel vm6, v34, v5;
	v4 =	vsel vm10, v34, v4;
	s9 =	sadd.s32 s9, s28  }
0x243: {  	vm6 =	vcmask $0x300;
	vm10 =	vcmask $0xB08;
	s29 =	spop (v2sf);
	v38 =	vmov s9  }
0x244: {  	s8 =	sadd.s32 s17, s25;
	v5 =	vsel vm7, v3, v5;
	vm7 =	vcmask $0x704;
	s30 =	spop (v2sf);
	s6 =	sadd.s32 s6, s29;
	v8 =	vnsel vm6, $0x0, v38  }
0x245: {  	s5 =	sadd.s32 s5, s26;
	v3 =	vsel vm13, v3, v4;
	v4 =	vadd.s32 s8, v37;
	s31 =	spop (v2sf);
	s7 =	sadd.s32 s7, s30;
	v8 =	vsel vm7, s6, v8  }
0x246: {  	[tilespmem:$0x470] =	vst v1;
	v0 =	vadd.s32 s5, v0;
	v5 =	vsel vm2, v4, v5;
	s9 =	spop (v2sf);
	s11 =	sadd.s32 s11, s31;
	v39 =	vsel vm10, s7, v8  }
0x247: {  	[tilespmem:$0x4F0] =	vst v2;
	v3 =	vsel vm9, v4, v3;
	v40 =	vsel vm8, v0, v5;
	s6 =	sadd.s32 s10, s9;
	s13 =	spop (v2sf);
	v1 =	vsel vm11, s11, v39  }
0x248: {  	vm13 =	vcmask $0x1714;
	v0 =	vsel vm1, v0, v3;
	[tilespmem:$0x670] =	vst v40;
	v35 =	vpop (erf);
	s15 =	spop (v2sf);
	s7 =	sadd.s32 s12, s13;
	v1 =	vsel vm12, s6, v1  }
0x249: {  	vm14 =	vcmask $0x1B18;
	[tilespmem:$0x6F0] =	vst v0;
	v36 =	vsub.f32 $1.000000000e+00, v35;
	s16 =	sadd.s32 s8, s15;
	s17 =	spop (v2sf);
	v1 =	vsel vm13, s7, v1  }
0x24a: {  	vm15 =	vcmask $0x1F1C;
	[tilespmem:$0x570] =	vst v35;
	s18 =	sadd.s32 s5, s17;
	v1 =	vsel vm14, s16, v1  }
0x24b: {  	s19 =	sshll.u32 s4, $0x4;
	s20 =	sadd.s32 $0x21200, s3;
	[tilespmem:$0x5F0] =	vst v36;
	v41 =	vsel vm15, s18, v1  }
0x24c: {  	s21 =	sadd.s32 s20, s19;
	s22 =	simm.s32 $0x700;
	[tilespmem:$0x700] =	vst v41  }
0x24d: {  	[hbm4b:s21+s1] =	stream.linear.scatter [tilespmem:s22], [sflag:$0x1], $0x80, $0x38;
	[tilespmem:$0xF80] =	vst v63  }
0x24e: {  	_ =	swait.ge [sflag:s2], $0x80  }
0x24f: {  	[sflag:s2] =	ssyncset.done $0x0  }
0x250: {  	[sflag:s2] =	ssyncadd.s32 $0xFFFFFF80  }
0x251: {  	s23 =	simm.s32 $0x780;
	[bflag:$0x0] =	sbarrier.arrive $0xFFFF  }
0x252: {  	[tilespmem:s23], [sflag:$0x1] =	stream.linear.gather [hbm4b:s20+s1], $0x800, $0x38;
	[tilespmem:$0xF80] =	vst v63  }
0x253: {  	_ =	swait.ge [sflag:s2], $0x800  }
0x254: {  	[sflag:s2] =	ssyncset.done $0x0  }
0x255: {  	[sflag:s2] =	ssyncadd.s32 $0xFFFFF800  }
0x256: {  	v42 =	vld [tilespmem:$0x780]  }
0x257: {  	v43 =	vld [tilespmem:$0x800]  }
0x258: {  	v44 =	vld [tilespmem:$0x880]  }
0x259: {  	v45 =	vld [tilespmem:$0x900]  }
0x25a: {  	v46 =	vld [tilespmem:$0x980]  }
0x25b: {  	v47 =	vld [tilespmem:$0xA00]  }
0x25c: {  	v48 =	vld [tilespmem:$0xA80];
	v49 =	vadd.s32 v43, v42  }
0x25d: {  	v50 =	vld [tilespmem:$0xB00];
	v7 =	vadd.s32 v44, v49  }
0x25e: {  	v51 =	vld [tilespmem:$0xB80];
	v7 =	vadd.s32 v45, v7  }
0x25f: {  	v52 =	vld [tilespmem:$0xC00];
	v7 =	vadd.s32 v46, v7  }
0x260: {  	v53 =	vld [tilespmem:$0xC80];
	v7 =	vadd.s32 v47, v7  }
0x261: {  	v54 =	vld [tilespmem:$0xD00];
	v7 =	vadd.s32 v48, v7  }
0x262: {  	v55 =	vld [tilespmem:$0xD80];
	v7 =	vadd.s32 v50, v7  }
0x263: {  	v56 =	vld [tilespmem:$0xE00];
	v7 =	vadd.s32 v51, v7  }
0x264: {  	v57 =	vld [tilespmem:$0xE80];
	v7 =	vadd.s32 v52, v7  }
0x265: {  	p0 =	seq.s32 s4, $0x0;
	p1 =	sgt.u32 s4, $0x1;
	v58 =	vld [tilespmem:$0xF00];
	v7 =	vadd.s32 v53, v7  }
0x266: {  	p6 =	sgt.u32 s4, $0x2;
	v0 =	vpsel p0, $0x0, v42;
	v1 =	vpsel !p1, $0x0, v43;
	v7 =	vadd.s32 v54, v7  }
0x267: {  	v2 =	vpsel !p6, $0x0, v44;
	p1 =	sgt.u32 s4, $0x3;
	v0 =	vadd.s32 v0, v1;
	v59 =	vadd.s32 v55, v7  }
0x268: {  	p2 =	sgt.u32 s4, $0x4;
	v3 =	vpsel !p1, $0x0, v45;
	v0 =	vadd.s32 v2, v0;
	v1 =	vadd.s32 v56, v59  }
0x269: {  	p3 =	sgt.u32 s4, $0x5;
	v60 =	vpsel !p2, $0x0, v46;
	v0 =	vadd.s32 v3, v0;
	v1 =	vadd.s32 v57, v1  }
0x26a: {  	p4 =	sgt.u32 s4, $0x6;
	v61 =	vpsel !p3, $0x0, v47;
	v0 =	vadd.s32 v60, v0;
	v1 =	vadd.s32 v58, v1  }
0x26b: {  	p5 =	sgt.u32 s4, $0x7;
	v62 =	vpsel !p4, $0x0, v48;
	v0 =	vadd.s32 v61, v0;
	v1 =	vadd.s32 $0xFF, v1  }
0x26c: {  	v63 =	vpsel !p5, $0x0, v50;
	p6 =	sgt.u32 s4, $0x8;
	v0 =	vadd.s32 v62, v0;
	v8 =	vand.u32 $0xFFFFFF00, v1  }
0x26d: {  	v9 =	vpsel !p6, $0x0, v51;
	p1 =	sgt.u32 s4, $0x9;
	v0 =	vadd.s32 v63, v0;
	(xrf0) =	vadd.scan.msk.s32 $0xffff, v8  }
0x26e: {  	p2 =	sgt.u32 s4, $0xA;
	v10 =	vpsel !p1, $0x0, v52;
	v0 =	vadd.s32 v9, v0  }
0x26f: {  	p3 =	sgt.u32 s4, $0xB;
	v11 =	vpsel !p2, $0x0, v53;
	v0 =	vadd.s32 v10, v0  }
0x270: {  	p4 =	sgt.u32 s4, $0xC;
	v12 =	vpsel !p3, $0x0, v54;
	v0 =	vadd.s32 v11, v0  }
0x271: {  	p5 =	sgt.u32 s4, $0xD;
	v13 =	vpsel !p4, $0x0, v55;
	v0 =	vadd.s32 v12, v0  }
0x272: {  	v14 =	vpsel !p5, $0x0, v56;
	p6 =	seq.s32 s4, $0xF;
	v0 =	vadd.s32 v13, v0  }
0x273: {  	v16 =	vpsel !p6, $0x0, v57;
	v0 =	vadd.s32 v14, v0;
	v17, _, _ =	vpop (xrf0)  }
0x274: {  	p0 =	sne.s32 s4, $0x0;
	v0 =	vadd.s32 v16, v0;
	v2 =	vsub.s32 v17, v8  }
0x275: {  	v0 =	vadd.s32 v2, v0;
	[tilespmem:$0x780] =	vst @!p0 v2  }
0x276: {  	[tilespmem:$0x700] =	vst v0;
	v0 =	vshrl.u32 @!p0 v1, $0x8  }
0x277: {  	s4 =	sadd.s32 $0x21400, s3;
	s7 =	simm.s32 @!p0 $0x0;
	s8 =	simm.s32 @!p0 $0x780;
	[tilespmem:$0x800] =	vst @!p0 v0  }
0x278: {  	[hbm4b:s4+s7] =	stream.linear.scatter @!p0 [tilespmem:s8], [sflag:$0x1], $0x100, $0x38;
	[tilespmem:$0xF80] =	vst v63  }
0x279: {  	s4 =	simm.s32 @!p0 $0x1  }
0x27a: {  	_ =	swait.ge @!p0 [sflag:s4], $0x100  }
0x27b: {  	[sflag:s4] =	ssyncset.done @!p0 $0x0  }
0x27c: {  	[sflag:s4] =	ssyncadd.s32 @!p0 $0xFFFFFF00  }
0x27d: {  	v18 =	vld [tilespmem:$0x400]  }
0x27e: {  	v19 =	vld [tilespmem:$0x480];
	_ =	sdelay $0x2  }
0x27f: {  	v20 =	vld [tilespmem:$0x600]  }
0x280: {  	v21 =	vld [tilespmem:$0x410]  }
0x281: {  	v22 =	vld [tilespmem:$0x680]  }
0x282: {  	v23 =	vld [tilespmem:$0x490]  }
0x283: {  	v0 =	vld.idx.msk [tilespmem:v18+s22+$0x0], $0xffff  }
0x284: {  	v1 =	vld.idx.msk [tilespmem:v19+s22+$0x0], $0xffff;
	_ =	sdelay $0x2  }
0x285: {  	v24 =	vld [tilespmem:$0x610]  }
0x286: {  	v26 =	vld [tilespmem:$0x420];
	v0 =	vadd.s32 v0, v20  }
0x287: {  	v27 =	vld [tilespmem:$0x690];
	v1 =	vadd.s32 v1, v22;
	[tilespmem:$0x400] =	vst v0  }
0x288: {  	v28 =	vld [tilespmem:$0x4A0];
	[tilespmem:$0x480] =	vst v1  }
0x289: {  	v0 =	vld.idx.msk [tilespmem:v21+s22+$0x0], $0xffff  }
0x28a: {  	v25 =	vld.idx.msk [tilespmem:v23+s22+$0x0], $0xffff;
	_ =	sdelay $0x2  }
0x28b: {  	v30 =	vld [tilespmem:$0x620]  }
0x28c: {  	v32 =	vld [tilespmem:$0x430];
	v0 =	vadd.s32 v0, v24  }
0x28d: {  	v33 =	vld [tilespmem:$0x6A0];
	v29 =	vadd.s32 v25, v27;
	[tilespmem:$0x410] =	vst v0  }
0x28e: {  	v34 =	vld [tilespmem:$0x4B0];
	[tilespmem:$0x490] =	vst v29  }
0x28f: {  	v0 =	vld.idx.msk [tilespmem:v26+s22+$0x0], $0xffff  }
0x290: {  	v31 =	vld.idx.msk [tilespmem:v28+s22+$0x0], $0xffff;
	_ =	sdelay $0x2  }
0x291: {  	v36 =	vld [tilespmem:$0x630]  }
0x292: {  	v38 =	vld [tilespmem:$0x440];
	v0 =	vadd.s32 v0, v30  }
0x293: {  	v39 =	vld [tilespmem:$0x6B0];
	v35 =	vadd.s32 v31, v33;
	[tilespmem:$0x420] =	vst v0  }
0x294: {  	v40 =	vld [tilespmem:$0x4C0];
	[tilespmem:$0x4A0] =	vst v35  }
0x295: {  	v0 =	vld.idx.msk [tilespmem:v32+s22+$0x0], $0xffff  }
0x296: {  	v37 =	vld.idx.msk [tilespmem:v34+s22+$0x0], $0xffff;
	_ =	sdelay $0x2  }
0x297: {  	v42 =	vld [tilespmem:$0x640]  }
0x298: {  	v44 =	vld [tilespmem:$0x450];
	v0 =	vadd.s32 v0, v36  }
0x299: {  	v45 =	vld [tilespmem:$0x6C0];
	v41 =	vadd.s32 v37, v39;
	[tilespmem:$0x430] =	vst v0  }
0x29a: {  	v46 =	vld [tilespmem:$0x4D0];
	[tilespmem:$0x4B0] =	vst v41  }
0x29b: {  	v0 =	vld.idx.msk [tilespmem:v38+s22+$0x0], $0xffff  }
0x29c: {  	v43 =	vld.idx.msk [tilespmem:v40+s22+$0x0], $0xffff;
	_ =	sdelay $0x2  }
0x29d: {  	v48 =	vld [tilespmem:$0x650]  }
0x29e: {  	v50 =	vld [tilespmem:$0x460];
	v0 =	vadd.s32 v0, v42  }
0x29f: {  	v51 =	vld [tilespmem:$0x6D0];
	v47 =	vadd.s32 v43, v45;
	[tilespmem:$0x440] =	vst v0  }
0x2a0: {  	v52 =	vld [tilespmem:$0x4E0];
	[tilespmem:$0x4C0] =	vst v47  }
0x2a1: {  	v0 =	vld.idx.msk [tilespmem:v44+s22+$0x0], $0xffff  }
0x2a2: {  	v49 =	vld.idx.msk [tilespmem:v46+s22+$0x0], $0xffff;
	_ =	sdelay $0x2  }
0x2a3: {  	v54 =	vld [tilespmem:$0x660]  }
0x2a4: {  	v56 =	vld [tilespmem:$0x470];
	v0 =	vadd.s32 v0, v48  }
0x2a5: {  	v57 =	vld [tilespmem:$0x6E0];
	v53 =	vadd.s32 v49, v51;
	[tilespmem:$0x450] =	vst v0  }
0x2a6: {  	v58 =	vld [tilespmem:$0x4F0];
	[tilespmem:$0x4D0] =	vst v53  }
0x2a7: {  	v0 =	vld.idx.msk [tilespmem:v50+s22+$0x0], $0xffff  }
0x2a8: {  	v55 =	vld.idx.msk [tilespmem:v52+s22+$0x0], $0xffff;
	_ =	sdelay $0x3  }
0x2a9: {  	v0 =	vadd.s32 v0, v54  }
0x2aa: {  	v60 =	vld [tilespmem:$0x670];
	v59 =	vadd.s32 v55, v57;
	[tilespmem:$0x460] =	vst v0  }
0x2ab: {  	v62 =	vld [tilespmem:$0x6F0];
	[tilespmem:$0x4E0] =	vst v59  }
0x2ac: {  	v0 =	vld.idx.msk [tilespmem:v56+s22+$0x0], $0xffff  }
0x2ad: {  	v61 =	vld.idx.msk [tilespmem:v58+s22+$0x0], $0xffff;
	_ =	sdelay $0x3  }
0x2ae: {  	v0 =	vadd.s32 v0, v60  }
0x2af: {  	s3 =	sadd.s32 s19, s3;
	v63 =	vadd.s32 v61, v62;
	[tilespmem:$0x470] =	vst v0  }
0x2b0: {  	s25 =	simm.s32 $0x400;
	s24 =	sadd.s32 $0x21600, s3;
	[tilespmem:$0x4F0] =	vst v63  }
0x2b1: {  	[hbm4b:s24+s1] =	stream.linear.scatter [tilespmem:s25], [sflag:$0x1], $0x80, $0x38;
	[tilespmem:$0xF80] =	vst v63  }
0x2b2: {  	_ =	swait.ge [sflag:s2], $0x80  }
0x2b3: {  	[sflag:s2] =	ssyncset.done $0x0  }
0x2b4: {  	s28 =	simm.s32 $0x480;
	s26 =	sadd.s32 $0x21800, s3;
	[sflag:s2] =	ssyncadd.s32 $0xFFFFFF80  }
0x2b5: {  	[hbm4b:s26+s1] =	stream.linear.scatter [tilespmem:s28], [sflag:$0x1], $0x80, $0x38;
	[tilespmem:$0xF80] =	vst v63  }
0x2b6: {  	_ =	swait.ge [sflag:s2], $0x80  }
0x2b7: {  	[sflag:s2] =	ssyncset.done $0x0  }
0x2b8: {  	s30 =	simm.s32 $0x500;
	s29 =	sadd.s32 $0x21A00, s3;
	[sflag:s2] =	ssyncadd.s32 $0xFFFFFF80  }
0x2b9: {  	[hbm4b:s29+s1] =	stream.linear.scatter [tilespmem:s30], [sflag:$0x1], $0x80, $0x38;
	[tilespmem:$0xF80] =	vst v63  }
0x2ba: {  	_ =	swait.ge [sflag:s2], $0x80  }
0x2bb: {  	[sflag:s2] =	ssyncset.done $0x0  }
0x2bc: {  	s31 =	simm.s32 $0x580;
	s3 =	sadd.s32 $0x21C00, s3;
	[sflag:s2] =	ssyncadd.s32 $0xFFFFFF80  }
0x2bd: {  	[hbm4b:s3+s1] =	stream.linear.scatter [tilespmem:s31], [sflag:$0x1], $0x80, $0x38;
	[tilespmem:$0xF80] =	vst v63  }
0x2be: {  	_ =	swait.ge [sflag:s2], $0x80  }
0x2bf: {  	[sflag:s2] =	ssyncset.done $0x0  }
0x2c0: {  	[sflag:s2] =	ssyncadd.s32 $0xFFFFFF80  }
0x2c1: {  	_ =	sfence.sel $0x180000  }
0x2c2: {  	[bflag:$0x0] =	sbarrier.arrive $0xFFFF  }
0x2c3: {  	_ =	strace $0x90000047  }
0x2c4: {  	s0 =	sadd.s32 @!p0 $0x100000, s0;
	[bflag:$0x2] =	sbarrier.arrive $0xFFFF  }
0x2c5: {  	[sflag:s0] =	ssyncadd.tile.s32 @!p0 $0x1;
	_ =	shalt  }
.Lfunc_end2:
_tile_overlayer_lowered:
.L_overlay_start_2:
0x2c6: {  	(tag) =	ssettag $0x2  }
0x2c7: {  	s0 =	rddreg [dreg:$0x0];
	s2 =	stileid.u32  }
0x2c8: {  	s1 =	rddreg [dreg:$0x1];
	p0 =	sne.s32 s2, $0x0  }
0x2c9: {  	s3 =	rddreg [dreg:$0x2];
	[bflag:$0x3] =	sbarrier.arrive $0xFFFF;
	s2 =	simm.s32 @!p0 $0x1C01  }
0x2ca: {  	[timem:s3], [sflag:s2] =	dma.local @!p0 [hbm:s0], s1  }
0x2cb: {  	s0 =	simm.s32 @!p0 $0x1  }
0x2cc: {  	_ =	swait.ge @!p0 [sflag:s0], s1  }
0x2cd: {  	s1 =	ssub.s32 @!p0 $0x0, s1;
	[sflag:s0] =	ssyncset.done @!p0 $0x0  }
0x2ce: {  	[sflag:s0] =	ssyncadd.s32 @!p0 s1  }
0x2cf: {  	[bflag:$0x3] =	sbarrier.arrive $0xFFFF  }
0x2d0: {  	_ =	shalt  }

</sc_bundles>
